<compile_context>
chip_gen: v7x
topology: tpu7x:2x2x1
jax: 0.10.2.dev20260603
libtpu: 0.0.44.dev20260713+nightly
codegen_flags: <defaults>
</compile_context>

<pallas_src>
import jax
import jax.numpy as jnp
from jax import lax
from jax.experimental import pallas as pl
from jax.experimental.pallas import tpu as pltpu
from jax.experimental.pallas import tpu_sc as plsc

B, S, D = 1024, 200, 128
H = D // 2
N = B * S
NC, NS = 2, 16
NW = NC * NS
PER_W = N // NW
STEP = 128
N_STEPS = PER_W // STEP
NBUF = 3
L = 16
V1, V2 = 48, 256
TBL = (V1 + V2) * H
BLK = STEP * D


def _pe_body(x_hbm, f0_hbm, f1_hbm, pe_hbm, out_hbm,
             fb0, fb1, pe_v, buf0, buf1, buf2,
             six0, six1, six2, so0, so1, so2):
    bufs = (buf0, buf1, buf2)
    six = (six0, six1, six2)
    so = (so0, so1, so2)

    wid = lax.axis_index("s") * NC + lax.axis_index("c")
    base = wid * PER_W

    pltpu.sync_copy(f0_hbm.at[wid], fb0)
    pltpu.sync_copy(f1_hbm.at[wid], fb1)
    pltpu.sync_copy(pe_hbm, pe_v)

    lane = lax.iota(jnp.int32, L)
    lane_j = [jnp.int32(j * L) + lane for j in range(H // L)]
    _gdims = lax.GatherDimensionNumbers(
        offset_dims=(), collapsed_slice_dims=(0,), start_index_map=(0,))

    def bcast(vec, l):
        sel = jnp.full((L, 1), l, jnp.int32)
        return lax.gather(vec, sel, _gdims, (1,),
                          mode=lax.GatherScatterMode.PROMISE_IN_BOUNDS)

    def issue_in(g, b):
        w0 = (base + g * STEP) * D
        pltpu.async_copy(x_hbm.at[pl.ds(w0, BLK)], bufs[b], six[b])

    def wait_in(b):
        pltpu.make_async_copy(x_hbm.at[pl.ds(0, BLK)], bufs[b], six[b]).wait()

    def issue_out(g, b):
        w0 = (base + g * STEP) * D
        pltpu.async_copy(bufs[b], out_hbm.at[pl.ds(w0, BLK)], so[b])

    def wait_out(b):
        pltpu.make_async_copy(bufs[b], out_hbm.at[pl.ds(0, BLK)], so[b]).wait()

    def compute(g, b):
        buf = bufs[b]
        grow = g * STEP

        @plsc.parallel_loop(0, STEP // L, 1, unroll=2)
        def group(tg):
            t0 = tg * L
            bases0 = fb0[pl.ds(grow + t0, L)]
            bases1 = fb1[pl.ds(grow + t0, L)]
            tflat = t0 * D
            for l in range(L):
                b0 = bcast(bases0, l)
                b1 = bcast(bases1, l)
                tb = tflat + (l * D)
                vals = ([plsc.load_gather(pe_v, [b0 + lane_j[j]])
                         for j in range(H // L)] +
                        [plsc.load_gather(pe_v, [b1 + lane_j[j]])
                         for j in range(H // L)])
                for j in range(D // L):
                    plsc.addupdate(buf.at[pl.ds(tb + j * L, L)], vals[j])

    issue_in(0, 0)

    def stage_b(g, c):
        def mk(b):
            def f(_):
                nb = (b + 1) % NBUF

                def issue_next(_):
                    @pl.when(g >= NBUF - 1)
                    def _():
                        wait_out(nb)
                    issue_in(g + 1, nb)
                    return 0

                lax.cond(g + 1 < N_STEPS, issue_next, lambda _: 0, 0)
                wait_in(b)
                compute(g, b)
                issue_out(g, b)
                return 0
            return f

        lax.switch(lax.rem(g, NBUF), [mk(0), mk(1), mk(2)], 0)
        return c

    lax.fori_loop(0, N_STEPS, stage_b, 0)
    for g in range(N_STEPS - NBUF, N_STEPS):
        wait_out(g % NBUF)


@jax.jit
def kernel(inputs, pos, pe1, pe2):
    x = inputs.reshape(N * D)
    p = pos.astype(jnp.int32)
    f0 = (p[..., 0] * H).reshape(NW, PER_W)
    f1 = (p[..., 1] * H + V1 * H).reshape(NW, PER_W)
    pe = jnp.concatenate([pe1.reshape(V1 * H), pe2.reshape(V2 * H)])
    mesh = plsc.VectorSubcoreMesh(core_axis_name="c", subcore_axis_name="s")
    out = pl.kernel(
        _pe_body,
        out_type=jax.ShapeDtypeStruct((N * D,), jnp.float32),
        mesh=mesh,
        compiler_params=pltpu.CompilerParams(needs_layout_passes=False),
        scratch_types=[
            pltpu.VMEM((PER_W,), jnp.int32),
            pltpu.VMEM((PER_W,), jnp.int32),
            pltpu.VMEM((TBL,), jnp.float32),
            pltpu.VMEM((BLK,), jnp.float32),
            pltpu.VMEM((BLK,), jnp.float32),
            pltpu.VMEM((BLK,), jnp.float32),
        ] + [pltpu.SemaphoreType.DMA] * 6,
    )(x, f0, f1, pe)
    return out.reshape(B, S, D)

# --- scband reference (transcript-rebuilt; emitter-appended) ---
"""Pipeline reference for scband-sane-positional-embedding-26079041421365 (READ-ONLY COPY).

The authoritative reference and input builder live on the scoring server;
editing this copy changes nothing except your own understanding.
"""

import jax, jax.numpy as jnp
import numpy as np

B, S, D = 1024, 200, 128
MP = [48, 256]

def setup_inputs(seed: int = 0) -> dict:
    key = jax.random.key(seed)
    k1, k2, k3, k4 = jax.random.split(key, 4)
    inputs = jax.random.normal(k1, (B, S, D), dtype=jnp.float32)
    pos = jax.random.randint(k2, (B, S, 2), 0, MP[0], dtype=jnp.int64)
    pe1 = jax.random.normal(k3, (MP[0], D // 2), dtype=jnp.float32)
    pe2 = jax.random.normal(k4, (MP[1], D // 2), dtype=jnp.float32)
    return {"inputs": inputs, "pos": pos, "pe1": pe1, "pe2": pe2}

def reference(inputs, pos, pe1, pe2):
    pos_emb1 = jnp.take(pe1, pos[..., 0], axis=0)
    pos_emb2 = jnp.take(pe2, pos[..., 1], axis=0)
    pos_emb = jnp.concatenate([pos_emb1, pos_emb2], axis=2)
    out = inputs + pos_emb
    return out

if __name__ == "__main__":
    import jax
    _d = setup_inputs()
    print(jax.jit(kernel)(*tuple(_d.values())))

</pallas_src>

<mosaic_0001>
#map = affine_map<(d0, d1) -> (0)>
#map1 = affine_map<(d0, d1) -> (0, 0)>
module attributes {stable_mosaic.version = 14 : i64} {
  func.func @_pe_body(%arg0: i32, %arg1: i32, %arg2: memref<26214400xf32, #tpu.memory_space<hbm>>, %arg3: memref<32x6400xi32, #tpu.memory_space<hbm>>, %arg4: memref<32x6400xi32, #tpu.memory_space<hbm>>, %arg5: memref<19456xf32, #tpu.memory_space<hbm>>, %arg6: memref<26214400xf32, #tpu.memory_space<hbm>>, %arg7: memref<6400xi32, #tpu.memory_space<vmem>>, %arg8: memref<6400xi32, #tpu.memory_space<vmem>>, %arg9: memref<19456xf32, #tpu.memory_space<vmem>>, %arg10: memref<16384xf32, #tpu.memory_space<vmem>>, %arg11: memref<16384xf32, #tpu.memory_space<vmem>>, %arg12: memref<16384xf32, #tpu.memory_space<vmem>>, %arg13: memref<!tpu.dma_semaphore, #tpu.memory_space<semaphore_mem>>, %arg14: memref<!tpu.dma_semaphore, #tpu.memory_space<semaphore_mem>>, %arg15: memref<!tpu.dma_semaphore, #tpu.memory_space<semaphore_mem>>, %arg16: memref<!tpu.dma_semaphore, #tpu.memory_space<semaphore_mem>>, %arg17: memref<!tpu.dma_semaphore, #tpu.memory_space<semaphore_mem>>, %arg18: memref<!tpu.dma_semaphore, #tpu.memory_space<semaphore_mem>>) attributes {dimension_semantics = [#tpu.dimension_semantics<core_parallel>, #tpu.dimension_semantics<subcore_parallel>], iteration_bounds = array<i64: 2, 16>, scalar_prefetch = 0 : i64, scratch_operands = 12 : i64, tpu.core_type = #tpu.core_type<sc_vector_subcore>, window_params = [{transform_indices = #map}, {transform_indices = #map1}, {transform_indices = #map1}, {transform_indices = #map}, {transform_indices = #map}]} {
    %mul3A = arith.constant 2 : i32
    %mul3A_0 = arith.muli %arg1, %mul3A : i32
    %add3A = arith.addi %mul3A_0, %arg0 : i32
    %mul3A_1 = arith.constant 6400 : i32
    %mul3A_2 = arith.muli %add3A, %mul3A_1 : i32
    "tpu.region"() ({
      %run_scoped3A = tpu.sem_alloc : memref<!tpu.dma_semaphore, #tpu.memory_space<semaphore_mem>>
      %dma_start3A_36 = arith.constant 0 : i32
      %dma_start3A_37 = tpu.memref_slice %arg3[%add3A, %dma_start3A_36] : memref<32x6400xi32, #tpu.memory_space<hbm>> -> memref<1x6400xi32, #tpu.memory_space<hbm>>
      %dma_start3A_38 = tpu.memref_squeeze %dma_start3A_37 : memref<1x6400xi32, #tpu.memory_space<hbm>> -> memref<6400xi32, #tpu.memory_space<hbm>>
      %dma_start3A_39 = arith.constant 0 : i32
      %dma_start3A_40 = tpu.memref_slice %arg3[%add3A, %dma_start3A_39] : memref<32x6400xi32, #tpu.memory_space<hbm>> -> memref<1x6400xi32, #tpu.memory_space<hbm>>
      %dma_start3A_41 = tpu.memref_squeeze %dma_start3A_40 : memref<1x6400xi32, #tpu.memory_space<hbm>> -> memref<6400xi32, #tpu.memory_space<hbm>>
      tpu.enqueue_dma source(%dma_start3A_41 : memref<6400xi32, #tpu.memory_space<hbm>>) target(%arg7 : memref<6400xi32, #tpu.memory_space<vmem>>) target_semaphore(%run_scoped3A : memref<!tpu.dma_semaphore, #tpu.memory_space<semaphore_mem>>)
      %dma_wait3A_42 = arith.constant 0 : i32
      %dma_wait3A_43 = tpu.memref_slice %arg3[%add3A, %dma_wait3A_42] : memref<32x6400xi32, #tpu.memory_space<hbm>> -> memref<1x6400xi32, #tpu.memory_space<hbm>>
      %dma_wait3A_44 = tpu.memref_squeeze %dma_wait3A_43 : memref<1x6400xi32, #tpu.memory_space<hbm>> -> memref<6400xi32, #tpu.memory_space<hbm>>
      %dma_wait3A_45 = arith.constant 0 : i32
      %dma_wait3A_46 = tpu.memref_slice %arg3[%add3A, %dma_wait3A_45] : memref<32x6400xi32, #tpu.memory_space<hbm>> -> memref<1x6400xi32, #tpu.memory_space<hbm>>
      %dma_wait3A_47 = tpu.memref_squeeze %dma_wait3A_46 : memref<1x6400xi32, #tpu.memory_space<hbm>> -> memref<6400xi32, #tpu.memory_space<hbm>>
      tpu.wait_dma2 semaphore(%run_scoped3A : memref<!tpu.dma_semaphore, #tpu.memory_space<semaphore_mem>>) src(%dma_wait3A_47 : memref<6400xi32, #tpu.memory_space<hbm>>) dst(%arg7 : memref<6400xi32, #tpu.memory_space<vmem>>)
      tpu.yield
    }) : () -> ()
    "tpu.region"() ({
      %run_scoped3A = tpu.sem_alloc : memref<!tpu.dma_semaphore, #tpu.memory_space<semaphore_mem>>
      %dma_start3A_36 = arith.constant 0 : i32
      %dma_start3A_37 = tpu.memref_slice %arg4[%add3A, %dma_start3A_36] : memref<32x6400xi32, #tpu.memory_space<hbm>> -> memref<1x6400xi32, #tpu.memory_space<hbm>>
      %dma_start3A_38 = tpu.memref_squeeze %dma_start3A_37 : memref<1x6400xi32, #tpu.memory_space<hbm>> -> memref<6400xi32, #tpu.memory_space<hbm>>
      %dma_start3A_39 = arith.constant 0 : i32
      %dma_start3A_40 = tpu.memref_slice %arg4[%add3A, %dma_start3A_39] : memref<32x6400xi32, #tpu.memory_space<hbm>> -> memref<1x6400xi32, #tpu.memory_space<hbm>>
      %dma_start3A_41 = tpu.memref_squeeze %dma_start3A_40 : memref<1x6400xi32, #tpu.memory_space<hbm>> -> memref<6400xi32, #tpu.memory_space<hbm>>
      tpu.enqueue_dma source(%dma_start3A_41 : memref<6400xi32, #tpu.memory_space<hbm>>) target(%arg8 : memref<6400xi32, #tpu.memory_space<vmem>>) target_semaphore(%run_scoped3A : memref<!tpu.dma_semaphore, #tpu.memory_space<semaphore_mem>>)
      %dma_wait3A_42 = arith.constant 0 : i32
      %dma_wait3A_43 = tpu.memref_slice %arg4[%add3A, %dma_wait3A_42] : memref<32x6400xi32, #tpu.memory_space<hbm>> -> memref<1x6400xi32, #tpu.memory_space<hbm>>
      %dma_wait3A_44 = tpu.memref_squeeze %dma_wait3A_43 : memref<1x6400xi32, #tpu.memory_space<hbm>> -> memref<6400xi32, #tpu.memory_space<hbm>>
      %dma_wait3A_45 = arith.constant 0 : i32
      %dma_wait3A_46 = tpu.memref_slice %arg4[%add3A, %dma_wait3A_45] : memref<32x6400xi32, #tpu.memory_space<hbm>> -> memref<1x6400xi32, #tpu.memory_space<hbm>>
      %dma_wait3A_47 = tpu.memref_squeeze %dma_wait3A_46 : memref<1x6400xi32, #tpu.memory_space<hbm>> -> memref<6400xi32, #tpu.memory_space<hbm>>
      tpu.wait_dma2 semaphore(%run_scoped3A : memref<!tpu.dma_semaphore, #tpu.memory_space<semaphore_mem>>) src(%dma_wait3A_47 : memref<6400xi32, #tpu.memory_space<hbm>>) dst(%arg8 : memref<6400xi32, #tpu.memory_space<vmem>>)
      tpu.yield
    }) : () -> ()
    "tpu.region"() ({
      %run_scoped3A = tpu.sem_alloc : memref<!tpu.dma_semaphore, #tpu.memory_space<semaphore_mem>>
      tpu.enqueue_dma source(%arg5 : memref<19456xf32, #tpu.memory_space<hbm>>) target(%arg9 : memref<19456xf32, #tpu.memory_space<vmem>>) target_semaphore(%run_scoped3A : memref<!tpu.dma_semaphore, #tpu.memory_space<semaphore_mem>>)
      tpu.wait_dma2 semaphore(%run_scoped3A : memref<!tpu.dma_semaphore, #tpu.memory_space<semaphore_mem>>) src(%arg5 : memref<19456xf32, #tpu.memory_space<hbm>>) dst(%arg9 : memref<19456xf32, #tpu.memory_space<vmem>>)
      tpu.yield
    }) : () -> ()
    %iota3A = tpu.iota {dimensions = array<i32: 0>} : vector<16xi32>
    %add3A_3 = arith.constant 0 : i32
    %add3A_4 = vector.broadcast %add3A_3 : i32 to vector<16xi32>
    %add3A_5 = arith.addi %add3A_4, %iota3A : vector<16xi32>
    %add3A_6 = arith.constant 16 : i32
    %add3A_7 = vector.broadcast %add3A_6 : i32 to vector<16xi32>
    %add3A_8 = arith.addi %add3A_7, %iota3A : vector<16xi32>
    %add3A_9 = arith.constant 32 : i32
    %add3A_10 = vector.broadcast %add3A_9 : i32 to vector<16xi32>
    %add3A_11 = arith.addi %add3A_10, %iota3A : vector<16xi32>
    %add3A_12 = arith.constant 48 : i32
    %add3A_13 = vector.broadcast %add3A_12 : i32 to vector<16xi32>
    %add3A_14 = arith.addi %add3A_13, %iota3A : vector<16xi32>
    %add3A_15 = arith.constant 0 : i32
    %add3A_16 = arith.addi %mul3A_2, %add3A_15 : i32
    %mul3A_17 = arith.constant 128 : i32
    %mul3A_18 = arith.muli %add3A_16, %mul3A_17 : i32
    %dma_start3A = tpu.memref_slice %arg2[%mul3A_18] : memref<26214400xf32, #tpu.memory_space<hbm>> -> memref<16384xf32, #tpu.memory_space<hbm>>
    %dma_start3A_19 = tpu.memref_slice %arg2[%mul3A_18] : memref<26214400xf32, #tpu.memory_space<hbm>> -> memref<16384xf32, #tpu.memory_space<hbm>>
    tpu.enqueue_dma source(%dma_start3A_19 : memref<16384xf32, #tpu.memory_space<hbm>>) target(%arg10 : memref<16384xf32, #tpu.memory_space<vmem>>) target_semaphore(%arg13 : memref<!tpu.dma_semaphore, #tpu.memory_space<semaphore_mem>>)
    %scan3A = arith.constant 0 : i32
    %scan3A_20 = arith.constant 0 : i32
    %scan3A_21 = arith.constant 50 : i32
    %scan3A_22 = arith.addi %scan3A_20, %scan3A_21 : i32
    %scan3A_23 = arith.constant 1 : i32
    scf.for %scan3A_36 = %scan3A_20 to %scan3A_22 step %scan3A_23  : i32 {
      %rem3A = arith.constant 3 : i32
      %rem3A_37 = arith.remsi %scan3A_36, %rem3A : i32
      %clamp3A = arith.constant 0 : i32
      %clamp3A_38 = arith.constant 2 : i32
      %clamp3A_39 = arith.maxsi %rem3A_37, %clamp3A : i32
      %clamp3A_40 = arith.minsi %clamp3A_39, %clamp3A_38 : i32
      %cond3A = arith.constant 0 : i32
      %cond3A_41 = arith.constant 0 : i32
      %cond3A_42 = arith.cmpi ne, %clamp3A_40, %cond3A_41 : i32
      %cond3A_43 = scf.if %cond3A_42 -> (i32) {
        %cond3A_44 = arith.constant 1 : i32
        %cond3A_45 = arith.subi %clamp3A_40, %cond3A_44 : i32
        %cond3A_46 = arith.constant 0 : i32
        %cond3A_47 = arith.cmpi ne, %cond3A_45, %cond3A_46 : i32
        %cond3A_48 = scf.if %cond3A_47 -> (i32) {
          %add3A_49 = arith.constant 1 : i32
          %add3A_50 = arith.addi %scan3A_36, %add3A_49 : i32
          %lt3A = arith.constant 50 : i32
          %lt3A_51 = arith.cmpi slt, %add3A_50, %lt3A : i32
          %convert_element_type3A = arith.extui %lt3A_51 : i1 to i32
          %cond3A_52 = arith.constant 0 : i32
          %cond3A_53 = arith.constant 0 : i32
          %cond3A_54 = arith.cmpi ne, %convert_element_type3A, %cond3A_53 : i32
          %cond3A_55 = scf.if %cond3A_54 -> (i32) {
            %ge3A = arith.constant 2 : i32
            %ge3A_72 = arith.cmpi sge, %scan3A_36, %ge3A : i32
            %convert_element_type3A_73 = arith.extui %ge3A_72 : i1 to i32
            %cond3A_74 = arith.constant 0 : i32
            %cond3A_75 = arith.cmpi ne, %convert_element_type3A_73, %cond3A_74 : i32
            scf.if %cond3A_75 {
              %dma_wait3A_86 = arith.constant 0 : i32
              %dma_wait3A_87 = tpu.memref_slice %arg6[%dma_wait3A_86] : memref<26214400xf32, #tpu.memory_space<hbm>> -> memref<16384xf32, #tpu.memory_space<hbm>>
              %dma_wait3A_88 = arith.constant 0 : i32
              %dma_wait3A_89 = tpu.memref_slice %arg6[%dma_wait3A_88] : memref<26214400xf32, #tpu.memory_space<hbm>> -> memref<16384xf32, #tpu.memory_space<hbm>>
              tpu.wait_dma2 semaphore(%arg16 : memref<!tpu.dma_semaphore, #tpu.memory_space<semaphore_mem>>) src(%arg10 : memref<16384xf32, #tpu.memory_space<vmem>>) dst(%dma_wait3A_89 : memref<16384xf32, #tpu.memory_space<hbm>>)
            } else {
            }
            %add3A_76 = arith.constant 1 : i32
            %add3A_77 = arith.addi %scan3A_36, %add3A_76 : i32
            %mul3A_78 = arith.constant 128 : i32
            %mul3A_79 = arith.muli %add3A_77, %mul3A_78 : i32
            %add3A_80 = arith.addi %mul3A_2, %mul3A_79 : i32
            %mul3A_81 = arith.constant 128 : i32
            %mul3A_82 = arith.muli %add3A_80, %mul3A_81 : i32
            %dma_start3A_83 = tpu.memref_slice %arg2[%mul3A_82] : memref<26214400xf32, #tpu.memory_space<hbm>> -> memref<16384xf32, #tpu.memory_space<hbm>>
            %dma_start3A_84 = tpu.memref_slice %arg2[%mul3A_82] : memref<26214400xf32, #tpu.memory_space<hbm>> -> memref<16384xf32, #tpu.memory_space<hbm>>
            tpu.enqueue_dma source(%dma_start3A_84 : memref<16384xf32, #tpu.memory_space<hbm>>) target(%arg10 : memref<16384xf32, #tpu.memory_space<vmem>>) target_semaphore(%arg13 : memref<!tpu.dma_semaphore, #tpu.memory_space<semaphore_mem>>)
            %cond3A_85 = arith.constant 0 : i32
            scf.yield %cond3A_85 : i32
          } else {
            %cond3A_72 = arith.constant 0 : i32
            scf.yield %cond3A_72 : i32
          }
          %dma_wait3A_56 = arith.constant 0 : i32
          %dma_wait3A_57 = tpu.memref_slice %arg2[%dma_wait3A_56] : memref<26214400xf32, #tpu.memory_space<hbm>> -> memref<16384xf32, #tpu.memory_space<hbm>>
          %dma_wait3A_58 = arith.constant 0 : i32
          %dma_wait3A_59 = tpu.memref_slice %arg2[%dma_wait3A_58] : memref<26214400xf32, #tpu.memory_space<hbm>> -> memref<16384xf32, #tpu.memory_space<hbm>>
          tpu.wait_dma2 semaphore(%arg15 : memref<!tpu.dma_semaphore, #tpu.memory_space<semaphore_mem>>) src(%dma_wait3A_59 : memref<16384xf32, #tpu.memory_space<hbm>>) dst(%arg12 : memref<16384xf32, #tpu.memory_space<vmem>>)
          %mul3A_60 = arith.constant 128 : i32
          %mul3A_61 = arith.muli %scan3A_36, %mul3A_60 : i32
          %parallel_loop3A = arith.constant 0 : i32
          %parallel_loop3A_62 = arith.constant 8 : i32
          %parallel_loop3A_63 = arith.constant 1 : i32
          scf.for %parallel_loop3A_72 = %parallel_loop3A to %parallel_loop3A_62 step %parallel_loop3A_63  : i32 {
            %parallel_loop3A_73 = arith.constant 16 : i32
            %parallel_loop3A_74 = arith.muli %parallel_loop3A_72, %parallel_loop3A_73 : i32
            %parallel_loop3A_75 = arith.addi %mul3A_61, %parallel_loop3A_74 : i32
            %parallel_loop3A_76 = arith.index_cast %parallel_loop3A_75 : i32 to index
            %parallel_loop3A_77 = tpu.vector_load %arg7[%parallel_loop3A_76] {strides = array<i32>} : memref<6400xi32, #tpu.memory_space<vmem>>, vector<16xi32>,
            %parallel_loop3A_78 = arith.addi %mul3A_61, %parallel_loop3A_74 : i32
            %parallel_loop3A_79 = arith.index_cast %parallel_loop3A_78 : i32 to index
            %parallel_loop3A_80 = tpu.vector_load %arg8[%parallel_loop3A_79] {strides = array<i32>} : memref<6400xi32, #tpu.memory_space<vmem>>, vector<16xi32>,
            %parallel_loop3A_81 = arith.constant 128 : i32
            %parallel_loop3A_82 = arith.muli %parallel_loop3A_74, %parallel_loop3A_81 : i32
            %parallel_loop3A_83 = arith.constant 0 : i32
            %parallel_loop3A_84 = vector.broadcast %parallel_loop3A_83 : i32 to vector<16x1xi32>
            %parallel_loop3A_85 = vector.shape_cast %parallel_loop3A_84 : vector<16x1xi32> to vector<16xi32>
            %parallel_loop3A_86 = tpu.dynamic_gather %parallel_loop3A_77[%parallel_loop3A_85] in [0] : vector<16xi32>, vector<16xi32> -> vector<16xi32>
            %parallel_loop3A_87 = arith.constant 0 : i32
            %parallel_loop3A_88 = vector.broadcast %parallel_loop3A_87 : i32 to vector<16x1xi32>
            %parallel_loop3A_89 = vector.shape_cast %parallel_loop3A_88 : vector<16x1xi32> to vector<16xi32>
            %parallel_loop3A_90 = tpu.dynamic_gather %parallel_loop3A_80[%parallel_loop3A_89] in [0] : vector<16xi32>, vector<16xi32> -> vector<16xi32>
            %parallel_loop3A_91 = arith.constant 0 : i32
            %parallel_loop3A_92 = arith.addi %parallel_loop3A_82, %parallel_loop3A_91 : i32
            %parallel_loop3A_93 = arith.addi %parallel_loop3A_86, %add3A_5 : vector<16xi32>
            %parallel_loop3A_94 = tpu.vector_load_idx %arg9[%parallel_loop3A_93] : memref<19456xf32, #tpu.memory_space<vmem>>[vector<16xi32>], vector<16xf32>,
            %parallel_loop3A_95 = arith.addi %parallel_loop3A_86, %add3A_8 : vector<16xi32>
            %parallel_loop3A_96 = tpu.vector_load_idx %arg9[%parallel_loop3A_95] : memref<19456xf32, #tpu.memory_space<vmem>>[vector<16xi32>], vector<16xf32>,
            %parallel_loop3A_97 = arith.addi %parallel_loop3A_86, %add3A_11 : vector<16xi32>
            %parallel_loop3A_98 = tpu.vector_load_idx %arg9[%parallel_loop3A_97] : memref<19456xf32, #tpu.memory_space<vmem>>[vector<16xi32>], vector<16xf32>,
            %parallel_loop3A_99 = arith.addi %parallel_loop3A_86, %add3A_14 : vector<16xi32>
            %parallel_loop3A_100 = tpu.vector_load_idx %arg9[%parallel_loop3A_99] : memref<19456xf32, #tpu.memory_space<vmem>>[vector<16xi32>], vector<16xf32>,
            %parallel_loop3A_101 = arith.addi %parallel_loop3A_90, %add3A_5 : vector<16xi32>
            %parallel_loop3A_102 = tpu.vector_load_idx %arg9[%parallel_loop3A_101] : memref<19456xf32, #tpu.memory_space<vmem>>[vector<16xi32>], vector<16xf32>,
            %parallel_loop3A_103 = arith.addi %parallel_loop3A_90, %add3A_8 : vector<16xi32>
            %parallel_loop3A_104 = tpu.vector_load_idx %arg9[%parallel_loop3A_103] : memref<19456xf32, #tpu.memory_space<vmem>>[vector<16xi32>], vector<16xf32>,
            %parallel_loop3A_105 = arith.addi %parallel_loop3A_90, %add3A_11 : vector<16xi32>
            %parallel_loop3A_106 = tpu.vector_load_idx %arg9[%parallel_loop3A_105] : memref<19456xf32, #tpu.memory_space<vmem>>[vector<16xi32>], vector<16xf32>,
            %parallel_loop3A_107 = arith.addi %parallel_loop3A_90, %add3A_14 : vector<16xi32>
            %parallel_loop3A_108 = tpu.vector_load_idx %arg9[%parallel_loop3A_107] : memref<19456xf32, #tpu.memory_space<vmem>>[vector<16xi32>], vector<16xf32>,
            %parallel_loop3A_109 = arith.constant 0 : i32
            %parallel_loop3A_110 = arith.addi %parallel_loop3A_92, %parallel_loop3A_109 : i32
            %parallel_loop3A_111 = arith.index_cast %parallel_loop3A_110 : i32 to index
            %parallel_loop3A_112 = tpu.vector_load %arg12[%parallel_loop3A_111] {strides = array<i32>} : memref<16384xf32, #tpu.memory_space<vmem>>, vector<16xf32>,
            tpu.vector_store %arg12[%parallel_loop3A_111], %parallel_loop3A_94 {add = true, strides = array<i32>} : memref<16384xf32, #tpu.memory_space<vmem>>, vector<16xf32>,
            %parallel_loop3A_113 = arith.constant 16 : i32
            %parallel_loop3A_114 = arith.addi %parallel_loop3A_92, %parallel_loop3A_113 : i32
            %parallel_loop3A_115 = arith.index_cast %parallel_loop3A_114 : i32 to index
            %parallel_loop3A_116 = tpu.vector_load %arg12[%parallel_loop3A_115] {strides = array<i32>} : memref<16384xf32, #tpu.memory_space<vmem>>, vector<16xf32>,
            tpu.vector_store %arg12[%parallel_loop3A_115], %parallel_loop3A_96 {add = true, strides = array<i32>} : memref<16384xf32, #tpu.memory_space<vmem>>, vector<16xf32>,
            %parallel_loop3A_117 = arith.constant 32 : i32
            %parallel_loop3A_118 = arith.addi %parallel_loop3A_92, %parallel_loop3A_117 : i32
            %parallel_loop3A_119 = arith.index_cast %parallel_loop3A_118 : i32 to index
            %parallel_loop3A_120 = tpu.vector_load %arg12[%parallel_loop3A_119] {strides = array<i32>} : memref<16384xf32, #tpu.memory_space<vmem>>, vector<16xf32>,
            tpu.vector_store %arg12[%parallel_loop3A_119], %parallel_loop3A_98 {add = true, strides = array<i32>} : memref<16384xf32, #tpu.memory_space<vmem>>, vector<16xf32>,
            %parallel_loop3A_121 = arith.constant 48 : i32
            %parallel_loop3A_122 = arith.addi %parallel_loop3A_92, %parallel_loop3A_121 : i32
            %parallel_loop3A_123 = arith.index_cast %parallel_loop3A_122 : i32 to index
            %parallel_loop3A_124 = tpu.vector_load %arg12[%parallel_loop3A_123] {strides = array<i32>} : memref<16384xf32, #tpu.memory_space<vmem>>, vector<16xf32>,
            tpu.vector_store %arg12[%parallel_loop3A_123], %parallel_loop3A_100 {add = true, strides = array<i32>} : memref<16384xf32, #tpu.memory_space<vmem>>, vector<16xf32>,
            %parallel_loop3A_125 = arith.constant 64 : i32
            %parallel_loop3A_126 = arith.addi %parallel_loop3A_92, %parallel_loop3A_125 : i32
            %parallel_loop3A_127 = arith.index_cast %parallel_loop3A_126 : i32 to index
            %parallel_loop3A_128 = tpu.vector_load %arg12[%parallel_loop3A_127] {strides = array<i32>} : memref<16384xf32, #tpu.memory_space<vmem>>, vector<16xf32>,
            tpu.vector_store %arg12[%parallel_loop3A_127], %parallel_loop3A_102 {add = true, strides = array<i32>} : memref<16384xf32, #tpu.memory_space<vmem>>, vector<16xf32>,
            %parallel_loop3A_129 = arith.constant 80 : i32
            %parallel_loop3A_130 = arith.addi %parallel_loop3A_92, %parallel_loop3A_129 : i32
            %parallel_loop3A_131 = arith.index_cast %parallel_loop3A_130 : i32 to index
            %parallel_loop3A_132 = tpu.vector_load %arg12[%parallel_loop3A_131] {strides = array<i32>} : memref<16384xf32, #tpu.memory_space<vmem>>, vector<16xf32>,
            tpu.vector_store %arg12[%parallel_loop3A_131], %parallel_loop3A_104 {add = true, strides = array<i32>} : memref<16384xf32, #tpu.memory_space<vmem>>, vector<16xf32>,
            %parallel_loop3A_133 = arith.constant 96 : i32
            %parallel_loop3A_134 = arith.addi %parallel_loop3A_92, %parallel_loop3A_133 : i32
            %parallel_loop3A_135 = arith.index_cast %parallel_loop3A_134 : i32 to index
            %parallel_loop3A_136 = tpu.vector_load %arg12[%parallel_loop3A_135] {strides = array<i32>} : memref<16384xf32, #tpu.memory_space<vmem>>, vector<16xf32>,
            tpu.vector_store %arg12[%parallel_loop3A_135], %parallel_loop3A_106 {add = true, strides = array<i32>} : memref<16384xf32, #tpu.memory_space<vmem>>, vector<16xf32>,
            %parallel_loop3A_137 = arith.constant 112 : i32
            %parallel_loop3A_138 = arith.addi %parallel_loop3A_92, %parallel_loop3A_137 : i32
            %parallel_loop3A_139 = arith.index_cast %parallel_loop3A_138 : i32 to index
            %parallel_loop3A_140 = tpu.vector_load %arg12[%parallel_loop3A_139] {strides = array<i32>} : memref<16384xf32, #tpu.memory_space<vmem>>, vector<16xf32>,
            tpu.vector_store %arg12[%parallel_loop3A_139], %parallel_loop3A_108 {add = true, strides = array<i32>} : memref<16384xf32, #tpu.memory_space<vmem>>, vector<16xf32>,
            %parallel_loop3A_141 = arith.constant 1 : i32
            %parallel_loop3A_142 = vector.broadcast %parallel_loop3A_141 : i32 to vector<16x1xi32>
            %parallel_loop3A_143 = vector.shape_cast %parallel_loop3A_142 : vector<16x1xi32> to vector<16xi32>
            %parallel_loop3A_144 = tpu.dynamic_gather %parallel_loop3A_77[%parallel_loop3A_143] in [0] : vector<16xi32>, vector<16xi32> -> vector<16xi32>
            %parallel_loop3A_145 = arith.constant 1 : i32
            %parallel_loop3A_146 = vector.broadcast %parallel_loop3A_145 : i32 to vector<16x1xi32>
            %parallel_loop3A_147 = vector.shape_cast %parallel_loop3A_146 : vector<16x1xi32> to vector<16xi32>
            %parallel_loop3A_148 = tpu.dynamic_gather %parallel_loop3A_80[%parallel_loop3A_147] in [0] : vector<16xi32>, vector<16xi32> -> vector<16xi32>
            %parallel_loop3A_149 = arith.constant 128 : i32
            %parallel_loop3A_150 = arith.addi %parallel_loop3A_82, %parallel_loop3A_149 : i32
            %parallel_loop3A_151 = arith.addi %parallel_loop3A_144, %add3A_5 : vector<16xi32>
            %parallel_loop3A_152 = tpu.vector_load_idx %arg9[%parallel_loop3A_151] : memref<19456xf32, #tpu.memory_space<vmem>>[vector<16xi32>], vector<16xf32>,
            %parallel_loop3A_153 = arith.addi %parallel_loop3A_144, %add3A_8 : vector<16xi32>
            %parallel_loop3A_154 = tpu.vector_load_idx %arg9[%parallel_loop3A_153] : memref<19456xf32, #tpu.memory_space<vmem>>[vector<16xi32>], vector<16xf32>,
            %parallel_loop3A_155 = arith.addi %parallel_loop3A_144, %add3A_11 : vector<16xi32>
            %parallel_loop3A_156 = tpu.vector_load_idx %arg9[%parallel_loop3A_155] : memref<19456xf32, #tpu.memory_space<vmem>>[vector<16xi32>], vector<16xf32>,
            %parallel_loop3A_157 = arith.addi %parallel_loop3A_144, %add3A_14 : vector<16xi32>
            %parallel_loop3A_158 = tpu.vector_load_idx %arg9[%parallel_loop3A_157] : memref<19456xf32, #tpu.memory_space<vmem>>[vector<16xi32>], vector<16xf32>,
            %parallel_loop3A_159 = arith.addi %parallel_loop3A_148, %add3A_5 : vector<16xi32>
            %parallel_loop3A_160 = tpu.vector_load_idx %arg9[%parallel_loop3A_159] : memref<19456xf32, #tpu.memory_space<vmem>>[vector<16xi32>], vector<16xf32>,
            %parallel_loop3A_161 = arith.addi %parallel_loop3A_148, %add3A_8 : vector<16xi32>
            %parallel_loop3A_162 = tpu.vector_load_idx %arg9[%parallel_loop3A_161] : memref<19456xf32, #tpu.memory_space<vmem>>[vector<16xi32>], vector<16xf32>,
            %parallel_loop3A_163 = arith.addi %parallel_loop3A_148, %add3A_11 : vector<16xi32>
            %parallel_loop3A_164 = tpu.vector_load_idx %arg9[%parallel_loop3A_163] : memref<19456xf32, #tpu.memory_space<vmem>>[vector<16xi32>], vector<16xf32>,
            %parallel_loop3A_165 = arith.addi %parallel_loop3A_148, %add3A_14 : vector<16xi32>
            %parallel_loop3A_166 = tpu.vector_load_idx %arg9[%parallel_loop3A_165] : memref<19456xf32, #tpu.memory_space<vmem>>[vector<16xi32>], vector<16xf32>,
            %parallel_loop3A_167 = arith.constant 0 : i32
            %parallel_loop3A_168 = arith.addi %parallel_loop3A_150, %parallel_loop3A_167 : i32
            %parallel_loop3A_169 = arith.index_cast %parallel_loop3A_168 : i32 to index
            %parallel_loop3A_170 = tpu.vector_load %arg12[%parallel_loop3A_169] {strides = array<i32>} : memref<16384xf32, #tpu.memory_space<vmem>>, vector<16xf32>,
            tpu.vector_store %arg12[%parallel_loop3A_169], %parallel_loop3A_152 {add = true, strides = array<i32>} : memref<16384xf32, #tpu.memory_space<vmem>>, vector<16xf32>,
            %parallel_loop3A_171 = arith.constant 16 : i32
            %parallel_loop3A_172 = arith.addi %parallel_loop3A_150, %parallel_loop3A_171 : i32
            %parallel_loop3A_173 = arith.index_cast %parallel_loop3A_172 : i32 to index
            %parallel_loop3A_174 = tpu.vector_load %arg12[%parallel_loop3A_173] {strides = array<i32>} : memref<16384xf32, #tpu.memory_space<vmem>>, vector<16xf32>,
            tpu.vector_store %arg12[%parallel_loop3A_173], %parallel_loop3A_154 {add = true, strides = array<i32>} : memref<16384xf32, #tpu.memory_space<vmem>>, vector<16xf32>,
            %parallel_loop3A_175 = arith.constant 32 : i32
            %parallel_loop3A_176 = arith.addi %parallel_loop3A_150, %parallel_loop3A_175 : i32
            %parallel_loop3A_177 = arith.index_cast %parallel_loop3A_176 : i32 to index
            %parallel_loop3A_178 = tpu.vector_load %arg12[%parallel_loop3A_177] {strides = array<i32>} : memref<16384xf32, #tpu.memory_space<vmem>>, vector<16xf32>,
            tpu.vector_store %arg12[%parallel_loop3A_177], %parallel_loop3A_156 {add = true, strides = array<i32>} : memref<16384xf32, #tpu.memory_space<vmem>>, vector<16xf32>,
            %parallel_loop3A_179 = arith.constant 48 : i32
            %parallel_loop3A_180 = arith.addi %parallel_loop3A_150, %parallel_loop3A_179 : i32
            %parallel_loop3A_181 = arith.index_cast %parallel_loop3A_180 : i32 to index
            %parallel_loop3A_182 = tpu.vector_load %arg12[%parallel_loop3A_181] {strides = array<i32>} : memref<16384xf32, #tpu.memory_space<vmem>>, vector<16xf32>,
            tpu.vector_store %arg12[%parallel_loop3A_181], %parallel_loop3A_158 {add = true, strides = array<i32>} : memref<16384xf32, #tpu.memory_space<vmem>>, vector<16xf32>,
            %parallel_loop3A_183 = arith.constant 64 : i32
            %parallel_loop3A_184 = arith.addi %parallel_loop3A_150, %parallel_loop3A_183 : i32
            %parallel_loop3A_185 = arith.index_cast %parallel_loop3A_184 : i32 to index
            %parallel_loop3A_186 = tpu.vector_load %arg12[%parallel_loop3A_185] {strides = array<i32>} : memref<16384xf32, #tpu.memory_space<vmem>>, vector<16xf32>,
            tpu.vector_store %arg12[%parallel_loop3A_185], %parallel_loop3A_160 {add = true, strides = array<i32>} : memref<16384xf32, #tpu.memory_space<vmem>>, vector<16xf32>,
            %parallel_loop3A_187 = arith.constant 80 : i32
            %parallel_loop3A_188 = arith.addi %parallel_loop3A_150, %parallel_loop3A_187 : i32
            %parallel_loop3A_189 = arith.index_cast %parallel_loop3A_188 : i32 to index
            %parallel_loop3A_190 = tpu.vector_load %arg12[%parallel_loop3A_189] {strides = array<i32>} : memref<16384xf32, #tpu.memory_space<vmem>>, vector<16xf32>,
            tpu.vector_store %arg12[%parallel_loop3A_189], %parallel_loop3A_162 {add = true, strides = array<i32>} : memref<16384xf32, #tpu.memory_space<vmem>>, vector<16xf32>,
            %parallel_loop3A_191 = arith.constant 96 : i32
            %parallel_loop3A_192 = arith.addi %parallel_loop3A_150, %parallel_loop3A_191 : i32
            %parallel_loop3A_193 = arith.index_cast %parallel_loop3A_192 : i32 to index
            %parallel_loop3A_194 = tpu.vector_load %arg12[%parallel_loop3A_193] {strides = array<i32>} : memref<16384xf32, #tpu.memory_space<vmem>>, vector<16xf32>,
            tpu.vector_store %arg12[%parallel_loop3A_193], %parallel_loop3A_164 {add = true, strides = array<i32>} : memref<16384xf32, #tpu.memory_space<vmem>>, vector<16xf32>,
            %parallel_loop3A_195 = arith.constant 112 : i32
            %parallel_loop3A_196 = arith.addi %parallel_loop3A_150, %parallel_loop3A_195 : i32
            %parallel_loop3A_197 = arith.index_cast %parallel_loop3A_196 : i32 to index
            %parallel_loop3A_198 = tpu.vector_load %arg12[%parallel_loop3A_197] {strides = array<i32>} : memref<16384xf32, #tpu.memory_space<vmem>>, vector<16xf32>,
            tpu.vector_store %arg12[%parallel_loop3A_197], %parallel_loop3A_166 {add = true, strides = array<i32>} : memref<16384xf32, #tpu.memory_space<vmem>>, vector<16xf32>,
            %parallel_loop3A_199 = arith.constant 2 : i32
            %parallel_loop3A_200 = vector.broadcast %parallel_loop3A_199 : i32 to vector<16x1xi32>
            %parallel_loop3A_201 = vector.shape_cast %parallel_loop3A_200 : vector<16x1xi32> to vector<16xi32>
            %parallel_loop3A_202 = tpu.dynamic_gather %parallel_loop3A_77[%parallel_loop3A_201] in [0] : vector<16xi32>, vector<16xi32> -> vector<16xi32>
            %parallel_loop3A_203 = arith.constant 2 : i32
            %parallel_loop3A_204 = vector.broadcast %parallel_loop3A_203 : i32 to vector<16x1xi32>
            %parallel_loop3A_205 = vector.shape_cast %parallel_loop3A_204 : vector<16x1xi32> to vector<16xi32>
            %parallel_loop3A_206 = tpu.dynamic_gather %parallel_loop3A_80[%parallel_loop3A_205] in [0] : vector<16xi32>, vector<16xi32> -> vector<16xi32>
            %parallel_loop3A_207 = arith.constant 256 : i32
            %parallel_loop3A_208 = arith.addi %parallel_loop3A_82, %parallel_loop3A_207 : i32
            %parallel_loop3A_209 = arith.addi %parallel_loop3A_202, %add3A_5 : vector<16xi32>
            %parallel_loop3A_210 = tpu.vector_load_idx %arg9[%parallel_loop3A_209] : memref<19456xf32, #tpu.memory_space<vmem>>[vector<16xi32>], vector<16xf32>,
            %parallel_loop3A_211 = arith.addi %parallel_loop3A_202, %add3A_8 : vector<16xi32>
            %parallel_loop3A_212 = tpu.vector_load_idx %arg9[%parallel_loop3A_211] : memref<19456xf32, #tpu.memory_space<vmem>>[vector<16xi32>], vector<16xf32>,
            %parallel_loop3A_213 = arith.addi %parallel_loop3A_202, %add3A_11 : vector<16xi32>
            %parallel_loop3A_214 = tpu.vector_load_idx %arg9[%parallel_loop3A_213] : memref<19456xf32, #tpu.memory_space<vmem>>[vector<16xi32>], vector<16xf32>,
            %parallel_loop3A_215 = arith.addi %parallel_loop3A_202, %add3A_14 : vector<16xi32>
            %parallel_loop3A_216 = tpu.vector_load_idx %arg9[%parallel_loop3A_215] : memref<19456xf32, #tpu.memory_space<vmem>>[vector<16xi32>], vector<16xf32>,
            %parallel_loop3A_217 = arith.addi %parallel_loop3A_206, %add3A_5 : vector<16xi32>
            %parallel_loop3A_218 = tpu.vector_load_idx %arg9[%parallel_loop3A_217] : memref<19456xf32, #tpu.memory_space<vmem>>[vector<16xi32>], vector<16xf32>,
            %parallel_loop3A_219 = arith.addi %parallel_loop3A_206, %add3A_8 : vector<16xi32>
            %parallel_loop3A_220 = tpu.vector_load_idx %arg9[%parallel_loop3A_219] : memref<19456xf32, #tpu.memory_space<vmem>>[vector<16xi32>], vector<16xf32>,
            %parallel_loop3A_221 = arith.addi %parallel_loop3A_206, %add3A_11 : vector<16xi32>
            %parallel_loop3A_222 = tpu.vector_load_idx %arg9[%parallel_loop3A_221] : memref<19456xf32, #tpu.memory_space<vmem>>[vector<16xi32>], vector<16xf32>,
            %parallel_loop3A_223 = arith.addi %parallel_loop3A_206, %add3A_14 : vector<16xi32>
            %parallel_loop3A_224 = tpu.vector_load_idx %arg9[%parallel_loop3A_223] : memref<19456xf32, #tpu.memory_space<vmem>>[vector<16xi32>], vector<16xf32>,
            %parallel_loop3A_225 = arith.constant 0 : i32
            %parallel_loop3A_226 = arith.addi %parallel_loop3A_208, %parallel_loop3A_225 : i32
            %parallel_loop3A_227 = arith.index_cast %parallel_loop3A_226 : i32 to index
            %parallel_loop3A_228 = tpu.vector_load %arg12[%parallel_loop3A_227] {strides = array<i32>} : memref<16384xf32, #tpu.memory_space<vmem>>, vector<16xf32>,
            tpu.vector_store %arg12[%parallel_loop3A_227], %parallel_loop3A_210 {add = true, strides = array<i32>} : memref<16384xf32, #tpu.memory_space<vmem>>, vector<16xf32>,
            %parallel_loop3A_229 = arith.constant 16 : i32
            %parallel_loop3A_230 = arith.addi %parallel_loop3A_208, %parallel_loop3A_229 : i32
            %parallel_loop3A_231 = arith.index_cast %parallel_loop3A_230 : i32 to index
            %parallel_loop3A_232 = tpu.vector_load %arg12[%parallel_loop3A_231] {strides = array<i32>} : memref<16384xf32, #tpu.memory_space<vmem>>, vector<16xf32>,
            tpu.vector_store %arg12[%parallel_loop3A_231], %parallel_loop3A_212 {add = true, strides = array<i32>} : memref<16384xf32, #tpu.memory_space<vmem>>, vector<16xf32>,
            %parallel_loop3A_233 = arith.constant 32 : i32
            %parallel_loop3A_234 = arith.addi %parallel_loop3A_208, %parallel_loop3A_233 : i32
            %parallel_loop3A_235 = arith.index_cast %parallel_loop3A_234 : i32 to index
            %parallel_loop3A_236 = tpu.vector_load %arg12[%parallel_loop3A_235] {strides = array<i32>} : memref<16384xf32, #tpu.memory_space<vmem>>, vector<16xf32>,
            tpu.vector_store %arg12[%parallel_loop3A_235], %parallel_loop3A_214 {add = true, strides = array<i32>} : memref<16384xf32, #tpu.memory_space<vmem>>, vector<16xf32>,
            %parallel_loop3A_237 = arith.constant 48 : i32
            %parallel_loop3A_238 = arith.addi %parallel_loop3A_208, %parallel_loop3A_237 : i32
            %parallel_loop3A_239 = arith.index_cast %parallel_loop3A_238 : i32 to index
            %parallel_loop3A_240 = tpu.vector_load %arg12[%parallel_loop3A_239] {strides = array<i32>} : memref<16384xf32, #tpu.memory_space<vmem>>, vector<16xf32>,
            tpu.vector_store %arg12[%parallel_loop3A_239], %parallel_loop3A_216 {add = true, strides = array<i32>} : memref<16384xf32, #tpu.memory_space<vmem>>, vector<16xf32>,
            %parallel_loop3A_241 = arith.constant 64 : i32
            %parallel_loop3A_242 = arith.addi %parallel_loop3A_208, %parallel_loop3A_241 : i32
            %parallel_loop3A_243 = arith.index_cast %parallel_loop3A_242 : i32 to index
            %parallel_loop3A_244 = tpu.vector_load %arg12[%parallel_loop3A_243] {strides = array<i32>} : memref<16384xf32, #tpu.memory_space<vmem>>, vector<16xf32>,
            tpu.vector_store %arg12[%parallel_loop3A_243], %parallel_loop3A_218 {add = true, strides = array<i32>} : memref<16384xf32, #tpu.memory_space<vmem>>, vector<16xf32>,
            %parallel_loop3A_245 = arith.constant 80 : i32
            %parallel_loop3A_246 = arith.addi %parallel_loop3A_208, %parallel_loop3A_245 : i32
            %parallel_loop3A_247 = arith.index_cast %parallel_loop3A_246 : i32 to index
            %parallel_loop3A_248 = tpu.vector_load %arg12[%parallel_loop3A_247] {strides = array<i32>} : memref<16384xf32, #tpu.memory_space<vmem>>, vector<16xf32>,
            tpu.vector_store %arg12[%parallel_loop3A_247], %parallel_loop3A_220 {add = true, strides = array<i32>} : memref<16384xf32, #tpu.memory_space<vmem>>, vector<16xf32>,
            %parallel_loop3A_249 = arith.constant 96 : i32
            %parallel_loop3A_250 = arith.addi %parallel_loop3A_208, %parallel_loop3A_249 : i32
            %parallel_loop3A_251 = arith.index_cast %parallel_loop3A_250 : i32 to index
            %parallel_loop3A_252 = tpu.vector_load %arg12[%parallel_loop3A_251] {strides = array<i32>} : memref<16384xf32, #tpu.memory_space<vmem>>, vector<16xf32>,
            tpu.vector_store %arg12[%parallel_loop3A_251], %parallel_loop3A_222 {add = true, strides = array<i32>} : memref<16384xf32, #tpu.memory_space<vmem>>, vector<16xf32>,
            %parallel_loop3A_253 = arith.constant 112 : i32
            %parallel_loop3A_254 = arith.addi %parallel_loop3A_208, %parallel_loop3A_253 : i32
            %parallel_loop3A_255 = arith.index_cast %parallel_loop3A_254 : i32 to index
            %parallel_loop3A_256 = tpu.vector_load %arg12[%parallel_loop3A_255] {strides = array<i32>} : memref<16384xf32, #tpu.memory_space<vmem>>, vector<16xf32>,
            tpu.vector_store %arg12[%parallel_loop3A_255], %parallel_loop3A_224 {add = true, strides = array<i32>} : memref<16384xf32, #tpu.memory_space<vmem>>, vector<16xf32>,
            %parallel_loop3A_257 = arith.constant 3 : i32
            %parallel_loop3A_258 = vector.broadcast %parallel_loop3A_257 : i32 to vector<16x1xi32>
            %parallel_loop3A_259 = vector.shape_cast %parallel_loop3A_258 : vector<16x1xi32> to vector<16xi32>
            %parallel_loop3A_260 = tpu.dynamic_gather %parallel_loop3A_77[%parallel_loop3A_259] in [0] : vector<16xi32>, vector<16xi32> -> vector<16xi32>
            %parallel_loop3A_261 = arith.constant 3 : i32
            %parallel_loop3A_262 = vector.broadcast %parallel_loop3A_261 : i32 to vector<16x1xi32>
            %parallel_loop3A_263 = vector.shape_cast %parallel_loop3A_262 : vector<16x1xi32> to vector<16xi32>
            %parallel_loop3A_264 = tpu.dynamic_gather %parallel_loop3A_80[%parallel_loop3A_263] in [0] : vector<16xi32>, vector<16xi32> -> vector<16xi32>
            %parallel_loop3A_265 = arith.constant 384 : i32
            %parallel_loop3A_266 = arith.addi %parallel_loop3A_82, %parallel_loop3A_265 : i32
            %parallel_loop3A_267 = arith.addi %parallel_loop3A_260, %add3A_5 : vector<16xi32>
            %parallel_loop3A_268 = tpu.vector_load_idx %arg9[%parallel_loop3A_267] : memref<19456xf32, #tpu.memory_space<vmem>>[vector<16xi32>], vector<16xf32>,
            %parallel_loop3A_269 = arith.addi %parallel_loop3A_260, %add3A_8 : vector<16xi32>
            %parallel_loop3A_270 = tpu.vector_load_idx %arg9[%parallel_loop3A_269] : memref<19456xf32, #tpu.memory_space<vmem>>[vector<16xi32>], vector<16xf32>,
            %parallel_loop3A_271 = arith.addi %parallel_loop3A_260, %add3A_11 : vector<16xi32>
            %parallel_loop3A_272 = tpu.vector_load_idx %arg9[%parallel_loop3A_271] : memref<19456xf32, #tpu.memory_space<vmem>>[vector<16xi32>], vector<16xf32>,
            %parallel_loop3A_273 = arith.addi %parallel_loop3A_260, %add3A_14 : vector<16xi32>
            %parallel_loop3A_274 = tpu.vector_load_idx %arg9[%parallel_loop3A_273] : memref<19456xf32, #tpu.memory_space<vmem>>[vector<16xi32>], vector<16xf32>,
            %parallel_loop3A_275 = arith.addi %parallel_loop3A_264, %add3A_5 : vector<16xi32>
            %parallel_loop3A_276 = tpu.vector_load_idx %arg9[%parallel_loop3A_275] : memref<19456xf32, #tpu.memory_space<vmem>>[vector<16xi32>], vector<16xf32>,
            %parallel_loop3A_277 = arith.addi %parallel_loop3A_264, %add3A_8 : vector<16xi32>
            %parallel_loop3A_278 = tpu.vector_load_idx %arg9[%parallel_loop3A_277] : memref<19456xf32, #tpu.memory_space<vmem>>[vector<16xi32>], vector<16xf32>,
            %parallel_loop3A_279 = arith.addi %parallel_loop3A_264, %add3A_11 : vector<16xi32>
            %parallel_loop3A_280 = tpu.vector_load_idx %arg9[%parallel_loop3A_279] : memref<19456xf32, #tpu.memory_space<vmem>>[vector<16xi32>], vector<16xf32>,
            %parallel_loop3A_281 = arith.addi %parallel_loop3A_264, %add3A_14 : vector<16xi32>
            %parallel_loop3A_282 = tpu.vector_load_idx %arg9[%parallel_loop3A_281] : memref<19456xf32, #tpu.memory_space<vmem>>[vector<16xi32>], vector<16xf32>,
            %parallel_loop3A_283 = arith.constant 0 : i32
            %parallel_loop3A_284 = arith.addi %parallel_loop3A_266, %parallel_loop3A_283 : i32
            %parallel_loop3A_285 = arith.index_cast %parallel_loop3A_284 : i32 to index
            %parallel_loop3A_286 = tpu.vector_load %arg12[%parallel_loop3A_285] {strides = array<i32>} : memref<16384xf32, #tpu.memory_space<vmem>>, vector<16xf32>,
            tpu.vector_store %arg12[%parallel_loop3A_285], %parallel_loop3A_268 {add = true, strides = array<i32>} : memref<16384xf32, #tpu.memory_space<vmem>>, vector<16xf32>,
            %parallel_loop3A_287 = arith.constant 16 : i32
            %parallel_loop3A_288 = arith.addi %parallel_loop3A_266, %parallel_loop3A_287 : i32
            %parallel_loop3A_289 = arith.index_cast %parallel_loop3A_288 : i32 to index
            %parallel_loop3A_290 = tpu.vector_load %arg12[%parallel_loop3A_289] {strides = array<i32>} : memref<16384xf32, #tpu.memory_space<vmem>>, vector<16xf32>,
            tpu.vector_store %arg12[%parallel_loop3A_289], %parallel_loop3A_270 {add = true, strides = array<i32>} : memref<16384xf32, #tpu.memory_space<vmem>>, vector<16xf32>,
            %parallel_loop3A_291 = arith.constant 32 : i32
            %parallel_loop3A_292 = arith.addi %parallel_loop3A_266, %parallel_loop3A_291 : i32
            %parallel_loop3A_293 = arith.index_cast %parallel_loop3A_292 : i32 to index
            %parallel_loop3A_294 = tpu.vector_load %arg12[%parallel_loop3A_293] {strides = array<i32>} : memref<16384xf32, #tpu.memory_space<vmem>>, vector<16xf32>,
            tpu.vector_store %arg12[%parallel_loop3A_293], %parallel_loop3A_272 {add = true, strides = array<i32>} : memref<16384xf32, #tpu.memory_space<vmem>>, vector<16xf32>,
            %parallel_loop3A_295 = arith.constant 48 : i32
            %parallel_loop3A_296 = arith.addi %parallel_loop3A_266, %parallel_loop3A_295 : i32
            %parallel_loop3A_297 = arith.index_cast %parallel_loop3A_296 : i32 to index
            %parallel_loop3A_298 = tpu.vector_load %arg12[%parallel_loop3A_297] {strides = array<i32>} : memref<16384xf32, #tpu.memory_space<vmem>>, vector<16xf32>,
            tpu.vector_store %arg12[%parallel_loop3A_297], %parallel_loop3A_274 {add = true, strides = array<i32>} : memref<16384xf32, #tpu.memory_space<vmem>>, vector<16xf32>,
            %parallel_loop3A_299 = arith.constant 64 : i32
            %parallel_loop3A_300 = arith.addi %parallel_loop3A_266, %parallel_loop3A_299 : i32
            %parallel_loop3A_301 = arith.index_cast %parallel_loop3A_300 : i32 to index
            %parallel_loop3A_302 = tpu.vector_load %arg12[%parallel_loop3A_301] {strides = array<i32>} : memref<16384xf32, #tpu.memory_space<vmem>>, vector<16xf32>,
            tpu.vector_store %arg12[%parallel_loop3A_301], %parallel_loop3A_276 {add = true, strides = array<i32>} : memref<16384xf32, #tpu.memory_space<vmem>>, vector<16xf32>,
            %parallel_loop3A_303 = arith.constant 80 : i32
            %parallel_loop3A_304 = arith.addi %parallel_loop3A_266, %parallel_loop3A_303 : i32
            %parallel_loop3A_305 = arith.index_cast %parallel_loop3A_304 : i32 to index
            %parallel_loop3A_306 = tpu.vector_load %arg12[%parallel_loop3A_305] {strides = array<i32>} : memref<16384xf32, #tpu.memory_space<vmem>>, vector<16xf32>,
            tpu.vector_store %arg12[%parallel_loop3A_305], %parallel_loop3A_278 {add = true, strides = array<i32>} : memref<16384xf32, #tpu.memory_space<vmem>>, vector<16xf32>,
            %parallel_loop3A_307 = arith.constant 96 : i32
            %parallel_loop3A_308 = arith.addi %parallel_loop3A_266, %parallel_loop3A_307 : i32
            %parallel_loop3A_309 = arith.index_cast %parallel_loop3A_308 : i32 to index
            %parallel_loop3A_310 = tpu.vector_load %arg12[%parallel_loop3A_309] {strides = array<i32>} : memref<16384xf32, #tpu.memory_space<vmem>>, vector<16xf32>,
            tpu.vector_store %arg12[%parallel_loop3A_309], %parallel_loop3A_280 {add = true, strides = array<i32>} : memref<16384xf32, #tpu.memory_space<vmem>>, vector<16xf32>,
            %parallel_loop3A_311 = arith.constant 112 : i32
            %parallel_loop3A_312 = arith.addi %parallel_loop3A_266, %parallel_loop3A_311 : i32
            %parallel_loop3A_313 = arith.index_cast %parallel_loop3A_312 : i32 to index
            %parallel_loop3A_314 = tpu.vector_load %arg12[%parallel_loop3A_313] {strides = array<i32>} : memref<16384xf32, #tpu.memory_space<vmem>>, vector<16xf32>,
            tpu.vector_store %arg12[%parallel_loop3A_313], %parallel_loop3A_282 {add = true, strides = array<i32>} : memref<16384xf32, #tpu.memory_space<vmem>>, vector<16xf32>,
            %parallel_loop3A_315 = arith.constant 4 : i32
            %parallel_loop3A_316 = vector.broadcast %parallel_loop3A_315 : i32 to vector<16x1xi32>
            %parallel_loop3A_317 = vector.shape_cast %parallel_loop3A_316 : vector<16x1xi32> to vector<16xi32>
            %parallel_loop3A_318 = tpu.dynamic_gather %parallel_loop3A_77[%parallel_loop3A_317] in [0] : vector<16xi32>, vector<16xi32> -> vector<16xi32>
            %parallel_loop3A_319 = arith.constant 4 : i32
            %parallel_loop3A_320 = vector.broadcast %parallel_loop3A_319 : i32 to vector<16x1xi32>
            %parallel_loop3A_321 = vector.shape_cast %parallel_loop3A_320 : vector<16x1xi32> to vector<16xi32>
            %parallel_loop3A_322 = tpu.dynamic_gather %parallel_loop3A_80[%parallel_loop3A_321] in [0] : vector<16xi32>, vector<16xi32> -> vector<16xi32>
            %parallel_loop3A_323 = arith.constant 512 : i32
            %parallel_loop3A_324 = arith.addi %parallel_loop3A_82, %parallel_loop3A_323 : i32
            %parallel_loop3A_325 = arith.addi %parallel_loop3A_318, %add3A_5 : vector<16xi32>
            %parallel_loop3A_326 = tpu.vector_load_idx %arg9[%parallel_loop3A_325] : memref<19456xf32, #tpu.memory_space<vmem>>[vector<16xi32>], vector<16xf32>,
            %parallel_loop3A_327 = arith.addi %parallel_loop3A_318, %add3A_8 : vector<16xi32>
            %parallel_loop3A_328 = tpu.vector_load_idx %arg9[%parallel_loop3A_327] : memref<19456xf32, #tpu.memory_space<vmem>>[vector<16xi32>], vector<16xf32>,
            %parallel_loop3A_329 = arith.addi %parallel_loop3A_318, %add3A_11 : vector<16xi32>
            %parallel_loop3A_330 = tpu.vector_load_idx %arg9[%parallel_loop3A_329] : memref<19456xf32, #tpu.memory_space<vmem>>[vector<16xi32>], vector<16xf32>,
            %parallel_loop3A_331 = arith.addi %parallel_loop3A_318, %add3A_14 : vector<16xi32>
            %parallel_loop3A_332 = tpu.vector_load_idx %arg9[%parallel_loop3A_331] : memref<19456xf32, #tpu.memory_space<vmem>>[vector<16xi32>], vector<16xf32>,
            %parallel_loop3A_333 = arith.addi %parallel_loop3A_322, %add3A_5 : vector<16xi32>
            %parallel_loop3A_334 = tpu.vector_load_idx %arg9[%parallel_loop3A_333] : memref<19456xf32, #tpu.memory_space<vmem>>[vector<16xi32>], vector<16xf32>,
            %parallel_loop3A_335 = arith.addi %parallel_loop3A_322, %add3A_8 : vector<16xi32>
            %parallel_loop3A_336 = tpu.vector_load_idx %arg9[%parallel_loop3A_335] : memref<19456xf32, #tpu.memory_space<vmem>>[vector<16xi32>], vector<16xf32>,
            %parallel_loop3A_337 = arith.addi %parallel_loop3A_322, %add3A_11 : vector<16xi32>
            %parallel_loop3A_338 = tpu.vector_load_idx %arg9[%parallel_loop3A_337] : memref<19456xf32, #tpu.memory_space<vmem>>[vector<16xi32>], vector<16xf32>,
            %parallel_loop3A_339 = arith.addi %parallel_loop3A_322, %add3A_14 : vector<16xi32>
            %parallel_loop3A_340 = tpu.vector_load_idx %arg9[%parallel_loop3A_339] : memref<19456xf32, #tpu.memory_space<vmem>>[vector<16xi32>], vector<16xf32>,
            %parallel_loop3A_341 = arith.constant 0 : i32
            %parallel_loop3A_342 = arith.addi %parallel_loop3A_324, %parallel_loop3A_341 : i32
            %parallel_loop3A_343 = arith.index_cast %parallel_loop3A_342 : i32 to index
            %parallel_loop3A_344 = tpu.vector_load %arg12[%parallel_loop3A_343] {strides = array<i32>} : memref<16384xf32, #tpu.memory_space<vmem>>, vector<16xf32>,
            tpu.vector_store %arg12[%parallel_loop3A_343], %parallel_loop3A_326 {add = true, strides = array<i32>} : memref<16384xf32, #tpu.memory_space<vmem>>, vector<16xf32>,
            %parallel_loop3A_345 = arith.constant 16 : i32
            %parallel_loop3A_346 = arith.addi %parallel_loop3A_324, %parallel_loop3A_345 : i32
            %parallel_loop3A_347 = arith.index_cast %parallel_loop3A_346 : i32 to index
            %parallel_loop3A_348 = tpu.vector_load %arg12[%parallel_loop3A_347] {strides = array<i32>} : memref<16384xf32, #tpu.memory_space<vmem>>, vector<16xf32>,
            tpu.vector_store %arg12[%parallel_loop3A_347], %parallel_loop3A_328 {add = true, strides = array<i32>} : memref<16384xf32, #tpu.memory_space<vmem>>, vector<16xf32>,
            %parallel_loop3A_349 = arith.constant 32 : i32
            %parallel_loop3A_350 = arith.addi %parallel_loop3A_324, %parallel_loop3A_349 : i32
            %parallel_loop3A_351 = arith.index_cast %parallel_loop3A_350 : i32 to index
            %parallel_loop3A_352 = tpu.vector_load %arg12[%parallel_loop3A_351] {strides = array<i32>} : memref<16384xf32, #tpu.memory_space<vmem>>, vector<16xf32>,
            tpu.vector_store %arg12[%parallel_loop3A_351], %parallel_loop3A_330 {add = true, strides = array<i32>} : memref<16384xf32, #tpu.memory_space<vmem>>, vector<16xf32>,
            %parallel_loop3A_353 = arith.constant 48 : i32
            %parallel_loop3A_354 = arith.addi %parallel_loop3A_324, %parallel_loop3A_353 : i32
            %parallel_loop3A_355 = arith.index_cast %parallel_loop3A_354 : i32 to index
            %parallel_loop3A_356 = tpu.vector_load %arg12[%parallel_loop3A_355] {strides = array<i32>} : memref<16384xf32, #tpu.memory_space<vmem>>, vector<16xf32>,
            tpu.vector_store %arg12[%parallel_loop3A_355], %parallel_loop3A_332 {add = true, strides = array<i32>} : memref<16384xf32, #tpu.memory_space<vmem>>, vector<16xf32>,
            %parallel_loop3A_357 = arith.constant 64 : i32
            %parallel_loop3A_358 = arith.addi %parallel_loop3A_324, %parallel_loop3A_357 : i32
            %parallel_loop3A_359 = arith.index_cast %parallel_loop3A_358 : i32 to index
            %parallel_loop3A_360 = tpu.vector_load %arg12[%parallel_loop3A_359] {strides = array<i32>} : memref<16384xf32, #tpu.memory_space<vmem>>, vector<16xf32>,
            tpu.vector_store %arg12[%parallel_loop3A_359], %parallel_loop3A_334 {add = true, strides = array<i32>} : memref<16384xf32, #tpu.memory_space<vmem>>, vector<16xf32>,
            %parallel_loop3A_361 = arith.constant 80 : i32
            %parallel_loop3A_362 = arith.addi %parallel_loop3A_324, %parallel_loop3A_361 : i32
            %parallel_loop3A_363 = arith.index_cast %parallel_loop3A_362 : i32 to index
            %parallel_loop3A_364 = tpu.vector_load %arg12[%parallel_loop3A_363] {strides = array<i32>} : memref<16384xf32, #tpu.memory_space<vmem>>, vector<16xf32>,
            tpu.vector_store %arg12[%parallel_loop3A_363], %parallel_loop3A_336 {add = true, strides = array<i32>} : memref<16384xf32, #tpu.memory_space<vmem>>, vector<16xf32>,
            %parallel_loop3A_365 = arith.constant 96 : i32
            %parallel_loop3A_366 = arith.addi %parallel_loop3A_324, %parallel_loop3A_365 : i32
            %parallel_loop3A_367 = arith.index_cast %parallel_loop3A_366 : i32 to index
            %parallel_loop3A_368 = tpu.vector_load %arg12[%parallel_loop3A_367] {strides = array<i32>} : memref<16384xf32, #tpu.memory_space<vmem>>, vector<16xf32>,
            tpu.vector_store %arg12[%parallel_loop3A_367], %parallel_loop3A_338 {add = true, strides = array<i32>} : memref<16384xf32, #tpu.memory_space<vmem>>, vector<16xf32>,
            %parallel_loop3A_369 = arith.constant 112 : i32
            %parallel_loop3A_370 = arith.addi %parallel_loop3A_324, %parallel_loop3A_369 : i32
            %parallel_loop3A_371 = arith.index_cast %parallel_loop3A_370 : i32 to index
            %parallel_loop3A_372 = tpu.vector_load %arg12[%parallel_loop3A_371] {strides = array<i32>} : memref<16384xf32, #tpu.memory_space<vmem>>, vector<16xf32>,
            tpu.vector_store %arg12[%parallel_loop3A_371], %parallel_loop3A_340 {add = true, strides = array<i32>} : memref<16384xf32, #tpu.memory_space<vmem>>, vector<16xf32>,
            %parallel_loop3A_373 = arith.constant 5 : i32
            %parallel_loop3A_374 = vector.broadcast %parallel_loop3A_373 : i32 to vector<16x1xi32>
            %parallel_loop3A_375 = vector.shape_cast %parallel_loop3A_374 : vector<16x1xi32> to vector<16xi32>
            %parallel_loop3A_376 = tpu.dynamic_gather %parallel_loop3A_77[%parallel_loop3A_375] in [0] : vector<16xi32>, vector<16xi32> -> vector<16xi32>
            %parallel_loop3A_377 = arith.constant 5 : i32
            %parallel_loop3A_378 = vector.broadcast %parallel_loop3A_377 : i32 to vector<16x1xi32>
            %parallel_loop3A_379 = vector.shape_cast %parallel_loop3A_378 : vector<16x1xi32> to vector<16xi32>
            %parallel_loop3A_380 = tpu.dynamic_gather %parallel_loop3A_80[%parallel_loop3A_379] in [0] : vector<16xi32>, vector<16xi32> -> vector<16xi32>
            %parallel_loop3A_381 = arith.constant 640 : i32
            %parallel_loop3A_382 = arith.addi %parallel_loop3A_82, %parallel_loop3A_381 : i32
            %parallel_loop3A_383 = arith.addi %parallel_loop3A_376, %add3A_5 : vector<16xi32>
            %parallel_loop3A_384 = tpu.vector_load_idx %arg9[%parallel_loop3A_383] : memref<19456xf32, #tpu.memory_space<vmem>>[vector<16xi32>], vector<16xf32>,
            %parallel_loop3A_385 = arith.addi %parallel_loop3A_376, %add3A_8 : vector<16xi32>
            %parallel_loop3A_386 = tpu.vector_load_idx %arg9[%parallel_loop3A_385] : memref<19456xf32, #tpu.memory_space<vmem>>[vector<16xi32>], vector<16xf32>,
            %parallel_loop3A_387 = arith.addi %parallel_loop3A_376, %add3A_11 : vector<16xi32>
            %parallel_loop3A_388 = tpu.vector_load_idx %arg9[%parallel_loop3A_387] : memref<19456xf32, #tpu.memory_space<vmem>>[vector<16xi32>], vector<16xf32>,
            %parallel_loop3A_389 = arith.addi %parallel_loop3A_376, %add3A_14 : vector<16xi32>
            %parallel_loop3A_390 = tpu.vector_load_idx %arg9[%parallel_loop3A_389] : memref<19456xf32, #tpu.memory_space<vmem>>[vector<16xi32>], vector<16xf32>,
            %parallel_loop3A_391 = arith.addi %parallel_loop3A_380, %add3A_5 : vector<16xi32>
            %parallel_loop3A_392 = tpu.vector_load_idx %arg9[%parallel_loop3A_391] : memref<19456xf32, #tpu.memory_space<vmem>>[vector<16xi32>], vector<16xf32>,
            %parallel_loop3A_393 = arith.addi %parallel_loop3A_380, %add3A_8 : vector<16xi32>
            %parallel_loop3A_394 = tpu.vector_load_idx %arg9[%parallel_loop3A_393] : memref<19456xf32, #tpu.memory_space<vmem>>[vector<16xi32>], vector<16xf32>,
            %parallel_loop3A_395 = arith.addi %parallel_loop3A_380, %add3A_11 : vector<16xi32>
            %parallel_loop3A_396 = tpu.vector_load_idx %arg9[%parallel_loop3A_395] : memref<19456xf32, #tpu.memory_space<vmem>>[vector<16xi32>], vector<16xf32>,
            %parallel_loop3A_397 = arith.addi %parallel_loop3A_380, %add3A_14 : vector<16xi32>
            %parallel_loop3A_398 = tpu.vector_load_idx %arg9[%parallel_loop3A_397] : memref<19456xf32, #tpu.memory_space<vmem>>[vector<16xi32>], vector<16xf32>,
            %parallel_loop3A_399 = arith.constant 0 : i32
            %parallel_loop3A_400 = arith.addi %parallel_loop3A_382, %parallel_loop3A_399 : i32
            %parallel_loop3A_401 = arith.index_cast %parallel_loop3A_400 : i32 to index
            %parallel_loop3A_402 = tpu.vector_load %arg12[%parallel_loop3A_401] {strides = array<i32>} : memref<16384xf32, #tpu.memory_space<vmem>>, vector<16xf32>,
            tpu.vector_store %arg12[%parallel_loop3A_401], %parallel_loop3A_384 {add = true, strides = array<i32>} : memref<16384xf32, #tpu.memory_space<vmem>>, vector<16xf32>,
            %parallel_loop3A_403 = arith.constant 16 : i32
            %parallel_loop3A_404 = arith.addi %parallel_loop3A_382, %parallel_loop3A_403 : i32
            %parallel_loop3A_405 = arith.index_cast %parallel_loop3A_404 : i32 to index
            %parallel_loop3A_406 = tpu.vector_load %arg12[%parallel_loop3A_405] {strides = array<i32>} : memref<16384xf32, #tpu.memory_space<vmem>>, vector<16xf32>,
            tpu.vector_store %arg12[%parallel_loop3A_405], %parallel_loop3A_386 {add = true, strides = array<i32>} : memref<16384xf32, #tpu.memory_space<vmem>>, vector<16xf32>,
            %parallel_loop3A_407 = arith.constant 32 : i32
            %parallel_loop3A_408 = arith.addi %parallel_loop3A_382, %parallel_loop3A_407 : i32
            %parallel_loop3A_409 = arith.index_cast %parallel_loop3A_408 : i32 to index
            %parallel_loop3A_410 = tpu.vector_load %arg12[%parallel_loop3A_409] {strides = array<i32>} : memref<16384xf32, #tpu.memory_space<vmem>>, vector<16xf32>,
            tpu.vector_store %arg12[%parallel_loop3A_409], %parallel_loop3A_388 {add = true, strides = array<i32>} : memref<16384xf32, #tpu.memory_space<vmem>>, vector<16xf32>,
            %parallel_loop3A_411 = arith.constant 48 : i32
            %parallel_loop3A_412 = arith.addi %parallel_loop3A_382, %parallel_loop3A_411 : i32
            %parallel_loop3A_413 = arith.index_cast %parallel_loop3A_412 : i32 to index
            %parallel_loop3A_414 = tpu.vector_load %arg12[%parallel_loop3A_413] {strides = array<i32>} : memref<16384xf32, #tpu.memory_space<vmem>>, vector<16xf32>,
            tpu.vector_store %arg12[%parallel_loop3A_413], %parallel_loop3A_390 {add = true, strides = array<i32>} : memref<16384xf32, #tpu.memory_space<vmem>>, vector<16xf32>,
            %parallel_loop3A_415 = arith.constant 64 : i32
            %parallel_loop3A_416 = arith.addi %parallel_loop3A_382, %parallel_loop3A_415 : i32
            %parallel_loop3A_417 = arith.index_cast %parallel_loop3A_416 : i32 to index
            %parallel_loop3A_418 = tpu.vector_load %arg12[%parallel_loop3A_417] {strides = array<i32>} : memref<16384xf32, #tpu.memory_space<vmem>>, vector<16xf32>,
            tpu.vector_store %arg12[%parallel_loop3A_417], %parallel_loop3A_392 {add = true, strides = array<i32>} : memref<16384xf32, #tpu.memory_space<vmem>>, vector<16xf32>,
            %parallel_loop3A_419 = arith.constant 80 : i32
            %parallel_loop3A_420 = arith.addi %parallel_loop3A_382, %parallel_loop3A_419 : i32
            %parallel_loop3A_421 = arith.index_cast %parallel_loop3A_420 : i32 to index
            %parallel_loop3A_422 = tpu.vector_load %arg12[%parallel_loop3A_421] {strides = array<i32>} : memref<16384xf32, #tpu.memory_space<vmem>>, vector<16xf32>,
            tpu.vector_store %arg12[%parallel_loop3A_421], %parallel_loop3A_394 {add = true, strides = array<i32>} : memref<16384xf32, #tpu.memory_space<vmem>>, vector<16xf32>,
            %parallel_loop3A_423 = arith.constant 96 : i32
            %parallel_loop3A_424 = arith.addi %parallel_loop3A_382, %parallel_loop3A_423 : i32
            %parallel_loop3A_425 = arith.index_cast %parallel_loop3A_424 : i32 to index
            %parallel_loop3A_426 = tpu.vector_load %arg12[%parallel_loop3A_425] {strides = array<i32>} : memref<16384xf32, #tpu.memory_space<vmem>>, vector<16xf32>,
            tpu.vector_store %arg12[%parallel_loop3A_425], %parallel_loop3A_396 {add = true, strides = array<i32>} : memref<16384xf32, #tpu.memory_space<vmem>>, vector<16xf32>,
            %parallel_loop3A_427 = arith.constant 112 : i32
            %parallel_loop3A_428 = arith.addi %parallel_loop3A_382, %parallel_loop3A_427 : i32
            %parallel_loop3A_429 = arith.index_cast %parallel_loop3A_428 : i32 to index
            %parallel_loop3A_430 = tpu.vector_load %arg12[%parallel_loop3A_429] {strides = array<i32>} : memref<16384xf32, #tpu.memory_space<vmem>>, vector<16xf32>,
            tpu.vector_store %arg12[%parallel_loop3A_429], %parallel_loop3A_398 {add = true, strides = array<i32>} : memref<16384xf32, #tpu.memory_space<vmem>>, vector<16xf32>,
            %parallel_loop3A_431 = arith.constant 6 : i32
            %parallel_loop3A_432 = vector.broadcast %parallel_loop3A_431 : i32 to vector<16x1xi32>
            %parallel_loop3A_433 = vector.shape_cast %parallel_loop3A_432 : vector<16x1xi32> to vector<16xi32>
            %parallel_loop3A_434 = tpu.dynamic_gather %parallel_loop3A_77[%parallel_loop3A_433] in [0] : vector<16xi32>, vector<16xi32> -> vector<16xi32>
            %parallel_loop3A_435 = arith.constant 6 : i32
            %parallel_loop3A_436 = vector.broadcast %parallel_loop3A_435 : i32 to vector<16x1xi32>
            %parallel_loop3A_437 = vector.shape_cast %parallel_loop3A_436 : vector<16x1xi32> to vector<16xi32>
            %parallel_loop3A_438 = tpu.dynamic_gather %parallel_loop3A_80[%parallel_loop3A_437] in [0] : vector<16xi32>, vector<16xi32> -> vector<16xi32>
            %parallel_loop3A_439 = arith.constant 768 : i32
            %parallel_loop3A_440 = arith.addi %parallel_loop3A_82, %parallel_loop3A_439 : i32
            %parallel_loop3A_441 = arith.addi %parallel_loop3A_434, %add3A_5 : vector<16xi32>
            %parallel_loop3A_442 = tpu.vector_load_idx %arg9[%parallel_loop3A_441] : memref<19456xf32, #tpu.memory_space<vmem>>[vector<16xi32>], vector<16xf32>,
            %parallel_loop3A_443 = arith.addi %parallel_loop3A_434, %add3A_8 : vector<16xi32>
            %parallel_loop3A_444 = tpu.vector_load_idx %arg9[%parallel_loop3A_443] : memref<19456xf32, #tpu.memory_space<vmem>>[vector<16xi32>], vector<16xf32>,
            %parallel_loop3A_445 = arith.addi %parallel_loop3A_434, %add3A_11 : vector<16xi32>
            %parallel_loop3A_446 = tpu.vector_load_idx %arg9[%parallel_loop3A_445] : memref<19456xf32, #tpu.memory_space<vmem>>[vector<16xi32>], vector<16xf32>,
            %parallel_loop3A_447 = arith.addi %parallel_loop3A_434, %add3A_14 : vector<16xi32>
            %parallel_loop3A_448 = tpu.vector_load_idx %arg9[%parallel_loop3A_447] : memref<19456xf32, #tpu.memory_space<vmem>>[vector<16xi32>], vector<16xf32>,
            %parallel_loop3A_449 = arith.addi %parallel_loop3A_438, %add3A_5 : vector<16xi32>
            %parallel_loop3A_450 = tpu.vector_load_idx %arg9[%parallel_loop3A_449] : memref<19456xf32, #tpu.memory_space<vmem>>[vector<16xi32>], vector<16xf32>,
            %parallel_loop3A_451 = arith.addi %parallel_loop3A_438, %add3A_8 : vector<16xi32>
            %parallel_loop3A_452 = tpu.vector_load_idx %arg9[%parallel_loop3A_451] : memref<19456xf32, #tpu.memory_space<vmem>>[vector<16xi32>], vector<16xf32>,
            %parallel_loop3A_453 = arith.addi %parallel_loop3A_438, %add3A_11 : vector<16xi32>
            %parallel_loop3A_454 = tpu.vector_load_idx %arg9[%parallel_loop3A_453] : memref<19456xf32, #tpu.memory_space<vmem>>[vector<16xi32>], vector<16xf32>,
            %parallel_loop3A_455 = arith.addi %parallel_loop3A_438, %add3A_14 : vector<16xi32>
            %parallel_loop3A_456 = tpu.vector_load_idx %arg9[%parallel_loop3A_455] : memref<19456xf32, #tpu.memory_space<vmem>>[vector<16xi32>], vector<16xf32>,
            %parallel_loop3A_457 = arith.constant 0 : i32
            %parallel_loop3A_458 = arith.addi %parallel_loop3A_440, %parallel_loop3A_457 : i32
            %parallel_loop3A_459 = arith.index_cast %parallel_loop3A_458 : i32 to index
            %parallel_loop3A_460 = tpu.vector_load %arg12[%parallel_loop3A_459] {strides = array<i32>} : memref<16384xf32, #tpu.memory_space<vmem>>, vector<16xf32>,
            tpu.vector_store %arg12[%parallel_loop3A_459], %parallel_loop3A_442 {add = true, strides = array<i32>} : memref<16384xf32, #tpu.memory_space<vmem>>, vector<16xf32>,
            %parallel_loop3A_461 = arith.constant 16 : i32
            %parallel_loop3A_462 = arith.addi %parallel_loop3A_440, %parallel_loop3A_461 : i32
            %parallel_loop3A_463 = arith.index_cast %parallel_loop3A_462 : i32 to index
            %parallel_loop3A_464 = tpu.vector_load %arg12[%parallel_loop3A_463] {strides = array<i32>} : memref<16384xf32, #tpu.memory_space<vmem>>, vector<16xf32>,
            tpu.vector_store %arg12[%parallel_loop3A_463], %parallel_loop3A_444 {add = true, strides = array<i32>} : memref<16384xf32, #tpu.memory_space<vmem>>, vector<16xf32>,
            %parallel_loop3A_465 = arith.constant 32 : i32
            %parallel_loop3A_466 = arith.addi %parallel_loop3A_440, %parallel_loop3A_465 : i32
            %parallel_loop3A_467 = arith.index_cast %parallel_loop3A_466 : i32 to index
            %parallel_loop3A_468 = tpu.vector_load %arg12[%parallel_loop3A_467] {strides = array<i32>} : memref<16384xf32, #tpu.memory_space<vmem>>, vector<16xf32>,
            tpu.vector_store %arg12[%parallel_loop3A_467], %parallel_loop3A_446 {add = true, strides = array<i32>} : memref<16384xf32, #tpu.memory_space<vmem>>, vector<16xf32>,
            %parallel_loop3A_469 = arith.constant 48 : i32
            %parallel_loop3A_470 = arith.addi %parallel_loop3A_440, %parallel_loop3A_469 : i32
            %parallel_loop3A_471 = arith.index_cast %parallel_loop3A_470 : i32 to index
            %parallel_loop3A_472 = tpu.vector_load %arg12[%parallel_loop3A_471] {strides = array<i32>} : memref<16384xf32, #tpu.memory_space<vmem>>, vector<16xf32>,
            tpu.vector_store %arg12[%parallel_loop3A_471], %parallel_loop3A_448 {add = true, strides = array<i32>} : memref<16384xf32, #tpu.memory_space<vmem>>, vector<16xf32>,
            %parallel_loop3A_473 = arith.constant 64 : i32
            %parallel_loop3A_474 = arith.addi %parallel_loop3A_440, %parallel_loop3A_473 : i32
            %parallel_loop3A_475 = arith.index_cast %parallel_loop3A_474 : i32 to index
            %parallel_loop3A_476 = tpu.vector_load %arg12[%parallel_loop3A_475] {strides = array<i32>} : memref<16384xf32, #tpu.memory_space<vmem>>, vector<16xf32>,
            tpu.vector_store %arg12[%parallel_loop3A_475], %parallel_loop3A_450 {add = true, strides = array<i32>} : memref<16384xf32, #tpu.memory_space<vmem>>, vector<16xf32>,
            %parallel_loop3A_477 = arith.constant 80 : i32
            %parallel_loop3A_478 = arith.addi %parallel_loop3A_440, %parallel_loop3A_477 : i32
            %parallel_loop3A_479 = arith.index_cast %parallel_loop3A_478 : i32 to index
            %parallel_loop3A_480 = tpu.vector_load %arg12[%parallel_loop3A_479] {strides = array<i32>} : memref<16384xf32, #tpu.memory_space<vmem>>, vector<16xf32>,
            tpu.vector_store %arg12[%parallel_loop3A_479], %parallel_loop3A_452 {add = true, strides = array<i32>} : memref<16384xf32, #tpu.memory_space<vmem>>, vector<16xf32>,
            %parallel_loop3A_481 = arith.constant 96 : i32
            %parallel_loop3A_482 = arith.addi %parallel_loop3A_440, %parallel_loop3A_481 : i32
            %parallel_loop3A_483 = arith.index_cast %parallel_loop3A_482 : i32 to index
            %parallel_loop3A_484 = tpu.vector_load %arg12[%parallel_loop3A_483] {strides = array<i32>} : memref<16384xf32, #tpu.memory_space<vmem>>, vector<16xf32>,
            tpu.vector_store %arg12[%parallel_loop3A_483], %parallel_loop3A_454 {add = true, strides = array<i32>} : memref<16384xf32, #tpu.memory_space<vmem>>, vector<16xf32>,
            %parallel_loop3A_485 = arith.constant 112 : i32
            %parallel_loop3A_486 = arith.addi %parallel_loop3A_440, %parallel_loop3A_485 : i32
            %parallel_loop3A_487 = arith.index_cast %parallel_loop3A_486 : i32 to index
            %parallel_loop3A_488 = tpu.vector_load %arg12[%parallel_loop3A_487] {strides = array<i32>} : memref<16384xf32, #tpu.memory_space<vmem>>, vector<16xf32>,
            tpu.vector_store %arg12[%parallel_loop3A_487], %parallel_loop3A_456 {add = true, strides = array<i32>} : memref<16384xf32, #tpu.memory_space<vmem>>, vector<16xf32>,
            %parallel_loop3A_489 = arith.constant 7 : i32
            %parallel_loop3A_490 = vector.broadcast %parallel_loop3A_489 : i32 to vector<16x1xi32>
            %parallel_loop3A_491 = vector.shape_cast %parallel_loop3A_490 : vector<16x1xi32> to vector<16xi32>
            %parallel_loop3A_492 = tpu.dynamic_gather %parallel_loop3A_77[%parallel_loop3A_491] in [0] : vector<16xi32>, vector<16xi32> -> vector<16xi32>
            %parallel_loop3A_493 = arith.constant 7 : i32
            %parallel_loop3A_494 = vector.broadcast %parallel_loop3A_493 : i32 to vector<16x1xi32>
            %parallel_loop3A_495 = vector.shape_cast %parallel_loop3A_494 : vector<16x1xi32> to vector<16xi32>
            %parallel_loop3A_496 = tpu.dynamic_gather %parallel_loop3A_80[%parallel_loop3A_495] in [0] : vector<16xi32>, vector<16xi32> -> vector<16xi32>
            %parallel_loop3A_497 = arith.constant 896 : i32
            %parallel_loop3A_498 = arith.addi %parallel_loop3A_82, %parallel_loop3A_497 : i32
            %parallel_loop3A_499 = arith.addi %parallel_loop3A_492, %add3A_5 : vector<16xi32>
            %parallel_loop3A_500 = tpu.vector_load_idx %arg9[%parallel_loop3A_499] : memref<19456xf32, #tpu.memory_space<vmem>>[vector<16xi32>], vector<16xf32>,
            %parallel_loop3A_501 = arith.addi %parallel_loop3A_492, %add3A_8 : vector<16xi32>
            %parallel_loop3A_502 = tpu.vector_load_idx %arg9[%parallel_loop3A_501] : memref<19456xf32, #tpu.memory_space<vmem>>[vector<16xi32>], vector<16xf32>,
            %parallel_loop3A_503 = arith.addi %parallel_loop3A_492, %add3A_11 : vector<16xi32>
            %parallel_loop3A_504 = tpu.vector_load_idx %arg9[%parallel_loop3A_503] : memref<19456xf32, #tpu.memory_space<vmem>>[vector<16xi32>], vector<16xf32>,
            %parallel_loop3A_505 = arith.addi %parallel_loop3A_492, %add3A_14 : vector<16xi32>
            %parallel_loop3A_506 = tpu.vector_load_idx %arg9[%parallel_loop3A_505] : memref<19456xf32, #tpu.memory_space<vmem>>[vector<16xi32>], vector<16xf32>,
            %parallel_loop3A_507 = arith.addi %parallel_loop3A_496, %add3A_5 : vector<16xi32>
            %parallel_loop3A_508 = tpu.vector_load_idx %arg9[%parallel_loop3A_507] : memref<19456xf32, #tpu.memory_space<vmem>>[vector<16xi32>], vector<16xf32>,
            %parallel_loop3A_509 = arith.addi %parallel_loop3A_496, %add3A_8 : vector<16xi32>
            %parallel_loop3A_510 = tpu.vector_load_idx %arg9[%parallel_loop3A_509] : memref<19456xf32, #tpu.memory_space<vmem>>[vector<16xi32>], vector<16xf32>,
            %parallel_loop3A_511 = arith.addi %parallel_loop3A_496, %add3A_11 : vector<16xi32>
            %parallel_loop3A_512 = tpu.vector_load_idx %arg9[%parallel_loop3A_511] : memref<19456xf32, #tpu.memory_space<vmem>>[vector<16xi32>], vector<16xf32>,
            %parallel_loop3A_513 = arith.addi %parallel_loop3A_496, %add3A_14 : vector<16xi32>
            %parallel_loop3A_514 = tpu.vector_load_idx %arg9[%parallel_loop3A_513] : memref<19456xf32, #tpu.memory_space<vmem>>[vector<16xi32>], vector<16xf32>,
            %parallel_loop3A_515 = arith.constant 0 : i32
            %parallel_loop3A_516 = arith.addi %parallel_loop3A_498, %parallel_loop3A_515 : i32
            %parallel_loop3A_517 = arith.index_cast %parallel_loop3A_516 : i32 to index
            %parallel_loop3A_518 = tpu.vector_load %arg12[%parallel_loop3A_517] {strides = array<i32>} : memref<16384xf32, #tpu.memory_space<vmem>>, vector<16xf32>,
            tpu.vector_store %arg12[%parallel_loop3A_517], %parallel_loop3A_500 {add = true, strides = array<i32>} : memref<16384xf32, #tpu.memory_space<vmem>>, vector<16xf32>,
            %parallel_loop3A_519 = arith.constant 16 : i32
            %parallel_loop3A_520 = arith.addi %parallel_loop3A_498, %parallel_loop3A_519 : i32
            %parallel_loop3A_521 = arith.index_cast %parallel_loop3A_520 : i32 to index
            %parallel_loop3A_522 = tpu.vector_load %arg12[%parallel_loop3A_521] {strides = array<i32>} : memref<16384xf32, #tpu.memory_space<vmem>>, vector<16xf32>,
            tpu.vector_store %arg12[%parallel_loop3A_521], %parallel_loop3A_502 {add = true, strides = array<i32>} : memref<16384xf32, #tpu.memory_space<vmem>>, vector<16xf32>,
            %parallel_loop3A_523 = arith.constant 32 : i32
            %parallel_loop3A_524 = arith.addi %parallel_loop3A_498, %parallel_loop3A_523 : i32
            %parallel_loop3A_525 = arith.index_cast %parallel_loop3A_524 : i32 to index
            %parallel_loop3A_526 = tpu.vector_load %arg12[%parallel_loop3A_525] {strides = array<i32>} : memref<16384xf32, #tpu.memory_space<vmem>>, vector<16xf32>,
            tpu.vector_store %arg12[%parallel_loop3A_525], %parallel_loop3A_504 {add = true, strides = array<i32>} : memref<16384xf32, #tpu.memory_space<vmem>>, vector<16xf32>,
            %parallel_loop3A_527 = arith.constant 48 : i32
            %parallel_loop3A_528 = arith.addi %parallel_loop3A_498, %parallel_loop3A_527 : i32
            %parallel_loop3A_529 = arith.index_cast %parallel_loop3A_528 : i32 to index
            %parallel_loop3A_530 = tpu.vector_load %arg12[%parallel_loop3A_529] {strides = array<i32>} : memref<16384xf32, #tpu.memory_space<vmem>>, vector<16xf32>,
            tpu.vector_store %arg12[%parallel_loop3A_529], %parallel_loop3A_506 {add = true, strides = array<i32>} : memref<16384xf32, #tpu.memory_space<vmem>>, vector<16xf32>,
            %parallel_loop3A_531 = arith.constant 64 : i32
            %parallel_loop3A_532 = arith.addi %parallel_loop3A_498, %parallel_loop3A_531 : i32
            %parallel_loop3A_533 = arith.index_cast %parallel_loop3A_532 : i32 to index
            %parallel_loop3A_534 = tpu.vector_load %arg12[%parallel_loop3A_533] {strides = array<i32>} : memref<16384xf32, #tpu.memory_space<vmem>>, vector<16xf32>,
            tpu.vector_store %arg12[%parallel_loop3A_533], %parallel_loop3A_508 {add = true, strides = array<i32>} : memref<16384xf32, #tpu.memory_space<vmem>>, vector<16xf32>,
            %parallel_loop3A_535 = arith.constant 80 : i32
            %parallel_loop3A_536 = arith.addi %parallel_loop3A_498, %parallel_loop3A_535 : i32
            %parallel_loop3A_537 = arith.index_cast %parallel_loop3A_536 : i32 to index
            %parallel_loop3A_538 = tpu.vector_load %arg12[%parallel_loop3A_537] {strides = array<i32>} : memref<16384xf32, #tpu.memory_space<vmem>>, vector<16xf32>,
            tpu.vector_store %arg12[%parallel_loop3A_537], %parallel_loop3A_510 {add = true, strides = array<i32>} : memref<16384xf32, #tpu.memory_space<vmem>>, vector<16xf32>,
            %parallel_loop3A_539 = arith.constant 96 : i32
            %parallel_loop3A_540 = arith.addi %parallel_loop3A_498, %parallel_loop3A_539 : i32
            %parallel_loop3A_541 = arith.index_cast %parallel_loop3A_540 : i32 to index
            %parallel_loop3A_542 = tpu.vector_load %arg12[%parallel_loop3A_541] {strides = array<i32>} : memref<16384xf32, #tpu.memory_space<vmem>>, vector<16xf32>,
            tpu.vector_store %arg12[%parallel_loop3A_541], %parallel_loop3A_512 {add = true, strides = array<i32>} : memref<16384xf32, #tpu.memory_space<vmem>>, vector<16xf32>,
            %parallel_loop3A_543 = arith.constant 112 : i32
            %parallel_loop3A_544 = arith.addi %parallel_loop3A_498, %parallel_loop3A_543 : i32
            %parallel_loop3A_545 = arith.index_cast %parallel_loop3A_544 : i32 to index
            %parallel_loop3A_546 = tpu.vector_load %arg12[%parallel_loop3A_545] {strides = array<i32>} : memref<16384xf32, #tpu.memory_space<vmem>>, vector<16xf32>,
            tpu.vector_store %arg12[%parallel_loop3A_545], %parallel_loop3A_514 {add = true, strides = array<i32>} : memref<16384xf32, #tpu.memory_space<vmem>>, vector<16xf32>,
            %parallel_loop3A_547 = arith.constant 8 : i32
            %parallel_loop3A_548 = vector.broadcast %parallel_loop3A_547 : i32 to vector<16x1xi32>
            %parallel_loop3A_549 = vector.shape_cast %parallel_loop3A_548 : vector<16x1xi32> to vector<16xi32>
            %parallel_loop3A_550 = tpu.dynamic_gather %parallel_loop3A_77[%parallel_loop3A_549] in [0] : vector<16xi32>, vector<16xi32> -> vector<16xi32>
            %parallel_loop3A_551 = arith.constant 8 : i32
            %parallel_loop3A_552 = vector.broadcast %parallel_loop3A_551 : i32 to vector<16x1xi32>
            %parallel_loop3A_553 = vector.shape_cast %parallel_loop3A_552 : vector<16x1xi32> to vector<16xi32>
            %parallel_loop3A_554 = tpu.dynamic_gather %parallel_loop3A_80[%parallel_loop3A_553] in [0] : vector<16xi32>, vector<16xi32> -> vector<16xi32>
            %parallel_loop3A_555 = arith.constant 1024 : i32
            %parallel_loop3A_556 = arith.addi %parallel_loop3A_82, %parallel_loop3A_555 : i32
            %parallel_loop3A_557 = arith.addi %parallel_loop3A_550, %add3A_5 : vector<16xi32>
            %parallel_loop3A_558 = tpu.vector_load_idx %arg9[%parallel_loop3A_557] : memref<19456xf32, #tpu.memory_space<vmem>>[vector<16xi32>], vector<16xf32>,
            %parallel_loop3A_559 = arith.addi %parallel_loop3A_550, %add3A_8 : vector<16xi32>
            %parallel_loop3A_560 = tpu.vector_load_idx %arg9[%parallel_loop3A_559] : memref<19456xf32, #tpu.memory_space<vmem>>[vector<16xi32>], vector<16xf32>,
            %parallel_loop3A_561 = arith.addi %parallel_loop3A_550, %add3A_11 : vector<16xi32>
            %parallel_loop3A_562 = tpu.vector_load_idx %arg9[%parallel_loop3A_561] : memref<19456xf32, #tpu.memory_space<vmem>>[vector<16xi32>], vector<16xf32>,
            %parallel_loop3A_563 = arith.addi %parallel_loop3A_550, %add3A_14 : vector<16xi32>
            %parallel_loop3A_564 = tpu.vector_load_idx %arg9[%parallel_loop3A_563] : memref<19456xf32, #tpu.memory_space<vmem>>[vector<16xi32>], vector<16xf32>,
            %parallel_loop3A_565 = arith.addi %parallel_loop3A_554, %add3A_5 : vector<16xi32>
            %parallel_loop3A_566 = tpu.vector_load_idx %arg9[%parallel_loop3A_565] : memref<19456xf32, #tpu.memory_space<vmem>>[vector<16xi32>], vector<16xf32>,
            %parallel_loop3A_567 = arith.addi %parallel_loop3A_554, %add3A_8 : vector<16xi32>
            %parallel_loop3A_568 = tpu.vector_load_idx %arg9[%parallel_loop3A_567] : memref<19456xf32, #tpu.memory_space<vmem>>[vector<16xi32>], vector<16xf32>,
            %parallel_loop3A_569 = arith.addi %parallel_loop3A_554, %add3A_11 : vector<16xi32>
            %parallel_loop3A_570 = tpu.vector_load_idx %arg9[%parallel_loop3A_569] : memref<19456xf32, #tpu.memory_space<vmem>>[vector<16xi32>], vector<16xf32>,
            %parallel_loop3A_571 = arith.addi %parallel_loop3A_554, %add3A_14 : vector<16xi32>
            %parallel_loop3A_572 = tpu.vector_load_idx %arg9[%parallel_loop3A_571] : memref<19456xf32, #tpu.memory_space<vmem>>[vector<16xi32>], vector<16xf32>,
            %parallel_loop3A_573 = arith.constant 0 : i32
            %parallel_loop3A_574 = arith.addi %parallel_loop3A_556, %parallel_loop3A_573 : i32
            %parallel_loop3A_575 = arith.index_cast %parallel_loop3A_574 : i32 to index
            %parallel_loop3A_576 = tpu.vector_load %arg12[%parallel_loop3A_575] {strides = array<i32>} : memref<16384xf32, #tpu.memory_space<vmem>>, vector<16xf32>,
            tpu.vector_store %arg12[%parallel_loop3A_575], %parallel_loop3A_558 {add = true, strides = array<i32>} : memref<16384xf32, #tpu.memory_space<vmem>>, vector<16xf32>,
            %parallel_loop3A_577 = arith.constant 16 : i32
            %parallel_loop3A_578 = arith.addi %parallel_loop3A_556, %parallel_loop3A_577 : i32
            %parallel_loop3A_579 = arith.index_cast %parallel_loop3A_578 : i32 to index
            %parallel_loop3A_580 = tpu.vector_load %arg12[%parallel_loop3A_579] {strides = array<i32>} : memref<16384xf32, #tpu.memory_space<vmem>>, vector<16xf32>,
            tpu.vector_store %arg12[%parallel_loop3A_579], %parallel_loop3A_560 {add = true, strides = array<i32>} : memref<16384xf32, #tpu.memory_space<vmem>>, vector<16xf32>,
            %parallel_loop3A_581 = arith.constant 32 : i32
            %parallel_loop3A_582 = arith.addi %parallel_loop3A_556, %parallel_loop3A_581 : i32
            %parallel_loop3A_583 = arith.index_cast %parallel_loop3A_582 : i32 to index
            %parallel_loop3A_584 = tpu.vector_load %arg12[%parallel_loop3A_583] {strides = array<i32>} : memref<16384xf32, #tpu.memory_space<vmem>>, vector<16xf32>,
            tpu.vector_store %arg12[%parallel_loop3A_583], %parallel_loop3A_562 {add = true, strides = array<i32>} : memref<16384xf32, #tpu.memory_space<vmem>>, vector<16xf32>,
            %parallel_loop3A_585 = arith.constant 48 : i32
            %parallel_loop3A_586 = arith.addi %parallel_loop3A_556, %parallel_loop3A_585 : i32
            %parallel_loop3A_587 = arith.index_cast %parallel_loop3A_586 : i32 to index
            %parallel_loop3A_588 = tpu.vector_load %arg12[%parallel_loop3A_587] {strides = array<i32>} : memref<16384xf32, #tpu.memory_space<vmem>>, vector<16xf32>,
            tpu.vector_store %arg12[%parallel_loop3A_587], %parallel_loop3A_564 {add = true, strides = array<i32>} : memref<16384xf32, #tpu.memory_space<vmem>>, vector<16xf32>,
            %parallel_loop3A_589 = arith.constant 64 : i32
            %parallel_loop3A_590 = arith.addi %parallel_loop3A_556, %parallel_loop3A_589 : i32
            %parallel_loop3A_591 = arith.index_cast %parallel_loop3A_590 : i32 to index
            %parallel_loop3A_592 = tpu.vector_load %arg12[%parallel_loop3A_591] {strides = array<i32>} : memref<16384xf32, #tpu.memory_space<vmem>>, vector<16xf32>,
            tpu.vector_store %arg12[%parallel_loop3A_591], %parallel_loop3A_566 {add = true, strides = array<i32>} : memref<16384xf32, #tpu.memory_space<vmem>>, vector<16xf32>,
            %parallel_loop3A_593 = arith.constant 80 : i32
            %parallel_loop3A_594 = arith.addi %parallel_loop3A_556, %parallel_loop3A_593 : i32
            %parallel_loop3A_595 = arith.index_cast %parallel_loop3A_594 : i32 to index
            %parallel_loop3A_596 = tpu.vector_load %arg12[%parallel_loop3A_595] {strides = array<i32>} : memref<16384xf32, #tpu.memory_space<vmem>>, vector<16xf32>,
            tpu.vector_store %arg12[%parallel_loop3A_595], %parallel_loop3A_568 {add = true, strides = array<i32>} : memref<16384xf32, #tpu.memory_space<vmem>>, vector<16xf32>,
            %parallel_loop3A_597 = arith.constant 96 : i32
            %parallel_loop3A_598 = arith.addi %parallel_loop3A_556, %parallel_loop3A_597 : i32
            %parallel_loop3A_599 = arith.index_cast %parallel_loop3A_598 : i32 to index
            %parallel_loop3A_600 = tpu.vector_load %arg12[%parallel_loop3A_599] {strides = array<i32>} : memref<16384xf32, #tpu.memory_space<vmem>>, vector<16xf32>,
            tpu.vector_store %arg12[%parallel_loop3A_599], %parallel_loop3A_570 {add = true, strides = array<i32>} : memref<16384xf32, #tpu.memory_space<vmem>>, vector<16xf32>,
            %parallel_loop3A_601 = arith.constant 112 : i32
            %parallel_loop3A_602 = arith.addi %parallel_loop3A_556, %parallel_loop3A_601 : i32
            %parallel_loop3A_603 = arith.index_cast %parallel_loop3A_602 : i32 to index
            %parallel_loop3A_604 = tpu.vector_load %arg12[%parallel_loop3A_603] {strides = array<i32>} : memref<16384xf32, #tpu.memory_space<vmem>>, vector<16xf32>,
            tpu.vector_store %arg12[%parallel_loop3A_603], %parallel_loop3A_572 {add = true, strides = array<i32>} : memref<16384xf32, #tpu.memory_space<vmem>>, vector<16xf32>,
            %parallel_loop3A_605 = arith.constant 9 : i32
            %parallel_loop3A_606 = vector.broadcast %parallel_loop3A_605 : i32 to vector<16x1xi32>
            %parallel_loop3A_607 = vector.shape_cast %parallel_loop3A_606 : vector<16x1xi32> to vector<16xi32>
            %parallel_loop3A_608 = tpu.dynamic_gather %parallel_loop3A_77[%parallel_loop3A_607] in [0] : vector<16xi32>, vector<16xi32> -> vector<16xi32>
            %parallel_loop3A_609 = arith.constant 9 : i32
            %parallel_loop3A_610 = vector.broadcast %parallel_loop3A_609 : i32 to vector<16x1xi32>
            %parallel_loop3A_611 = vector.shape_cast %parallel_loop3A_610 : vector<16x1xi32> to vector<16xi32>
            %parallel_loop3A_612 = tpu.dynamic_gather %parallel_loop3A_80[%parallel_loop3A_611] in [0] : vector<16xi32>, vector<16xi32> -> vector<16xi32>
            %parallel_loop3A_613 = arith.constant 1152 : i32
            %parallel_loop3A_614 = arith.addi %parallel_loop3A_82, %parallel_loop3A_613 : i32
            %parallel_loop3A_615 = arith.addi %parallel_loop3A_608, %add3A_5 : vector<16xi32>
            %parallel_loop3A_616 = tpu.vector_load_idx %arg9[%parallel_loop3A_615] : memref<19456xf32, #tpu.memory_space<vmem>>[vector<16xi32>], vector<16xf32>,
            %parallel_loop3A_617 = arith.addi %parallel_loop3A_608, %add3A_8 : vector<16xi32>
            %parallel_loop3A_618 = tpu.vector_load_idx %arg9[%parallel_loop3A_617] : memref<19456xf32, #tpu.memory_space<vmem>>[vector<16xi32>], vector<16xf32>,
            %parallel_loop3A_619 = arith.addi %parallel_loop3A_608, %add3A_11 : vector<16xi32>
            %parallel_loop3A_620 = tpu.vector_load_idx %arg9[%parallel_loop3A_619] : memref<19456xf32, #tpu.memory_space<vmem>>[vector<16xi32>], vector<16xf32>,
            %parallel_loop3A_621 = arith.addi %parallel_loop3A_608, %add3A_14 : vector<16xi32>
            %parallel_loop3A_622 = tpu.vector_load_idx %arg9[%parallel_loop3A_621] : memref<19456xf32, #tpu.memory_space<vmem>>[vector<16xi32>], vector<16xf32>,
            %parallel_loop3A_623 = arith.addi %parallel_loop3A_612, %add3A_5 : vector<16xi32>
            %parallel_loop3A_624 = tpu.vector_load_idx %arg9[%parallel_loop3A_623] : memref<19456xf32, #tpu.memory_space<vmem>>[vector<16xi32>], vector<16xf32>,
            %parallel_loop3A_625 = arith.addi %parallel_loop3A_612, %add3A_8 : vector<16xi32>
            %parallel_loop3A_626 = tpu.vector_load_idx %arg9[%parallel_loop3A_625] : memref<19456xf32, #tpu.memory_space<vmem>>[vector<16xi32>], vector<16xf32>,
            %parallel_loop3A_627 = arith.addi %parallel_loop3A_612, %add3A_11 : vector<16xi32>
            %parallel_loop3A_628 = tpu.vector_load_idx %arg9[%parallel_loop3A_627] : memref<19456xf32, #tpu.memory_space<vmem>>[vector<16xi32>], vector<16xf32>,
            %parallel_loop3A_629 = arith.addi %parallel_loop3A_612, %add3A_14 : vector<16xi32>
            %parallel_loop3A_630 = tpu.vector_load_idx %arg9[%parallel_loop3A_629] : memref<19456xf32, #tpu.memory_space<vmem>>[vector<16xi32>], vector<16xf32>,
            %parallel_loop3A_631 = arith.constant 0 : i32
            %parallel_loop3A_632 = arith.addi %parallel_loop3A_614, %parallel_loop3A_631 : i32
            %parallel_loop3A_633 = arith.index_cast %parallel_loop3A_632 : i32 to index
            %parallel_loop3A_634 = tpu.vector_load %arg12[%parallel_loop3A_633] {strides = array<i32>} : memref<16384xf32, #tpu.memory_space<vmem>>, vector<16xf32>,
            tpu.vector_store %arg12[%parallel_loop3A_633], %parallel_loop3A_616 {add = true, strides = array<i32>} : memref<16384xf32, #tpu.memory_space<vmem>>, vector<16xf32>,
            %parallel_loop3A_635 = arith.constant 16 : i32
            %parallel_loop3A_636 = arith.addi %parallel_loop3A_614, %parallel_loop3A_635 : i32
            %parallel_loop3A_637 = arith.index_cast %parallel_loop3A_636 : i32 to index
            %parallel_loop3A_638 = tpu.vector_load %arg12[%parallel_loop3A_637] {strides = array<i32>} : memref<16384xf32, #tpu.memory_space<vmem>>, vector<16xf32>,
            tpu.vector_store %arg12[%parallel_loop3A_637], %parallel_loop3A_618 {add = true, strides = array<i32>} : memref<16384xf32, #tpu.memory_space<vmem>>, vector<16xf32>,
            %parallel_loop3A_639 = arith.constant 32 : i32
            %parallel_loop3A_640 = arith.addi %parallel_loop3A_614, %parallel_loop3A_639 : i32
            %parallel_loop3A_641 = arith.index_cast %parallel_loop3A_640 : i32 to index
            %parallel_loop3A_642 = tpu.vector_load %arg12[%parallel_loop3A_641] {strides = array<i32>} : memref<16384xf32, #tpu.memory_space<vmem>>, vector<16xf32>,
            tpu.vector_store %arg12[%parallel_loop3A_641], %parallel_loop3A_620 {add = true, strides = array<i32>} : memref<16384xf32, #tpu.memory_space<vmem>>, vector<16xf32>,
            %parallel_loop3A_643 = arith.constant 48 : i32
            %parallel_loop3A_644 = arith.addi %parallel_loop3A_614, %parallel_loop3A_643 : i32
            %parallel_loop3A_645 = arith.index_cast %parallel_loop3A_644 : i32 to index
            %parallel_loop3A_646 = tpu.vector_load %arg12[%parallel_loop3A_645] {strides = array<i32>} : memref<16384xf32, #tpu.memory_space<vmem>>, vector<16xf32>,
            tpu.vector_store %arg12[%parallel_loop3A_645], %parallel_loop3A_622 {add = true, strides = array<i32>} : memref<16384xf32, #tpu.memory_space<vmem>>, vector<16xf32>,
            %parallel_loop3A_647 = arith.constant 64 : i32
            %parallel_loop3A_648 = arith.addi %parallel_loop3A_614, %parallel_loop3A_647 : i32
            %parallel_loop3A_649 = arith.index_cast %parallel_loop3A_648 : i32 to index
            %parallel_loop3A_650 = tpu.vector_load %arg12[%parallel_loop3A_649] {strides = array<i32>} : memref<16384xf32, #tpu.memory_space<vmem>>, vector<16xf32>,
            tpu.vector_store %arg12[%parallel_loop3A_649], %parallel_loop3A_624 {add = true, strides = array<i32>} : memref<16384xf32, #tpu.memory_space<vmem>>, vector<16xf32>,
            %parallel_loop3A_651 = arith.constant 80 : i32
            %parallel_loop3A_652 = arith.addi %parallel_loop3A_614, %parallel_loop3A_651 : i32
            %parallel_loop3A_653 = arith.index_cast %parallel_loop3A_652 : i32 to index
            %parallel_loop3A_654 = tpu.vector_load %arg12[%parallel_loop3A_653] {strides = array<i32>} : memref<16384xf32, #tpu.memory_space<vmem>>, vector<16xf32>,
            tpu.vector_store %arg12[%parallel_loop3A_653], %parallel_loop3A_626 {add = true, strides = array<i32>} : memref<16384xf32, #tpu.memory_space<vmem>>, vector<16xf32>,
            %parallel_loop3A_655 = arith.constant 96 : i32
            %parallel_loop3A_656 = arith.addi %parallel_loop3A_614, %parallel_loop3A_655 : i32
            %parallel_loop3A_657 = arith.index_cast %parallel_loop3A_656 : i32 to index
            %parallel_loop3A_658 = tpu.vector_load %arg12[%parallel_loop3A_657] {strides = array<i32>} : memref<16384xf32, #tpu.memory_space<vmem>>, vector<16xf32>,
            tpu.vector_store %arg12[%parallel_loop3A_657], %parallel_loop3A_628 {add = true, strides = array<i32>} : memref<16384xf32, #tpu.memory_space<vmem>>, vector<16xf32>,
            %parallel_loop3A_659 = arith.constant 112 : i32
            %parallel_loop3A_660 = arith.addi %parallel_loop3A_614, %parallel_loop3A_659 : i32
            %parallel_loop3A_661 = arith.index_cast %parallel_loop3A_660 : i32 to index
            %parallel_loop3A_662 = tpu.vector_load %arg12[%parallel_loop3A_661] {strides = array<i32>} : memref<16384xf32, #tpu.memory_space<vmem>>, vector<16xf32>,
            tpu.vector_store %arg12[%parallel_loop3A_661], %parallel_loop3A_630 {add = true, strides = array<i32>} : memref<16384xf32, #tpu.memory_space<vmem>>, vector<16xf32>,
            %parallel_loop3A_663 = arith.constant 10 : i32
            %parallel_loop3A_664 = vector.broadcast %parallel_loop3A_663 : i32 to vector<16x1xi32>
            %parallel_loop3A_665 = vector.shape_cast %parallel_loop3A_664 : vector<16x1xi32> to vector<16xi32>
            %parallel_loop3A_666 = tpu.dynamic_gather %parallel_loop3A_77[%parallel_loop3A_665] in [0] : vector<16xi32>, vector<16xi32> -> vector<16xi32>
            %parallel_loop3A_667 = arith.constant 10 : i32
            %parallel_loop3A_668 = vector.broadcast %parallel_loop3A_667 : i32 to vector<16x1xi32>
            %parallel_loop3A_669 = vector.shape_cast %parallel_loop3A_668 : vector<16x1xi32> to vector<16xi32>
            %parallel_loop3A_670 = tpu.dynamic_gather %parallel_loop3A_80[%parallel_loop3A_669] in [0] : vector<16xi32>, vector<16xi32> -> vector<16xi32>
            %parallel_loop3A_671 = arith.constant 1280 : i32
            %parallel_loop3A_672 = arith.addi %parallel_loop3A_82, %parallel_loop3A_671 : i32
            %parallel_loop3A_673 = arith.addi %parallel_loop3A_666, %add3A_5 : vector<16xi32>
            %parallel_loop3A_674 = tpu.vector_load_idx %arg9[%parallel_loop3A_673] : memref<19456xf32, #tpu.memory_space<vmem>>[vector<16xi32>], vector<16xf32>,
            %parallel_loop3A_675 = arith.addi %parallel_loop3A_666, %add3A_8 : vector<16xi32>
            %parallel_loop3A_676 = tpu.vector_load_idx %arg9[%parallel_loop3A_675] : memref<19456xf32, #tpu.memory_space<vmem>>[vector<16xi32>], vector<16xf32>,
            %parallel_loop3A_677 = arith.addi %parallel_loop3A_666, %add3A_11 : vector<16xi32>
            %parallel_loop3A_678 = tpu.vector_load_idx %arg9[%parallel_loop3A_677] : memref<19456xf32, #tpu.memory_space<vmem>>[vector<16xi32>], vector<16xf32>,
            %parallel_loop3A_679 = arith.addi %parallel_loop3A_666, %add3A_14 : vector<16xi32>
            %parallel_loop3A_680 = tpu.vector_load_idx %arg9[%parallel_loop3A_679] : memref<19456xf32, #tpu.memory_space<vmem>>[vector<16xi32>], vector<16xf32>,
            %parallel_loop3A_681 = arith.addi %parallel_loop3A_670, %add3A_5 : vector<16xi32>
            %parallel_loop3A_682 = tpu.vector_load_idx %arg9[%parallel_loop3A_681] : memref<19456xf32, #tpu.memory_space<vmem>>[vector<16xi32>], vector<16xf32>,
            %parallel_loop3A_683 = arith.addi %parallel_loop3A_670, %add3A_8 : vector<16xi32>
            %parallel_loop3A_684 = tpu.vector_load_idx %arg9[%parallel_loop3A_683] : memref<19456xf32, #tpu.memory_space<vmem>>[vector<16xi32>], vector<16xf32>,
            %parallel_loop3A_685 = arith.addi %parallel_loop3A_670, %add3A_11 : vector<16xi32>
            %parallel_loop3A_686 = tpu.vector_load_idx %arg9[%parallel_loop3A_685] : memref<19456xf32, #tpu.memory_space<vmem>>[vector<16xi32>], vector<16xf32>,
            %parallel_loop3A_687 = arith.addi %parallel_loop3A_670, %add3A_14 : vector<16xi32>
            %parallel_loop3A_688 = tpu.vector_load_idx %arg9[%parallel_loop3A_687] : memref<19456xf32, #tpu.memory_space<vmem>>[vector<16xi32>], vector<16xf32>,
            %parallel_loop3A_689 = arith.constant 0 : i32
            %parallel_loop3A_690 = arith.addi %parallel_loop3A_672, %parallel_loop3A_689 : i32
            %parallel_loop3A_691 = arith.index_cast %parallel_loop3A_690 : i32 to index
            %parallel_loop3A_692 = tpu.vector_load %arg12[%parallel_loop3A_691] {strides = array<i32>} : memref<16384xf32, #tpu.memory_space<vmem>>, vector<16xf32>,
            tpu.vector_store %arg12[%parallel_loop3A_691], %parallel_loop3A_674 {add = true, strides = array<i32>} : memref<16384xf32, #tpu.memory_space<vmem>>, vector<16xf32>,
            %parallel_loop3A_693 = arith.constant 16 : i32
            %parallel_loop3A_694 = arith.addi %parallel_loop3A_672, %parallel_loop3A_693 : i32
            %parallel_loop3A_695 = arith.index_cast %parallel_loop3A_694 : i32 to index
            %parallel_loop3A_696 = tpu.vector_load %arg12[%parallel_loop3A_695] {strides = array<i32>} : memref<16384xf32, #tpu.memory_space<vmem>>, vector<16xf32>,
            tpu.vector_store %arg12[%parallel_loop3A_695], %parallel_loop3A_676 {add = true, strides = array<i32>} : memref<16384xf32, #tpu.memory_space<vmem>>, vector<16xf32>,
            %parallel_loop3A_697 = arith.constant 32 : i32
            %parallel_loop3A_698 = arith.addi %parallel_loop3A_672, %parallel_loop3A_697 : i32
            %parallel_loop3A_699 = arith.index_cast %parallel_loop3A_698 : i32 to index
            %parallel_loop3A_700 = tpu.vector_load %arg12[%parallel_loop3A_699] {strides = array<i32>} : memref<16384xf32, #tpu.memory_space<vmem>>, vector<16xf32>,
            tpu.vector_store %arg12[%parallel_loop3A_699], %parallel_loop3A_678 {add = true, strides = array<i32>} : memref<16384xf32, #tpu.memory_space<vmem>>, vector<16xf32>,
            %parallel_loop3A_701 = arith.constant 48 : i32
            %parallel_loop3A_702 = arith.addi %parallel_loop3A_672, %parallel_loop3A_701 : i32
            %parallel_loop3A_703 = arith.index_cast %parallel_loop3A_702 : i32 to index
            %parallel_loop3A_704 = tpu.vector_load %arg12[%parallel_loop3A_703] {strides = array<i32>} : memref<16384xf32, #tpu.memory_space<vmem>>, vector<16xf32>,
            tpu.vector_store %arg12[%parallel_loop3A_703], %parallel_loop3A_680 {add = true, strides = array<i32>} : memref<16384xf32, #tpu.memory_space<vmem>>, vector<16xf32>,
            %parallel_loop3A_705 = arith.constant 64 : i32
            %parallel_loop3A_706 = arith.addi %parallel_loop3A_672, %parallel_loop3A_705 : i32
            %parallel_loop3A_707 = arith.index_cast %parallel_loop3A_706 : i32 to index
            %parallel_loop3A_708 = tpu.vector_load %arg12[%parallel_loop3A_707] {strides = array<i32>} : memref<16384xf32, #tpu.memory_space<vmem>>, vector<16xf32>,
            tpu.vector_store %arg12[%parallel_loop3A_707], %parallel_loop3A_682 {add = true, strides = array<i32>} : memref<16384xf32, #tpu.memory_space<vmem>>, vector<16xf32>,
            %parallel_loop3A_709 = arith.constant 80 : i32
            %parallel_loop3A_710 = arith.addi %parallel_loop3A_672, %parallel_loop3A_709 : i32
            %parallel_loop3A_711 = arith.index_cast %parallel_loop3A_710 : i32 to index
            %parallel_loop3A_712 = tpu.vector_load %arg12[%parallel_loop3A_711] {strides = array<i32>} : memref<16384xf32, #tpu.memory_space<vmem>>, vector<16xf32>,
            tpu.vector_store %arg12[%parallel_loop3A_711], %parallel_loop3A_684 {add = true, strides = array<i32>} : memref<16384xf32, #tpu.memory_space<vmem>>, vector<16xf32>,
            %parallel_loop3A_713 = arith.constant 96 : i32
            %parallel_loop3A_714 = arith.addi %parallel_loop3A_672, %parallel_loop3A_713 : i32
            %parallel_loop3A_715 = arith.index_cast %parallel_loop3A_714 : i32 to index
            %parallel_loop3A_716 = tpu.vector_load %arg12[%parallel_loop3A_715] {strides = array<i32>} : memref<16384xf32, #tpu.memory_space<vmem>>, vector<16xf32>,
            tpu.vector_store %arg12[%parallel_loop3A_715], %parallel_loop3A_686 {add = true, strides = array<i32>} : memref<16384xf32, #tpu.memory_space<vmem>>, vector<16xf32>,
            %parallel_loop3A_717 = arith.constant 112 : i32
            %parallel_loop3A_718 = arith.addi %parallel_loop3A_672, %parallel_loop3A_717 : i32
            %parallel_loop3A_719 = arith.index_cast %parallel_loop3A_718 : i32 to index
            %parallel_loop3A_720 = tpu.vector_load %arg12[%parallel_loop3A_719] {strides = array<i32>} : memref<16384xf32, #tpu.memory_space<vmem>>, vector<16xf32>,
            tpu.vector_store %arg12[%parallel_loop3A_719], %parallel_loop3A_688 {add = true, strides = array<i32>} : memref<16384xf32, #tpu.memory_space<vmem>>, vector<16xf32>,
            %parallel_loop3A_721 = arith.constant 11 : i32
            %parallel_loop3A_722 = vector.broadcast %parallel_loop3A_721 : i32 to vector<16x1xi32>
            %parallel_loop3A_723 = vector.shape_cast %parallel_loop3A_722 : vector<16x1xi32> to vector<16xi32>
            %parallel_loop3A_724 = tpu.dynamic_gather %parallel_loop3A_77[%parallel_loop3A_723] in [0] : vector<16xi32>, vector<16xi32> -> vector<16xi32>
            %parallel_loop3A_725 = arith.constant 11 : i32
            %parallel_loop3A_726 = vector.broadcast %parallel_loop3A_725 : i32 to vector<16x1xi32>
            %parallel_loop3A_727 = vector.shape_cast %parallel_loop3A_726 : vector<16x1xi32> to vector<16xi32>
            %parallel_loop3A_728 = tpu.dynamic_gather %parallel_loop3A_80[%parallel_loop3A_727] in [0] : vector<16xi32>, vector<16xi32> -> vector<16xi32>
            %parallel_loop3A_729 = arith.constant 1408 : i32
            %parallel_loop3A_730 = arith.addi %parallel_loop3A_82, %parallel_loop3A_729 : i32
            %parallel_loop3A_731 = arith.addi %parallel_loop3A_724, %add3A_5 : vector<16xi32>
            %parallel_loop3A_732 = tpu.vector_load_idx %arg9[%parallel_loop3A_731] : memref<19456xf32, #tpu.memory_space<vmem>>[vector<16xi32>], vector<16xf32>,
            %parallel_loop3A_733 = arith.addi %parallel_loop3A_724, %add3A_8 : vector<16xi32>
            %parallel_loop3A_734 = tpu.vector_load_idx %arg9[%parallel_loop3A_733] : memref<19456xf32, #tpu.memory_space<vmem>>[vector<16xi32>], vector<16xf32>,
            %parallel_loop3A_735 = arith.addi %parallel_loop3A_724, %add3A_11 : vector<16xi32>
            %parallel_loop3A_736 = tpu.vector_load_idx %arg9[%parallel_loop3A_735] : memref<19456xf32, #tpu.memory_space<vmem>>[vector<16xi32>], vector<16xf32>,
            %parallel_loop3A_737 = arith.addi %parallel_loop3A_724, %add3A_14 : vector<16xi32>
            %parallel_loop3A_738 = tpu.vector_load_idx %arg9[%parallel_loop3A_737] : memref<19456xf32, #tpu.memory_space<vmem>>[vector<16xi32>], vector<16xf32>,
            %parallel_loop3A_739 = arith.addi %parallel_loop3A_728, %add3A_5 : vector<16xi32>
            %parallel_loop3A_740 = tpu.vector_load_idx %arg9[%parallel_loop3A_739] : memref<19456xf32, #tpu.memory_space<vmem>>[vector<16xi32>], vector<16xf32>,
            %parallel_loop3A_741 = arith.addi %parallel_loop3A_728, %add3A_8 : vector<16xi32>
            %parallel_loop3A_742 = tpu.vector_load_idx %arg9[%parallel_loop3A_741] : memref<19456xf32, #tpu.memory_space<vmem>>[vector<16xi32>], vector<16xf32>,
            %parallel_loop3A_743 = arith.addi %parallel_loop3A_728, %add3A_11 : vector<16xi32>
            %parallel_loop3A_744 = tpu.vector_load_idx %arg9[%parallel_loop3A_743] : memref<19456xf32, #tpu.memory_space<vmem>>[vector<16xi32>], vector<16xf32>,
            %parallel_loop3A_745 = arith.addi %parallel_loop3A_728, %add3A_14 : vector<16xi32>
            %parallel_loop3A_746 = tpu.vector_load_idx %arg9[%parallel_loop3A_745] : memref<19456xf32, #tpu.memory_space<vmem>>[vector<16xi32>], vector<16xf32>,
            %parallel_loop3A_747 = arith.constant 0 : i32
            %parallel_loop3A_748 = arith.addi %parallel_loop3A_730, %parallel_loop3A_747 : i32
            %parallel_loop3A_749 = arith.index_cast %parallel_loop3A_748 : i32 to index
            %parallel_loop3A_750 = tpu.vector_load %arg12[%parallel_loop3A_749] {strides = array<i32>} : memref<16384xf32, #tpu.memory_space<vmem>>, vector<16xf32>,
            tpu.vector_store %arg12[%parallel_loop3A_749], %parallel_loop3A_732 {add = true, strides = array<i32>} : memref<16384xf32, #tpu.memory_space<vmem>>, vector<16xf32>,
            %parallel_loop3A_751 = arith.constant 16 : i32
            %parallel_loop3A_752 = arith.addi %parallel_loop3A_730, %parallel_loop3A_751 : i32
            %parallel_loop3A_753 = arith.index_cast %parallel_loop3A_752 : i32 to index
            %parallel_loop3A_754 = tpu.vector_load %arg12[%parallel_loop3A_753] {strides = array<i32>} : memref<16384xf32, #tpu.memory_space<vmem>>, vector<16xf32>,
            tpu.vector_store %arg12[%parallel_loop3A_753], %parallel_loop3A_734 {add = true, strides = array<i32>} : memref<16384xf32, #tpu.memory_space<vmem>>, vector<16xf32>,
            %parallel_loop3A_755 = arith.constant 32 : i32
            %parallel_loop3A_756 = arith.addi %parallel_loop3A_730, %parallel_loop3A_755 : i32
            %parallel_loop3A_757 = arith.index_cast %parallel_loop3A_756 : i32 to index
            %parallel_loop3A_758 = tpu.vector_load %arg12[%parallel_loop3A_757] {strides = array<i32>} : memref<16384xf32, #tpu.memory_space<vmem>>, vector<16xf32>,
            tpu.vector_store %arg12[%parallel_loop3A_757], %parallel_loop3A_736 {add = true, strides = array<i32>} : memref<16384xf32, #tpu.memory_space<vmem>>, vector<16xf32>,
            %parallel_loop3A_759 = arith.constant 48 : i32
            %parallel_loop3A_760 = arith.addi %parallel_loop3A_730, %parallel_loop3A_759 : i32
            %parallel_loop3A_761 = arith.index_cast %parallel_loop3A_760 : i32 to index
            %parallel_loop3A_762 = tpu.vector_load %arg12[%parallel_loop3A_761] {strides = array<i32>} : memref<16384xf32, #tpu.memory_space<vmem>>, vector<16xf32>,
            tpu.vector_store %arg12[%parallel_loop3A_761], %parallel_loop3A_738 {add = true, strides = array<i32>} : memref<16384xf32, #tpu.memory_space<vmem>>, vector<16xf32>,
            %parallel_loop3A_763 = arith.constant 64 : i32
            %parallel_loop3A_764 = arith.addi %parallel_loop3A_730, %parallel_loop3A_763 : i32
            %parallel_loop3A_765 = arith.index_cast %parallel_loop3A_764 : i32 to index
            %parallel_loop3A_766 = tpu.vector_load %arg12[%parallel_loop3A_765] {strides = array<i32>} : memref<16384xf32, #tpu.memory_space<vmem>>, vector<16xf32>,
            tpu.vector_store %arg12[%parallel_loop3A_765], %parallel_loop3A_740 {add = true, strides = array<i32>} : memref<16384xf32, #tpu.memory_space<vmem>>, vector<16xf32>,
            %parallel_loop3A_767 = arith.constant 80 : i32
            %parallel_loop3A_768 = arith.addi %parallel_loop3A_730, %parallel_loop3A_767 : i32
            %parallel_loop3A_769 = arith.index_cast %parallel_loop3A_768 : i32 to index
            %parallel_loop3A_770 = tpu.vector_load %arg12[%parallel_loop3A_769] {strides = array<i32>} : memref<16384xf32, #tpu.memory_space<vmem>>, vector<16xf32>,
            tpu.vector_store %arg12[%parallel_loop3A_769], %parallel_loop3A_742 {add = true, strides = array<i32>} : memref<16384xf32, #tpu.memory_space<vmem>>, vector<16xf32>,
            %parallel_loop3A_771 = arith.constant 96 : i32
            %parallel_loop3A_772 = arith.addi %parallel_loop3A_730, %parallel_loop3A_771 : i32
            %parallel_loop3A_773 = arith.index_cast %parallel_loop3A_772 : i32 to index
            %parallel_loop3A_774 = tpu.vector_load %arg12[%parallel_loop3A_773] {strides = array<i32>} : memref<16384xf32, #tpu.memory_space<vmem>>, vector<16xf32>,
            tpu.vector_store %arg12[%parallel_loop3A_773], %parallel_loop3A_744 {add = true, strides = array<i32>} : memref<16384xf32, #tpu.memory_space<vmem>>, vector<16xf32>,
            %parallel_loop3A_775 = arith.constant 112 : i32
            %parallel_loop3A_776 = arith.addi %parallel_loop3A_730, %parallel_loop3A_775 : i32
            %parallel_loop3A_777 = arith.index_cast %parallel_loop3A_776 : i32 to index
            %parallel_loop3A_778 = tpu.vector_load %arg12[%parallel_loop3A_777] {strides = array<i32>} : memref<16384xf32, #tpu.memory_space<vmem>>, vector<16xf32>,
            tpu.vector_store %arg12[%parallel_loop3A_777], %parallel_loop3A_746 {add = true, strides = array<i32>} : memref<16384xf32, #tpu.memory_space<vmem>>, vector<16xf32>,
            %parallel_loop3A_779 = arith.constant 12 : i32
            %parallel_loop3A_780 = vector.broadcast %parallel_loop3A_779 : i32 to vector<16x1xi32>
            %parallel_loop3A_781 = vector.shape_cast %parallel_loop3A_780 : vector<16x1xi32> to vector<16xi32>
            %parallel_loop3A_782 = tpu.dynamic_gather %parallel_loop3A_77[%parallel_loop3A_781] in [0] : vector<16xi32>, vector<16xi32> -> vector<16xi32>
            %parallel_loop3A_783 = arith.constant 12 : i32
            %parallel_loop3A_784 = vector.broadcast %parallel_loop3A_783 : i32 to vector<16x1xi32>
            %parallel_loop3A_785 = vector.shape_cast %parallel_loop3A_784 : vector<16x1xi32> to vector<16xi32>
            %parallel_loop3A_786 = tpu.dynamic_gather %parallel_loop3A_80[%parallel_loop3A_785] in [0] : vector<16xi32>, vector<16xi32> -> vector<16xi32>
            %parallel_loop3A_787 = arith.constant 1536 : i32
            %parallel_loop3A_788 = arith.addi %parallel_loop3A_82, %parallel_loop3A_787 : i32
            %parallel_loop3A_789 = arith.addi %parallel_loop3A_782, %add3A_5 : vector<16xi32>
            %parallel_loop3A_790 = tpu.vector_load_idx %arg9[%parallel_loop3A_789] : memref<19456xf32, #tpu.memory_space<vmem>>[vector<16xi32>], vector<16xf32>,
            %parallel_loop3A_791 = arith.addi %parallel_loop3A_782, %add3A_8 : vector<16xi32>
            %parallel_loop3A_792 = tpu.vector_load_idx %arg9[%parallel_loop3A_791] : memref<19456xf32, #tpu.memory_space<vmem>>[vector<16xi32>], vector<16xf32>,
            %parallel_loop3A_793 = arith.addi %parallel_loop3A_782, %add3A_11 : vector<16xi32>
            %parallel_loop3A_794 = tpu.vector_load_idx %arg9[%parallel_loop3A_793] : memref<19456xf32, #tpu.memory_space<vmem>>[vector<16xi32>], vector<16xf32>,
            %parallel_loop3A_795 = arith.addi %parallel_loop3A_782, %add3A_14 : vector<16xi32>
            %parallel_loop3A_796 = tpu.vector_load_idx %arg9[%parallel_loop3A_795] : memref<19456xf32, #tpu.memory_space<vmem>>[vector<16xi32>], vector<16xf32>,
            %parallel_loop3A_797 = arith.addi %parallel_loop3A_786, %add3A_5 : vector<16xi32>
            %parallel_loop3A_798 = tpu.vector_load_idx %arg9[%parallel_loop3A_797] : memref<19456xf32, #tpu.memory_space<vmem>>[vector<16xi32>], vector<16xf32>,
            %parallel_loop3A_799 = arith.addi %parallel_loop3A_786, %add3A_8 : vector<16xi32>
            %parallel_loop3A_800 = tpu.vector_load_idx %arg9[%parallel_loop3A_799] : memref<19456xf32, #tpu.memory_space<vmem>>[vector<16xi32>], vector<16xf32>,
            %parallel_loop3A_801 = arith.addi %parallel_loop3A_786, %add3A_11 : vector<16xi32>
            %parallel_loop3A_802 = tpu.vector_load_idx %arg9[%parallel_loop3A_801] : memref<19456xf32, #tpu.memory_space<vmem>>[vector<16xi32>], vector<16xf32>,
            %parallel_loop3A_803 = arith.addi %parallel_loop3A_786, %add3A_14 : vector<16xi32>
            %parallel_loop3A_804 = tpu.vector_load_idx %arg9[%parallel_loop3A_803] : memref<19456xf32, #tpu.memory_space<vmem>>[vector<16xi32>], vector<16xf32>,
            %parallel_loop3A_805 = arith.constant 0 : i32
            %parallel_loop3A_806 = arith.addi %parallel_loop3A_788, %parallel_loop3A_805 : i32
            %parallel_loop3A_807 = arith.index_cast %parallel_loop3A_806 : i32 to index
            %parallel_loop3A_808 = tpu.vector_load %arg12[%parallel_loop3A_807] {strides = array<i32>} : memref<16384xf32, #tpu.memory_space<vmem>>, vector<16xf32>,
            tpu.vector_store %arg12[%parallel_loop3A_807], %parallel_loop3A_790 {add = true, strides = array<i32>} : memref<16384xf32, #tpu.memory_space<vmem>>, vector<16xf32>,
            %parallel_loop3A_809 = arith.constant 16 : i32
            %parallel_loop3A_810 = arith.addi %parallel_loop3A_788, %parallel_loop3A_809 : i32
            %parallel_loop3A_811 = arith.index_cast %parallel_loop3A_810 : i32 to index
            %parallel_loop3A_812 = tpu.vector_load %arg12[%parallel_loop3A_811] {strides = array<i32>} : memref<16384xf32, #tpu.memory_space<vmem>>, vector<16xf32>,
            tpu.vector_store %arg12[%parallel_loop3A_811], %parallel_loop3A_792 {add = true, strides = array<i32>} : memref<16384xf32, #tpu.memory_space<vmem>>, vector<16xf32>,
            %parallel_loop3A_813 = arith.constant 32 : i32
            %parallel_loop3A_814 = arith.addi %parallel_loop3A_788, %parallel_loop3A_813 : i32
            %parallel_loop3A_815 = arith.index_cast %parallel_loop3A_814 : i32 to index
            %parallel_loop3A_816 = tpu.vector_load %arg12[%parallel_loop3A_815] {strides = array<i32>} : memref<16384xf32, #tpu.memory_space<vmem>>, vector<16xf32>,
            tpu.vector_store %arg12[%parallel_loop3A_815], %parallel_loop3A_794 {add = true, strides = array<i32>} : memref<16384xf32, #tpu.memory_space<vmem>>, vector<16xf32>,
            %parallel_loop3A_817 = arith.constant 48 : i32
            %parallel_loop3A_818 = arith.addi %parallel_loop3A_788, %parallel_loop3A_817 : i32
            %parallel_loop3A_819 = arith.index_cast %parallel_loop3A_818 : i32 to index
            %parallel_loop3A_820 = tpu.vector_load %arg12[%parallel_loop3A_819] {strides = array<i32>} : memref<16384xf32, #tpu.memory_space<vmem>>, vector<16xf32>,
            tpu.vector_store %arg12[%parallel_loop3A_819], %parallel_loop3A_796 {add = true, strides = array<i32>} : memref<16384xf32, #tpu.memory_space<vmem>>, vector<16xf32>,
            %parallel_loop3A_821 = arith.constant 64 : i32
            %parallel_loop3A_822 = arith.addi %parallel_loop3A_788, %parallel_loop3A_821 : i32
            %parallel_loop3A_823 = arith.index_cast %parallel_loop3A_822 : i32 to index
            %parallel_loop3A_824 = tpu.vector_load %arg12[%parallel_loop3A_823] {strides = array<i32>} : memref<16384xf32, #tpu.memory_space<vmem>>, vector<16xf32>,
            tpu.vector_store %arg12[%parallel_loop3A_823], %parallel_loop3A_798 {add = true, strides = array<i32>} : memref<16384xf32, #tpu.memory_space<vmem>>, vector<16xf32>,
            %parallel_loop3A_825 = arith.constant 80 : i32
            %parallel_loop3A_826 = arith.addi %parallel_loop3A_788, %parallel_loop3A_825 : i32
            %parallel_loop3A_827 = arith.index_cast %parallel_loop3A_826 : i32 to index
            %parallel_loop3A_828 = tpu.vector_load %arg12[%parallel_loop3A_827] {strides = array<i32>} : memref<16384xf32, #tpu.memory_space<vmem>>, vector<16xf32>,
            tpu.vector_store %arg12[%parallel_loop3A_827], %parallel_loop3A_800 {add = true, strides = array<i32>} : memref<16384xf32, #tpu.memory_space<vmem>>, vector<16xf32>,
            %parallel_loop3A_829 = arith.constant 96 : i32
            %parallel_loop3A_830 = arith.addi %parallel_loop3A_788, %parallel_loop3A_829 : i32
            %parallel_loop3A_831 = arith.index_cast %parallel_loop3A_830 : i32 to index
            %parallel_loop3A_832 = tpu.vector_load %arg12[%parallel_loop3A_831] {strides = array<i32>} : memref<16384xf32, #tpu.memory_space<vmem>>, vector<16xf32>,
            tpu.vector_store %arg12[%parallel_loop3A_831], %parallel_loop3A_802 {add = true, strides = array<i32>} : memref<16384xf32, #tpu.memory_space<vmem>>, vector<16xf32>,
            %parallel_loop3A_833 = arith.constant 112 : i32
            %parallel_loop3A_834 = arith.addi %parallel_loop3A_788, %parallel_loop3A_833 : i32
            %parallel_loop3A_835 = arith.index_cast %parallel_loop3A_834 : i32 to index
            %parallel_loop3A_836 = tpu.vector_load %arg12[%parallel_loop3A_835] {strides = array<i32>} : memref<16384xf32, #tpu.memory_space<vmem>>, vector<16xf32>,
            tpu.vector_store %arg12[%parallel_loop3A_835], %parallel_loop3A_804 {add = true, strides = array<i32>} : memref<16384xf32, #tpu.memory_space<vmem>>, vector<16xf32>,
            %parallel_loop3A_837 = arith.constant 13 : i32
            %parallel_loop3A_838 = vector.broadcast %parallel_loop3A_837 : i32 to vector<16x1xi32>
            %parallel_loop3A_839 = vector.shape_cast %parallel_loop3A_838 : vector<16x1xi32> to vector<16xi32>
            %parallel_loop3A_840 = tpu.dynamic_gather %parallel_loop3A_77[%parallel_loop3A_839] in [0] : vector<16xi32>, vector<16xi32> -> vector<16xi32>
            %parallel_loop3A_841 = arith.constant 13 : i32
            %parallel_loop3A_842 = vector.broadcast %parallel_loop3A_841 : i32 to vector<16x1xi32>
            %parallel_loop3A_843 = vector.shape_cast %parallel_loop3A_842 : vector<16x1xi32> to vector<16xi32>
            %parallel_loop3A_844 = tpu.dynamic_gather %parallel_loop3A_80[%parallel_loop3A_843] in [0] : vector<16xi32>, vector<16xi32> -> vector<16xi32>
            %parallel_loop3A_845 = arith.constant 1664 : i32
            %parallel_loop3A_846 = arith.addi %parallel_loop3A_82, %parallel_loop3A_845 : i32
            %parallel_loop3A_847 = arith.addi %parallel_loop3A_840, %add3A_5 : vector<16xi32>
            %parallel_loop3A_848 = tpu.vector_load_idx %arg9[%parallel_loop3A_847] : memref<19456xf32, #tpu.memory_space<vmem>>[vector<16xi32>], vector<16xf32>,
            %parallel_loop3A_849 = arith.addi %parallel_loop3A_840, %add3A_8 : vector<16xi32>
            %parallel_loop3A_850 = tpu.vector_load_idx %arg9[%parallel_loop3A_849] : memref<19456xf32, #tpu.memory_space<vmem>>[vector<16xi32>], vector<16xf32>,
            %parallel_loop3A_851 = arith.addi %parallel_loop3A_840, %add3A_11 : vector<16xi32>
            %parallel_loop3A_852 = tpu.vector_load_idx %arg9[%parallel_loop3A_851] : memref<19456xf32, #tpu.memory_space<vmem>>[vector<16xi32>], vector<16xf32>,
            %parallel_loop3A_853 = arith.addi %parallel_loop3A_840, %add3A_14 : vector<16xi32>
            %parallel_loop3A_854 = tpu.vector_load_idx %arg9[%parallel_loop3A_853] : memref<19456xf32, #tpu.memory_space<vmem>>[vector<16xi32>], vector<16xf32>,
            %parallel_loop3A_855 = arith.addi %parallel_loop3A_844, %add3A_5 : vector<16xi32>
            %parallel_loop3A_856 = tpu.vector_load_idx %arg9[%parallel_loop3A_855] : memref<19456xf32, #tpu.memory_space<vmem>>[vector<16xi32>], vector<16xf32>,
            %parallel_loop3A_857 = arith.addi %parallel_loop3A_844, %add3A_8 : vector<16xi32>
            %parallel_loop3A_858 = tpu.vector_load_idx %arg9[%parallel_loop3A_857] : memref<19456xf32, #tpu.memory_space<vmem>>[vector<16xi32>], vector<16xf32>,
            %parallel_loop3A_859 = arith.addi %parallel_loop3A_844, %add3A_11 : vector<16xi32>
            %parallel_loop3A_860 = tpu.vector_load_idx %arg9[%parallel_loop3A_859] : memref<19456xf32, #tpu.memory_space<vmem>>[vector<16xi32>], vector<16xf32>,
            %parallel_loop3A_861 = arith.addi %parallel_loop3A_844, %add3A_14 : vector<16xi32>
            %parallel_loop3A_862 = tpu.vector_load_idx %arg9[%parallel_loop3A_861] : memref<19456xf32, #tpu.memory_space<vmem>>[vector<16xi32>], vector<16xf32>,
            %parallel_loop3A_863 = arith.constant 0 : i32
            %parallel_loop3A_864 = arith.addi %parallel_loop3A_846, %parallel_loop3A_863 : i32
            %parallel_loop3A_865 = arith.index_cast %parallel_loop3A_864 : i32 to index
            %parallel_loop3A_866 = tpu.vector_load %arg12[%parallel_loop3A_865] {strides = array<i32>} : memref<16384xf32, #tpu.memory_space<vmem>>, vector<16xf32>,
            tpu.vector_store %arg12[%parallel_loop3A_865], %parallel_loop3A_848 {add = true, strides = array<i32>} : memref<16384xf32, #tpu.memory_space<vmem>>, vector<16xf32>,
            %parallel_loop3A_867 = arith.constant 16 : i32
            %parallel_loop3A_868 = arith.addi %parallel_loop3A_846, %parallel_loop3A_867 : i32
            %parallel_loop3A_869 = arith.index_cast %parallel_loop3A_868 : i32 to index
            %parallel_loop3A_870 = tpu.vector_load %arg12[%parallel_loop3A_869] {strides = array<i32>} : memref<16384xf32, #tpu.memory_space<vmem>>, vector<16xf32>,
            tpu.vector_store %arg12[%parallel_loop3A_869], %parallel_loop3A_850 {add = true, strides = array<i32>} : memref<16384xf32, #tpu.memory_space<vmem>>, vector<16xf32>,
            %parallel_loop3A_871 = arith.constant 32 : i32
            %parallel_loop3A_872 = arith.addi %parallel_loop3A_846, %parallel_loop3A_871 : i32
            %parallel_loop3A_873 = arith.index_cast %parallel_loop3A_872 : i32 to index
            %parallel_loop3A_874 = tpu.vector_load %arg12[%parallel_loop3A_873] {strides = array<i32>} : memref<16384xf32, #tpu.memory_space<vmem>>, vector<16xf32>,
            tpu.vector_store %arg12[%parallel_loop3A_873], %parallel_loop3A_852 {add = true, strides = array<i32>} : memref<16384xf32, #tpu.memory_space<vmem>>, vector<16xf32>,
            %parallel_loop3A_875 = arith.constant 48 : i32
            %parallel_loop3A_876 = arith.addi %parallel_loop3A_846, %parallel_loop3A_875 : i32
            %parallel_loop3A_877 = arith.index_cast %parallel_loop3A_876 : i32 to index
            %parallel_loop3A_878 = tpu.vector_load %arg12[%parallel_loop3A_877] {strides = array<i32>} : memref<16384xf32, #tpu.memory_space<vmem>>, vector<16xf32>,
            tpu.vector_store %arg12[%parallel_loop3A_877], %parallel_loop3A_854 {add = true, strides = array<i32>} : memref<16384xf32, #tpu.memory_space<vmem>>, vector<16xf32>,
            %parallel_loop3A_879 = arith.constant 64 : i32
            %parallel_loop3A_880 = arith.addi %parallel_loop3A_846, %parallel_loop3A_879 : i32
            %parallel_loop3A_881 = arith.index_cast %parallel_loop3A_880 : i32 to index
            %parallel_loop3A_882 = tpu.vector_load %arg12[%parallel_loop3A_881] {strides = array<i32>} : memref<16384xf32, #tpu.memory_space<vmem>>, vector<16xf32>,
            tpu.vector_store %arg12[%parallel_loop3A_881], %parallel_loop3A_856 {add = true, strides = array<i32>} : memref<16384xf32, #tpu.memory_space<vmem>>, vector<16xf32>,
            %parallel_loop3A_883 = arith.constant 80 : i32
            %parallel_loop3A_884 = arith.addi %parallel_loop3A_846, %parallel_loop3A_883 : i32
            %parallel_loop3A_885 = arith.index_cast %parallel_loop3A_884 : i32 to index
            %parallel_loop3A_886 = tpu.vector_load %arg12[%parallel_loop3A_885] {strides = array<i32>} : memref<16384xf32, #tpu.memory_space<vmem>>, vector<16xf32>,
            tpu.vector_store %arg12[%parallel_loop3A_885], %parallel_loop3A_858 {add = true, strides = array<i32>} : memref<16384xf32, #tpu.memory_space<vmem>>, vector<16xf32>,
            %parallel_loop3A_887 = arith.constant 96 : i32
            %parallel_loop3A_888 = arith.addi %parallel_loop3A_846, %parallel_loop3A_887 : i32
            %parallel_loop3A_889 = arith.index_cast %parallel_loop3A_888 : i32 to index
            %parallel_loop3A_890 = tpu.vector_load %arg12[%parallel_loop3A_889] {strides = array<i32>} : memref<16384xf32, #tpu.memory_space<vmem>>, vector<16xf32>,
            tpu.vector_store %arg12[%parallel_loop3A_889], %parallel_loop3A_860 {add = true, strides = array<i32>} : memref<16384xf32, #tpu.memory_space<vmem>>, vector<16xf32>,
            %parallel_loop3A_891 = arith.constant 112 : i32
            %parallel_loop3A_892 = arith.addi %parallel_loop3A_846, %parallel_loop3A_891 : i32
            %parallel_loop3A_893 = arith.index_cast %parallel_loop3A_892 : i32 to index
            %parallel_loop3A_894 = tpu.vector_load %arg12[%parallel_loop3A_893] {strides = array<i32>} : memref<16384xf32, #tpu.memory_space<vmem>>, vector<16xf32>,
            tpu.vector_store %arg12[%parallel_loop3A_893], %parallel_loop3A_862 {add = true, strides = array<i32>} : memref<16384xf32, #tpu.memory_space<vmem>>, vector<16xf32>,
            %parallel_loop3A_895 = arith.constant 14 : i32
            %parallel_loop3A_896 = vector.broadcast %parallel_loop3A_895 : i32 to vector<16x1xi32>
            %parallel_loop3A_897 = vector.shape_cast %parallel_loop3A_896 : vector<16x1xi32> to vector<16xi32>
            %parallel_loop3A_898 = tpu.dynamic_gather %parallel_loop3A_77[%parallel_loop3A_897] in [0] : vector<16xi32>, vector<16xi32> -> vector<16xi32>
            %parallel_loop3A_899 = arith.constant 14 : i32
            %parallel_loop3A_900 = vector.broadcast %parallel_loop3A_899 : i32 to vector<16x1xi32>
            %parallel_loop3A_901 = vector.shape_cast %parallel_loop3A_900 : vector<16x1xi32> to vector<16xi32>
            %parallel_loop3A_902 = tpu.dynamic_gather %parallel_loop3A_80[%parallel_loop3A_901] in [0] : vector<16xi32>, vector<16xi32> -> vector<16xi32>
            %parallel_loop3A_903 = arith.constant 1792 : i32
            %parallel_loop3A_904 = arith.addi %parallel_loop3A_82, %parallel_loop3A_903 : i32
            %parallel_loop3A_905 = arith.addi %parallel_loop3A_898, %add3A_5 : vector<16xi32>
            %parallel_loop3A_906 = tpu.vector_load_idx %arg9[%parallel_loop3A_905] : memref<19456xf32, #tpu.memory_space<vmem>>[vector<16xi32>], vector<16xf32>,
            %parallel_loop3A_907 = arith.addi %parallel_loop3A_898, %add3A_8 : vector<16xi32>
            %parallel_loop3A_908 = tpu.vector_load_idx %arg9[%parallel_loop3A_907] : memref<19456xf32, #tpu.memory_space<vmem>>[vector<16xi32>], vector<16xf32>,
            %parallel_loop3A_909 = arith.addi %parallel_loop3A_898, %add3A_11 : vector<16xi32>
            %parallel_loop3A_910 = tpu.vector_load_idx %arg9[%parallel_loop3A_909] : memref<19456xf32, #tpu.memory_space<vmem>>[vector<16xi32>], vector<16xf32>,
            %parallel_loop3A_911 = arith.addi %parallel_loop3A_898, %add3A_14 : vector<16xi32>
            %parallel_loop3A_912 = tpu.vector_load_idx %arg9[%parallel_loop3A_911] : memref<19456xf32, #tpu.memory_space<vmem>>[vector<16xi32>], vector<16xf32>,
            %parallel_loop3A_913 = arith.addi %parallel_loop3A_902, %add3A_5 : vector<16xi32>
            %parallel_loop3A_914 = tpu.vector_load_idx %arg9[%parallel_loop3A_913] : memref<19456xf32, #tpu.memory_space<vmem>>[vector<16xi32>], vector<16xf32>,
            %parallel_loop3A_915 = arith.addi %parallel_loop3A_902, %add3A_8 : vector<16xi32>
            %parallel_loop3A_916 = tpu.vector_load_idx %arg9[%parallel_loop3A_915] : memref<19456xf32, #tpu.memory_space<vmem>>[vector<16xi32>], vector<16xf32>,
            %parallel_loop3A_917 = arith.addi %parallel_loop3A_902, %add3A_11 : vector<16xi32>
            %parallel_loop3A_918 = tpu.vector_load_idx %arg9[%parallel_loop3A_917] : memref<19456xf32, #tpu.memory_space<vmem>>[vector<16xi32>], vector<16xf32>,
            %parallel_loop3A_919 = arith.addi %parallel_loop3A_902, %add3A_14 : vector<16xi32>
            %parallel_loop3A_920 = tpu.vector_load_idx %arg9[%parallel_loop3A_919] : memref<19456xf32, #tpu.memory_space<vmem>>[vector<16xi32>], vector<16xf32>,
            %parallel_loop3A_921 = arith.constant 0 : i32
            %parallel_loop3A_922 = arith.addi %parallel_loop3A_904, %parallel_loop3A_921 : i32
            %parallel_loop3A_923 = arith.index_cast %parallel_loop3A_922 : i32 to index
            %parallel_loop3A_924 = tpu.vector_load %arg12[%parallel_loop3A_923] {strides = array<i32>} : memref<16384xf32, #tpu.memory_space<vmem>>, vector<16xf32>,
            tpu.vector_store %arg12[%parallel_loop3A_923], %parallel_loop3A_906 {add = true, strides = array<i32>} : memref<16384xf32, #tpu.memory_space<vmem>>, vector<16xf32>,
            %parallel_loop3A_925 = arith.constant 16 : i32
            %parallel_loop3A_926 = arith.addi %parallel_loop3A_904, %parallel_loop3A_925 : i32
            %parallel_loop3A_927 = arith.index_cast %parallel_loop3A_926 : i32 to index
            %parallel_loop3A_928 = tpu.vector_load %arg12[%parallel_loop3A_927] {strides = array<i32>} : memref<16384xf32, #tpu.memory_space<vmem>>, vector<16xf32>,
            tpu.vector_store %arg12[%parallel_loop3A_927], %parallel_loop3A_908 {add = true, strides = array<i32>} : memref<16384xf32, #tpu.memory_space<vmem>>, vector<16xf32>,
            %parallel_loop3A_929 = arith.constant 32 : i32
            %parallel_loop3A_930 = arith.addi %parallel_loop3A_904, %parallel_loop3A_929 : i32
            %parallel_loop3A_931 = arith.index_cast %parallel_loop3A_930 : i32 to index
            %parallel_loop3A_932 = tpu.vector_load %arg12[%parallel_loop3A_931] {strides = array<i32>} : memref<16384xf32, #tpu.memory_space<vmem>>, vector<16xf32>,
            tpu.vector_store %arg12[%parallel_loop3A_931], %parallel_loop3A_910 {add = true, strides = array<i32>} : memref<16384xf32, #tpu.memory_space<vmem>>, vector<16xf32>,
            %parallel_loop3A_933 = arith.constant 48 : i32
            %parallel_loop3A_934 = arith.addi %parallel_loop3A_904, %parallel_loop3A_933 : i32
            %parallel_loop3A_935 = arith.index_cast %parallel_loop3A_934 : i32 to index
            %parallel_loop3A_936 = tpu.vector_load %arg12[%parallel_loop3A_935] {strides = array<i32>} : memref<16384xf32, #tpu.memory_space<vmem>>, vector<16xf32>,
            tpu.vector_store %arg12[%parallel_loop3A_935], %parallel_loop3A_912 {add = true, strides = array<i32>} : memref<16384xf32, #tpu.memory_space<vmem>>, vector<16xf32>,
            %parallel_loop3A_937 = arith.constant 64 : i32
            %parallel_loop3A_938 = arith.addi %parallel_loop3A_904, %parallel_loop3A_937 : i32
            %parallel_loop3A_939 = arith.index_cast %parallel_loop3A_938 : i32 to index
            %parallel_loop3A_940 = tpu.vector_load %arg12[%parallel_loop3A_939] {strides = array<i32>} : memref<16384xf32, #tpu.memory_space<vmem>>, vector<16xf32>,
            tpu.vector_store %arg12[%parallel_loop3A_939], %parallel_loop3A_914 {add = true, strides = array<i32>} : memref<16384xf32, #tpu.memory_space<vmem>>, vector<16xf32>,
            %parallel_loop3A_941 = arith.constant 80 : i32
            %parallel_loop3A_942 = arith.addi %parallel_loop3A_904, %parallel_loop3A_941 : i32
            %parallel_loop3A_943 = arith.index_cast %parallel_loop3A_942 : i32 to index
            %parallel_loop3A_944 = tpu.vector_load %arg12[%parallel_loop3A_943] {strides = array<i32>} : memref<16384xf32, #tpu.memory_space<vmem>>, vector<16xf32>,
            tpu.vector_store %arg12[%parallel_loop3A_943], %parallel_loop3A_916 {add = true, strides = array<i32>} : memref<16384xf32, #tpu.memory_space<vmem>>, vector<16xf32>,
            %parallel_loop3A_945 = arith.constant 96 : i32
            %parallel_loop3A_946 = arith.addi %parallel_loop3A_904, %parallel_loop3A_945 : i32
            %parallel_loop3A_947 = arith.index_cast %parallel_loop3A_946 : i32 to index
            %parallel_loop3A_948 = tpu.vector_load %arg12[%parallel_loop3A_947] {strides = array<i32>} : memref<16384xf32, #tpu.memory_space<vmem>>, vector<16xf32>,
            tpu.vector_store %arg12[%parallel_loop3A_947], %parallel_loop3A_918 {add = true, strides = array<i32>} : memref<16384xf32, #tpu.memory_space<vmem>>, vector<16xf32>,
            %parallel_loop3A_949 = arith.constant 112 : i32
            %parallel_loop3A_950 = arith.addi %parallel_loop3A_904, %parallel_loop3A_949 : i32
            %parallel_loop3A_951 = arith.index_cast %parallel_loop3A_950 : i32 to index
            %parallel_loop3A_952 = tpu.vector_load %arg12[%parallel_loop3A_951] {strides = array<i32>} : memref<16384xf32, #tpu.memory_space<vmem>>, vector<16xf32>,
            tpu.vector_store %arg12[%parallel_loop3A_951], %parallel_loop3A_920 {add = true, strides = array<i32>} : memref<16384xf32, #tpu.memory_space<vmem>>, vector<16xf32>,
            %parallel_loop3A_953 = arith.constant 15 : i32
            %parallel_loop3A_954 = vector.broadcast %parallel_loop3A_953 : i32 to vector<16x1xi32>
            %parallel_loop3A_955 = vector.shape_cast %parallel_loop3A_954 : vector<16x1xi32> to vector<16xi32>
            %parallel_loop3A_956 = tpu.dynamic_gather %parallel_loop3A_77[%parallel_loop3A_955] in [0] : vector<16xi32>, vector<16xi32> -> vector<16xi32>
            %parallel_loop3A_957 = arith.constant 15 : i32
            %parallel_loop3A_958 = vector.broadcast %parallel_loop3A_957 : i32 to vector<16x1xi32>
            %parallel_loop3A_959 = vector.shape_cast %parallel_loop3A_958 : vector<16x1xi32> to vector<16xi32>
            %parallel_loop3A_960 = tpu.dynamic_gather %parallel_loop3A_80[%parallel_loop3A_959] in [0] : vector<16xi32>, vector<16xi32> -> vector<16xi32>
            %parallel_loop3A_961 = arith.constant 1920 : i32
            %parallel_loop3A_962 = arith.addi %parallel_loop3A_82, %parallel_loop3A_961 : i32
            %parallel_loop3A_963 = arith.addi %parallel_loop3A_956, %add3A_5 : vector<16xi32>
            %parallel_loop3A_964 = tpu.vector_load_idx %arg9[%parallel_loop3A_963] : memref<19456xf32, #tpu.memory_space<vmem>>[vector<16xi32>], vector<16xf32>,
            %parallel_loop3A_965 = arith.addi %parallel_loop3A_956, %add3A_8 : vector<16xi32>
            %parallel_loop3A_966 = tpu.vector_load_idx %arg9[%parallel_loop3A_965] : memref<19456xf32, #tpu.memory_space<vmem>>[vector<16xi32>], vector<16xf32>,
            %parallel_loop3A_967 = arith.addi %parallel_loop3A_956, %add3A_11 : vector<16xi32>
            %parallel_loop3A_968 = tpu.vector_load_idx %arg9[%parallel_loop3A_967] : memref<19456xf32, #tpu.memory_space<vmem>>[vector<16xi32>], vector<16xf32>,
            %parallel_loop3A_969 = arith.addi %parallel_loop3A_956, %add3A_14 : vector<16xi32>
            %parallel_loop3A_970 = tpu.vector_load_idx %arg9[%parallel_loop3A_969] : memref<19456xf32, #tpu.memory_space<vmem>>[vector<16xi32>], vector<16xf32>,
            %parallel_loop3A_971 = arith.addi %parallel_loop3A_960, %add3A_5 : vector<16xi32>
            %parallel_loop3A_972 = tpu.vector_load_idx %arg9[%parallel_loop3A_971] : memref<19456xf32, #tpu.memory_space<vmem>>[vector<16xi32>], vector<16xf32>,
            %parallel_loop3A_973 = arith.addi %parallel_loop3A_960, %add3A_8 : vector<16xi32>
            %parallel_loop3A_974 = tpu.vector_load_idx %arg9[%parallel_loop3A_973] : memref<19456xf32, #tpu.memory_space<vmem>>[vector<16xi32>], vector<16xf32>,
            %parallel_loop3A_975 = arith.addi %parallel_loop3A_960, %add3A_11 : vector<16xi32>
            %parallel_loop3A_976 = tpu.vector_load_idx %arg9[%parallel_loop3A_975] : memref<19456xf32, #tpu.memory_space<vmem>>[vector<16xi32>], vector<16xf32>,
            %parallel_loop3A_977 = arith.addi %parallel_loop3A_960, %add3A_14 : vector<16xi32>
            %parallel_loop3A_978 = tpu.vector_load_idx %arg9[%parallel_loop3A_977] : memref<19456xf32, #tpu.memory_space<vmem>>[vector<16xi32>], vector<16xf32>,
            %parallel_loop3A_979 = arith.constant 0 : i32
            %parallel_loop3A_980 = arith.addi %parallel_loop3A_962, %parallel_loop3A_979 : i32
            %parallel_loop3A_981 = arith.index_cast %parallel_loop3A_980 : i32 to index
            %parallel_loop3A_982 = tpu.vector_load %arg12[%parallel_loop3A_981] {strides = array<i32>} : memref<16384xf32, #tpu.memory_space<vmem>>, vector<16xf32>,
            tpu.vector_store %arg12[%parallel_loop3A_981], %parallel_loop3A_964 {add = true, strides = array<i32>} : memref<16384xf32, #tpu.memory_space<vmem>>, vector<16xf32>,
            %parallel_loop3A_983 = arith.constant 16 : i32
            %parallel_loop3A_984 = arith.addi %parallel_loop3A_962, %parallel_loop3A_983 : i32
            %parallel_loop3A_985 = arith.index_cast %parallel_loop3A_984 : i32 to index
            %parallel_loop3A_986 = tpu.vector_load %arg12[%parallel_loop3A_985] {strides = array<i32>} : memref<16384xf32, #tpu.memory_space<vmem>>, vector<16xf32>,
            tpu.vector_store %arg12[%parallel_loop3A_985], %parallel_loop3A_966 {add = true, strides = array<i32>} : memref<16384xf32, #tpu.memory_space<vmem>>, vector<16xf32>,
            %parallel_loop3A_987 = arith.constant 32 : i32
            %parallel_loop3A_988 = arith.addi %parallel_loop3A_962, %parallel_loop3A_987 : i32
            %parallel_loop3A_989 = arith.index_cast %parallel_loop3A_988 : i32 to index
            %parallel_loop3A_990 = tpu.vector_load %arg12[%parallel_loop3A_989] {strides = array<i32>} : memref<16384xf32, #tpu.memory_space<vmem>>, vector<16xf32>,
            tpu.vector_store %arg12[%parallel_loop3A_989], %parallel_loop3A_968 {add = true, strides = array<i32>} : memref<16384xf32, #tpu.memory_space<vmem>>, vector<16xf32>,
            %parallel_loop3A_991 = arith.constant 48 : i32
            %parallel_loop3A_992 = arith.addi %parallel_loop3A_962, %parallel_loop3A_991 : i32
            %parallel_loop3A_993 = arith.index_cast %parallel_loop3A_992 : i32 to index
            %parallel_loop3A_994 = tpu.vector_load %arg12[%parallel_loop3A_993] {strides = array<i32>} : memref<16384xf32, #tpu.memory_space<vmem>>, vector<16xf32>,
            tpu.vector_store %arg12[%parallel_loop3A_993], %parallel_loop3A_970 {add = true, strides = array<i32>} : memref<16384xf32, #tpu.memory_space<vmem>>, vector<16xf32>,
            %parallel_loop3A_995 = arith.constant 64 : i32
            %parallel_loop3A_996 = arith.addi %parallel_loop3A_962, %parallel_loop3A_995 : i32
            %parallel_loop3A_997 = arith.index_cast %parallel_loop3A_996 : i32 to index
            %parallel_loop3A_998 = tpu.vector_load %arg12[%parallel_loop3A_997] {strides = array<i32>} : memref<16384xf32, #tpu.memory_space<vmem>>, vector<16xf32>,
            tpu.vector_store %arg12[%parallel_loop3A_997], %parallel_loop3A_972 {add = true, strides = array<i32>} : memref<16384xf32, #tpu.memory_space<vmem>>, vector<16xf32>,
            %parallel_loop3A_999 = arith.constant 80 : i32
            %parallel_loop3A_1000 = arith.addi %parallel_loop3A_962, %parallel_loop3A_999 : i32
            %parallel_loop3A_1001 = arith.index_cast %parallel_loop3A_1000 : i32 to index
            %parallel_loop3A_1002 = tpu.vector_load %arg12[%parallel_loop3A_1001] {strides = array<i32>} : memref<16384xf32, #tpu.memory_space<vmem>>, vector<16xf32>,
            tpu.vector_store %arg12[%parallel_loop3A_1001], %parallel_loop3A_974 {add = true, strides = array<i32>} : memref<16384xf32, #tpu.memory_space<vmem>>, vector<16xf32>,
            %parallel_loop3A_1003 = arith.constant 96 : i32
            %parallel_loop3A_1004 = arith.addi %parallel_loop3A_962, %parallel_loop3A_1003 : i32
            %parallel_loop3A_1005 = arith.index_cast %parallel_loop3A_1004 : i32 to index
            %parallel_loop3A_1006 = tpu.vector_load %arg12[%parallel_loop3A_1005] {strides = array<i32>} : memref<16384xf32, #tpu.memory_space<vmem>>, vector<16xf32>,
            tpu.vector_store %arg12[%parallel_loop3A_1005], %parallel_loop3A_976 {add = true, strides = array<i32>} : memref<16384xf32, #tpu.memory_space<vmem>>, vector<16xf32>,
            %parallel_loop3A_1007 = arith.constant 112 : i32
            %parallel_loop3A_1008 = arith.addi %parallel_loop3A_962, %parallel_loop3A_1007 : i32
            %parallel_loop3A_1009 = arith.index_cast %parallel_loop3A_1008 : i32 to index
            %parallel_loop3A_1010 = tpu.vector_load %arg12[%parallel_loop3A_1009] {strides = array<i32>} : memref<16384xf32, #tpu.memory_space<vmem>>, vector<16xf32>,
            tpu.vector_store %arg12[%parallel_loop3A_1009], %parallel_loop3A_978 {add = true, strides = array<i32>} : memref<16384xf32, #tpu.memory_space<vmem>>, vector<16xf32>,
          } {sc.loop_unroll_factor = 2 : i64, sc.parallel_access}
          %mul3A_64 = arith.constant 128 : i32
          %mul3A_65 = arith.muli %scan3A_36, %mul3A_64 : i32
          %add3A_66 = arith.addi %mul3A_2, %mul3A_65 : i32
          %mul3A_67 = arith.constant 128 : i32
          %mul3A_68 = arith.muli %add3A_66, %mul3A_67 : i32
          %dma_start3A_69 = tpu.memref_slice %arg6[%mul3A_68] : memref<26214400xf32, #tpu.memory_space<hbm>> -> memref<16384xf32, #tpu.memory_space<hbm>>
          %dma_start3A_70 = tpu.memref_slice %arg6[%mul3A_68] : memref<26214400xf32, #tpu.memory_space<hbm>> -> memref<16384xf32, #tpu.memory_space<hbm>>
          tpu.enqueue_dma source(%arg12 : memref<16384xf32, #tpu.memory_space<vmem>>) target(%dma_start3A_70 : memref<16384xf32, #tpu.memory_space<hbm>>) target_semaphore(%arg18 : memref<!tpu.dma_semaphore, #tpu.memory_space<semaphore_mem>>)
          %cond3A_71 = arith.constant 0 : i32
          scf.yield %cond3A_71 : i32
        } else {
          %add3A_49 = arith.constant 1 : i32
          %add3A_50 = arith.addi %scan3A_36, %add3A_49 : i32
          %lt3A = arith.constant 50 : i32
          %lt3A_51 = arith.cmpi slt, %add3A_50, %lt3A : i32
          %convert_element_type3A = arith.extui %lt3A_51 : i1 to i32
          %cond3A_52 = arith.constant 0 : i32
          %cond3A_53 = arith.constant 0 : i32
          %cond3A_54 = arith.cmpi ne, %convert_element_type3A, %cond3A_53 : i32
          %cond3A_55 = scf.if %cond3A_54 -> (i32) {
            %ge3A = arith.constant 2 : i32
            %ge3A_72 = arith.cmpi sge, %scan3A_36, %ge3A : i32
            %convert_element_type3A_73 = arith.extui %ge3A_72 : i1 to i32
            %cond3A_74 = arith.constant 0 : i32
            %cond3A_75 = arith.cmpi ne, %convert_element_type3A_73, %cond3A_74 : i32
            scf.if %cond3A_75 {
              %dma_wait3A_86 = arith.constant 0 : i32
              %dma_wait3A_87 = tpu.memref_slice %arg6[%dma_wait3A_86] : memref<26214400xf32, #tpu.memory_space<hbm>> -> memref<16384xf32, #tpu.memory_space<hbm>>
              %dma_wait3A_88 = arith.constant 0 : i32
              %dma_wait3A_89 = tpu.memref_slice %arg6[%dma_wait3A_88] : memref<26214400xf32, #tpu.memory_space<hbm>> -> memref<16384xf32, #tpu.memory_space<hbm>>
              tpu.wait_dma2 semaphore(%arg18 : memref<!tpu.dma_semaphore, #tpu.memory_space<semaphore_mem>>) src(%arg12 : memref<16384xf32, #tpu.memory_space<vmem>>) dst(%dma_wait3A_89 : memref<16384xf32, #tpu.memory_space<hbm>>)
            } else {
            }
            %add3A_76 = arith.constant 1 : i32
            %add3A_77 = arith.addi %scan3A_36, %add3A_76 : i32
            %mul3A_78 = arith.constant 128 : i32
            %mul3A_79 = arith.muli %add3A_77, %mul3A_78 : i32
            %add3A_80 = arith.addi %mul3A_2, %mul3A_79 : i32
            %mul3A_81 = arith.constant 128 : i32
            %mul3A_82 = arith.muli %add3A_80, %mul3A_81 : i32
            %dma_start3A_83 = tpu.memref_slice %arg2[%mul3A_82] : memref<26214400xf32, #tpu.memory_space<hbm>> -> memref<16384xf32, #tpu.memory_space<hbm>>
            %dma_start3A_84 = tpu.memref_slice %arg2[%mul3A_82] : memref<26214400xf32, #tpu.memory_space<hbm>> -> memref<16384xf32, #tpu.memory_space<hbm>>
            tpu.enqueue_dma source(%dma_start3A_84 : memref<16384xf32, #tpu.memory_space<hbm>>) target(%arg12 : memref<16384xf32, #tpu.memory_space<vmem>>) target_semaphore(%arg15 : memref<!tpu.dma_semaphore, #tpu.memory_space<semaphore_mem>>)
            %cond3A_85 = arith.constant 0 : i32
            scf.yield %cond3A_85 : i32
          } else {
            %cond3A_72 = arith.constant 0 : i32
            scf.yield %cond3A_72 : i32
          }
          %dma_wait3A_56 = arith.constant 0 : i32
          %dma_wait3A_57 = tpu.memref_slice %arg2[%dma_wait3A_56] : memref<26214400xf32, #tpu.memory_space<hbm>> -> memref<16384xf32, #tpu.memory_space<hbm>>
          %dma_wait3A_58 = arith.constant 0 : i32
          %dma_wait3A_59 = tpu.memref_slice %arg2[%dma_wait3A_58] : memref<26214400xf32, #tpu.memory_space<hbm>> -> memref<16384xf32, #tpu.memory_space<hbm>>
          tpu.wait_dma2 semaphore(%arg14 : memref<!tpu.dma_semaphore, #tpu.memory_space<semaphore_mem>>) src(%dma_wait3A_59 : memref<16384xf32, #tpu.memory_space<hbm>>) dst(%arg11 : memref<16384xf32, #tpu.memory_space<vmem>>)
          %mul3A_60 = arith.constant 128 : i32
          %mul3A_61 = arith.muli %scan3A_36, %mul3A_60 : i32
          %parallel_loop3A = arith.constant 0 : i32
          %parallel_loop3A_62 = arith.constant 8 : i32
          %parallel_loop3A_63 = arith.constant 1 : i32
          scf.for %parallel_loop3A_72 = %parallel_loop3A to %parallel_loop3A_62 step %parallel_loop3A_63  : i32 {
            %parallel_loop3A_73 = arith.constant 16 : i32
            %parallel_loop3A_74 = arith.muli %parallel_loop3A_72, %parallel_loop3A_73 : i32
            %parallel_loop3A_75 = arith.addi %mul3A_61, %parallel_loop3A_74 : i32
            %parallel_loop3A_76 = arith.index_cast %parallel_loop3A_75 : i32 to index
            %parallel_loop3A_77 = tpu.vector_load %arg7[%parallel_loop3A_76] {strides = array<i32>} : memref<6400xi32, #tpu.memory_space<vmem>>, vector<16xi32>,
            %parallel_loop3A_78 = arith.addi %mul3A_61, %parallel_loop3A_74 : i32
            %parallel_loop3A_79 = arith.index_cast %parallel_loop3A_78 : i32 to index
            %parallel_loop3A_80 = tpu.vector_load %arg8[%parallel_loop3A_79] {strides = array<i32>} : memref<6400xi32, #tpu.memory_space<vmem>>, vector<16xi32>,
            %parallel_loop3A_81 = arith.constant 128 : i32
            %parallel_loop3A_82 = arith.muli %parallel_loop3A_74, %parallel_loop3A_81 : i32
            %parallel_loop3A_83 = arith.constant 0 : i32
            %parallel_loop3A_84 = vector.broadcast %parallel_loop3A_83 : i32 to vector<16x1xi32>
            %parallel_loop3A_85 = vector.shape_cast %parallel_loop3A_84 : vector<16x1xi32> to vector<16xi32>
            %parallel_loop3A_86 = tpu.dynamic_gather %parallel_loop3A_77[%parallel_loop3A_85] in [0] : vector<16xi32>, vector<16xi32> -> vector<16xi32>
            %parallel_loop3A_87 = arith.constant 0 : i32
            %parallel_loop3A_88 = vector.broadcast %parallel_loop3A_87 : i32 to vector<16x1xi32>
            %parallel_loop3A_89 = vector.shape_cast %parallel_loop3A_88 : vector<16x1xi32> to vector<16xi32>
            %parallel_loop3A_90 = tpu.dynamic_gather %parallel_loop3A_80[%parallel_loop3A_89] in [0] : vector<16xi32>, vector<16xi32> -> vector<16xi32>
            %parallel_loop3A_91 = arith.constant 0 : i32
            %parallel_loop3A_92 = arith.addi %parallel_loop3A_82, %parallel_loop3A_91 : i32
            %parallel_loop3A_93 = arith.addi %parallel_loop3A_86, %add3A_5 : vector<16xi32>
            %parallel_loop3A_94 = tpu.vector_load_idx %arg9[%parallel_loop3A_93] : memref<19456xf32, #tpu.memory_space<vmem>>[vector<16xi32>], vector<16xf32>,
            %parallel_loop3A_95 = arith.addi %parallel_loop3A_86, %add3A_8 : vector<16xi32>
            %parallel_loop3A_96 = tpu.vector_load_idx %arg9[%parallel_loop3A_95] : memref<19456xf32, #tpu.memory_space<vmem>>[vector<16xi32>], vector<16xf32>,
            %parallel_loop3A_97 = arith.addi %parallel_loop3A_86, %add3A_11 : vector<16xi32>
            %parallel_loop3A_98 = tpu.vector_load_idx %arg9[%parallel_loop3A_97] : memref<19456xf32, #tpu.memory_space<vmem>>[vector<16xi32>], vector<16xf32>,
            %parallel_loop3A_99 = arith.addi %parallel_loop3A_86, %add3A_14 : vector<16xi32>
            %parallel_loop3A_100 = tpu.vector_load_idx %arg9[%parallel_loop3A_99] : memref<19456xf32, #tpu.memory_space<vmem>>[vector<16xi32>], vector<16xf32>,
            %parallel_loop3A_101 = arith.addi %parallel_loop3A_90, %add3A_5 : vector<16xi32>
            %parallel_loop3A_102 = tpu.vector_load_idx %arg9[%parallel_loop3A_101] : memref<19456xf32, #tpu.memory_space<vmem>>[vector<16xi32>], vector<16xf32>,
            %parallel_loop3A_103 = arith.addi %parallel_loop3A_90, %add3A_8 : vector<16xi32>
            %parallel_loop3A_104 = tpu.vector_load_idx %arg9[%parallel_loop3A_103] : memref<19456xf32, #tpu.memory_space<vmem>>[vector<16xi32>], vector<16xf32>,
            %parallel_loop3A_105 = arith.addi %parallel_loop3A_90, %add3A_11 : vector<16xi32>
            %parallel_loop3A_106 = tpu.vector_load_idx %arg9[%parallel_loop3A_105] : memref<19456xf32, #tpu.memory_space<vmem>>[vector<16xi32>], vector<16xf32>,
            %parallel_loop3A_107 = arith.addi %parallel_loop3A_90, %add3A_14 : vector<16xi32>
            %parallel_loop3A_108 = tpu.vector_load_idx %arg9[%parallel_loop3A_107] : memref<19456xf32, #tpu.memory_space<vmem>>[vector<16xi32>], vector<16xf32>,
            %parallel_loop3A_109 = arith.constant 0 : i32
            %parallel_loop3A_110 = arith.addi %parallel_loop3A_92, %parallel_loop3A_109 : i32
            %parallel_loop3A_111 = arith.index_cast %parallel_loop3A_110 : i32 to index
            %parallel_loop3A_112 = tpu.vector_load %arg11[%parallel_loop3A_111] {strides = array<i32>} : memref<16384xf32, #tpu.memory_space<vmem>>, vector<16xf32>,
            tpu.vector_store %arg11[%parallel_loop3A_111], %parallel_loop3A_94 {add = true, strides = array<i32>} : memref<16384xf32, #tpu.memory_space<vmem>>, vector<16xf32>,
            %parallel_loop3A_113 = arith.constant 16 : i32
            %parallel_loop3A_114 = arith.addi %parallel_loop3A_92, %parallel_loop3A_113 : i32
            %parallel_loop3A_115 = arith.index_cast %parallel_loop3A_114 : i32 to index
            %parallel_loop3A_116 = tpu.vector_load %arg11[%parallel_loop3A_115] {strides = array<i32>} : memref<16384xf32, #tpu.memory_space<vmem>>, vector<16xf32>,
            tpu.vector_store %arg11[%parallel_loop3A_115], %parallel_loop3A_96 {add = true, strides = array<i32>} : memref<16384xf32, #tpu.memory_space<vmem>>, vector<16xf32>,
            %parallel_loop3A_117 = arith.constant 32 : i32
            %parallel_loop3A_118 = arith.addi %parallel_loop3A_92, %parallel_loop3A_117 : i32
            %parallel_loop3A_119 = arith.index_cast %parallel_loop3A_118 : i32 to index
            %parallel_loop3A_120 = tpu.vector_load %arg11[%parallel_loop3A_119] {strides = array<i32>} : memref<16384xf32, #tpu.memory_space<vmem>>, vector<16xf32>,
            tpu.vector_store %arg11[%parallel_loop3A_119], %parallel_loop3A_98 {add = true, strides = array<i32>} : memref<16384xf32, #tpu.memory_space<vmem>>, vector<16xf32>,
            %parallel_loop3A_121 = arith.constant 48 : i32
            %parallel_loop3A_122 = arith.addi %parallel_loop3A_92, %parallel_loop3A_121 : i32
            %parallel_loop3A_123 = arith.index_cast %parallel_loop3A_122 : i32 to index
            %parallel_loop3A_124 = tpu.vector_load %arg11[%parallel_loop3A_123] {strides = array<i32>} : memref<16384xf32, #tpu.memory_space<vmem>>, vector<16xf32>,
            tpu.vector_store %arg11[%parallel_loop3A_123], %parallel_loop3A_100 {add = true, strides = array<i32>} : memref<16384xf32, #tpu.memory_space<vmem>>, vector<16xf32>,
            %parallel_loop3A_125 = arith.constant 64 : i32
            %parallel_loop3A_126 = arith.addi %parallel_loop3A_92, %parallel_loop3A_125 : i32
            %parallel_loop3A_127 = arith.index_cast %parallel_loop3A_126 : i32 to index
            %parallel_loop3A_128 = tpu.vector_load %arg11[%parallel_loop3A_127] {strides = array<i32>} : memref<16384xf32, #tpu.memory_space<vmem>>, vector<16xf32>,
            tpu.vector_store %arg11[%parallel_loop3A_127], %parallel_loop3A_102 {add = true, strides = array<i32>} : memref<16384xf32, #tpu.memory_space<vmem>>, vector<16xf32>,
            %parallel_loop3A_129 = arith.constant 80 : i32
            %parallel_loop3A_130 = arith.addi %parallel_loop3A_92, %parallel_loop3A_129 : i32
            %parallel_loop3A_131 = arith.index_cast %parallel_loop3A_130 : i32 to index
            %parallel_loop3A_132 = tpu.vector_load %arg11[%parallel_loop3A_131] {strides = array<i32>} : memref<16384xf32, #tpu.memory_space<vmem>>, vector<16xf32>,
            tpu.vector_store %arg11[%parallel_loop3A_131], %parallel_loop3A_104 {add = true, strides = array<i32>} : memref<16384xf32, #tpu.memory_space<vmem>>, vector<16xf32>,
            %parallel_loop3A_133 = arith.constant 96 : i32
            %parallel_loop3A_134 = arith.addi %parallel_loop3A_92, %parallel_loop3A_133 : i32
            %parallel_loop3A_135 = arith.index_cast %parallel_loop3A_134 : i32 to index
            %parallel_loop3A_136 = tpu.vector_load %arg11[%parallel_loop3A_135] {strides = array<i32>} : memref<16384xf32, #tpu.memory_space<vmem>>, vector<16xf32>,
            tpu.vector_store %arg11[%parallel_loop3A_135], %parallel_loop3A_106 {add = true, strides = array<i32>} : memref<16384xf32, #tpu.memory_space<vmem>>, vector<16xf32>,
            %parallel_loop3A_137 = arith.constant 112 : i32
            %parallel_loop3A_138 = arith.addi %parallel_loop3A_92, %parallel_loop3A_137 : i32
            %parallel_loop3A_139 = arith.index_cast %parallel_loop3A_138 : i32 to index
            %parallel_loop3A_140 = tpu.vector_load %arg11[%parallel_loop3A_139] {strides = array<i32>} : memref<16384xf32, #tpu.memory_space<vmem>>, vector<16xf32>,
            tpu.vector_store %arg11[%parallel_loop3A_139], %parallel_loop3A_108 {add = true, strides = array<i32>} : memref<16384xf32, #tpu.memory_space<vmem>>, vector<16xf32>,
            %parallel_loop3A_141 = arith.constant 1 : i32
            %parallel_loop3A_142 = vector.broadcast %parallel_loop3A_141 : i32 to vector<16x1xi32>
            %parallel_loop3A_143 = vector.shape_cast %parallel_loop3A_142 : vector<16x1xi32> to vector<16xi32>
            %parallel_loop3A_144 = tpu.dynamic_gather %parallel_loop3A_77[%parallel_loop3A_143] in [0] : vector<16xi32>, vector<16xi32> -> vector<16xi32>
            %parallel_loop3A_145 = arith.constant 1 : i32
            %parallel_loop3A_146 = vector.broadcast %parallel_loop3A_145 : i32 to vector<16x1xi32>
            %parallel_loop3A_147 = vector.shape_cast %parallel_loop3A_146 : vector<16x1xi32> to vector<16xi32>
            %parallel_loop3A_148 = tpu.dynamic_gather %parallel_loop3A_80[%parallel_loop3A_147] in [0] : vector<16xi32>, vector<16xi32> -> vector<16xi32>
            %parallel_loop3A_149 = arith.constant 128 : i32
            %parallel_loop3A_150 = arith.addi %parallel_loop3A_82, %parallel_loop3A_149 : i32
            %parallel_loop3A_151 = arith.addi %parallel_loop3A_144, %add3A_5 : vector<16xi32>
            %parallel_loop3A_152 = tpu.vector_load_idx %arg9[%parallel_loop3A_151] : memref<19456xf32, #tpu.memory_space<vmem>>[vector<16xi32>], vector<16xf32>,
            %parallel_loop3A_153 = arith.addi %parallel_loop3A_144, %add3A_8 : vector<16xi32>
            %parallel_loop3A_154 = tpu.vector_load_idx %arg9[%parallel_loop3A_153] : memref<19456xf32, #tpu.memory_space<vmem>>[vector<16xi32>], vector<16xf32>,
            %parallel_loop3A_155 = arith.addi %parallel_loop3A_144, %add3A_11 : vector<16xi32>
            %parallel_loop3A_156 = tpu.vector_load_idx %arg9[%parallel_loop3A_155] : memref<19456xf32, #tpu.memory_space<vmem>>[vector<16xi32>], vector<16xf32>,
            %parallel_loop3A_157 = arith.addi %parallel_loop3A_144, %add3A_14 : vector<16xi32>
            %parallel_loop3A_158 = tpu.vector_load_idx %arg9[%parallel_loop3A_157] : memref<19456xf32, #tpu.memory_space<vmem>>[vector<16xi32>], vector<16xf32>,
            %parallel_loop3A_159 = arith.addi %parallel_loop3A_148, %add3A_5 : vector<16xi32>
            %parallel_loop3A_160 = tpu.vector_load_idx %arg9[%parallel_loop3A_159] : memref<19456xf32, #tpu.memory_space<vmem>>[vector<16xi32>], vector<16xf32>,
            %parallel_loop3A_161 = arith.addi %parallel_loop3A_148, %add3A_8 : vector<16xi32>
            %parallel_loop3A_162 = tpu.vector_load_idx %arg9[%parallel_loop3A_161] : memref<19456xf32, #tpu.memory_space<vmem>>[vector<16xi32>], vector<16xf32>,
            %parallel_loop3A_163 = arith.addi %parallel_loop3A_148, %add3A_11 : vector<16xi32>
            %parallel_loop3A_164 = tpu.vector_load_idx %arg9[%parallel_loop3A_163] : memref<19456xf32, #tpu.memory_space<vmem>>[vector<16xi32>], vector<16xf32>,
            %parallel_loop3A_165 = arith.addi %parallel_loop3A_148, %add3A_14 : vector<16xi32>
            %parallel_loop3A_166 = tpu.vector_load_idx %arg9[%parallel_loop3A_165] : memref<19456xf32, #tpu.memory_space<vmem>>[vector<16xi32>], vector<16xf32>,
            %parallel_loop3A_167 = arith.constant 0 : i32
            %parallel_loop3A_168 = arith.addi %parallel_loop3A_150, %parallel_loop3A_167 : i32
            %parallel_loop3A_169 = arith.index_cast %parallel_loop3A_168 : i32 to index
            %parallel_loop3A_170 = tpu.vector_load %arg11[%parallel_loop3A_169] {strides = array<i32>} : memref<16384xf32, #tpu.memory_space<vmem>>, vector<16xf32>,
            tpu.vector_store %arg11[%parallel_loop3A_169], %parallel_loop3A_152 {add = true, strides = array<i32>} : memref<16384xf32, #tpu.memory_space<vmem>>, vector<16xf32>,
            %parallel_loop3A_171 = arith.constant 16 : i32
            %parallel_loop3A_172 = arith.addi %parallel_loop3A_150, %parallel_loop3A_171 : i32
            %parallel_loop3A_173 = arith.index_cast %parallel_loop3A_172 : i32 to index
            %parallel_loop3A_174 = tpu.vector_load %arg11[%parallel_loop3A_173] {strides = array<i32>} : memref<16384xf32, #tpu.memory_space<vmem>>, vector<16xf32>,
            tpu.vector_store %arg11[%parallel_loop3A_173], %parallel_loop3A_154 {add = true, strides = array<i32>} : memref<16384xf32, #tpu.memory_space<vmem>>, vector<16xf32>,
            %parallel_loop3A_175 = arith.constant 32 : i32
            %parallel_loop3A_176 = arith.addi %parallel_loop3A_150, %parallel_loop3A_175 : i32
            %parallel_loop3A_177 = arith.index_cast %parallel_loop3A_176 : i32 to index
            %parallel_loop3A_178 = tpu.vector_load %arg11[%parallel_loop3A_177] {strides = array<i32>} : memref<16384xf32, #tpu.memory_space<vmem>>, vector<16xf32>,
            tpu.vector_store %arg11[%parallel_loop3A_177], %parallel_loop3A_156 {add = true, strides = array<i32>} : memref<16384xf32, #tpu.memory_space<vmem>>, vector<16xf32>,
            %parallel_loop3A_179 = arith.constant 48 : i32
            %parallel_loop3A_180 = arith.addi %parallel_loop3A_150, %parallel_loop3A_179 : i32
            %parallel_loop3A_181 = arith.index_cast %parallel_loop3A_180 : i32 to index
            %parallel_loop3A_182 = tpu.vector_load %arg11[%parallel_loop3A_181] {strides = array<i32>} : memref<16384xf32, #tpu.memory_space<vmem>>, vector<16xf32>,
            tpu.vector_store %arg11[%parallel_loop3A_181], %parallel_loop3A_158 {add = true, strides = array<i32>} : memref<16384xf32, #tpu.memory_space<vmem>>, vector<16xf32>,
            %parallel_loop3A_183 = arith.constant 64 : i32
            %parallel_loop3A_184 = arith.addi %parallel_loop3A_150, %parallel_loop3A_183 : i32
            %parallel_loop3A_185 = arith.index_cast %parallel_loop3A_184 : i32 to index
            %parallel_loop3A_186 = tpu.vector_load %arg11[%parallel_loop3A_185] {strides = array<i32>} : memref<16384xf32, #tpu.memory_space<vmem>>, vector<16xf32>,
            tpu.vector_store %arg11[%parallel_loop3A_185], %parallel_loop3A_160 {add = true, strides = array<i32>} : memref<16384xf32, #tpu.memory_space<vmem>>, vector<16xf32>,
            %parallel_loop3A_187 = arith.constant 80 : i32
            %parallel_loop3A_188 = arith.addi %parallel_loop3A_150, %parallel_loop3A_187 : i32
            %parallel_loop3A_189 = arith.index_cast %parallel_loop3A_188 : i32 to index
            %parallel_loop3A_190 = tpu.vector_load %arg11[%parallel_loop3A_189] {strides = array<i32>} : memref<16384xf32, #tpu.memory_space<vmem>>, vector<16xf32>,
            tpu.vector_store %arg11[%parallel_loop3A_189], %parallel_loop3A_162 {add = true, strides = array<i32>} : memref<16384xf32, #tpu.memory_space<vmem>>, vector<16xf32>,
            %parallel_loop3A_191 = arith.constant 96 : i32
            %parallel_loop3A_192 = arith.addi %parallel_loop3A_150, %parallel_loop3A_191 : i32
            %parallel_loop3A_193 = arith.index_cast %parallel_loop3A_192 : i32 to index
            %parallel_loop3A_194 = tpu.vector_load %arg11[%parallel_loop3A_193] {strides = array<i32>} : memref<16384xf32, #tpu.memory_space<vmem>>, vector<16xf32>,
            tpu.vector_store %arg11[%parallel_loop3A_193], %parallel_loop3A_164 {add = true, strides = array<i32>} : memref<16384xf32, #tpu.memory_space<vmem>>, vector<16xf32>,
            %parallel_loop3A_195 = arith.constant 112 : i32
            %parallel_loop3A_196 = arith.addi %parallel_loop3A_150, %parallel_loop3A_195 : i32
            %parallel_loop3A_197 = arith.index_cast %parallel_loop3A_196 : i32 to index
            %parallel_loop3A_198 = tpu.vector_load %arg11[%parallel_loop3A_197] {strides = array<i32>} : memref<16384xf32, #tpu.memory_space<vmem>>, vector<16xf32>,
            tpu.vector_store %arg11[%parallel_loop3A_197], %parallel_loop3A_166 {add = true, strides = array<i32>} : memref<16384xf32, #tpu.memory_space<vmem>>, vector<16xf32>,
            %parallel_loop3A_199 = arith.constant 2 : i32
            %parallel_loop3A_200 = vector.broadcast %parallel_loop3A_199 : i32 to vector<16x1xi32>
            %parallel_loop3A_201 = vector.shape_cast %parallel_loop3A_200 : vector<16x1xi32> to vector<16xi32>
            %parallel_loop3A_202 = tpu.dynamic_gather %parallel_loop3A_77[%parallel_loop3A_201] in [0] : vector<16xi32>, vector<16xi32> -> vector<16xi32>
            %parallel_loop3A_203 = arith.constant 2 : i32
            %parallel_loop3A_204 = vector.broadcast %parallel_loop3A_203 : i32 to vector<16x1xi32>
            %parallel_loop3A_205 = vector.shape_cast %parallel_loop3A_204 : vector<16x1xi32> to vector<16xi32>
            %parallel_loop3A_206 = tpu.dynamic_gather %parallel_loop3A_80[%parallel_loop3A_205] in [0] : vector<16xi32>, vector<16xi32> -> vector<16xi32>
            %parallel_loop3A_207 = arith.constant 256 : i32
            %parallel_loop3A_208 = arith.addi %parallel_loop3A_82, %parallel_loop3A_207 : i32
            %parallel_loop3A_209 = arith.addi %parallel_loop3A_202, %add3A_5 : vector<16xi32>
            %parallel_loop3A_210 = tpu.vector_load_idx %arg9[%parallel_loop3A_209] : memref<19456xf32, #tpu.memory_space<vmem>>[vector<16xi32>], vector<16xf32>,
            %parallel_loop3A_211 = arith.addi %parallel_loop3A_202, %add3A_8 : vector<16xi32>
            %parallel_loop3A_212 = tpu.vector_load_idx %arg9[%parallel_loop3A_211] : memref<19456xf32, #tpu.memory_space<vmem>>[vector<16xi32>], vector<16xf32>,
            %parallel_loop3A_213 = arith.addi %parallel_loop3A_202, %add3A_11 : vector<16xi32>
            %parallel_loop3A_214 = tpu.vector_load_idx %arg9[%parallel_loop3A_213] : memref<19456xf32, #tpu.memory_space<vmem>>[vector<16xi32>], vector<16xf32>,
            %parallel_loop3A_215 = arith.addi %parallel_loop3A_202, %add3A_14 : vector<16xi32>
            %parallel_loop3A_216 = tpu.vector_load_idx %arg9[%parallel_loop3A_215] : memref<19456xf32, #tpu.memory_space<vmem>>[vector<16xi32>], vector<16xf32>,
            %parallel_loop3A_217 = arith.addi %parallel_loop3A_206, %add3A_5 : vector<16xi32>
            %parallel_loop3A_218 = tpu.vector_load_idx %arg9[%parallel_loop3A_217] : memref<19456xf32, #tpu.memory_space<vmem>>[vector<16xi32>], vector<16xf32>,
            %parallel_loop3A_219 = arith.addi %parallel_loop3A_206, %add3A_8 : vector<16xi32>
            %parallel_loop3A_220 = tpu.vector_load_idx %arg9[%parallel_loop3A_219] : memref<19456xf32, #tpu.memory_space<vmem>>[vector<16xi32>], vector<16xf32>,
            %parallel_loop3A_221 = arith.addi %parallel_loop3A_206, %add3A_11 : vector<16xi32>
            %parallel_loop3A_222 = tpu.vector_load_idx %arg9[%parallel_loop3A_221] : memref<19456xf32, #tpu.memory_space<vmem>>[vector<16xi32>], vector<16xf32>,
            %parallel_loop3A_223 = arith.addi %parallel_loop3A_206, %add3A_14 : vector<16xi32>
            %parallel_loop3A_224 = tpu.vector_load_idx %arg9[%parallel_loop3A_223] : memref<19456xf32, #tpu.memory_space<vmem>>[vector<16xi32>], vector<16xf32>,
            %parallel_loop3A_225 = arith.constant 0 : i32
            %parallel_loop3A_226 = arith.addi %parallel_loop3A_208, %parallel_loop3A_225 : i32
            %parallel_loop3A_227 = arith.index_cast %parallel_loop3A_226 : i32 to index
            %parallel_loop3A_228 = tpu.vector_load %arg11[%parallel_loop3A_227] {strides = array<i32>} : memref<16384xf32, #tpu.memory_space<vmem>>, vector<16xf32>,
            tpu.vector_store %arg11[%parallel_loop3A_227], %parallel_loop3A_210 {add = true, strides = array<i32>} : memref<16384xf32, #tpu.memory_space<vmem>>, vector<16xf32>,
            %parallel_loop3A_229 = arith.constant 16 : i32
            %parallel_loop3A_230 = arith.addi %parallel_loop3A_208, %parallel_loop3A_229 : i32
            %parallel_loop3A_231 = arith.index_cast %parallel_loop3A_230 : i32 to index
            %parallel_loop3A_232 = tpu.vector_load %arg11[%parallel_loop3A_231] {strides = array<i32>} : memref<16384xf32, #tpu.memory_space<vmem>>, vector<16xf32>,
            tpu.vector_store %arg11[%parallel_loop3A_231], %parallel_loop3A_212 {add = true, strides = array<i32>} : memref<16384xf32, #tpu.memory_space<vmem>>, vector<16xf32>,
            %parallel_loop3A_233 = arith.constant 32 : i32
            %parallel_loop3A_234 = arith.addi %parallel_loop3A_208, %parallel_loop3A_233 : i32
            %parallel_loop3A_235 = arith.index_cast %parallel_loop3A_234 : i32 to index
            %parallel_loop3A_236 = tpu.vector_load %arg11[%parallel_loop3A_235] {strides = array<i32>} : memref<16384xf32, #tpu.memory_space<vmem>>, vector<16xf32>,
            tpu.vector_store %arg11[%parallel_loop3A_235], %parallel_loop3A_214 {add = true, strides = array<i32>} : memref<16384xf32, #tpu.memory_space<vmem>>, vector<16xf32>,
            %parallel_loop3A_237 = arith.constant 48 : i32
            %parallel_loop3A_238 = arith.addi %parallel_loop3A_208, %parallel_loop3A_237 : i32
            %parallel_loop3A_239 = arith.index_cast %parallel_loop3A_238 : i32 to index
            %parallel_loop3A_240 = tpu.vector_load %arg11[%parallel_loop3A_239] {strides = array<i32>} : memref<16384xf32, #tpu.memory_space<vmem>>, vector<16xf32>,
            tpu.vector_store %arg11[%parallel_loop3A_239], %parallel_loop3A_216 {add = true, strides = array<i32>} : memref<16384xf32, #tpu.memory_space<vmem>>, vector<16xf32>,
            %parallel_loop3A_241 = arith.constant 64 : i32
            %parallel_loop3A_242 = arith.addi %parallel_loop3A_208, %parallel_loop3A_241 : i32
            %parallel_loop3A_243 = arith.index_cast %parallel_loop3A_242 : i32 to index
            %parallel_loop3A_244 = tpu.vector_load %arg11[%parallel_loop3A_243] {strides = array<i32>} : memref<16384xf32, #tpu.memory_space<vmem>>, vector<16xf32>,
            tpu.vector_store %arg11[%parallel_loop3A_243], %parallel_loop3A_218 {add = true, strides = array<i32>} : memref<16384xf32, #tpu.memory_space<vmem>>, vector<16xf32>,
            %parallel_loop3A_245 = arith.constant 80 : i32
            %parallel_loop3A_246 = arith.addi %parallel_loop3A_208, %parallel_loop3A_245 : i32
            %parallel_loop3A_247 = arith.index_cast %parallel_loop3A_246 : i32 to index
            %parallel_loop3A_248 = tpu.vector_load %arg11[%parallel_loop3A_247] {strides = array<i32>} : memref<16384xf32, #tpu.memory_space<vmem>>, vector<16xf32>,
            tpu.vector_store %arg11[%parallel_loop3A_247], %parallel_loop3A_220 {add = true, strides = array<i32>} : memref<16384xf32, #tpu.memory_space<vmem>>, vector<16xf32>,
            %parallel_loop3A_249 = arith.constant 96 : i32
            %parallel_loop3A_250 = arith.addi %parallel_loop3A_208, %parallel_loop3A_249 : i32
            %parallel_loop3A_251 = arith.index_cast %parallel_loop3A_250 : i32 to index
            %parallel_loop3A_252 = tpu.vector_load %arg11[%parallel_loop3A_251] {strides = array<i32>} : memref<16384xf32, #tpu.memory_space<vmem>>, vector<16xf32>,
            tpu.vector_store %arg11[%parallel_loop3A_251], %parallel_loop3A_222 {add = true, strides = array<i32>} : memref<16384xf32, #tpu.memory_space<vmem>>, vector<16xf32>,
            %parallel_loop3A_253 = arith.constant 112 : i32
            %parallel_loop3A_254 = arith.addi %parallel_loop3A_208, %parallel_loop3A_253 : i32
            %parallel_loop3A_255 = arith.index_cast %parallel_loop3A_254 : i32 to index
            %parallel_loop3A_256 = tpu.vector_load %arg11[%parallel_loop3A_255] {strides = array<i32>} : memref<16384xf32, #tpu.memory_space<vmem>>, vector<16xf32>,
            tpu.vector_store %arg11[%parallel_loop3A_255], %parallel_loop3A_224 {add = true, strides = array<i32>} : memref<16384xf32, #tpu.memory_space<vmem>>, vector<16xf32>,
            %parallel_loop3A_257 = arith.constant 3 : i32
            %parallel_loop3A_258 = vector.broadcast %parallel_loop3A_257 : i32 to vector<16x1xi32>
            %parallel_loop3A_259 = vector.shape_cast %parallel_loop3A_258 : vector<16x1xi32> to vector<16xi32>
            %parallel_loop3A_260 = tpu.dynamic_gather %parallel_loop3A_77[%parallel_loop3A_259] in [0] : vector<16xi32>, vector<16xi32> -> vector<16xi32>
            %parallel_loop3A_261 = arith.constant 3 : i32
            %parallel_loop3A_262 = vector.broadcast %parallel_loop3A_261 : i32 to vector<16x1xi32>
            %parallel_loop3A_263 = vector.shape_cast %parallel_loop3A_262 : vector<16x1xi32> to vector<16xi32>
            %parallel_loop3A_264 = tpu.dynamic_gather %parallel_loop3A_80[%parallel_loop3A_263] in [0] : vector<16xi32>, vector<16xi32> -> vector<16xi32>
            %parallel_loop3A_265 = arith.constant 384 : i32
            %parallel_loop3A_266 = arith.addi %parallel_loop3A_82, %parallel_loop3A_265 : i32
            %parallel_loop3A_267 = arith.addi %parallel_loop3A_260, %add3A_5 : vector<16xi32>
            %parallel_loop3A_268 = tpu.vector_load_idx %arg9[%parallel_loop3A_267] : memref<19456xf32, #tpu.memory_space<vmem>>[vector<16xi32>], vector<16xf32>,
            %parallel_loop3A_269 = arith.addi %parallel_loop3A_260, %add3A_8 : vector<16xi32>
            %parallel_loop3A_270 = tpu.vector_load_idx %arg9[%parallel_loop3A_269] : memref<19456xf32, #tpu.memory_space<vmem>>[vector<16xi32>], vector<16xf32>,
            %parallel_loop3A_271 = arith.addi %parallel_loop3A_260, %add3A_11 : vector<16xi32>
            %parallel_loop3A_272 = tpu.vector_load_idx %arg9[%parallel_loop3A_271] : memref<19456xf32, #tpu.memory_space<vmem>>[vector<16xi32>], vector<16xf32>,
            %parallel_loop3A_273 = arith.addi %parallel_loop3A_260, %add3A_14 : vector<16xi32>
            %parallel_loop3A_274 = tpu.vector_load_idx %arg9[%parallel_loop3A_273] : memref<19456xf32, #tpu.memory_space<vmem>>[vector<16xi32>], vector<16xf32>,
            %parallel_loop3A_275 = arith.addi %parallel_loop3A_264, %add3A_5 : vector<16xi32>
            %parallel_loop3A_276 = tpu.vector_load_idx %arg9[%parallel_loop3A_275] : memref<19456xf32, #tpu.memory_space<vmem>>[vector<16xi32>], vector<16xf32>,
            %parallel_loop3A_277 = arith.addi %parallel_loop3A_264, %add3A_8 : vector<16xi32>
            %parallel_loop3A_278 = tpu.vector_load_idx %arg9[%parallel_loop3A_277] : memref<19456xf32, #tpu.memory_space<vmem>>[vector<16xi32>], vector<16xf32>,
            %parallel_loop3A_279 = arith.addi %parallel_loop3A_264, %add3A_11 : vector<16xi32>
            %parallel_loop3A_280 = tpu.vector_load_idx %arg9[%parallel_loop3A_279] : memref<19456xf32, #tpu.memory_space<vmem>>[vector<16xi32>], vector<16xf32>,
            %parallel_loop3A_281 = arith.addi %parallel_loop3A_264, %add3A_14 : vector<16xi32>
            %parallel_loop3A_282 = tpu.vector_load_idx %arg9[%parallel_loop3A_281] : memref<19456xf32, #tpu.memory_space<vmem>>[vector<16xi32>], vector<16xf32>,
            %parallel_loop3A_283 = arith.constant 0 : i32
            %parallel_loop3A_284 = arith.addi %parallel_loop3A_266, %parallel_loop3A_283 : i32
            %parallel_loop3A_285 = arith.index_cast %parallel_loop3A_284 : i32 to index
            %parallel_loop3A_286 = tpu.vector_load %arg11[%parallel_loop3A_285] {strides = array<i32>} : memref<16384xf32, #tpu.memory_space<vmem>>, vector<16xf32>,
            tpu.vector_store %arg11[%parallel_loop3A_285], %parallel_loop3A_268 {add = true, strides = array<i32>} : memref<16384xf32, #tpu.memory_space<vmem>>, vector<16xf32>,
            %parallel_loop3A_287 = arith.constant 16 : i32
            %parallel_loop3A_288 = arith.addi %parallel_loop3A_266, %parallel_loop3A_287 : i32
            %parallel_loop3A_289 = arith.index_cast %parallel_loop3A_288 : i32 to index
            %parallel_loop3A_290 = tpu.vector_load %arg11[%parallel_loop3A_289] {strides = array<i32>} : memref<16384xf32, #tpu.memory_space<vmem>>, vector<16xf32>,
            tpu.vector_store %arg11[%parallel_loop3A_289], %parallel_loop3A_270 {add = true, strides = array<i32>} : memref<16384xf32, #tpu.memory_space<vmem>>, vector<16xf32>,
            %parallel_loop3A_291 = arith.constant 32 : i32
            %parallel_loop3A_292 = arith.addi %parallel_loop3A_266, %parallel_loop3A_291 : i32
            %parallel_loop3A_293 = arith.index_cast %parallel_loop3A_292 : i32 to index
            %parallel_loop3A_294 = tpu.vector_load %arg11[%parallel_loop3A_293] {strides = array<i32>} : memref<16384xf32, #tpu.memory_space<vmem>>, vector<16xf32>,
            tpu.vector_store %arg11[%parallel_loop3A_293], %parallel_loop3A_272 {add = true, strides = array<i32>} : memref<16384xf32, #tpu.memory_space<vmem>>, vector<16xf32>,
            %parallel_loop3A_295 = arith.constant 48 : i32
            %parallel_loop3A_296 = arith.addi %parallel_loop3A_266, %parallel_loop3A_295 : i32
            %parallel_loop3A_297 = arith.index_cast %parallel_loop3A_296 : i32 to index
            %parallel_loop3A_298 = tpu.vector_load %arg11[%parallel_loop3A_297] {strides = array<i32>} : memref<16384xf32, #tpu.memory_space<vmem>>, vector<16xf32>,
            tpu.vector_store %arg11[%parallel_loop3A_297], %parallel_loop3A_274 {add = true, strides = array<i32>} : memref<16384xf32, #tpu.memory_space<vmem>>, vector<16xf32>,
            %parallel_loop3A_299 = arith.constant 64 : i32
            %parallel_loop3A_300 = arith.addi %parallel_loop3A_266, %parallel_loop3A_299 : i32
            %parallel_loop3A_301 = arith.index_cast %parallel_loop3A_300 : i32 to index
            %parallel_loop3A_302 = tpu.vector_load %arg11[%parallel_loop3A_301] {strides = array<i32>} : memref<16384xf32, #tpu.memory_space<vmem>>, vector<16xf32>,
            tpu.vector_store %arg11[%parallel_loop3A_301], %parallel_loop3A_276 {add = true, strides = array<i32>} : memref<16384xf32, #tpu.memory_space<vmem>>, vector<16xf32>,
            %parallel_loop3A_303 = arith.constant 80 : i32
            %parallel_loop3A_304 = arith.addi %parallel_loop3A_266, %parallel_loop3A_303 : i32
            %parallel_loop3A_305 = arith.index_cast %parallel_loop3A_304 : i32 to index
            %parallel_loop3A_306 = tpu.vector_load %arg11[%parallel_loop3A_305] {strides = array<i32>} : memref<16384xf32, #tpu.memory_space<vmem>>, vector<16xf32>,
            tpu.vector_store %arg11[%parallel_loop3A_305], %parallel_loop3A_278 {add = true, strides = array<i32>} : memref<16384xf32, #tpu.memory_space<vmem>>, vector<16xf32>,
            %parallel_loop3A_307 = arith.constant 96 : i32
            %parallel_loop3A_308 = arith.addi %parallel_loop3A_266, %parallel_loop3A_307 : i32
            %parallel_loop3A_309 = arith.index_cast %parallel_loop3A_308 : i32 to index
            %parallel_loop3A_310 = tpu.vector_load %arg11[%parallel_loop3A_309] {strides = array<i32>} : memref<16384xf32, #tpu.memory_space<vmem>>, vector<16xf32>,
            tpu.vector_store %arg11[%parallel_loop3A_309], %parallel_loop3A_280 {add = true, strides = array<i32>} : memref<16384xf32, #tpu.memory_space<vmem>>, vector<16xf32>,
            %parallel_loop3A_311 = arith.constant 112 : i32
            %parallel_loop3A_312 = arith.addi %parallel_loop3A_266, %parallel_loop3A_311 : i32
            %parallel_loop3A_313 = arith.index_cast %parallel_loop3A_312 : i32 to index
            %parallel_loop3A_314 = tpu.vector_load %arg11[%parallel_loop3A_313] {strides = array<i32>} : memref<16384xf32, #tpu.memory_space<vmem>>, vector<16xf32>,
            tpu.vector_store %arg11[%parallel_loop3A_313], %parallel_loop3A_282 {add = true, strides = array<i32>} : memref<16384xf32, #tpu.memory_space<vmem>>, vector<16xf32>,
            %parallel_loop3A_315 = arith.constant 4 : i32
            %parallel_loop3A_316 = vector.broadcast %parallel_loop3A_315 : i32 to vector<16x1xi32>
            %parallel_loop3A_317 = vector.shape_cast %parallel_loop3A_316 : vector<16x1xi32> to vector<16xi32>
            %parallel_loop3A_318 = tpu.dynamic_gather %parallel_loop3A_77[%parallel_loop3A_317] in [0] : vector<16xi32>, vector<16xi32> -> vector<16xi32>
            %parallel_loop3A_319 = arith.constant 4 : i32
            %parallel_loop3A_320 = vector.broadcast %parallel_loop3A_319 : i32 to vector<16x1xi32>
            %parallel_loop3A_321 = vector.shape_cast %parallel_loop3A_320 : vector<16x1xi32> to vector<16xi32>
            %parallel_loop3A_322 = tpu.dynamic_gather %parallel_loop3A_80[%parallel_loop3A_321] in [0] : vector<16xi32>, vector<16xi32> -> vector<16xi32>
            %parallel_loop3A_323 = arith.constant 512 : i32
            %parallel_loop3A_324 = arith.addi %parallel_loop3A_82, %parallel_loop3A_323 : i32
            %parallel_loop3A_325 = arith.addi %parallel_loop3A_318, %add3A_5 : vector<16xi32>
            %parallel_loop3A_326 = tpu.vector_load_idx %arg9[%parallel_loop3A_325] : memref<19456xf32, #tpu.memory_space<vmem>>[vector<16xi32>], vector<16xf32>,
            %parallel_loop3A_327 = arith.addi %parallel_loop3A_318, %add3A_8 : vector<16xi32>
            %parallel_loop3A_328 = tpu.vector_load_idx %arg9[%parallel_loop3A_327] : memref<19456xf32, #tpu.memory_space<vmem>>[vector<16xi32>], vector<16xf32>,
            %parallel_loop3A_329 = arith.addi %parallel_loop3A_318, %add3A_11 : vector<16xi32>
            %parallel_loop3A_330 = tpu.vector_load_idx %arg9[%parallel_loop3A_329] : memref<19456xf32, #tpu.memory_space<vmem>>[vector<16xi32>], vector<16xf32>,
            %parallel_loop3A_331 = arith.addi %parallel_loop3A_318, %add3A_14 : vector<16xi32>
            %parallel_loop3A_332 = tpu.vector_load_idx %arg9[%parallel_loop3A_331] : memref<19456xf32, #tpu.memory_space<vmem>>[vector<16xi32>], vector<16xf32>,
            %parallel_loop3A_333 = arith.addi %parallel_loop3A_322, %add3A_5 : vector<16xi32>
            %parallel_loop3A_334 = tpu.vector_load_idx %arg9[%parallel_loop3A_333] : memref<19456xf32, #tpu.memory_space<vmem>>[vector<16xi32>], vector<16xf32>,
            %parallel_loop3A_335 = arith.addi %parallel_loop3A_322, %add3A_8 : vector<16xi32>
            %parallel_loop3A_336 = tpu.vector_load_idx %arg9[%parallel_loop3A_335] : memref<19456xf32, #tpu.memory_space<vmem>>[vector<16xi32>], vector<16xf32>,
            %parallel_loop3A_337 = arith.addi %parallel_loop3A_322, %add3A_11 : vector<16xi32>
            %parallel_loop3A_338 = tpu.vector_load_idx %arg9[%parallel_loop3A_337] : memref<19456xf32, #tpu.memory_space<vmem>>[vector<16xi32>], vector<16xf32>,
            %parallel_loop3A_339 = arith.addi %parallel_loop3A_322, %add3A_14 : vector<16xi32>
            %parallel_loop3A_340 = tpu.vector_load_idx %arg9[%parallel_loop3A_339] : memref<19456xf32, #tpu.memory_space<vmem>>[vector<16xi32>], vector<16xf32>,
            %parallel_loop3A_341 = arith.constant 0 : i32
            %parallel_loop3A_342 = arith.addi %parallel_loop3A_324, %parallel_loop3A_341 : i32
            %parallel_loop3A_343 = arith.index_cast %parallel_loop3A_342 : i32 to index
            %parallel_loop3A_344 = tpu.vector_load %arg11[%parallel_loop3A_343] {strides = array<i32>} : memref<16384xf32, #tpu.memory_space<vmem>>, vector<16xf32>,
            tpu.vector_store %arg11[%parallel_loop3A_343], %parallel_loop3A_326 {add = true, strides = array<i32>} : memref<16384xf32, #tpu.memory_space<vmem>>, vector<16xf32>,
            %parallel_loop3A_345 = arith.constant 16 : i32
            %parallel_loop3A_346 = arith.addi %parallel_loop3A_324, %parallel_loop3A_345 : i32
            %parallel_loop3A_347 = arith.index_cast %parallel_loop3A_346 : i32 to index
            %parallel_loop3A_348 = tpu.vector_load %arg11[%parallel_loop3A_347] {strides = array<i32>} : memref<16384xf32, #tpu.memory_space<vmem>>, vector<16xf32>,
            tpu.vector_store %arg11[%parallel_loop3A_347], %parallel_loop3A_328 {add = true, strides = array<i32>} : memref<16384xf32, #tpu.memory_space<vmem>>, vector<16xf32>,
            %parallel_loop3A_349 = arith.constant 32 : i32
            %parallel_loop3A_350 = arith.addi %parallel_loop3A_324, %parallel_loop3A_349 : i32
            %parallel_loop3A_351 = arith.index_cast %parallel_loop3A_350 : i32 to index
            %parallel_loop3A_352 = tpu.vector_load %arg11[%parallel_loop3A_351] {strides = array<i32>} : memref<16384xf32, #tpu.memory_space<vmem>>, vector<16xf32>,
            tpu.vector_store %arg11[%parallel_loop3A_351], %parallel_loop3A_330 {add = true, strides = array<i32>} : memref<16384xf32, #tpu.memory_space<vmem>>, vector<16xf32>,
            %parallel_loop3A_353 = arith.constant 48 : i32
            %parallel_loop3A_354 = arith.addi %parallel_loop3A_324, %parallel_loop3A_353 : i32
            %parallel_loop3A_355 = arith.index_cast %parallel_loop3A_354 : i32 to index
            %parallel_loop3A_356 = tpu.vector_load %arg11[%parallel_loop3A_355] {strides = array<i32>} : memref<16384xf32, #tpu.memory_space<vmem>>, vector<16xf32>,
            tpu.vector_store %arg11[%parallel_loop3A_355], %parallel_loop3A_332 {add = true, strides = array<i32>} : memref<16384xf32, #tpu.memory_space<vmem>>, vector<16xf32>,
            %parallel_loop3A_357 = arith.constant 64 : i32
            %parallel_loop3A_358 = arith.addi %parallel_loop3A_324, %parallel_loop3A_357 : i32
            %parallel_loop3A_359 = arith.index_cast %parallel_loop3A_358 : i32 to index
            %parallel_loop3A_360 = tpu.vector_load %arg11[%parallel_loop3A_359] {strides = array<i32>} : memref<16384xf32, #tpu.memory_space<vmem>>, vector<16xf32>,
            tpu.vector_store %arg11[%parallel_loop3A_359], %parallel_loop3A_334 {add = true, strides = array<i32>} : memref<16384xf32, #tpu.memory_space<vmem>>, vector<16xf32>,
            %parallel_loop3A_361 = arith.constant 80 : i32
            %parallel_loop3A_362 = arith.addi %parallel_loop3A_324, %parallel_loop3A_361 : i32
            %parallel_loop3A_363 = arith.index_cast %parallel_loop3A_362 : i32 to index
            %parallel_loop3A_364 = tpu.vector_load %arg11[%parallel_loop3A_363] {strides = array<i32>} : memref<16384xf32, #tpu.memory_space<vmem>>, vector<16xf32>,
            tpu.vector_store %arg11[%parallel_loop3A_363], %parallel_loop3A_336 {add = true, strides = array<i32>} : memref<16384xf32, #tpu.memory_space<vmem>>, vector<16xf32>,
            %parallel_loop3A_365 = arith.constant 96 : i32
            %parallel_loop3A_366 = arith.addi %parallel_loop3A_324, %parallel_loop3A_365 : i32
            %parallel_loop3A_367 = arith.index_cast %parallel_loop3A_366 : i32 to index
            %parallel_loop3A_368 = tpu.vector_load %arg11[%parallel_loop3A_367] {strides = array<i32>} : memref<16384xf32, #tpu.memory_space<vmem>>, vector<16xf32>,
            tpu.vector_store %arg11[%parallel_loop3A_367], %parallel_loop3A_338 {add = true, strides = array<i32>} : memref<16384xf32, #tpu.memory_space<vmem>>, vector<16xf32>,
            %parallel_loop3A_369 = arith.constant 112 : i32
            %parallel_loop3A_370 = arith.addi %parallel_loop3A_324, %parallel_loop3A_369 : i32
            %parallel_loop3A_371 = arith.index_cast %parallel_loop3A_370 : i32 to index
            %parallel_loop3A_372 = tpu.vector_load %arg11[%parallel_loop3A_371] {strides = array<i32>} : memref<16384xf32, #tpu.memory_space<vmem>>, vector<16xf32>,
            tpu.vector_store %arg11[%parallel_loop3A_371], %parallel_loop3A_340 {add = true, strides = array<i32>} : memref<16384xf32, #tpu.memory_space<vmem>>, vector<16xf32>,
            %parallel_loop3A_373 = arith.constant 5 : i32
            %parallel_loop3A_374 = vector.broadcast %parallel_loop3A_373 : i32 to vector<16x1xi32>
            %parallel_loop3A_375 = vector.shape_cast %parallel_loop3A_374 : vector<16x1xi32> to vector<16xi32>
            %parallel_loop3A_376 = tpu.dynamic_gather %parallel_loop3A_77[%parallel_loop3A_375] in [0] : vector<16xi32>, vector<16xi32> -> vector<16xi32>
            %parallel_loop3A_377 = arith.constant 5 : i32
            %parallel_loop3A_378 = vector.broadcast %parallel_loop3A_377 : i32 to vector<16x1xi32>
            %parallel_loop3A_379 = vector.shape_cast %parallel_loop3A_378 : vector<16x1xi32> to vector<16xi32>
            %parallel_loop3A_380 = tpu.dynamic_gather %parallel_loop3A_80[%parallel_loop3A_379] in [0] : vector<16xi32>, vector<16xi32> -> vector<16xi32>
            %parallel_loop3A_381 = arith.constant 640 : i32
            %parallel_loop3A_382 = arith.addi %parallel_loop3A_82, %parallel_loop3A_381 : i32
            %parallel_loop3A_383 = arith.addi %parallel_loop3A_376, %add3A_5 : vector<16xi32>
            %parallel_loop3A_384 = tpu.vector_load_idx %arg9[%parallel_loop3A_383] : memref<19456xf32, #tpu.memory_space<vmem>>[vector<16xi32>], vector<16xf32>,
            %parallel_loop3A_385 = arith.addi %parallel_loop3A_376, %add3A_8 : vector<16xi32>
            %parallel_loop3A_386 = tpu.vector_load_idx %arg9[%parallel_loop3A_385] : memref<19456xf32, #tpu.memory_space<vmem>>[vector<16xi32>], vector<16xf32>,
            %parallel_loop3A_387 = arith.addi %parallel_loop3A_376, %add3A_11 : vector<16xi32>
            %parallel_loop3A_388 = tpu.vector_load_idx %arg9[%parallel_loop3A_387] : memref<19456xf32, #tpu.memory_space<vmem>>[vector<16xi32>], vector<16xf32>,
            %parallel_loop3A_389 = arith.addi %parallel_loop3A_376, %add3A_14 : vector<16xi32>
            %parallel_loop3A_390 = tpu.vector_load_idx %arg9[%parallel_loop3A_389] : memref<19456xf32, #tpu.memory_space<vmem>>[vector<16xi32>], vector<16xf32>,
            %parallel_loop3A_391 = arith.addi %parallel_loop3A_380, %add3A_5 : vector<16xi32>
            %parallel_loop3A_392 = tpu.vector_load_idx %arg9[%parallel_loop3A_391] : memref<19456xf32, #tpu.memory_space<vmem>>[vector<16xi32>], vector<16xf32>,
            %parallel_loop3A_393 = arith.addi %parallel_loop3A_380, %add3A_8 : vector<16xi32>
            %parallel_loop3A_394 = tpu.vector_load_idx %arg9[%parallel_loop3A_393] : memref<19456xf32, #tpu.memory_space<vmem>>[vector<16xi32>], vector<16xf32>,
            %parallel_loop3A_395 = arith.addi %parallel_loop3A_380, %add3A_11 : vector<16xi32>
            %parallel_loop3A_396 = tpu.vector_load_idx %arg9[%parallel_loop3A_395] : memref<19456xf32, #tpu.memory_space<vmem>>[vector<16xi32>], vector<16xf32>,
            %parallel_loop3A_397 = arith.addi %parallel_loop3A_380, %add3A_14 : vector<16xi32>
            %parallel_loop3A_398 = tpu.vector_load_idx %arg9[%parallel_loop3A_397] : memref<19456xf32, #tpu.memory_space<vmem>>[vector<16xi32>], vector<16xf32>,
            %parallel_loop3A_399 = arith.constant 0 : i32
            %parallel_loop3A_400 = arith.addi %parallel_loop3A_382, %parallel_loop3A_399 : i32
            %parallel_loop3A_401 = arith.index_cast %parallel_loop3A_400 : i32 to index
            %parallel_loop3A_402 = tpu.vector_load %arg11[%parallel_loop3A_401] {strides = array<i32>} : memref<16384xf32, #tpu.memory_space<vmem>>, vector<16xf32>,
            tpu.vector_store %arg11[%parallel_loop3A_401], %parallel_loop3A_384 {add = true, strides = array<i32>} : memref<16384xf32, #tpu.memory_space<vmem>>, vector<16xf32>,
            %parallel_loop3A_403 = arith.constant 16 : i32
            %parallel_loop3A_404 = arith.addi %parallel_loop3A_382, %parallel_loop3A_403 : i32
            %parallel_loop3A_405 = arith.index_cast %parallel_loop3A_404 : i32 to index
            %parallel_loop3A_406 = tpu.vector_load %arg11[%parallel_loop3A_405] {strides = array<i32>} : memref<16384xf32, #tpu.memory_space<vmem>>, vector<16xf32>,
            tpu.vector_store %arg11[%parallel_loop3A_405], %parallel_loop3A_386 {add = true, strides = array<i32>} : memref<16384xf32, #tpu.memory_space<vmem>>, vector<16xf32>,
            %parallel_loop3A_407 = arith.constant 32 : i32
            %parallel_loop3A_408 = arith.addi %parallel_loop3A_382, %parallel_loop3A_407 : i32
            %parallel_loop3A_409 = arith.index_cast %parallel_loop3A_408 : i32 to index
            %parallel_loop3A_410 = tpu.vector_load %arg11[%parallel_loop3A_409] {strides = array<i32>} : memref<16384xf32, #tpu.memory_space<vmem>>, vector<16xf32>,
            tpu.vector_store %arg11[%parallel_loop3A_409], %parallel_loop3A_388 {add = true, strides = array<i32>} : memref<16384xf32, #tpu.memory_space<vmem>>, vector<16xf32>,
            %parallel_loop3A_411 = arith.constant 48 : i32
            %parallel_loop3A_412 = arith.addi %parallel_loop3A_382, %parallel_loop3A_411 : i32
            %parallel_loop3A_413 = arith.index_cast %parallel_loop3A_412 : i32 to index
            %parallel_loop3A_414 = tpu.vector_load %arg11[%parallel_loop3A_413] {strides = array<i32>} : memref<16384xf32, #tpu.memory_space<vmem>>, vector<16xf32>,
            tpu.vector_store %arg11[%parallel_loop3A_413], %parallel_loop3A_390 {add = true, strides = array<i32>} : memref<16384xf32, #tpu.memory_space<vmem>>, vector<16xf32>,
            %parallel_loop3A_415 = arith.constant 64 : i32
            %parallel_loop3A_416 = arith.addi %parallel_loop3A_382, %parallel_loop3A_415 : i32
            %parallel_loop3A_417 = arith.index_cast %parallel_loop3A_416 : i32 to index
            %parallel_loop3A_418 = tpu.vector_load %arg11[%parallel_loop3A_417] {strides = array<i32>} : memref<16384xf32, #tpu.memory_space<vmem>>, vector<16xf32>,
            tpu.vector_store %arg11[%parallel_loop3A_417], %parallel_loop3A_392 {add = true, strides = array<i32>} : memref<16384xf32, #tpu.memory_space<vmem>>, vector<16xf32>,
            %parallel_loop3A_419 = arith.constant 80 : i32
            %parallel_loop3A_420 = arith.addi %parallel_loop3A_382, %parallel_loop3A_419 : i32
            %parallel_loop3A_421 = arith.index_cast %parallel_loop3A_420 : i32 to index
            %parallel_loop3A_422 = tpu.vector_load %arg11[%parallel_loop3A_421] {strides = array<i32>} : memref<16384xf32, #tpu.memory_space<vmem>>, vector<16xf32>,
            tpu.vector_store %arg11[%parallel_loop3A_421], %parallel_loop3A_394 {add = true, strides = array<i32>} : memref<16384xf32, #tpu.memory_space<vmem>>, vector<16xf32>,
            %parallel_loop3A_423 = arith.constant 96 : i32
            %parallel_loop3A_424 = arith.addi %parallel_loop3A_382, %parallel_loop3A_423 : i32
            %parallel_loop3A_425 = arith.index_cast %parallel_loop3A_424 : i32 to index
            %parallel_loop3A_426 = tpu.vector_load %arg11[%parallel_loop3A_425] {strides = array<i32>} : memref<16384xf32, #tpu.memory_space<vmem>>, vector<16xf32>,
            tpu.vector_store %arg11[%parallel_loop3A_425], %parallel_loop3A_396 {add = true, strides = array<i32>} : memref<16384xf32, #tpu.memory_space<vmem>>, vector<16xf32>,
            %parallel_loop3A_427 = arith.constant 112 : i32
            %parallel_loop3A_428 = arith.addi %parallel_loop3A_382, %parallel_loop3A_427 : i32
            %parallel_loop3A_429 = arith.index_cast %parallel_loop3A_428 : i32 to index
            %parallel_loop3A_430 = tpu.vector_load %arg11[%parallel_loop3A_429] {strides = array<i32>} : memref<16384xf32, #tpu.memory_space<vmem>>, vector<16xf32>,
            tpu.vector_store %arg11[%parallel_loop3A_429], %parallel_loop3A_398 {add = true, strides = array<i32>} : memref<16384xf32, #tpu.memory_space<vmem>>, vector<16xf32>,
            %parallel_loop3A_431 = arith.constant 6 : i32
            %parallel_loop3A_432 = vector.broadcast %parallel_loop3A_431 : i32 to vector<16x1xi32>
            %parallel_loop3A_433 = vector.shape_cast %parallel_loop3A_432 : vector<16x1xi32> to vector<16xi32>
            %parallel_loop3A_434 = tpu.dynamic_gather %parallel_loop3A_77[%parallel_loop3A_433] in [0] : vector<16xi32>, vector<16xi32> -> vector<16xi32>
            %parallel_loop3A_435 = arith.constant 6 : i32
            %parallel_loop3A_436 = vector.broadcast %parallel_loop3A_435 : i32 to vector<16x1xi32>
            %parallel_loop3A_437 = vector.shape_cast %parallel_loop3A_436 : vector<16x1xi32> to vector<16xi32>
            %parallel_loop3A_438 = tpu.dynamic_gather %parallel_loop3A_80[%parallel_loop3A_437] in [0] : vector<16xi32>, vector<16xi32> -> vector<16xi32>
            %parallel_loop3A_439 = arith.constant 768 : i32
            %parallel_loop3A_440 = arith.addi %parallel_loop3A_82, %parallel_loop3A_439 : i32
            %parallel_loop3A_441 = arith.addi %parallel_loop3A_434, %add3A_5 : vector<16xi32>
            %parallel_loop3A_442 = tpu.vector_load_idx %arg9[%parallel_loop3A_441] : memref<19456xf32, #tpu.memory_space<vmem>>[vector<16xi32>], vector<16xf32>,
            %parallel_loop3A_443 = arith.addi %parallel_loop3A_434, %add3A_8 : vector<16xi32>
            %parallel_loop3A_444 = tpu.vector_load_idx %arg9[%parallel_loop3A_443] : memref<19456xf32, #tpu.memory_space<vmem>>[vector<16xi32>], vector<16xf32>,
            %parallel_loop3A_445 = arith.addi %parallel_loop3A_434, %add3A_11 : vector<16xi32>
            %parallel_loop3A_446 = tpu.vector_load_idx %arg9[%parallel_loop3A_445] : memref<19456xf32, #tpu.memory_space<vmem>>[vector<16xi32>], vector<16xf32>,
            %parallel_loop3A_447 = arith.addi %parallel_loop3A_434, %add3A_14 : vector<16xi32>
            %parallel_loop3A_448 = tpu.vector_load_idx %arg9[%parallel_loop3A_447] : memref<19456xf32, #tpu.memory_space<vmem>>[vector<16xi32>], vector<16xf32>,
            %parallel_loop3A_449 = arith.addi %parallel_loop3A_438, %add3A_5 : vector<16xi32>
            %parallel_loop3A_450 = tpu.vector_load_idx %arg9[%parallel_loop3A_449] : memref<19456xf32, #tpu.memory_space<vmem>>[vector<16xi32>], vector<16xf32>,
            %parallel_loop3A_451 = arith.addi %parallel_loop3A_438, %add3A_8 : vector<16xi32>
            %parallel_loop3A_452 = tpu.vector_load_idx %arg9[%parallel_loop3A_451] : memref<19456xf32, #tpu.memory_space<vmem>>[vector<16xi32>], vector<16xf32>,
            %parallel_loop3A_453 = arith.addi %parallel_loop3A_438, %add3A_11 : vector<16xi32>
            %parallel_loop3A_454 = tpu.vector_load_idx %arg9[%parallel_loop3A_453] : memref<19456xf32, #tpu.memory_space<vmem>>[vector<16xi32>], vector<16xf32>,
            %parallel_loop3A_455 = arith.addi %parallel_loop3A_438, %add3A_14 : vector<16xi32>
            %parallel_loop3A_456 = tpu.vector_load_idx %arg9[%parallel_loop3A_455] : memref<19456xf32, #tpu.memory_space<vmem>>[vector<16xi32>], vector<16xf32>,
            %parallel_loop3A_457 = arith.constant 0 : i32
            %parallel_loop3A_458 = arith.addi %parallel_loop3A_440, %parallel_loop3A_457 : i32
            %parallel_loop3A_459 = arith.index_cast %parallel_loop3A_458 : i32 to index
            %parallel_loop3A_460 = tpu.vector_load %arg11[%parallel_loop3A_459] {strides = array<i32>} : memref<16384xf32, #tpu.memory_space<vmem>>, vector<16xf32>,
            tpu.vector_store %arg11[%parallel_loop3A_459], %parallel_loop3A_442 {add = true, strides = array<i32>} : memref<16384xf32, #tpu.memory_space<vmem>>, vector<16xf32>,
            %parallel_loop3A_461 = arith.constant 16 : i32
            %parallel_loop3A_462 = arith.addi %parallel_loop3A_440, %parallel_loop3A_461 : i32
            %parallel_loop3A_463 = arith.index_cast %parallel_loop3A_462 : i32 to index
            %parallel_loop3A_464 = tpu.vector_load %arg11[%parallel_loop3A_463] {strides = array<i32>} : memref<16384xf32, #tpu.memory_space<vmem>>, vector<16xf32>,
            tpu.vector_store %arg11[%parallel_loop3A_463], %parallel_loop3A_444 {add = true, strides = array<i32>} : memref<16384xf32, #tpu.memory_space<vmem>>, vector<16xf32>,
            %parallel_loop3A_465 = arith.constant 32 : i32
            %parallel_loop3A_466 = arith.addi %parallel_loop3A_440, %parallel_loop3A_465 : i32
            %parallel_loop3A_467 = arith.index_cast %parallel_loop3A_466 : i32 to index
            %parallel_loop3A_468 = tpu.vector_load %arg11[%parallel_loop3A_467] {strides = array<i32>} : memref<16384xf32, #tpu.memory_space<vmem>>, vector<16xf32>,
            tpu.vector_store %arg11[%parallel_loop3A_467], %parallel_loop3A_446 {add = true, strides = array<i32>} : memref<16384xf32, #tpu.memory_space<vmem>>, vector<16xf32>,
            %parallel_loop3A_469 = arith.constant 48 : i32
            %parallel_loop3A_470 = arith.addi %parallel_loop3A_440, %parallel_loop3A_469 : i32
            %parallel_loop3A_471 = arith.index_cast %parallel_loop3A_470 : i32 to index
            %parallel_loop3A_472 = tpu.vector_load %arg11[%parallel_loop3A_471] {strides = array<i32>} : memref<16384xf32, #tpu.memory_space<vmem>>, vector<16xf32>,
            tpu.vector_store %arg11[%parallel_loop3A_471], %parallel_loop3A_448 {add = true, strides = array<i32>} : memref<16384xf32, #tpu.memory_space<vmem>>, vector<16xf32>,
            %parallel_loop3A_473 = arith.constant 64 : i32
            %parallel_loop3A_474 = arith.addi %parallel_loop3A_440, %parallel_loop3A_473 : i32
            %parallel_loop3A_475 = arith.index_cast %parallel_loop3A_474 : i32 to index
            %parallel_loop3A_476 = tpu.vector_load %arg11[%parallel_loop3A_475] {strides = array<i32>} : memref<16384xf32, #tpu.memory_space<vmem>>, vector<16xf32>,
            tpu.vector_store %arg11[%parallel_loop3A_475], %parallel_loop3A_450 {add = true, strides = array<i32>} : memref<16384xf32, #tpu.memory_space<vmem>>, vector<16xf32>,
            %parallel_loop3A_477 = arith.constant 80 : i32
            %parallel_loop3A_478 = arith.addi %parallel_loop3A_440, %parallel_loop3A_477 : i32
            %parallel_loop3A_479 = arith.index_cast %parallel_loop3A_478 : i32 to index
            %parallel_loop3A_480 = tpu.vector_load %arg11[%parallel_loop3A_479] {strides = array<i32>} : memref<16384xf32, #tpu.memory_space<vmem>>, vector<16xf32>,
            tpu.vector_store %arg11[%parallel_loop3A_479], %parallel_loop3A_452 {add = true, strides = array<i32>} : memref<16384xf32, #tpu.memory_space<vmem>>, vector<16xf32>,
            %parallel_loop3A_481 = arith.constant 96 : i32
            %parallel_loop3A_482 = arith.addi %parallel_loop3A_440, %parallel_loop3A_481 : i32
            %parallel_loop3A_483 = arith.index_cast %parallel_loop3A_482 : i32 to index
            %parallel_loop3A_484 = tpu.vector_load %arg11[%parallel_loop3A_483] {strides = array<i32>} : memref<16384xf32, #tpu.memory_space<vmem>>, vector<16xf32>,
            tpu.vector_store %arg11[%parallel_loop3A_483], %parallel_loop3A_454 {add = true, strides = array<i32>} : memref<16384xf32, #tpu.memory_space<vmem>>, vector<16xf32>,
            %parallel_loop3A_485 = arith.constant 112 : i32
            %parallel_loop3A_486 = arith.addi %parallel_loop3A_440, %parallel_loop3A_485 : i32
            %parallel_loop3A_487 = arith.index_cast %parallel_loop3A_486 : i32 to index
            %parallel_loop3A_488 = tpu.vector_load %arg11[%parallel_loop3A_487] {strides = array<i32>} : memref<16384xf32, #tpu.memory_space<vmem>>, vector<16xf32>,
            tpu.vector_store %arg11[%parallel_loop3A_487], %parallel_loop3A_456 {add = true, strides = array<i32>} : memref<16384xf32, #tpu.memory_space<vmem>>, vector<16xf32>,
            %parallel_loop3A_489 = arith.constant 7 : i32
            %parallel_loop3A_490 = vector.broadcast %parallel_loop3A_489 : i32 to vector<16x1xi32>
            %parallel_loop3A_491 = vector.shape_cast %parallel_loop3A_490 : vector<16x1xi32> to vector<16xi32>
            %parallel_loop3A_492 = tpu.dynamic_gather %parallel_loop3A_77[%parallel_loop3A_491] in [0] : vector<16xi32>, vector<16xi32> -> vector<16xi32>
            %parallel_loop3A_493 = arith.constant 7 : i32
            %parallel_loop3A_494 = vector.broadcast %parallel_loop3A_493 : i32 to vector<16x1xi32>
            %parallel_loop3A_495 = vector.shape_cast %parallel_loop3A_494 : vector<16x1xi32> to vector<16xi32>
            %parallel_loop3A_496 = tpu.dynamic_gather %parallel_loop3A_80[%parallel_loop3A_495] in [0] : vector<16xi32>, vector<16xi32> -> vector<16xi32>
            %parallel_loop3A_497 = arith.constant 896 : i32
            %parallel_loop3A_498 = arith.addi %parallel_loop3A_82, %parallel_loop3A_497 : i32
            %parallel_loop3A_499 = arith.addi %parallel_loop3A_492, %add3A_5 : vector<16xi32>
            %parallel_loop3A_500 = tpu.vector_load_idx %arg9[%parallel_loop3A_499] : memref<19456xf32, #tpu.memory_space<vmem>>[vector<16xi32>], vector<16xf32>,
            %parallel_loop3A_501 = arith.addi %parallel_loop3A_492, %add3A_8 : vector<16xi32>
            %parallel_loop3A_502 = tpu.vector_load_idx %arg9[%parallel_loop3A_501] : memref<19456xf32, #tpu.memory_space<vmem>>[vector<16xi32>], vector<16xf32>,
            %parallel_loop3A_503 = arith.addi %parallel_loop3A_492, %add3A_11 : vector<16xi32>
            %parallel_loop3A_504 = tpu.vector_load_idx %arg9[%parallel_loop3A_503] : memref<19456xf32, #tpu.memory_space<vmem>>[vector<16xi32>], vector<16xf32>,
            %parallel_loop3A_505 = arith.addi %parallel_loop3A_492, %add3A_14 : vector<16xi32>
            %parallel_loop3A_506 = tpu.vector_load_idx %arg9[%parallel_loop3A_505] : memref<19456xf32, #tpu.memory_space<vmem>>[vector<16xi32>], vector<16xf32>,
            %parallel_loop3A_507 = arith.addi %parallel_loop3A_496, %add3A_5 : vector<16xi32>
            %parallel_loop3A_508 = tpu.vector_load_idx %arg9[%parallel_loop3A_507] : memref<19456xf32, #tpu.memory_space<vmem>>[vector<16xi32>], vector<16xf32>,
            %parallel_loop3A_509 = arith.addi %parallel_loop3A_496, %add3A_8 : vector<16xi32>
            %parallel_loop3A_510 = tpu.vector_load_idx %arg9[%parallel_loop3A_509] : memref<19456xf32, #tpu.memory_space<vmem>>[vector<16xi32>], vector<16xf32>,
            %parallel_loop3A_511 = arith.addi %parallel_loop3A_496, %add3A_11 : vector<16xi32>
            %parallel_loop3A_512 = tpu.vector_load_idx %arg9[%parallel_loop3A_511] : memref<19456xf32, #tpu.memory_space<vmem>>[vector<16xi32>], vector<16xf32>,
            %parallel_loop3A_513 = arith.addi %parallel_loop3A_496, %add3A_14 : vector<16xi32>
            %parallel_loop3A_514 = tpu.vector_load_idx %arg9[%parallel_loop3A_513] : memref<19456xf32, #tpu.memory_space<vmem>>[vector<16xi32>], vector<16xf32>,
            %parallel_loop3A_515 = arith.constant 0 : i32
            %parallel_loop3A_516 = arith.addi %parallel_loop3A_498, %parallel_loop3A_515 : i32
            %parallel_loop3A_517 = arith.index_cast %parallel_loop3A_516 : i32 to index
            %parallel_loop3A_518 = tpu.vector_load %arg11[%parallel_loop3A_517] {strides = array<i32>} : memref<16384xf32, #tpu.memory_space<vmem>>, vector<16xf32>,
            tpu.vector_store %arg11[%parallel_loop3A_517], %parallel_loop3A_500 {add = true, strides = array<i32>} : memref<16384xf32, #tpu.memory_space<vmem>>, vector<16xf32>,
            %parallel_loop3A_519 = arith.constant 16 : i32
            %parallel_loop3A_520 = arith.addi %parallel_loop3A_498, %parallel_loop3A_519 : i32
            %parallel_loop3A_521 = arith.index_cast %parallel_loop3A_520 : i32 to index
            %parallel_loop3A_522 = tpu.vector_load %arg11[%parallel_loop3A_521] {strides = array<i32>} : memref<16384xf32, #tpu.memory_space<vmem>>, vector<16xf32>,
            tpu.vector_store %arg11[%parallel_loop3A_521], %parallel_loop3A_502 {add = true, strides = array<i32>} : memref<16384xf32, #tpu.memory_space<vmem>>, vector<16xf32>,
            %parallel_loop3A_523 = arith.constant 32 : i32
            %parallel_loop3A_524 = arith.addi %parallel_loop3A_498, %parallel_loop3A_523 : i32
            %parallel_loop3A_525 = arith.index_cast %parallel_loop3A_524 : i32 to index
            %parallel_loop3A_526 = tpu.vector_load %arg11[%parallel_loop3A_525] {strides = array<i32>} : memref<16384xf32, #tpu.memory_space<vmem>>, vector<16xf32>,
            tpu.vector_store %arg11[%parallel_loop3A_525], %parallel_loop3A_504 {add = true, strides = array<i32>} : memref<16384xf32, #tpu.memory_space<vmem>>, vector<16xf32>,
            %parallel_loop3A_527 = arith.constant 48 : i32
            %parallel_loop3A_528 = arith.addi %parallel_loop3A_498, %parallel_loop3A_527 : i32
            %parallel_loop3A_529 = arith.index_cast %parallel_loop3A_528 : i32 to index
            %parallel_loop3A_530 = tpu.vector_load %arg11[%parallel_loop3A_529] {strides = array<i32>} : memref<16384xf32, #tpu.memory_space<vmem>>, vector<16xf32>,
            tpu.vector_store %arg11[%parallel_loop3A_529], %parallel_loop3A_506 {add = true, strides = array<i32>} : memref<16384xf32, #tpu.memory_space<vmem>>, vector<16xf32>,
            %parallel_loop3A_531 = arith.constant 64 : i32
            %parallel_loop3A_532 = arith.addi %parallel_loop3A_498, %parallel_loop3A_531 : i32
            %parallel_loop3A_533 = arith.index_cast %parallel_loop3A_532 : i32 to index
            %parallel_loop3A_534 = tpu.vector_load %arg11[%parallel_loop3A_533] {strides = array<i32>} : memref<16384xf32, #tpu.memory_space<vmem>>, vector<16xf32>,
            tpu.vector_store %arg11[%parallel_loop3A_533], %parallel_loop3A_508 {add = true, strides = array<i32>} : memref<16384xf32, #tpu.memory_space<vmem>>, vector<16xf32>,
            %parallel_loop3A_535 = arith.constant 80 : i32
            %parallel_loop3A_536 = arith.addi %parallel_loop3A_498, %parallel_loop3A_535 : i32
            %parallel_loop3A_537 = arith.index_cast %parallel_loop3A_536 : i32 to index
            %parallel_loop3A_538 = tpu.vector_load %arg11[%parallel_loop3A_537] {strides = array<i32>} : memref<16384xf32, #tpu.memory_space<vmem>>, vector<16xf32>,
            tpu.vector_store %arg11[%parallel_loop3A_537], %parallel_loop3A_510 {add = true, strides = array<i32>} : memref<16384xf32, #tpu.memory_space<vmem>>, vector<16xf32>,
            %parallel_loop3A_539 = arith.constant 96 : i32
            %parallel_loop3A_540 = arith.addi %parallel_loop3A_498, %parallel_loop3A_539 : i32
            %parallel_loop3A_541 = arith.index_cast %parallel_loop3A_540 : i32 to index
            %parallel_loop3A_542 = tpu.vector_load %arg11[%parallel_loop3A_541] {strides = array<i32>} : memref<16384xf32, #tpu.memory_space<vmem>>, vector<16xf32>,
            tpu.vector_store %arg11[%parallel_loop3A_541], %parallel_loop3A_512 {add = true, strides = array<i32>} : memref<16384xf32, #tpu.memory_space<vmem>>, vector<16xf32>,
            %parallel_loop3A_543 = arith.constant 112 : i32
            %parallel_loop3A_544 = arith.addi %parallel_loop3A_498, %parallel_loop3A_543 : i32
            %parallel_loop3A_545 = arith.index_cast %parallel_loop3A_544 : i32 to index
            %parallel_loop3A_546 = tpu.vector_load %arg11[%parallel_loop3A_545] {strides = array<i32>} : memref<16384xf32, #tpu.memory_space<vmem>>, vector<16xf32>,
            tpu.vector_store %arg11[%parallel_loop3A_545], %parallel_loop3A_514 {add = true, strides = array<i32>} : memref<16384xf32, #tpu.memory_space<vmem>>, vector<16xf32>,
            %parallel_loop3A_547 = arith.constant 8 : i32
            %parallel_loop3A_548 = vector.broadcast %parallel_loop3A_547 : i32 to vector<16x1xi32>
            %parallel_loop3A_549 = vector.shape_cast %parallel_loop3A_548 : vector<16x1xi32> to vector<16xi32>
            %parallel_loop3A_550 = tpu.dynamic_gather %parallel_loop3A_77[%parallel_loop3A_549] in [0] : vector<16xi32>, vector<16xi32> -> vector<16xi32>
            %parallel_loop3A_551 = arith.constant 8 : i32
            %parallel_loop3A_552 = vector.broadcast %parallel_loop3A_551 : i32 to vector<16x1xi32>
            %parallel_loop3A_553 = vector.shape_cast %parallel_loop3A_552 : vector<16x1xi32> to vector<16xi32>
            %parallel_loop3A_554 = tpu.dynamic_gather %parallel_loop3A_80[%parallel_loop3A_553] in [0] : vector<16xi32>, vector<16xi32> -> vector<16xi32>
            %parallel_loop3A_555 = arith.constant 1024 : i32
            %parallel_loop3A_556 = arith.addi %parallel_loop3A_82, %parallel_loop3A_555 : i32
            %parallel_loop3A_557 = arith.addi %parallel_loop3A_550, %add3A_5 : vector<16xi32>
            %parallel_loop3A_558 = tpu.vector_load_idx %arg9[%parallel_loop3A_557] : memref<19456xf32, #tpu.memory_space<vmem>>[vector<16xi32>], vector<16xf32>,
            %parallel_loop3A_559 = arith.addi %parallel_loop3A_550, %add3A_8 : vector<16xi32>
            %parallel_loop3A_560 = tpu.vector_load_idx %arg9[%parallel_loop3A_559] : memref<19456xf32, #tpu.memory_space<vmem>>[vector<16xi32>], vector<16xf32>,
            %parallel_loop3A_561 = arith.addi %parallel_loop3A_550, %add3A_11 : vector<16xi32>
            %parallel_loop3A_562 = tpu.vector_load_idx %arg9[%parallel_loop3A_561] : memref<19456xf32, #tpu.memory_space<vmem>>[vector<16xi32>], vector<16xf32>,
            %parallel_loop3A_563 = arith.addi %parallel_loop3A_550, %add3A_14 : vector<16xi32>
            %parallel_loop3A_564 = tpu.vector_load_idx %arg9[%parallel_loop3A_563] : memref<19456xf32, #tpu.memory_space<vmem>>[vector<16xi32>], vector<16xf32>,
            %parallel_loop3A_565 = arith.addi %parallel_loop3A_554, %add3A_5 : vector<16xi32>
            %parallel_loop3A_566 = tpu.vector_load_idx %arg9[%parallel_loop3A_565] : memref<19456xf32, #tpu.memory_space<vmem>>[vector<16xi32>], vector<16xf32>,
            %parallel_loop3A_567 = arith.addi %parallel_loop3A_554, %add3A_8 : vector<16xi32>
            %parallel_loop3A_568 = tpu.vector_load_idx %arg9[%parallel_loop3A_567] : memref<19456xf32, #tpu.memory_space<vmem>>[vector<16xi32>], vector<16xf32>,
            %parallel_loop3A_569 = arith.addi %parallel_loop3A_554, %add3A_11 : vector<16xi32>
            %parallel_loop3A_570 = tpu.vector_load_idx %arg9[%parallel_loop3A_569] : memref<19456xf32, #tpu.memory_space<vmem>>[vector<16xi32>], vector<16xf32>,
            %parallel_loop3A_571 = arith.addi %parallel_loop3A_554, %add3A_14 : vector<16xi32>
            %parallel_loop3A_572 = tpu.vector_load_idx %arg9[%parallel_loop3A_571] : memref<19456xf32, #tpu.memory_space<vmem>>[vector<16xi32>], vector<16xf32>,
            %parallel_loop3A_573 = arith.constant 0 : i32
            %parallel_loop3A_574 = arith.addi %parallel_loop3A_556, %parallel_loop3A_573 : i32
            %parallel_loop3A_575 = arith.index_cast %parallel_loop3A_574 : i32 to index
            %parallel_loop3A_576 = tpu.vector_load %arg11[%parallel_loop3A_575] {strides = array<i32>} : memref<16384xf32, #tpu.memory_space<vmem>>, vector<16xf32>,
            tpu.vector_store %arg11[%parallel_loop3A_575], %parallel_loop3A_558 {add = true, strides = array<i32>} : memref<16384xf32, #tpu.memory_space<vmem>>, vector<16xf32>,
            %parallel_loop3A_577 = arith.constant 16 : i32
            %parallel_loop3A_578 = arith.addi %parallel_loop3A_556, %parallel_loop3A_577 : i32
            %parallel_loop3A_579 = arith.index_cast %parallel_loop3A_578 : i32 to index
            %parallel_loop3A_580 = tpu.vector_load %arg11[%parallel_loop3A_579] {strides = array<i32>} : memref<16384xf32, #tpu.memory_space<vmem>>, vector<16xf32>,
            tpu.vector_store %arg11[%parallel_loop3A_579], %parallel_loop3A_560 {add = true, strides = array<i32>} : memref<16384xf32, #tpu.memory_space<vmem>>, vector<16xf32>,
            %parallel_loop3A_581 = arith.constant 32 : i32
            %parallel_loop3A_582 = arith.addi %parallel_loop3A_556, %parallel_loop3A_581 : i32
            %parallel_loop3A_583 = arith.index_cast %parallel_loop3A_582 : i32 to index
            %parallel_loop3A_584 = tpu.vector_load %arg11[%parallel_loop3A_583] {strides = array<i32>} : memref<16384xf32, #tpu.memory_space<vmem>>, vector<16xf32>,
            tpu.vector_store %arg11[%parallel_loop3A_583], %parallel_loop3A_562 {add = true, strides = array<i32>} : memref<16384xf32, #tpu.memory_space<vmem>>, vector<16xf32>,
            %parallel_loop3A_585 = arith.constant 48 : i32
            %parallel_loop3A_586 = arith.addi %parallel_loop3A_556, %parallel_loop3A_585 : i32
            %parallel_loop3A_587 = arith.index_cast %parallel_loop3A_586 : i32 to index
            %parallel_loop3A_588 = tpu.vector_load %arg11[%parallel_loop3A_587] {strides = array<i32>} : memref<16384xf32, #tpu.memory_space<vmem>>, vector<16xf32>,
            tpu.vector_store %arg11[%parallel_loop3A_587], %parallel_loop3A_564 {add = true, strides = array<i32>} : memref<16384xf32, #tpu.memory_space<vmem>>, vector<16xf32>,
            %parallel_loop3A_589 = arith.constant 64 : i32
            %parallel_loop3A_590 = arith.addi %parallel_loop3A_556, %parallel_loop3A_589 : i32
            %parallel_loop3A_591 = arith.index_cast %parallel_loop3A_590 : i32 to index
            %parallel_loop3A_592 = tpu.vector_load %arg11[%parallel_loop3A_591] {strides = array<i32>} : memref<16384xf32, #tpu.memory_space<vmem>>, vector<16xf32>,
            tpu.vector_store %arg11[%parallel_loop3A_591], %parallel_loop3A_566 {add = true, strides = array<i32>} : memref<16384xf32, #tpu.memory_space<vmem>>, vector<16xf32>,
            %parallel_loop3A_593 = arith.constant 80 : i32
            %parallel_loop3A_594 = arith.addi %parallel_loop3A_556, %parallel_loop3A_593 : i32
            %parallel_loop3A_595 = arith.index_cast %parallel_loop3A_594 : i32 to index
            %parallel_loop3A_596 = tpu.vector_load %arg11[%parallel_loop3A_595] {strides = array<i32>} : memref<16384xf32, #tpu.memory_space<vmem>>, vector<16xf32>,
            tpu.vector_store %arg11[%parallel_loop3A_595], %parallel_loop3A_568 {add = true, strides = array<i32>} : memref<16384xf32, #tpu.memory_space<vmem>>, vector<16xf32>,
            %parallel_loop3A_597 = arith.constant 96 : i32
            %parallel_loop3A_598 = arith.addi %parallel_loop3A_556, %parallel_loop3A_597 : i32
            %parallel_loop3A_599 = arith.index_cast %parallel_loop3A_598 : i32 to index
            %parallel_loop3A_600 = tpu.vector_load %arg11[%parallel_loop3A_599] {strides = array<i32>} : memref<16384xf32, #tpu.memory_space<vmem>>, vector<16xf32>,
            tpu.vector_store %arg11[%parallel_loop3A_599], %parallel_loop3A_570 {add = true, strides = array<i32>} : memref<16384xf32, #tpu.memory_space<vmem>>, vector<16xf32>,
            %parallel_loop3A_601 = arith.constant 112 : i32
            %parallel_loop3A_602 = arith.addi %parallel_loop3A_556, %parallel_loop3A_601 : i32
            %parallel_loop3A_603 = arith.index_cast %parallel_loop3A_602 : i32 to index
            %parallel_loop3A_604 = tpu.vector_load %arg11[%parallel_loop3A_603] {strides = array<i32>} : memref<16384xf32, #tpu.memory_space<vmem>>, vector<16xf32>,
            tpu.vector_store %arg11[%parallel_loop3A_603], %parallel_loop3A_572 {add = true, strides = array<i32>} : memref<16384xf32, #tpu.memory_space<vmem>>, vector<16xf32>,
            %parallel_loop3A_605 = arith.constant 9 : i32
            %parallel_loop3A_606 = vector.broadcast %parallel_loop3A_605 : i32 to vector<16x1xi32>
            %parallel_loop3A_607 = vector.shape_cast %parallel_loop3A_606 : vector<16x1xi32> to vector<16xi32>
            %parallel_loop3A_608 = tpu.dynamic_gather %parallel_loop3A_77[%parallel_loop3A_607] in [0] : vector<16xi32>, vector<16xi32> -> vector<16xi32>
            %parallel_loop3A_609 = arith.constant 9 : i32
            %parallel_loop3A_610 = vector.broadcast %parallel_loop3A_609 : i32 to vector<16x1xi32>
            %parallel_loop3A_611 = vector.shape_cast %parallel_loop3A_610 : vector<16x1xi32> to vector<16xi32>
            %parallel_loop3A_612 = tpu.dynamic_gather %parallel_loop3A_80[%parallel_loop3A_611] in [0] : vector<16xi32>, vector<16xi32> -> vector<16xi32>
            %parallel_loop3A_613 = arith.constant 1152 : i32
            %parallel_loop3A_614 = arith.addi %parallel_loop3A_82, %parallel_loop3A_613 : i32
            %parallel_loop3A_615 = arith.addi %parallel_loop3A_608, %add3A_5 : vector<16xi32>
            %parallel_loop3A_616 = tpu.vector_load_idx %arg9[%parallel_loop3A_615] : memref<19456xf32, #tpu.memory_space<vmem>>[vector<16xi32>], vector<16xf32>,
            %parallel_loop3A_617 = arith.addi %parallel_loop3A_608, %add3A_8 : vector<16xi32>
            %parallel_loop3A_618 = tpu.vector_load_idx %arg9[%parallel_loop3A_617] : memref<19456xf32, #tpu.memory_space<vmem>>[vector<16xi32>], vector<16xf32>,
            %parallel_loop3A_619 = arith.addi %parallel_loop3A_608, %add3A_11 : vector<16xi32>
            %parallel_loop3A_620 = tpu.vector_load_idx %arg9[%parallel_loop3A_619] : memref<19456xf32, #tpu.memory_space<vmem>>[vector<16xi32>], vector<16xf32>,
            %parallel_loop3A_621 = arith.addi %parallel_loop3A_608, %add3A_14 : vector<16xi32>
            %parallel_loop3A_622 = tpu.vector_load_idx %arg9[%parallel_loop3A_621] : memref<19456xf32, #tpu.memory_space<vmem>>[vector<16xi32>], vector<16xf32>,
            %parallel_loop3A_623 = arith.addi %parallel_loop3A_612, %add3A_5 : vector<16xi32>
            %parallel_loop3A_624 = tpu.vector_load_idx %arg9[%parallel_loop3A_623] : memref<19456xf32, #tpu.memory_space<vmem>>[vector<16xi32>], vector<16xf32>,
            %parallel_loop3A_625 = arith.addi %parallel_loop3A_612, %add3A_8 : vector<16xi32>
            %parallel_loop3A_626 = tpu.vector_load_idx %arg9[%parallel_loop3A_625] : memref<19456xf32, #tpu.memory_space<vmem>>[vector<16xi32>], vector<16xf32>,
            %parallel_loop3A_627 = arith.addi %parallel_loop3A_612, %add3A_11 : vector<16xi32>
            %parallel_loop3A_628 = tpu.vector_load_idx %arg9[%parallel_loop3A_627] : memref<19456xf32, #tpu.memory_space<vmem>>[vector<16xi32>], vector<16xf32>,
            %parallel_loop3A_629 = arith.addi %parallel_loop3A_612, %add3A_14 : vector<16xi32>
            %parallel_loop3A_630 = tpu.vector_load_idx %arg9[%parallel_loop3A_629] : memref<19456xf32, #tpu.memory_space<vmem>>[vector<16xi32>], vector<16xf32>,
            %parallel_loop3A_631 = arith.constant 0 : i32
            %parallel_loop3A_632 = arith.addi %parallel_loop3A_614, %parallel_loop3A_631 : i32
            %parallel_loop3A_633 = arith.index_cast %parallel_loop3A_632 : i32 to index
            %parallel_loop3A_634 = tpu.vector_load %arg11[%parallel_loop3A_633] {strides = array<i32>} : memref<16384xf32, #tpu.memory_space<vmem>>, vector<16xf32>,
            tpu.vector_store %arg11[%parallel_loop3A_633], %parallel_loop3A_616 {add = true, strides = array<i32>} : memref<16384xf32, #tpu.memory_space<vmem>>, vector<16xf32>,
            %parallel_loop3A_635 = arith.constant 16 : i32
            %parallel_loop3A_636 = arith.addi %parallel_loop3A_614, %parallel_loop3A_635 : i32
            %parallel_loop3A_637 = arith.index_cast %parallel_loop3A_636 : i32 to index
            %parallel_loop3A_638 = tpu.vector_load %arg11[%parallel_loop3A_637] {strides = array<i32>} : memref<16384xf32, #tpu.memory_space<vmem>>, vector<16xf32>,
            tpu.vector_store %arg11[%parallel_loop3A_637], %parallel_loop3A_618 {add = true, strides = array<i32>} : memref<16384xf32, #tpu.memory_space<vmem>>, vector<16xf32>,
            %parallel_loop3A_639 = arith.constant 32 : i32
            %parallel_loop3A_640 = arith.addi %parallel_loop3A_614, %parallel_loop3A_639 : i32
            %parallel_loop3A_641 = arith.index_cast %parallel_loop3A_640 : i32 to index
            %parallel_loop3A_642 = tpu.vector_load %arg11[%parallel_loop3A_641] {strides = array<i32>} : memref<16384xf32, #tpu.memory_space<vmem>>, vector<16xf32>,
            tpu.vector_store %arg11[%parallel_loop3A_641], %parallel_loop3A_620 {add = true, strides = array<i32>} : memref<16384xf32, #tpu.memory_space<vmem>>, vector<16xf32>,
            %parallel_loop3A_643 = arith.constant 48 : i32
            %parallel_loop3A_644 = arith.addi %parallel_loop3A_614, %parallel_loop3A_643 : i32
            %parallel_loop3A_645 = arith.index_cast %parallel_loop3A_644 : i32 to index
            %parallel_loop3A_646 = tpu.vector_load %arg11[%parallel_loop3A_645] {strides = array<i32>} : memref<16384xf32, #tpu.memory_space<vmem>>, vector<16xf32>,
            tpu.vector_store %arg11[%parallel_loop3A_645], %parallel_loop3A_622 {add = true, strides = array<i32>} : memref<16384xf32, #tpu.memory_space<vmem>>, vector<16xf32>,
            %parallel_loop3A_647 = arith.constant 64 : i32
            %parallel_loop3A_648 = arith.addi %parallel_loop3A_614, %parallel_loop3A_647 : i32
            %parallel_loop3A_649 = arith.index_cast %parallel_loop3A_648 : i32 to index
            %parallel_loop3A_650 = tpu.vector_load %arg11[%parallel_loop3A_649] {strides = array<i32>} : memref<16384xf32, #tpu.memory_space<vmem>>, vector<16xf32>,
            tpu.vector_store %arg11[%parallel_loop3A_649], %parallel_loop3A_624 {add = true, strides = array<i32>} : memref<16384xf32, #tpu.memory_space<vmem>>, vector<16xf32>,
            %parallel_loop3A_651 = arith.constant 80 : i32
            %parallel_loop3A_652 = arith.addi %parallel_loop3A_614, %parallel_loop3A_651 : i32
            %parallel_loop3A_653 = arith.index_cast %parallel_loop3A_652 : i32 to index
            %parallel_loop3A_654 = tpu.vector_load %arg11[%parallel_loop3A_653] {strides = array<i32>} : memref<16384xf32, #tpu.memory_space<vmem>>, vector<16xf32>,
            tpu.vector_store %arg11[%parallel_loop3A_653], %parallel_loop3A_626 {add = true, strides = array<i32>} : memref<16384xf32, #tpu.memory_space<vmem>>, vector<16xf32>,
            %parallel_loop3A_655 = arith.constant 96 : i32
            %parallel_loop3A_656 = arith.addi %parallel_loop3A_614, %parallel_loop3A_655 : i32
            %parallel_loop3A_657 = arith.index_cast %parallel_loop3A_656 : i32 to index
            %parallel_loop3A_658 = tpu.vector_load %arg11[%parallel_loop3A_657] {strides = array<i32>} : memref<16384xf32, #tpu.memory_space<vmem>>, vector<16xf32>,
            tpu.vector_store %arg11[%parallel_loop3A_657], %parallel_loop3A_628 {add = true, strides = array<i32>} : memref<16384xf32, #tpu.memory_space<vmem>>, vector<16xf32>,
            %parallel_loop3A_659 = arith.constant 112 : i32
            %parallel_loop3A_660 = arith.addi %parallel_loop3A_614, %parallel_loop3A_659 : i32
            %parallel_loop3A_661 = arith.index_cast %parallel_loop3A_660 : i32 to index
            %parallel_loop3A_662 = tpu.vector_load %arg11[%parallel_loop3A_661] {strides = array<i32>} : memref<16384xf32, #tpu.memory_space<vmem>>, vector<16xf32>,
            tpu.vector_store %arg11[%parallel_loop3A_661], %parallel_loop3A_630 {add = true, strides = array<i32>} : memref<16384xf32, #tpu.memory_space<vmem>>, vector<16xf32>,
            %parallel_loop3A_663 = arith.constant 10 : i32
            %parallel_loop3A_664 = vector.broadcast %parallel_loop3A_663 : i32 to vector<16x1xi32>
            %parallel_loop3A_665 = vector.shape_cast %parallel_loop3A_664 : vector<16x1xi32> to vector<16xi32>
            %parallel_loop3A_666 = tpu.dynamic_gather %parallel_loop3A_77[%parallel_loop3A_665] in [0] : vector<16xi32>, vector<16xi32> -> vector<16xi32>
            %parallel_loop3A_667 = arith.constant 10 : i32
            %parallel_loop3A_668 = vector.broadcast %parallel_loop3A_667 : i32 to vector<16x1xi32>
            %parallel_loop3A_669 = vector.shape_cast %parallel_loop3A_668 : vector<16x1xi32> to vector<16xi32>
            %parallel_loop3A_670 = tpu.dynamic_gather %parallel_loop3A_80[%parallel_loop3A_669] in [0] : vector<16xi32>, vector<16xi32> -> vector<16xi32>
            %parallel_loop3A_671 = arith.constant 1280 : i32
            %parallel_loop3A_672 = arith.addi %parallel_loop3A_82, %parallel_loop3A_671 : i32
            %parallel_loop3A_673 = arith.addi %parallel_loop3A_666, %add3A_5 : vector<16xi32>
            %parallel_loop3A_674 = tpu.vector_load_idx %arg9[%parallel_loop3A_673] : memref<19456xf32, #tpu.memory_space<vmem>>[vector<16xi32>], vector<16xf32>,
            %parallel_loop3A_675 = arith.addi %parallel_loop3A_666, %add3A_8 : vector<16xi32>
            %parallel_loop3A_676 = tpu.vector_load_idx %arg9[%parallel_loop3A_675] : memref<19456xf32, #tpu.memory_space<vmem>>[vector<16xi32>], vector<16xf32>,
            %parallel_loop3A_677 = arith.addi %parallel_loop3A_666, %add3A_11 : vector<16xi32>
            %parallel_loop3A_678 = tpu.vector_load_idx %arg9[%parallel_loop3A_677] : memref<19456xf32, #tpu.memory_space<vmem>>[vector<16xi32>], vector<16xf32>,
            %parallel_loop3A_679 = arith.addi %parallel_loop3A_666, %add3A_14 : vector<16xi32>
            %parallel_loop3A_680 = tpu.vector_load_idx %arg9[%parallel_loop3A_679] : memref<19456xf32, #tpu.memory_space<vmem>>[vector<16xi32>], vector<16xf32>,
            %parallel_loop3A_681 = arith.addi %parallel_loop3A_670, %add3A_5 : vector<16xi32>
            %parallel_loop3A_682 = tpu.vector_load_idx %arg9[%parallel_loop3A_681] : memref<19456xf32, #tpu.memory_space<vmem>>[vector<16xi32>], vector<16xf32>,
            %parallel_loop3A_683 = arith.addi %parallel_loop3A_670, %add3A_8 : vector<16xi32>
            %parallel_loop3A_684 = tpu.vector_load_idx %arg9[%parallel_loop3A_683] : memref<19456xf32, #tpu.memory_space<vmem>>[vector<16xi32>], vector<16xf32>,
            %parallel_loop3A_685 = arith.addi %parallel_loop3A_670, %add3A_11 : vector<16xi32>
            %parallel_loop3A_686 = tpu.vector_load_idx %arg9[%parallel_loop3A_685] : memref<19456xf32, #tpu.memory_space<vmem>>[vector<16xi32>], vector<16xf32>,
            %parallel_loop3A_687 = arith.addi %parallel_loop3A_670, %add3A_14 : vector<16xi32>
            %parallel_loop3A_688 = tpu.vector_load_idx %arg9[%parallel_loop3A_687] : memref<19456xf32, #tpu.memory_space<vmem>>[vector<16xi32>], vector<16xf32>,
            %parallel_loop3A_689 = arith.constant 0 : i32
            %parallel_loop3A_690 = arith.addi %parallel_loop3A_672, %parallel_loop3A_689 : i32
            %parallel_loop3A_691 = arith.index_cast %parallel_loop3A_690 : i32 to index
            %parallel_loop3A_692 = tpu.vector_load %arg11[%parallel_loop3A_691] {strides = array<i32>} : memref<16384xf32, #tpu.memory_space<vmem>>, vector<16xf32>,
            tpu.vector_store %arg11[%parallel_loop3A_691], %parallel_loop3A_674 {add = true, strides = array<i32>} : memref<16384xf32, #tpu.memory_space<vmem>>, vector<16xf32>,
            %parallel_loop3A_693 = arith.constant 16 : i32
            %parallel_loop3A_694 = arith.addi %parallel_loop3A_672, %parallel_loop3A_693 : i32
            %parallel_loop3A_695 = arith.index_cast %parallel_loop3A_694 : i32 to index
            %parallel_loop3A_696 = tpu.vector_load %arg11[%parallel_loop3A_695] {strides = array<i32>} : memref<16384xf32, #tpu.memory_space<vmem>>, vector<16xf32>,
            tpu.vector_store %arg11[%parallel_loop3A_695], %parallel_loop3A_676 {add = true, strides = array<i32>} : memref<16384xf32, #tpu.memory_space<vmem>>, vector<16xf32>,
            %parallel_loop3A_697 = arith.constant 32 : i32
            %parallel_loop3A_698 = arith.addi %parallel_loop3A_672, %parallel_loop3A_697 : i32
            %parallel_loop3A_699 = arith.index_cast %parallel_loop3A_698 : i32 to index
            %parallel_loop3A_700 = tpu.vector_load %arg11[%parallel_loop3A_699] {strides = array<i32>} : memref<16384xf32, #tpu.memory_space<vmem>>, vector<16xf32>,
            tpu.vector_store %arg11[%parallel_loop3A_699], %parallel_loop3A_678 {add = true, strides = array<i32>} : memref<16384xf32, #tpu.memory_space<vmem>>, vector<16xf32>,
            %parallel_loop3A_701 = arith.constant 48 : i32
            %parallel_loop3A_702 = arith.addi %parallel_loop3A_672, %parallel_loop3A_701 : i32
            %parallel_loop3A_703 = arith.index_cast %parallel_loop3A_702 : i32 to index
            %parallel_loop3A_704 = tpu.vector_load %arg11[%parallel_loop3A_703] {strides = array<i32>} : memref<16384xf32, #tpu.memory_space<vmem>>, vector<16xf32>,
            tpu.vector_store %arg11[%parallel_loop3A_703], %parallel_loop3A_680 {add = true, strides = array<i32>} : memref<16384xf32, #tpu.memory_space<vmem>>, vector<16xf32>,
            %parallel_loop3A_705 = arith.constant 64 : i32
            %parallel_loop3A_706 = arith.addi %parallel_loop3A_672, %parallel_loop3A_705 : i32
            %parallel_loop3A_707 = arith.index_cast %parallel_loop3A_706 : i32 to index
            %parallel_loop3A_708 = tpu.vector_load %arg11[%parallel_loop3A_707] {strides = array<i32>} : memref<16384xf32, #tpu.memory_space<vmem>>, vector<16xf32>,
            tpu.vector_store %arg11[%parallel_loop3A_707], %parallel_loop3A_682 {add = true, strides = array<i32>} : memref<16384xf32, #tpu.memory_space<vmem>>, vector<16xf32>,
            %parallel_loop3A_709 = arith.constant 80 : i32
            %parallel_loop3A_710 = arith.addi %parallel_loop3A_672, %parallel_loop3A_709 : i32
            %parallel_loop3A_711 = arith.index_cast %parallel_loop3A_710 : i32 to index
            %parallel_loop3A_712 = tpu.vector_load %arg11[%parallel_loop3A_711] {strides = array<i32>} : memref<16384xf32, #tpu.memory_space<vmem>>, vector<16xf32>,
            tpu.vector_store %arg11[%parallel_loop3A_711], %parallel_loop3A_684 {add = true, strides = array<i32>} : memref<16384xf32, #tpu.memory_space<vmem>>, vector<16xf32>,
            %parallel_loop3A_713 = arith.constant 96 : i32
            %parallel_loop3A_714 = arith.addi %parallel_loop3A_672, %parallel_loop3A_713 : i32
            %parallel_loop3A_715 = arith.index_cast %parallel_loop3A_714 : i32 to index
            %parallel_loop3A_716 = tpu.vector_load %arg11[%parallel_loop3A_715] {strides = array<i32>} : memref<16384xf32, #tpu.memory_space<vmem>>, vector<16xf32>,
            tpu.vector_store %arg11[%parallel_loop3A_715], %parallel_loop3A_686 {add = true, strides = array<i32>} : memref<16384xf32, #tpu.memory_space<vmem>>, vector<16xf32>,
            %parallel_loop3A_717 = arith.constant 112 : i32
            %parallel_loop3A_718 = arith.addi %parallel_loop3A_672, %parallel_loop3A_717 : i32
            %parallel_loop3A_719 = arith.index_cast %parallel_loop3A_718 : i32 to index
            %parallel_loop3A_720 = tpu.vector_load %arg11[%parallel_loop3A_719] {strides = array<i32>} : memref<16384xf32, #tpu.memory_space<vmem>>, vector<16xf32>,
            tpu.vector_store %arg11[%parallel_loop3A_719], %parallel_loop3A_688 {add = true, strides = array<i32>} : memref<16384xf32, #tpu.memory_space<vmem>>, vector<16xf32>,
            %parallel_loop3A_721 = arith.constant 11 : i32
            %parallel_loop3A_722 = vector.broadcast %parallel_loop3A_721 : i32 to vector<16x1xi32>
            %parallel_loop3A_723 = vector.shape_cast %parallel_loop3A_722 : vector<16x1xi32> to vector<16xi32>
            %parallel_loop3A_724 = tpu.dynamic_gather %parallel_loop3A_77[%parallel_loop3A_723] in [0] : vector<16xi32>, vector<16xi32> -> vector<16xi32>
            %parallel_loop3A_725 = arith.constant 11 : i32
            %parallel_loop3A_726 = vector.broadcast %parallel_loop3A_725 : i32 to vector<16x1xi32>
            %parallel_loop3A_727 = vector.shape_cast %parallel_loop3A_726 : vector<16x1xi32> to vector<16xi32>
            %parallel_loop3A_728 = tpu.dynamic_gather %parallel_loop3A_80[%parallel_loop3A_727] in [0] : vector<16xi32>, vector<16xi32> -> vector<16xi32>
            %parallel_loop3A_729 = arith.constant 1408 : i32
            %parallel_loop3A_730 = arith.addi %parallel_loop3A_82, %parallel_loop3A_729 : i32
            %parallel_loop3A_731 = arith.addi %parallel_loop3A_724, %add3A_5 : vector<16xi32>
            %parallel_loop3A_732 = tpu.vector_load_idx %arg9[%parallel_loop3A_731] : memref<19456xf32, #tpu.memory_space<vmem>>[vector<16xi32>], vector<16xf32>,
            %parallel_loop3A_733 = arith.addi %parallel_loop3A_724, %add3A_8 : vector<16xi32>
            %parallel_loop3A_734 = tpu.vector_load_idx %arg9[%parallel_loop3A_733] : memref<19456xf32, #tpu.memory_space<vmem>>[vector<16xi32>], vector<16xf32>,
            %parallel_loop3A_735 = arith.addi %parallel_loop3A_724, %add3A_11 : vector<16xi32>
            %parallel_loop3A_736 = tpu.vector_load_idx %arg9[%parallel_loop3A_735] : memref<19456xf32, #tpu.memory_space<vmem>>[vector<16xi32>], vector<16xf32>,
            %parallel_loop3A_737 = arith.addi %parallel_loop3A_724, %add3A_14 : vector<16xi32>
            %parallel_loop3A_738 = tpu.vector_load_idx %arg9[%parallel_loop3A_737] : memref<19456xf32, #tpu.memory_space<vmem>>[vector<16xi32>], vector<16xf32>,
            %parallel_loop3A_739 = arith.addi %parallel_loop3A_728, %add3A_5 : vector<16xi32>
            %parallel_loop3A_740 = tpu.vector_load_idx %arg9[%parallel_loop3A_739] : memref<19456xf32, #tpu.memory_space<vmem>>[vector<16xi32>], vector<16xf32>,
            %parallel_loop3A_741 = arith.addi %parallel_loop3A_728, %add3A_8 : vector<16xi32>
            %parallel_loop3A_742 = tpu.vector_load_idx %arg9[%parallel_loop3A_741] : memref<19456xf32, #tpu.memory_space<vmem>>[vector<16xi32>], vector<16xf32>,
            %parallel_loop3A_743 = arith.addi %parallel_loop3A_728, %add3A_11 : vector<16xi32>
            %parallel_loop3A_744 = tpu.vector_load_idx %arg9[%parallel_loop3A_743] : memref<19456xf32, #tpu.memory_space<vmem>>[vector<16xi32>], vector<16xf32>,
            %parallel_loop3A_745 = arith.addi %parallel_loop3A_728, %add3A_14 : vector<16xi32>
            %parallel_loop3A_746 = tpu.vector_load_idx %arg9[%parallel_loop3A_745] : memref<19456xf32, #tpu.memory_space<vmem>>[vector<16xi32>], vector<16xf32>,
            %parallel_loop3A_747 = arith.constant 0 : i32
            %parallel_loop3A_748 = arith.addi %parallel_loop3A_730, %parallel_loop3A_747 : i32
            %parallel_loop3A_749 = arith.index_cast %parallel_loop3A_748 : i32 to index
            %parallel_loop3A_750 = tpu.vector_load %arg11[%parallel_loop3A_749] {strides = array<i32>} : memref<16384xf32, #tpu.memory_space<vmem>>, vector<16xf32>,
            tpu.vector_store %arg11[%parallel_loop3A_749], %parallel_loop3A_732 {add = true, strides = array<i32>} : memref<16384xf32, #tpu.memory_space<vmem>>, vector<16xf32>,
            %parallel_loop3A_751 = arith.constant 16 : i32
            %parallel_loop3A_752 = arith.addi %parallel_loop3A_730, %parallel_loop3A_751 : i32
            %parallel_loop3A_753 = arith.index_cast %parallel_loop3A_752 : i32 to index
            %parallel_loop3A_754 = tpu.vector_load %arg11[%parallel_loop3A_753] {strides = array<i32>} : memref<16384xf32, #tpu.memory_space<vmem>>, vector<16xf32>,
            tpu.vector_store %arg11[%parallel_loop3A_753], %parallel_loop3A_734 {add = true, strides = array<i32>} : memref<16384xf32, #tpu.memory_space<vmem>>, vector<16xf32>,
            %parallel_loop3A_755 = arith.constant 32 : i32
            %parallel_loop3A_756 = arith.addi %parallel_loop3A_730, %parallel_loop3A_755 : i32
            %parallel_loop3A_757 = arith.index_cast %parallel_loop3A_756 : i32 to index
            %parallel_loop3A_758 = tpu.vector_load %arg11[%parallel_loop3A_757] {strides = array<i32>} : memref<16384xf32, #tpu.memory_space<vmem>>, vector<16xf32>,
            tpu.vector_store %arg11[%parallel_loop3A_757], %parallel_loop3A_736 {add = true, strides = array<i32>} : memref<16384xf32, #tpu.memory_space<vmem>>, vector<16xf32>,
            %parallel_loop3A_759 = arith.constant 48 : i32
            %parallel_loop3A_760 = arith.addi %parallel_loop3A_730, %parallel_loop3A_759 : i32
            %parallel_loop3A_761 = arith.index_cast %parallel_loop3A_760 : i32 to index
            %parallel_loop3A_762 = tpu.vector_load %arg11[%parallel_loop3A_761] {strides = array<i32>} : memref<16384xf32, #tpu.memory_space<vmem>>, vector<16xf32>,
            tpu.vector_store %arg11[%parallel_loop3A_761], %parallel_loop3A_738 {add = true, strides = array<i32>} : memref<16384xf32, #tpu.memory_space<vmem>>, vector<16xf32>,
            %parallel_loop3A_763 = arith.constant 64 : i32
            %parallel_loop3A_764 = arith.addi %parallel_loop3A_730, %parallel_loop3A_763 : i32
            %parallel_loop3A_765 = arith.index_cast %parallel_loop3A_764 : i32 to index
            %parallel_loop3A_766 = tpu.vector_load %arg11[%parallel_loop3A_765] {strides = array<i32>} : memref<16384xf32, #tpu.memory_space<vmem>>, vector<16xf32>,
            tpu.vector_store %arg11[%parallel_loop3A_765], %parallel_loop3A_740 {add = true, strides = array<i32>} : memref<16384xf32, #tpu.memory_space<vmem>>, vector<16xf32>,
            %parallel_loop3A_767 = arith.constant 80 : i32
            %parallel_loop3A_768 = arith.addi %parallel_loop3A_730, %parallel_loop3A_767 : i32
            %parallel_loop3A_769 = arith.index_cast %parallel_loop3A_768 : i32 to index
            %parallel_loop3A_770 = tpu.vector_load %arg11[%parallel_loop3A_769] {strides = array<i32>} : memref<16384xf32, #tpu.memory_space<vmem>>, vector<16xf32>,
            tpu.vector_store %arg11[%parallel_loop3A_769], %parallel_loop3A_742 {add = true, strides = array<i32>} : memref<16384xf32, #tpu.memory_space<vmem>>, vector<16xf32>,
            %parallel_loop3A_771 = arith.constant 96 : i32
            %parallel_loop3A_772 = arith.addi %parallel_loop3A_730, %parallel_loop3A_771 : i32
            %parallel_loop3A_773 = arith.index_cast %parallel_loop3A_772 : i32 to index
            %parallel_loop3A_774 = tpu.vector_load %arg11[%parallel_loop3A_773] {strides = array<i32>} : memref<16384xf32, #tpu.memory_space<vmem>>, vector<16xf32>,
            tpu.vector_store %arg11[%parallel_loop3A_773], %parallel_loop3A_744 {add = true, strides = array<i32>} : memref<16384xf32, #tpu.memory_space<vmem>>, vector<16xf32>,
            %parallel_loop3A_775 = arith.constant 112 : i32
            %parallel_loop3A_776 = arith.addi %parallel_loop3A_730, %parallel_loop3A_775 : i32
            %parallel_loop3A_777 = arith.index_cast %parallel_loop3A_776 : i32 to index
            %parallel_loop3A_778 = tpu.vector_load %arg11[%parallel_loop3A_777] {strides = array<i32>} : memref<16384xf32, #tpu.memory_space<vmem>>, vector<16xf32>,
            tpu.vector_store %arg11[%parallel_loop3A_777], %parallel_loop3A_746 {add = true, strides = array<i32>} : memref<16384xf32, #tpu.memory_space<vmem>>, vector<16xf32>,
            %parallel_loop3A_779 = arith.constant 12 : i32
            %parallel_loop3A_780 = vector.broadcast %parallel_loop3A_779 : i32 to vector<16x1xi32>
            %parallel_loop3A_781 = vector.shape_cast %parallel_loop3A_780 : vector<16x1xi32> to vector<16xi32>
            %parallel_loop3A_782 = tpu.dynamic_gather %parallel_loop3A_77[%parallel_loop3A_781] in [0] : vector<16xi32>, vector<16xi32> -> vector<16xi32>
            %parallel_loop3A_783 = arith.constant 12 : i32
            %parallel_loop3A_784 = vector.broadcast %parallel_loop3A_783 : i32 to vector<16x1xi32>
            %parallel_loop3A_785 = vector.shape_cast %parallel_loop3A_784 : vector<16x1xi32> to vector<16xi32>
            %parallel_loop3A_786 = tpu.dynamic_gather %parallel_loop3A_80[%parallel_loop3A_785] in [0] : vector<16xi32>, vector<16xi32> -> vector<16xi32>
            %parallel_loop3A_787 = arith.constant 1536 : i32
            %parallel_loop3A_788 = arith.addi %parallel_loop3A_82, %parallel_loop3A_787 : i32
            %parallel_loop3A_789 = arith.addi %parallel_loop3A_782, %add3A_5 : vector<16xi32>
            %parallel_loop3A_790 = tpu.vector_load_idx %arg9[%parallel_loop3A_789] : memref<19456xf32, #tpu.memory_space<vmem>>[vector<16xi32>], vector<16xf32>,
            %parallel_loop3A_791 = arith.addi %parallel_loop3A_782, %add3A_8 : vector<16xi32>
            %parallel_loop3A_792 = tpu.vector_load_idx %arg9[%parallel_loop3A_791] : memref<19456xf32, #tpu.memory_space<vmem>>[vector<16xi32>], vector<16xf32>,
            %parallel_loop3A_793 = arith.addi %parallel_loop3A_782, %add3A_11 : vector<16xi32>
            %parallel_loop3A_794 = tpu.vector_load_idx %arg9[%parallel_loop3A_793] : memref<19456xf32, #tpu.memory_space<vmem>>[vector<16xi32>], vector<16xf32>,
            %parallel_loop3A_795 = arith.addi %parallel_loop3A_782, %add3A_14 : vector<16xi32>
            %parallel_loop3A_796 = tpu.vector_load_idx %arg9[%parallel_loop3A_795] : memref<19456xf32, #tpu.memory_space<vmem>>[vector<16xi32>], vector<16xf32>,
            %parallel_loop3A_797 = arith.addi %parallel_loop3A_786, %add3A_5 : vector<16xi32>
            %parallel_loop3A_798 = tpu.vector_load_idx %arg9[%parallel_loop3A_797] : memref<19456xf32, #tpu.memory_space<vmem>>[vector<16xi32>], vector<16xf32>,
            %parallel_loop3A_799 = arith.addi %parallel_loop3A_786, %add3A_8 : vector<16xi32>
            %parallel_loop3A_800 = tpu.vector_load_idx %arg9[%parallel_loop3A_799] : memref<19456xf32, #tpu.memory_space<vmem>>[vector<16xi32>], vector<16xf32>,
            %parallel_loop3A_801 = arith.addi %parallel_loop3A_786, %add3A_11 : vector<16xi32>
            %parallel_loop3A_802 = tpu.vector_load_idx %arg9[%parallel_loop3A_801] : memref<19456xf32, #tpu.memory_space<vmem>>[vector<16xi32>], vector<16xf32>,
            %parallel_loop3A_803 = arith.addi %parallel_loop3A_786, %add3A_14 : vector<16xi32>
            %parallel_loop3A_804 = tpu.vector_load_idx %arg9[%parallel_loop3A_803] : memref<19456xf32, #tpu.memory_space<vmem>>[vector<16xi32>], vector<16xf32>,
            %parallel_loop3A_805 = arith.constant 0 : i32
            %parallel_loop3A_806 = arith.addi %parallel_loop3A_788, %parallel_loop3A_805 : i32
            %parallel_loop3A_807 = arith.index_cast %parallel_loop3A_806 : i32 to index
            %parallel_loop3A_808 = tpu.vector_load %arg11[%parallel_loop3A_807] {strides = array<i32>} : memref<16384xf32, #tpu.memory_space<vmem>>, vector<16xf32>,
            tpu.vector_store %arg11[%parallel_loop3A_807], %parallel_loop3A_790 {add = true, strides = array<i32>} : memref<16384xf32, #tpu.memory_space<vmem>>, vector<16xf32>,
            %parallel_loop3A_809 = arith.constant 16 : i32
            %parallel_loop3A_810 = arith.addi %parallel_loop3A_788, %parallel_loop3A_809 : i32
            %parallel_loop3A_811 = arith.index_cast %parallel_loop3A_810 : i32 to index
            %parallel_loop3A_812 = tpu.vector_load %arg11[%parallel_loop3A_811] {strides = array<i32>} : memref<16384xf32, #tpu.memory_space<vmem>>, vector<16xf32>,
            tpu.vector_store %arg11[%parallel_loop3A_811], %parallel_loop3A_792 {add = true, strides = array<i32>} : memref<16384xf32, #tpu.memory_space<vmem>>, vector<16xf32>,
            %parallel_loop3A_813 = arith.constant 32 : i32
            %parallel_loop3A_814 = arith.addi %parallel_loop3A_788, %parallel_loop3A_813 : i32
            %parallel_loop3A_815 = arith.index_cast %parallel_loop3A_814 : i32 to index
            %parallel_loop3A_816 = tpu.vector_load %arg11[%parallel_loop3A_815] {strides = array<i32>} : memref<16384xf32, #tpu.memory_space<vmem>>, vector<16xf32>,
            tpu.vector_store %arg11[%parallel_loop3A_815], %parallel_loop3A_794 {add = true, strides = array<i32>} : memref<16384xf32, #tpu.memory_space<vmem>>, vector<16xf32>,
            %parallel_loop3A_817 = arith.constant 48 : i32
            %parallel_loop3A_818 = arith.addi %parallel_loop3A_788, %parallel_loop3A_817 : i32
            %parallel_loop3A_819 = arith.index_cast %parallel_loop3A_818 : i32 to index
            %parallel_loop3A_820 = tpu.vector_load %arg11[%parallel_loop3A_819] {strides = array<i32>} : memref<16384xf32, #tpu.memory_space<vmem>>, vector<16xf32>,
            tpu.vector_store %arg11[%parallel_loop3A_819], %parallel_loop3A_796 {add = true, strides = array<i32>} : memref<16384xf32, #tpu.memory_space<vmem>>, vector<16xf32>,
            %parallel_loop3A_821 = arith.constant 64 : i32
            %parallel_loop3A_822 = arith.addi %parallel_loop3A_788, %parallel_loop3A_821 : i32
            %parallel_loop3A_823 = arith.index_cast %parallel_loop3A_822 : i32 to index
            %parallel_loop3A_824 = tpu.vector_load %arg11[%parallel_loop3A_823] {strides = array<i32>} : memref<16384xf32, #tpu.memory_space<vmem>>, vector<16xf32>,
            tpu.vector_store %arg11[%parallel_loop3A_823], %parallel_loop3A_798 {add = true, strides = array<i32>} : memref<16384xf32, #tpu.memory_space<vmem>>, vector<16xf32>,
            %parallel_loop3A_825 = arith.constant 80 : i32
            %parallel_loop3A_826 = arith.addi %parallel_loop3A_788, %parallel_loop3A_825 : i32
            %parallel_loop3A_827 = arith.index_cast %parallel_loop3A_826 : i32 to index
            %parallel_loop3A_828 = tpu.vector_load %arg11[%parallel_loop3A_827] {strides = array<i32>} : memref<16384xf32, #tpu.memory_space<vmem>>, vector<16xf32>,
            tpu.vector_store %arg11[%parallel_loop3A_827], %parallel_loop3A_800 {add = true, strides = array<i32>} : memref<16384xf32, #tpu.memory_space<vmem>>, vector<16xf32>,
            %parallel_loop3A_829 = arith.constant 96 : i32
            %parallel_loop3A_830 = arith.addi %parallel_loop3A_788, %parallel_loop3A_829 : i32
            %parallel_loop3A_831 = arith.index_cast %parallel_loop3A_830 : i32 to index
            %parallel_loop3A_832 = tpu.vector_load %arg11[%parallel_loop3A_831] {strides = array<i32>} : memref<16384xf32, #tpu.memory_space<vmem>>, vector<16xf32>,
            tpu.vector_store %arg11[%parallel_loop3A_831], %parallel_loop3A_802 {add = true, strides = array<i32>} : memref<16384xf32, #tpu.memory_space<vmem>>, vector<16xf32>,
            %parallel_loop3A_833 = arith.constant 112 : i32
            %parallel_loop3A_834 = arith.addi %parallel_loop3A_788, %parallel_loop3A_833 : i32
            %parallel_loop3A_835 = arith.index_cast %parallel_loop3A_834 : i32 to index
            %parallel_loop3A_836 = tpu.vector_load %arg11[%parallel_loop3A_835] {strides = array<i32>} : memref<16384xf32, #tpu.memory_space<vmem>>, vector<16xf32>,
            tpu.vector_store %arg11[%parallel_loop3A_835], %parallel_loop3A_804 {add = true, strides = array<i32>} : memref<16384xf32, #tpu.memory_space<vmem>>, vector<16xf32>,
            %parallel_loop3A_837 = arith.constant 13 : i32
            %parallel_loop3A_838 = vector.broadcast %parallel_loop3A_837 : i32 to vector<16x1xi32>
            %parallel_loop3A_839 = vector.shape_cast %parallel_loop3A_838 : vector<16x1xi32> to vector<16xi32>
            %parallel_loop3A_840 = tpu.dynamic_gather %parallel_loop3A_77[%parallel_loop3A_839] in [0] : vector<16xi32>, vector<16xi32> -> vector<16xi32>
            %parallel_loop3A_841 = arith.constant 13 : i32
            %parallel_loop3A_842 = vector.broadcast %parallel_loop3A_841 : i32 to vector<16x1xi32>
            %parallel_loop3A_843 = vector.shape_cast %parallel_loop3A_842 : vector<16x1xi32> to vector<16xi32>
            %parallel_loop3A_844 = tpu.dynamic_gather %parallel_loop3A_80[%parallel_loop3A_843] in [0] : vector<16xi32>, vector<16xi32> -> vector<16xi32>
            %parallel_loop3A_845 = arith.constant 1664 : i32
            %parallel_loop3A_846 = arith.addi %parallel_loop3A_82, %parallel_loop3A_845 : i32
            %parallel_loop3A_847 = arith.addi %parallel_loop3A_840, %add3A_5 : vector<16xi32>
            %parallel_loop3A_848 = tpu.vector_load_idx %arg9[%parallel_loop3A_847] : memref<19456xf32, #tpu.memory_space<vmem>>[vector<16xi32>], vector<16xf32>,
            %parallel_loop3A_849 = arith.addi %parallel_loop3A_840, %add3A_8 : vector<16xi32>
            %parallel_loop3A_850 = tpu.vector_load_idx %arg9[%parallel_loop3A_849] : memref<19456xf32, #tpu.memory_space<vmem>>[vector<16xi32>], vector<16xf32>,
            %parallel_loop3A_851 = arith.addi %parallel_loop3A_840, %add3A_11 : vector<16xi32>
            %parallel_loop3A_852 = tpu.vector_load_idx %arg9[%parallel_loop3A_851] : memref<19456xf32, #tpu.memory_space<vmem>>[vector<16xi32>], vector<16xf32>,
            %parallel_loop3A_853 = arith.addi %parallel_loop3A_840, %add3A_14 : vector<16xi32>
            %parallel_loop3A_854 = tpu.vector_load_idx %arg9[%parallel_loop3A_853] : memref<19456xf32, #tpu.memory_space<vmem>>[vector<16xi32>], vector<16xf32>,
            %parallel_loop3A_855 = arith.addi %parallel_loop3A_844, %add3A_5 : vector<16xi32>
            %parallel_loop3A_856 = tpu.vector_load_idx %arg9[%parallel_loop3A_855] : memref<19456xf32, #tpu.memory_space<vmem>>[vector<16xi32>], vector<16xf32>,
            %parallel_loop3A_857 = arith.addi %parallel_loop3A_844, %add3A_8 : vector<16xi32>
            %parallel_loop3A_858 = tpu.vector_load_idx %arg9[%parallel_loop3A_857] : memref<19456xf32, #tpu.memory_space<vmem>>[vector<16xi32>], vector<16xf32>,
            %parallel_loop3A_859 = arith.addi %parallel_loop3A_844, %add3A_11 : vector<16xi32>
            %parallel_loop3A_860 = tpu.vector_load_idx %arg9[%parallel_loop3A_859] : memref<19456xf32, #tpu.memory_space<vmem>>[vector<16xi32>], vector<16xf32>,
            %parallel_loop3A_861 = arith.addi %parallel_loop3A_844, %add3A_14 : vector<16xi32>
            %parallel_loop3A_862 = tpu.vector_load_idx %arg9[%parallel_loop3A_861] : memref<19456xf32, #tpu.memory_space<vmem>>[vector<16xi32>], vector<16xf32>,
            %parallel_loop3A_863 = arith.constant 0 : i32
            %parallel_loop3A_864 = arith.addi %parallel_loop3A_846, %parallel_loop3A_863 : i32
            %parallel_loop3A_865 = arith.index_cast %parallel_loop3A_864 : i32 to index
            %parallel_loop3A_866 = tpu.vector_load %arg11[%parallel_loop3A_865] {strides = array<i32>} : memref<16384xf32, #tpu.memory_space<vmem>>, vector<16xf32>,
            tpu.vector_store %arg11[%parallel_loop3A_865], %parallel_loop3A_848 {add = true, strides = array<i32>} : memref<16384xf32, #tpu.memory_space<vmem>>, vector<16xf32>,
            %parallel_loop3A_867 = arith.constant 16 : i32
            %parallel_loop3A_868 = arith.addi %parallel_loop3A_846, %parallel_loop3A_867 : i32
            %parallel_loop3A_869 = arith.index_cast %parallel_loop3A_868 : i32 to index
            %parallel_loop3A_870 = tpu.vector_load %arg11[%parallel_loop3A_869] {strides = array<i32>} : memref<16384xf32, #tpu.memory_space<vmem>>, vector<16xf32>,
            tpu.vector_store %arg11[%parallel_loop3A_869], %parallel_loop3A_850 {add = true, strides = array<i32>} : memref<16384xf32, #tpu.memory_space<vmem>>, vector<16xf32>,
            %parallel_loop3A_871 = arith.constant 32 : i32
            %parallel_loop3A_872 = arith.addi %parallel_loop3A_846, %parallel_loop3A_871 : i32
            %parallel_loop3A_873 = arith.index_cast %parallel_loop3A_872 : i32 to index
            %parallel_loop3A_874 = tpu.vector_load %arg11[%parallel_loop3A_873] {strides = array<i32>} : memref<16384xf32, #tpu.memory_space<vmem>>, vector<16xf32>,
            tpu.vector_store %arg11[%parallel_loop3A_873], %parallel_loop3A_852 {add = true, strides = array<i32>} : memref<16384xf32, #tpu.memory_space<vmem>>, vector<16xf32>,
            %parallel_loop3A_875 = arith.constant 48 : i32
            %parallel_loop3A_876 = arith.addi %parallel_loop3A_846, %parallel_loop3A_875 : i32
            %parallel_loop3A_877 = arith.index_cast %parallel_loop3A_876 : i32 to index
            %parallel_loop3A_878 = tpu.vector_load %arg11[%parallel_loop3A_877] {strides = array<i32>} : memref<16384xf32, #tpu.memory_space<vmem>>, vector<16xf32>,
            tpu.vector_store %arg11[%parallel_loop3A_877], %parallel_loop3A_854 {add = true, strides = array<i32>} : memref<16384xf32, #tpu.memory_space<vmem>>, vector<16xf32>,
            %parallel_loop3A_879 = arith.constant 64 : i32
            %parallel_loop3A_880 = arith.addi %parallel_loop3A_846, %parallel_loop3A_879 : i32
            %parallel_loop3A_881 = arith.index_cast %parallel_loop3A_880 : i32 to index
            %parallel_loop3A_882 = tpu.vector_load %arg11[%parallel_loop3A_881] {strides = array<i32>} : memref<16384xf32, #tpu.memory_space<vmem>>, vector<16xf32>,
            tpu.vector_store %arg11[%parallel_loop3A_881], %parallel_loop3A_856 {add = true, strides = array<i32>} : memref<16384xf32, #tpu.memory_space<vmem>>, vector<16xf32>,
            %parallel_loop3A_883 = arith.constant 80 : i32
            %parallel_loop3A_884 = arith.addi %parallel_loop3A_846, %parallel_loop3A_883 : i32
            %parallel_loop3A_885 = arith.index_cast %parallel_loop3A_884 : i32 to index
            %parallel_loop3A_886 = tpu.vector_load %arg11[%parallel_loop3A_885] {strides = array<i32>} : memref<16384xf32, #tpu.memory_space<vmem>>, vector<16xf32>,
            tpu.vector_store %arg11[%parallel_loop3A_885], %parallel_loop3A_858 {add = true, strides = array<i32>} : memref<16384xf32, #tpu.memory_space<vmem>>, vector<16xf32>,
            %parallel_loop3A_887 = arith.constant 96 : i32
            %parallel_loop3A_888 = arith.addi %parallel_loop3A_846, %parallel_loop3A_887 : i32
            %parallel_loop3A_889 = arith.index_cast %parallel_loop3A_888 : i32 to index
            %parallel_loop3A_890 = tpu.vector_load %arg11[%parallel_loop3A_889] {strides = array<i32>} : memref<16384xf32, #tpu.memory_space<vmem>>, vector<16xf32>,
            tpu.vector_store %arg11[%parallel_loop3A_889], %parallel_loop3A_860 {add = true, strides = array<i32>} : memref<16384xf32, #tpu.memory_space<vmem>>, vector<16xf32>,
            %parallel_loop3A_891 = arith.constant 112 : i32
            %parallel_loop3A_892 = arith.addi %parallel_loop3A_846, %parallel_loop3A_891 : i32
            %parallel_loop3A_893 = arith.index_cast %parallel_loop3A_892 : i32 to index
            %parallel_loop3A_894 = tpu.vector_load %arg11[%parallel_loop3A_893] {strides = array<i32>} : memref<16384xf32, #tpu.memory_space<vmem>>, vector<16xf32>,
            tpu.vector_store %arg11[%parallel_loop3A_893], %parallel_loop3A_862 {add = true, strides = array<i32>} : memref<16384xf32, #tpu.memory_space<vmem>>, vector<16xf32>,
            %parallel_loop3A_895 = arith.constant 14 : i32
            %parallel_loop3A_896 = vector.broadcast %parallel_loop3A_895 : i32 to vector<16x1xi32>
            %parallel_loop3A_897 = vector.shape_cast %parallel_loop3A_896 : vector<16x1xi32> to vector<16xi32>
            %parallel_loop3A_898 = tpu.dynamic_gather %parallel_loop3A_77[%parallel_loop3A_897] in [0] : vector<16xi32>, vector<16xi32> -> vector<16xi32>
            %parallel_loop3A_899 = arith.constant 14 : i32
            %parallel_loop3A_900 = vector.broadcast %parallel_loop3A_899 : i32 to vector<16x1xi32>
            %parallel_loop3A_901 = vector.shape_cast %parallel_loop3A_900 : vector<16x1xi32> to vector<16xi32>
            %parallel_loop3A_902 = tpu.dynamic_gather %parallel_loop3A_80[%parallel_loop3A_901] in [0] : vector<16xi32>, vector<16xi32> -> vector<16xi32>
            %parallel_loop3A_903 = arith.constant 1792 : i32
            %parallel_loop3A_904 = arith.addi %parallel_loop3A_82, %parallel_loop3A_903 : i32
            %parallel_loop3A_905 = arith.addi %parallel_loop3A_898, %add3A_5 : vector<16xi32>
            %parallel_loop3A_906 = tpu.vector_load_idx %arg9[%parallel_loop3A_905] : memref<19456xf32, #tpu.memory_space<vmem>>[vector<16xi32>], vector<16xf32>,
            %parallel_loop3A_907 = arith.addi %parallel_loop3A_898, %add3A_8 : vector<16xi32>
            %parallel_loop3A_908 = tpu.vector_load_idx %arg9[%parallel_loop3A_907] : memref<19456xf32, #tpu.memory_space<vmem>>[vector<16xi32>], vector<16xf32>,
            %parallel_loop3A_909 = arith.addi %parallel_loop3A_898, %add3A_11 : vector<16xi32>
            %parallel_loop3A_910 = tpu.vector_load_idx %arg9[%parallel_loop3A_909] : memref<19456xf32, #tpu.memory_space<vmem>>[vector<16xi32>], vector<16xf32>,
            %parallel_loop3A_911 = arith.addi %parallel_loop3A_898, %add3A_14 : vector<16xi32>
            %parallel_loop3A_912 = tpu.vector_load_idx %arg9[%parallel_loop3A_911] : memref<19456xf32, #tpu.memory_space<vmem>>[vector<16xi32>], vector<16xf32>,
            %parallel_loop3A_913 = arith.addi %parallel_loop3A_902, %add3A_5 : vector<16xi32>
            %parallel_loop3A_914 = tpu.vector_load_idx %arg9[%parallel_loop3A_913] : memref<19456xf32, #tpu.memory_space<vmem>>[vector<16xi32>], vector<16xf32>,
            %parallel_loop3A_915 = arith.addi %parallel_loop3A_902, %add3A_8 : vector<16xi32>
            %parallel_loop3A_916 = tpu.vector_load_idx %arg9[%parallel_loop3A_915] : memref<19456xf32, #tpu.memory_space<vmem>>[vector<16xi32>], vector<16xf32>,
            %parallel_loop3A_917 = arith.addi %parallel_loop3A_902, %add3A_11 : vector<16xi32>
            %parallel_loop3A_918 = tpu.vector_load_idx %arg9[%parallel_loop3A_917] : memref<19456xf32, #tpu.memory_space<vmem>>[vector<16xi32>], vector<16xf32>,
            %parallel_loop3A_919 = arith.addi %parallel_loop3A_902, %add3A_14 : vector<16xi32>
            %parallel_loop3A_920 = tpu.vector_load_idx %arg9[%parallel_loop3A_919] : memref<19456xf32, #tpu.memory_space<vmem>>[vector<16xi32>], vector<16xf32>,
            %parallel_loop3A_921 = arith.constant 0 : i32
            %parallel_loop3A_922 = arith.addi %parallel_loop3A_904, %parallel_loop3A_921 : i32
            %parallel_loop3A_923 = arith.index_cast %parallel_loop3A_922 : i32 to index
            %parallel_loop3A_924 = tpu.vector_load %arg11[%parallel_loop3A_923] {strides = array<i32>} : memref<16384xf32, #tpu.memory_space<vmem>>, vector<16xf32>,
            tpu.vector_store %arg11[%parallel_loop3A_923], %parallel_loop3A_906 {add = true, strides = array<i32>} : memref<16384xf32, #tpu.memory_space<vmem>>, vector<16xf32>,
            %parallel_loop3A_925 = arith.constant 16 : i32
            %parallel_loop3A_926 = arith.addi %parallel_loop3A_904, %parallel_loop3A_925 : i32
            %parallel_loop3A_927 = arith.index_cast %parallel_loop3A_926 : i32 to index
            %parallel_loop3A_928 = tpu.vector_load %arg11[%parallel_loop3A_927] {strides = array<i32>} : memref<16384xf32, #tpu.memory_space<vmem>>, vector<16xf32>,
            tpu.vector_store %arg11[%parallel_loop3A_927], %parallel_loop3A_908 {add = true, strides = array<i32>} : memref<16384xf32, #tpu.memory_space<vmem>>, vector<16xf32>,
            %parallel_loop3A_929 = arith.constant 32 : i32
            %parallel_loop3A_930 = arith.addi %parallel_loop3A_904, %parallel_loop3A_929 : i32
            %parallel_loop3A_931 = arith.index_cast %parallel_loop3A_930 : i32 to index
            %parallel_loop3A_932 = tpu.vector_load %arg11[%parallel_loop3A_931] {strides = array<i32>} : memref<16384xf32, #tpu.memory_space<vmem>>, vector<16xf32>,
            tpu.vector_store %arg11[%parallel_loop3A_931], %parallel_loop3A_910 {add = true, strides = array<i32>} : memref<16384xf32, #tpu.memory_space<vmem>>, vector<16xf32>,
            %parallel_loop3A_933 = arith.constant 48 : i32
            %parallel_loop3A_934 = arith.addi %parallel_loop3A_904, %parallel_loop3A_933 : i32
            %parallel_loop3A_935 = arith.index_cast %parallel_loop3A_934 : i32 to index
            %parallel_loop3A_936 = tpu.vector_load %arg11[%parallel_loop3A_935] {strides = array<i32>} : memref<16384xf32, #tpu.memory_space<vmem>>, vector<16xf32>,
            tpu.vector_store %arg11[%parallel_loop3A_935], %parallel_loop3A_912 {add = true, strides = array<i32>} : memref<16384xf32, #tpu.memory_space<vmem>>, vector<16xf32>,
            %parallel_loop3A_937 = arith.constant 64 : i32
            %parallel_loop3A_938 = arith.addi %parallel_loop3A_904, %parallel_loop3A_937 : i32
            %parallel_loop3A_939 = arith.index_cast %parallel_loop3A_938 : i32 to index
            %parallel_loop3A_940 = tpu.vector_load %arg11[%parallel_loop3A_939] {strides = array<i32>} : memref<16384xf32, #tpu.memory_space<vmem>>, vector<16xf32>,
            tpu.vector_store %arg11[%parallel_loop3A_939], %parallel_loop3A_914 {add = true, strides = array<i32>} : memref<16384xf32, #tpu.memory_space<vmem>>, vector<16xf32>,
            %parallel_loop3A_941 = arith.constant 80 : i32
            %parallel_loop3A_942 = arith.addi %parallel_loop3A_904, %parallel_loop3A_941 : i32
            %parallel_loop3A_943 = arith.index_cast %parallel_loop3A_942 : i32 to index
            %parallel_loop3A_944 = tpu.vector_load %arg11[%parallel_loop3A_943] {strides = array<i32>} : memref<16384xf32, #tpu.memory_space<vmem>>, vector<16xf32>,
            tpu.vector_store %arg11[%parallel_loop3A_943], %parallel_loop3A_916 {add = true, strides = array<i32>} : memref<16384xf32, #tpu.memory_space<vmem>>, vector<16xf32>,
            %parallel_loop3A_945 = arith.constant 96 : i32
            %parallel_loop3A_946 = arith.addi %parallel_loop3A_904, %parallel_loop3A_945 : i32
            %parallel_loop3A_947 = arith.index_cast %parallel_loop3A_946 : i32 to index
            %parallel_loop3A_948 = tpu.vector_load %arg11[%parallel_loop3A_947] {strides = array<i32>} : memref<16384xf32, #tpu.memory_space<vmem>>, vector<16xf32>,
            tpu.vector_store %arg11[%parallel_loop3A_947], %parallel_loop3A_918 {add = true, strides = array<i32>} : memref<16384xf32, #tpu.memory_space<vmem>>, vector<16xf32>,
            %parallel_loop3A_949 = arith.constant 112 : i32
            %parallel_loop3A_950 = arith.addi %parallel_loop3A_904, %parallel_loop3A_949 : i32
            %parallel_loop3A_951 = arith.index_cast %parallel_loop3A_950 : i32 to index
            %parallel_loop3A_952 = tpu.vector_load %arg11[%parallel_loop3A_951] {strides = array<i32>} : memref<16384xf32, #tpu.memory_space<vmem>>, vector<16xf32>,
            tpu.vector_store %arg11[%parallel_loop3A_951], %parallel_loop3A_920 {add = true, strides = array<i32>} : memref<16384xf32, #tpu.memory_space<vmem>>, vector<16xf32>,
            %parallel_loop3A_953 = arith.constant 15 : i32
            %parallel_loop3A_954 = vector.broadcast %parallel_loop3A_953 : i32 to vector<16x1xi32>
            %parallel_loop3A_955 = vector.shape_cast %parallel_loop3A_954 : vector<16x1xi32> to vector<16xi32>
            %parallel_loop3A_956 = tpu.dynamic_gather %parallel_loop3A_77[%parallel_loop3A_955] in [0] : vector<16xi32>, vector<16xi32> -> vector<16xi32>
            %parallel_loop3A_957 = arith.constant 15 : i32
            %parallel_loop3A_958 = vector.broadcast %parallel_loop3A_957 : i32 to vector<16x1xi32>
            %parallel_loop3A_959 = vector.shape_cast %parallel_loop3A_958 : vector<16x1xi32> to vector<16xi32>
            %parallel_loop3A_960 = tpu.dynamic_gather %parallel_loop3A_80[%parallel_loop3A_959] in [0] : vector<16xi32>, vector<16xi32> -> vector<16xi32>
            %parallel_loop3A_961 = arith.constant 1920 : i32
            %parallel_loop3A_962 = arith.addi %parallel_loop3A_82, %parallel_loop3A_961 : i32
            %parallel_loop3A_963 = arith.addi %parallel_loop3A_956, %add3A_5 : vector<16xi32>
            %parallel_loop3A_964 = tpu.vector_load_idx %arg9[%parallel_loop3A_963] : memref<19456xf32, #tpu.memory_space<vmem>>[vector<16xi32>], vector<16xf32>,
            %parallel_loop3A_965 = arith.addi %parallel_loop3A_956, %add3A_8 : vector<16xi32>
            %parallel_loop3A_966 = tpu.vector_load_idx %arg9[%parallel_loop3A_965] : memref<19456xf32, #tpu.memory_space<vmem>>[vector<16xi32>], vector<16xf32>,
            %parallel_loop3A_967 = arith.addi %parallel_loop3A_956, %add3A_11 : vector<16xi32>
            %parallel_loop3A_968 = tpu.vector_load_idx %arg9[%parallel_loop3A_967] : memref<19456xf32, #tpu.memory_space<vmem>>[vector<16xi32>], vector<16xf32>,
            %parallel_loop3A_969 = arith.addi %parallel_loop3A_956, %add3A_14 : vector<16xi32>
            %parallel_loop3A_970 = tpu.vector_load_idx %arg9[%parallel_loop3A_969] : memref<19456xf32, #tpu.memory_space<vmem>>[vector<16xi32>], vector<16xf32>,
            %parallel_loop3A_971 = arith.addi %parallel_loop3A_960, %add3A_5 : vector<16xi32>
            %parallel_loop3A_972 = tpu.vector_load_idx %arg9[%parallel_loop3A_971] : memref<19456xf32, #tpu.memory_space<vmem>>[vector<16xi32>], vector<16xf32>,
            %parallel_loop3A_973 = arith.addi %parallel_loop3A_960, %add3A_8 : vector<16xi32>
            %parallel_loop3A_974 = tpu.vector_load_idx %arg9[%parallel_loop3A_973] : memref<19456xf32, #tpu.memory_space<vmem>>[vector<16xi32>], vector<16xf32>,
            %parallel_loop3A_975 = arith.addi %parallel_loop3A_960, %add3A_11 : vector<16xi32>
            %parallel_loop3A_976 = tpu.vector_load_idx %arg9[%parallel_loop3A_975] : memref<19456xf32, #tpu.memory_space<vmem>>[vector<16xi32>], vector<16xf32>,
            %parallel_loop3A_977 = arith.addi %parallel_loop3A_960, %add3A_14 : vector<16xi32>
            %parallel_loop3A_978 = tpu.vector_load_idx %arg9[%parallel_loop3A_977] : memref<19456xf32, #tpu.memory_space<vmem>>[vector<16xi32>], vector<16xf32>,
            %parallel_loop3A_979 = arith.constant 0 : i32
            %parallel_loop3A_980 = arith.addi %parallel_loop3A_962, %parallel_loop3A_979 : i32
            %parallel_loop3A_981 = arith.index_cast %parallel_loop3A_980 : i32 to index
            %parallel_loop3A_982 = tpu.vector_load %arg11[%parallel_loop3A_981] {strides = array<i32>} : memref<16384xf32, #tpu.memory_space<vmem>>, vector<16xf32>,
            tpu.vector_store %arg11[%parallel_loop3A_981], %parallel_loop3A_964 {add = true, strides = array<i32>} : memref<16384xf32, #tpu.memory_space<vmem>>, vector<16xf32>,
            %parallel_loop3A_983 = arith.constant 16 : i32
            %parallel_loop3A_984 = arith.addi %parallel_loop3A_962, %parallel_loop3A_983 : i32
            %parallel_loop3A_985 = arith.index_cast %parallel_loop3A_984 : i32 to index
            %parallel_loop3A_986 = tpu.vector_load %arg11[%parallel_loop3A_985] {strides = array<i32>} : memref<16384xf32, #tpu.memory_space<vmem>>, vector<16xf32>,
            tpu.vector_store %arg11[%parallel_loop3A_985], %parallel_loop3A_966 {add = true, strides = array<i32>} : memref<16384xf32, #tpu.memory_space<vmem>>, vector<16xf32>,
            %parallel_loop3A_987 = arith.constant 32 : i32
            %parallel_loop3A_988 = arith.addi %parallel_loop3A_962, %parallel_loop3A_987 : i32
            %parallel_loop3A_989 = arith.index_cast %parallel_loop3A_988 : i32 to index
            %parallel_loop3A_990 = tpu.vector_load %arg11[%parallel_loop3A_989] {strides = array<i32>} : memref<16384xf32, #tpu.memory_space<vmem>>, vector<16xf32>,
            tpu.vector_store %arg11[%parallel_loop3A_989], %parallel_loop3A_968 {add = true, strides = array<i32>} : memref<16384xf32, #tpu.memory_space<vmem>>, vector<16xf32>,
            %parallel_loop3A_991 = arith.constant 48 : i32
            %parallel_loop3A_992 = arith.addi %parallel_loop3A_962, %parallel_loop3A_991 : i32
            %parallel_loop3A_993 = arith.index_cast %parallel_loop3A_992 : i32 to index
            %parallel_loop3A_994 = tpu.vector_load %arg11[%parallel_loop3A_993] {strides = array<i32>} : memref<16384xf32, #tpu.memory_space<vmem>>, vector<16xf32>,
            tpu.vector_store %arg11[%parallel_loop3A_993], %parallel_loop3A_970 {add = true, strides = array<i32>} : memref<16384xf32, #tpu.memory_space<vmem>>, vector<16xf32>,
            %parallel_loop3A_995 = arith.constant 64 : i32
            %parallel_loop3A_996 = arith.addi %parallel_loop3A_962, %parallel_loop3A_995 : i32
            %parallel_loop3A_997 = arith.index_cast %parallel_loop3A_996 : i32 to index
            %parallel_loop3A_998 = tpu.vector_load %arg11[%parallel_loop3A_997] {strides = array<i32>} : memref<16384xf32, #tpu.memory_space<vmem>>, vector<16xf32>,
            tpu.vector_store %arg11[%parallel_loop3A_997], %parallel_loop3A_972 {add = true, strides = array<i32>} : memref<16384xf32, #tpu.memory_space<vmem>>, vector<16xf32>,
            %parallel_loop3A_999 = arith.constant 80 : i32
            %parallel_loop3A_1000 = arith.addi %parallel_loop3A_962, %parallel_loop3A_999 : i32
            %parallel_loop3A_1001 = arith.index_cast %parallel_loop3A_1000 : i32 to index
            %parallel_loop3A_1002 = tpu.vector_load %arg11[%parallel_loop3A_1001] {strides = array<i32>} : memref<16384xf32, #tpu.memory_space<vmem>>, vector<16xf32>,
            tpu.vector_store %arg11[%parallel_loop3A_1001], %parallel_loop3A_974 {add = true, strides = array<i32>} : memref<16384xf32, #tpu.memory_space<vmem>>, vector<16xf32>,
            %parallel_loop3A_1003 = arith.constant 96 : i32
            %parallel_loop3A_1004 = arith.addi %parallel_loop3A_962, %parallel_loop3A_1003 : i32
            %parallel_loop3A_1005 = arith.index_cast %parallel_loop3A_1004 : i32 to index
            %parallel_loop3A_1006 = tpu.vector_load %arg11[%parallel_loop3A_1005] {strides = array<i32>} : memref<16384xf32, #tpu.memory_space<vmem>>, vector<16xf32>,
            tpu.vector_store %arg11[%parallel_loop3A_1005], %parallel_loop3A_976 {add = true, strides = array<i32>} : memref<16384xf32, #tpu.memory_space<vmem>>, vector<16xf32>,
            %parallel_loop3A_1007 = arith.constant 112 : i32
            %parallel_loop3A_1008 = arith.addi %parallel_loop3A_962, %parallel_loop3A_1007 : i32
            %parallel_loop3A_1009 = arith.index_cast %parallel_loop3A_1008 : i32 to index
            %parallel_loop3A_1010 = tpu.vector_load %arg11[%parallel_loop3A_1009] {strides = array<i32>} : memref<16384xf32, #tpu.memory_space<vmem>>, vector<16xf32>,
            tpu.vector_store %arg11[%parallel_loop3A_1009], %parallel_loop3A_978 {add = true, strides = array<i32>} : memref<16384xf32, #tpu.memory_space<vmem>>, vector<16xf32>,
          } {sc.loop_unroll_factor = 2 : i64, sc.parallel_access}
          %mul3A_64 = arith.constant 128 : i32
          %mul3A_65 = arith.muli %scan3A_36, %mul3A_64 : i32
          %add3A_66 = arith.addi %mul3A_2, %mul3A_65 : i32
          %mul3A_67 = arith.constant 128 : i32
          %mul3A_68 = arith.muli %add3A_66, %mul3A_67 : i32
          %dma_start3A_69 = tpu.memref_slice %arg6[%mul3A_68] : memref<26214400xf32, #tpu.memory_space<hbm>> -> memref<16384xf32, #tpu.memory_space<hbm>>
          %dma_start3A_70 = tpu.memref_slice %arg6[%mul3A_68] : memref<26214400xf32, #tpu.memory_space<hbm>> -> memref<16384xf32, #tpu.memory_space<hbm>>
          tpu.enqueue_dma source(%arg11 : memref<16384xf32, #tpu.memory_space<vmem>>) target(%dma_start3A_70 : memref<16384xf32, #tpu.memory_space<hbm>>) target_semaphore(%arg17 : memref<!tpu.dma_semaphore, #tpu.memory_space<semaphore_mem>>)
          %cond3A_71 = arith.constant 0 : i32
          scf.yield %cond3A_71 : i32
        }
        scf.yield %cond3A_48 : i32
      } else {
        %add3A_44 = arith.constant 1 : i32
        %add3A_45 = arith.addi %scan3A_36, %add3A_44 : i32
        %lt3A = arith.constant 50 : i32
        %lt3A_46 = arith.cmpi slt, %add3A_45, %lt3A : i32
        %convert_element_type3A = arith.extui %lt3A_46 : i1 to i32
        %cond3A_47 = arith.constant 0 : i32
        %cond3A_48 = arith.constant 0 : i32
        %cond3A_49 = arith.cmpi ne, %convert_element_type3A, %cond3A_48 : i32
        %cond3A_50 = scf.if %cond3A_49 -> (i32) {
          %ge3A = arith.constant 2 : i32
          %ge3A_67 = arith.cmpi sge, %scan3A_36, %ge3A : i32
          %convert_element_type3A_68 = arith.extui %ge3A_67 : i1 to i32
          %cond3A_69 = arith.constant 0 : i32
          %cond3A_70 = arith.cmpi ne, %convert_element_type3A_68, %cond3A_69 : i32
          scf.if %cond3A_70 {
            %dma_wait3A_81 = arith.constant 0 : i32
            %dma_wait3A_82 = tpu.memref_slice %arg6[%dma_wait3A_81] : memref<26214400xf32, #tpu.memory_space<hbm>> -> memref<16384xf32, #tpu.memory_space<hbm>>
            %dma_wait3A_83 = arith.constant 0 : i32
            %dma_wait3A_84 = tpu.memref_slice %arg6[%dma_wait3A_83] : memref<26214400xf32, #tpu.memory_space<hbm>> -> memref<16384xf32, #tpu.memory_space<hbm>>
            tpu.wait_dma2 semaphore(%arg17 : memref<!tpu.dma_semaphore, #tpu.memory_space<semaphore_mem>>) src(%arg11 : memref<16384xf32, #tpu.memory_space<vmem>>) dst(%dma_wait3A_84 : memref<16384xf32, #tpu.memory_space<hbm>>)
          } else {
          }
          %add3A_71 = arith.constant 1 : i32
          %add3A_72 = arith.addi %scan3A_36, %add3A_71 : i32
          %mul3A_73 = arith.constant 128 : i32
          %mul3A_74 = arith.muli %add3A_72, %mul3A_73 : i32
          %add3A_75 = arith.addi %mul3A_2, %mul3A_74 : i32
          %mul3A_76 = arith.constant 128 : i32
          %mul3A_77 = arith.muli %add3A_75, %mul3A_76 : i32
          %dma_start3A_78 = tpu.memref_slice %arg2[%mul3A_77] : memref<26214400xf32, #tpu.memory_space<hbm>> -> memref<16384xf32, #tpu.memory_space<hbm>>
          %dma_start3A_79 = tpu.memref_slice %arg2[%mul3A_77] : memref<26214400xf32, #tpu.memory_space<hbm>> -> memref<16384xf32, #tpu.memory_space<hbm>>
          tpu.enqueue_dma source(%dma_start3A_79 : memref<16384xf32, #tpu.memory_space<hbm>>) target(%arg11 : memref<16384xf32, #tpu.memory_space<vmem>>) target_semaphore(%arg14 : memref<!tpu.dma_semaphore, #tpu.memory_space<semaphore_mem>>)
          %cond3A_80 = arith.constant 0 : i32
          scf.yield %cond3A_80 : i32
        } else {
          %cond3A_67 = arith.constant 0 : i32
          scf.yield %cond3A_67 : i32
        }
        %dma_wait3A_51 = arith.constant 0 : i32
        %dma_wait3A_52 = tpu.memref_slice %arg2[%dma_wait3A_51] : memref<26214400xf32, #tpu.memory_space<hbm>> -> memref<16384xf32, #tpu.memory_space<hbm>>
        %dma_wait3A_53 = arith.constant 0 : i32
        %dma_wait3A_54 = tpu.memref_slice %arg2[%dma_wait3A_53] : memref<26214400xf32, #tpu.memory_space<hbm>> -> memref<16384xf32, #tpu.memory_space<hbm>>
        tpu.wait_dma2 semaphore(%arg13 : memref<!tpu.dma_semaphore, #tpu.memory_space<semaphore_mem>>) src(%dma_wait3A_54 : memref<16384xf32, #tpu.memory_space<hbm>>) dst(%arg10 : memref<16384xf32, #tpu.memory_space<vmem>>)
        %mul3A_55 = arith.constant 128 : i32
        %mul3A_56 = arith.muli %scan3A_36, %mul3A_55 : i32
        %parallel_loop3A = arith.constant 0 : i32
        %parallel_loop3A_57 = arith.constant 8 : i32
        %parallel_loop3A_58 = arith.constant 1 : i32
        scf.for %parallel_loop3A_67 = %parallel_loop3A to %parallel_loop3A_57 step %parallel_loop3A_58  : i32 {
          %parallel_loop3A_68 = arith.constant 16 : i32
          %parallel_loop3A_69 = arith.muli %parallel_loop3A_67, %parallel_loop3A_68 : i32
          %parallel_loop3A_70 = arith.addi %mul3A_56, %parallel_loop3A_69 : i32
          %parallel_loop3A_71 = arith.index_cast %parallel_loop3A_70 : i32 to index
          %parallel_loop3A_72 = tpu.vector_load %arg7[%parallel_loop3A_71] {strides = array<i32>} : memref<6400xi32, #tpu.memory_space<vmem>>, vector<16xi32>,
          %parallel_loop3A_73 = arith.addi %mul3A_56, %parallel_loop3A_69 : i32
          %parallel_loop3A_74 = arith.index_cast %parallel_loop3A_73 : i32 to index
          %parallel_loop3A_75 = tpu.vector_load %arg8[%parallel_loop3A_74] {strides = array<i32>} : memref<6400xi32, #tpu.memory_space<vmem>>, vector<16xi32>,
          %parallel_loop3A_76 = arith.constant 128 : i32
          %parallel_loop3A_77 = arith.muli %parallel_loop3A_69, %parallel_loop3A_76 : i32
          %parallel_loop3A_78 = arith.constant 0 : i32
          %parallel_loop3A_79 = vector.broadcast %parallel_loop3A_78 : i32 to vector<16x1xi32>
          %parallel_loop3A_80 = vector.shape_cast %parallel_loop3A_79 : vector<16x1xi32> to vector<16xi32>
          %parallel_loop3A_81 = tpu.dynamic_gather %parallel_loop3A_72[%parallel_loop3A_80] in [0] : vector<16xi32>, vector<16xi32> -> vector<16xi32>
          %parallel_loop3A_82 = arith.constant 0 : i32
          %parallel_loop3A_83 = vector.broadcast %parallel_loop3A_82 : i32 to vector<16x1xi32>
          %parallel_loop3A_84 = vector.shape_cast %parallel_loop3A_83 : vector<16x1xi32> to vector<16xi32>
          %parallel_loop3A_85 = tpu.dynamic_gather %parallel_loop3A_75[%parallel_loop3A_84] in [0] : vector<16xi32>, vector<16xi32> -> vector<16xi32>
          %parallel_loop3A_86 = arith.constant 0 : i32
          %parallel_loop3A_87 = arith.addi %parallel_loop3A_77, %parallel_loop3A_86 : i32
          %parallel_loop3A_88 = arith.addi %parallel_loop3A_81, %add3A_5 : vector<16xi32>
          %parallel_loop3A_89 = tpu.vector_load_idx %arg9[%parallel_loop3A_88] : memref<19456xf32, #tpu.memory_space<vmem>>[vector<16xi32>], vector<16xf32>,
          %parallel_loop3A_90 = arith.addi %parallel_loop3A_81, %add3A_8 : vector<16xi32>
          %parallel_loop3A_91 = tpu.vector_load_idx %arg9[%parallel_loop3A_90] : memref<19456xf32, #tpu.memory_space<vmem>>[vector<16xi32>], vector<16xf32>,
          %parallel_loop3A_92 = arith.addi %parallel_loop3A_81, %add3A_11 : vector<16xi32>
          %parallel_loop3A_93 = tpu.vector_load_idx %arg9[%parallel_loop3A_92] : memref<19456xf32, #tpu.memory_space<vmem>>[vector<16xi32>], vector<16xf32>,
          %parallel_loop3A_94 = arith.addi %parallel_loop3A_81, %add3A_14 : vector<16xi32>
          %parallel_loop3A_95 = tpu.vector_load_idx %arg9[%parallel_loop3A_94] : memref<19456xf32, #tpu.memory_space<vmem>>[vector<16xi32>], vector<16xf32>,
          %parallel_loop3A_96 = arith.addi %parallel_loop3A_85, %add3A_5 : vector<16xi32>
          %parallel_loop3A_97 = tpu.vector_load_idx %arg9[%parallel_loop3A_96] : memref<19456xf32, #tpu.memory_space<vmem>>[vector<16xi32>], vector<16xf32>,
          %parallel_loop3A_98 = arith.addi %parallel_loop3A_85, %add3A_8 : vector<16xi32>
          %parallel_loop3A_99 = tpu.vector_load_idx %arg9[%parallel_loop3A_98] : memref<19456xf32, #tpu.memory_space<vmem>>[vector<16xi32>], vector<16xf32>,
          %parallel_loop3A_100 = arith.addi %parallel_loop3A_85, %add3A_11 : vector<16xi32>
          %parallel_loop3A_101 = tpu.vector_load_idx %arg9[%parallel_loop3A_100] : memref<19456xf32, #tpu.memory_space<vmem>>[vector<16xi32>], vector<16xf32>,
          %parallel_loop3A_102 = arith.addi %parallel_loop3A_85, %add3A_14 : vector<16xi32>
          %parallel_loop3A_103 = tpu.vector_load_idx %arg9[%parallel_loop3A_102] : memref<19456xf32, #tpu.memory_space<vmem>>[vector<16xi32>], vector<16xf32>,
          %parallel_loop3A_104 = arith.constant 0 : i32
          %parallel_loop3A_105 = arith.addi %parallel_loop3A_87, %parallel_loop3A_104 : i32
          %parallel_loop3A_106 = arith.index_cast %parallel_loop3A_105 : i32 to index
          %parallel_loop3A_107 = tpu.vector_load %arg10[%parallel_loop3A_106] {strides = array<i32>} : memref<16384xf32, #tpu.memory_space<vmem>>, vector<16xf32>,
          tpu.vector_store %arg10[%parallel_loop3A_106], %parallel_loop3A_89 {add = true, strides = array<i32>} : memref<16384xf32, #tpu.memory_space<vmem>>, vector<16xf32>,
          %parallel_loop3A_108 = arith.constant 16 : i32
          %parallel_loop3A_109 = arith.addi %parallel_loop3A_87, %parallel_loop3A_108 : i32
          %parallel_loop3A_110 = arith.index_cast %parallel_loop3A_109 : i32 to index
          %parallel_loop3A_111 = tpu.vector_load %arg10[%parallel_loop3A_110] {strides = array<i32>} : memref<16384xf32, #tpu.memory_space<vmem>>, vector<16xf32>,
          tpu.vector_store %arg10[%parallel_loop3A_110], %parallel_loop3A_91 {add = true, strides = array<i32>} : memref<16384xf32, #tpu.memory_space<vmem>>, vector<16xf32>,
          %parallel_loop3A_112 = arith.constant 32 : i32
          %parallel_loop3A_113 = arith.addi %parallel_loop3A_87, %parallel_loop3A_112 : i32
          %parallel_loop3A_114 = arith.index_cast %parallel_loop3A_113 : i32 to index
          %parallel_loop3A_115 = tpu.vector_load %arg10[%parallel_loop3A_114] {strides = array<i32>} : memref<16384xf32, #tpu.memory_space<vmem>>, vector<16xf32>,
          tpu.vector_store %arg10[%parallel_loop3A_114], %parallel_loop3A_93 {add = true, strides = array<i32>} : memref<16384xf32, #tpu.memory_space<vmem>>, vector<16xf32>,
          %parallel_loop3A_116 = arith.constant 48 : i32
          %parallel_loop3A_117 = arith.addi %parallel_loop3A_87, %parallel_loop3A_116 : i32
          %parallel_loop3A_118 = arith.index_cast %parallel_loop3A_117 : i32 to index
          %parallel_loop3A_119 = tpu.vector_load %arg10[%parallel_loop3A_118] {strides = array<i32>} : memref<16384xf32, #tpu.memory_space<vmem>>, vector<16xf32>,
          tpu.vector_store %arg10[%parallel_loop3A_118], %parallel_loop3A_95 {add = true, strides = array<i32>} : memref<16384xf32, #tpu.memory_space<vmem>>, vector<16xf32>,
          %parallel_loop3A_120 = arith.constant 64 : i32
          %parallel_loop3A_121 = arith.addi %parallel_loop3A_87, %parallel_loop3A_120 : i32
          %parallel_loop3A_122 = arith.index_cast %parallel_loop3A_121 : i32 to index
          %parallel_loop3A_123 = tpu.vector_load %arg10[%parallel_loop3A_122] {strides = array<i32>} : memref<16384xf32, #tpu.memory_space<vmem>>, vector<16xf32>,
          tpu.vector_store %arg10[%parallel_loop3A_122], %parallel_loop3A_97 {add = true, strides = array<i32>} : memref<16384xf32, #tpu.memory_space<vmem>>, vector<16xf32>,
          %parallel_loop3A_124 = arith.constant 80 : i32
          %parallel_loop3A_125 = arith.addi %parallel_loop3A_87, %parallel_loop3A_124 : i32
          %parallel_loop3A_126 = arith.index_cast %parallel_loop3A_125 : i32 to index
          %parallel_loop3A_127 = tpu.vector_load %arg10[%parallel_loop3A_126] {strides = array<i32>} : memref<16384xf32, #tpu.memory_space<vmem>>, vector<16xf32>,
          tpu.vector_store %arg10[%parallel_loop3A_126], %parallel_loop3A_99 {add = true, strides = array<i32>} : memref<16384xf32, #tpu.memory_space<vmem>>, vector<16xf32>,
          %parallel_loop3A_128 = arith.constant 96 : i32
          %parallel_loop3A_129 = arith.addi %parallel_loop3A_87, %parallel_loop3A_128 : i32
          %parallel_loop3A_130 = arith.index_cast %parallel_loop3A_129 : i32 to index
          %parallel_loop3A_131 = tpu.vector_load %arg10[%parallel_loop3A_130] {strides = array<i32>} : memref<16384xf32, #tpu.memory_space<vmem>>, vector<16xf32>,
          tpu.vector_store %arg10[%parallel_loop3A_130], %parallel_loop3A_101 {add = true, strides = array<i32>} : memref<16384xf32, #tpu.memory_space<vmem>>, vector<16xf32>,
          %parallel_loop3A_132 = arith.constant 112 : i32
          %parallel_loop3A_133 = arith.addi %parallel_loop3A_87, %parallel_loop3A_132 : i32
          %parallel_loop3A_134 = arith.index_cast %parallel_loop3A_133 : i32 to index
          %parallel_loop3A_135 = tpu.vector_load %arg10[%parallel_loop3A_134] {strides = array<i32>} : memref<16384xf32, #tpu.memory_space<vmem>>, vector<16xf32>,
          tpu.vector_store %arg10[%parallel_loop3A_134], %parallel_loop3A_103 {add = true, strides = array<i32>} : memref<16384xf32, #tpu.memory_space<vmem>>, vector<16xf32>,
          %parallel_loop3A_136 = arith.constant 1 : i32
          %parallel_loop3A_137 = vector.broadcast %parallel_loop3A_136 : i32 to vector<16x1xi32>
          %parallel_loop3A_138 = vector.shape_cast %parallel_loop3A_137 : vector<16x1xi32> to vector<16xi32>
          %parallel_loop3A_139 = tpu.dynamic_gather %parallel_loop3A_72[%parallel_loop3A_138] in [0] : vector<16xi32>, vector<16xi32> -> vector<16xi32>
          %parallel_loop3A_140 = arith.constant 1 : i32
          %parallel_loop3A_141 = vector.broadcast %parallel_loop3A_140 : i32 to vector<16x1xi32>
          %parallel_loop3A_142 = vector.shape_cast %parallel_loop3A_141 : vector<16x1xi32> to vector<16xi32>
          %parallel_loop3A_143 = tpu.dynamic_gather %parallel_loop3A_75[%parallel_loop3A_142] in [0] : vector<16xi32>, vector<16xi32> -> vector<16xi32>
          %parallel_loop3A_144 = arith.constant 128 : i32
          %parallel_loop3A_145 = arith.addi %parallel_loop3A_77, %parallel_loop3A_144 : i32
          %parallel_loop3A_146 = arith.addi %parallel_loop3A_139, %add3A_5 : vector<16xi32>
          %parallel_loop3A_147 = tpu.vector_load_idx %arg9[%parallel_loop3A_146] : memref<19456xf32, #tpu.memory_space<vmem>>[vector<16xi32>], vector<16xf32>,
          %parallel_loop3A_148 = arith.addi %parallel_loop3A_139, %add3A_8 : vector<16xi32>
          %parallel_loop3A_149 = tpu.vector_load_idx %arg9[%parallel_loop3A_148] : memref<19456xf32, #tpu.memory_space<vmem>>[vector<16xi32>], vector<16xf32>,
          %parallel_loop3A_150 = arith.addi %parallel_loop3A_139, %add3A_11 : vector<16xi32>
          %parallel_loop3A_151 = tpu.vector_load_idx %arg9[%parallel_loop3A_150] : memref<19456xf32, #tpu.memory_space<vmem>>[vector<16xi32>], vector<16xf32>,
          %parallel_loop3A_152 = arith.addi %parallel_loop3A_139, %add3A_14 : vector<16xi32>
          %parallel_loop3A_153 = tpu.vector_load_idx %arg9[%parallel_loop3A_152] : memref<19456xf32, #tpu.memory_space<vmem>>[vector<16xi32>], vector<16xf32>,
          %parallel_loop3A_154 = arith.addi %parallel_loop3A_143, %add3A_5 : vector<16xi32>
          %parallel_loop3A_155 = tpu.vector_load_idx %arg9[%parallel_loop3A_154] : memref<19456xf32, #tpu.memory_space<vmem>>[vector<16xi32>], vector<16xf32>,
          %parallel_loop3A_156 = arith.addi %parallel_loop3A_143, %add3A_8 : vector<16xi32>
          %parallel_loop3A_157 = tpu.vector_load_idx %arg9[%parallel_loop3A_156] : memref<19456xf32, #tpu.memory_space<vmem>>[vector<16xi32>], vector<16xf32>,
          %parallel_loop3A_158 = arith.addi %parallel_loop3A_143, %add3A_11 : vector<16xi32>
          %parallel_loop3A_159 = tpu.vector_load_idx %arg9[%parallel_loop3A_158] : memref<19456xf32, #tpu.memory_space<vmem>>[vector<16xi32>], vector<16xf32>,
          %parallel_loop3A_160 = arith.addi %parallel_loop3A_143, %add3A_14 : vector<16xi32>
          %parallel_loop3A_161 = tpu.vector_load_idx %arg9[%parallel_loop3A_160] : memref<19456xf32, #tpu.memory_space<vmem>>[vector<16xi32>], vector<16xf32>,
          %parallel_loop3A_162 = arith.constant 0 : i32
          %parallel_loop3A_163 = arith.addi %parallel_loop3A_145, %parallel_loop3A_162 : i32
          %parallel_loop3A_164 = arith.index_cast %parallel_loop3A_163 : i32 to index
          %parallel_loop3A_165 = tpu.vector_load %arg10[%parallel_loop3A_164] {strides = array<i32>} : memref<16384xf32, #tpu.memory_space<vmem>>, vector<16xf32>,
          tpu.vector_store %arg10[%parallel_loop3A_164], %parallel_loop3A_147 {add = true, strides = array<i32>} : memref<16384xf32, #tpu.memory_space<vmem>>, vector<16xf32>,
          %parallel_loop3A_166 = arith.constant 16 : i32
          %parallel_loop3A_167 = arith.addi %parallel_loop3A_145, %parallel_loop3A_166 : i32
          %parallel_loop3A_168 = arith.index_cast %parallel_loop3A_167 : i32 to index
          %parallel_loop3A_169 = tpu.vector_load %arg10[%parallel_loop3A_168] {strides = array<i32>} : memref<16384xf32, #tpu.memory_space<vmem>>, vector<16xf32>,
          tpu.vector_store %arg10[%parallel_loop3A_168], %parallel_loop3A_149 {add = true, strides = array<i32>} : memref<16384xf32, #tpu.memory_space<vmem>>, vector<16xf32>,
          %parallel_loop3A_170 = arith.constant 32 : i32
          %parallel_loop3A_171 = arith.addi %parallel_loop3A_145, %parallel_loop3A_170 : i32
          %parallel_loop3A_172 = arith.index_cast %parallel_loop3A_171 : i32 to index
          %parallel_loop3A_173 = tpu.vector_load %arg10[%parallel_loop3A_172] {strides = array<i32>} : memref<16384xf32, #tpu.memory_space<vmem>>, vector<16xf32>,
          tpu.vector_store %arg10[%parallel_loop3A_172], %parallel_loop3A_151 {add = true, strides = array<i32>} : memref<16384xf32, #tpu.memory_space<vmem>>, vector<16xf32>,
          %parallel_loop3A_174 = arith.constant 48 : i32
          %parallel_loop3A_175 = arith.addi %parallel_loop3A_145, %parallel_loop3A_174 : i32
          %parallel_loop3A_176 = arith.index_cast %parallel_loop3A_175 : i32 to index
          %parallel_loop3A_177 = tpu.vector_load %arg10[%parallel_loop3A_176] {strides = array<i32>} : memref<16384xf32, #tpu.memory_space<vmem>>, vector<16xf32>,
          tpu.vector_store %arg10[%parallel_loop3A_176], %parallel_loop3A_153 {add = true, strides = array<i32>} : memref<16384xf32, #tpu.memory_space<vmem>>, vector<16xf32>,
          %parallel_loop3A_178 = arith.constant 64 : i32
          %parallel_loop3A_179 = arith.addi %parallel_loop3A_145, %parallel_loop3A_178 : i32
          %parallel_loop3A_180 = arith.index_cast %parallel_loop3A_179 : i32 to index
          %parallel_loop3A_181 = tpu.vector_load %arg10[%parallel_loop3A_180] {strides = array<i32>} : memref<16384xf32, #tpu.memory_space<vmem>>, vector<16xf32>,
          tpu.vector_store %arg10[%parallel_loop3A_180], %parallel_loop3A_155 {add = true, strides = array<i32>} : memref<16384xf32, #tpu.memory_space<vmem>>, vector<16xf32>,
          %parallel_loop3A_182 = arith.constant 80 : i32
          %parallel_loop3A_183 = arith.addi %parallel_loop3A_145, %parallel_loop3A_182 : i32
          %parallel_loop3A_184 = arith.index_cast %parallel_loop3A_183 : i32 to index
          %parallel_loop3A_185 = tpu.vector_load %arg10[%parallel_loop3A_184] {strides = array<i32>} : memref<16384xf32, #tpu.memory_space<vmem>>, vector<16xf32>,
          tpu.vector_store %arg10[%parallel_loop3A_184], %parallel_loop3A_157 {add = true, strides = array<i32>} : memref<16384xf32, #tpu.memory_space<vmem>>, vector<16xf32>,
          %parallel_loop3A_186 = arith.constant 96 : i32
          %parallel_loop3A_187 = arith.addi %parallel_loop3A_145, %parallel_loop3A_186 : i32
          %parallel_loop3A_188 = arith.index_cast %parallel_loop3A_187 : i32 to index
          %parallel_loop3A_189 = tpu.vector_load %arg10[%parallel_loop3A_188] {strides = array<i32>} : memref<16384xf32, #tpu.memory_space<vmem>>, vector<16xf32>,
          tpu.vector_store %arg10[%parallel_loop3A_188], %parallel_loop3A_159 {add = true, strides = array<i32>} : memref<16384xf32, #tpu.memory_space<vmem>>, vector<16xf32>,
          %parallel_loop3A_190 = arith.constant 112 : i32
          %parallel_loop3A_191 = arith.addi %parallel_loop3A_145, %parallel_loop3A_190 : i32
          %parallel_loop3A_192 = arith.index_cast %parallel_loop3A_191 : i32 to index
          %parallel_loop3A_193 = tpu.vector_load %arg10[%parallel_loop3A_192] {strides = array<i32>} : memref<16384xf32, #tpu.memory_space<vmem>>, vector<16xf32>,
          tpu.vector_store %arg10[%parallel_loop3A_192], %parallel_loop3A_161 {add = true, strides = array<i32>} : memref<16384xf32, #tpu.memory_space<vmem>>, vector<16xf32>,
          %parallel_loop3A_194 = arith.constant 2 : i32
          %parallel_loop3A_195 = vector.broadcast %parallel_loop3A_194 : i32 to vector<16x1xi32>
          %parallel_loop3A_196 = vector.shape_cast %parallel_loop3A_195 : vector<16x1xi32> to vector<16xi32>
          %parallel_loop3A_197 = tpu.dynamic_gather %parallel_loop3A_72[%parallel_loop3A_196] in [0] : vector<16xi32>, vector<16xi32> -> vector<16xi32>
          %parallel_loop3A_198 = arith.constant 2 : i32
          %parallel_loop3A_199 = vector.broadcast %parallel_loop3A_198 : i32 to vector<16x1xi32>
          %parallel_loop3A_200 = vector.shape_cast %parallel_loop3A_199 : vector<16x1xi32> to vector<16xi32>
          %parallel_loop3A_201 = tpu.dynamic_gather %parallel_loop3A_75[%parallel_loop3A_200] in [0] : vector<16xi32>, vector<16xi32> -> vector<16xi32>
          %parallel_loop3A_202 = arith.constant 256 : i32
          %parallel_loop3A_203 = arith.addi %parallel_loop3A_77, %parallel_loop3A_202 : i32
          %parallel_loop3A_204 = arith.addi %parallel_loop3A_197, %add3A_5 : vector<16xi32>
          %parallel_loop3A_205 = tpu.vector_load_idx %arg9[%parallel_loop3A_204] : memref<19456xf32, #tpu.memory_space<vmem>>[vector<16xi32>], vector<16xf32>,
          %parallel_loop3A_206 = arith.addi %parallel_loop3A_197, %add3A_8 : vector<16xi32>
          %parallel_loop3A_207 = tpu.vector_load_idx %arg9[%parallel_loop3A_206] : memref<19456xf32, #tpu.memory_space<vmem>>[vector<16xi32>], vector<16xf32>,
          %parallel_loop3A_208 = arith.addi %parallel_loop3A_197, %add3A_11 : vector<16xi32>
          %parallel_loop3A_209 = tpu.vector_load_idx %arg9[%parallel_loop3A_208] : memref<19456xf32, #tpu.memory_space<vmem>>[vector<16xi32>], vector<16xf32>,
          %parallel_loop3A_210 = arith.addi %parallel_loop3A_197, %add3A_14 : vector<16xi32>
          %parallel_loop3A_211 = tpu.vector_load_idx %arg9[%parallel_loop3A_210] : memref<19456xf32, #tpu.memory_space<vmem>>[vector<16xi32>], vector<16xf32>,
          %parallel_loop3A_212 = arith.addi %parallel_loop3A_201, %add3A_5 : vector<16xi32>
          %parallel_loop3A_213 = tpu.vector_load_idx %arg9[%parallel_loop3A_212] : memref<19456xf32, #tpu.memory_space<vmem>>[vector<16xi32>], vector<16xf32>,
          %parallel_loop3A_214 = arith.addi %parallel_loop3A_201, %add3A_8 : vector<16xi32>
          %parallel_loop3A_215 = tpu.vector_load_idx %arg9[%parallel_loop3A_214] : memref<19456xf32, #tpu.memory_space<vmem>>[vector<16xi32>], vector<16xf32>,
          %parallel_loop3A_216 = arith.addi %parallel_loop3A_201, %add3A_11 : vector<16xi32>
          %parallel_loop3A_217 = tpu.vector_load_idx %arg9[%parallel_loop3A_216] : memref<19456xf32, #tpu.memory_space<vmem>>[vector<16xi32>], vector<16xf32>,
          %parallel_loop3A_218 = arith.addi %parallel_loop3A_201, %add3A_14 : vector<16xi32>
          %parallel_loop3A_219 = tpu.vector_load_idx %arg9[%parallel_loop3A_218] : memref<19456xf32, #tpu.memory_space<vmem>>[vector<16xi32>], vector<16xf32>,
          %parallel_loop3A_220 = arith.constant 0 : i32
          %parallel_loop3A_221 = arith.addi %parallel_loop3A_203, %parallel_loop3A_220 : i32
          %parallel_loop3A_222 = arith.index_cast %parallel_loop3A_221 : i32 to index
          %parallel_loop3A_223 = tpu.vector_load %arg10[%parallel_loop3A_222] {strides = array<i32>} : memref<16384xf32, #tpu.memory_space<vmem>>, vector<16xf32>,
          tpu.vector_store %arg10[%parallel_loop3A_222], %parallel_loop3A_205 {add = true, strides = array<i32>} : memref<16384xf32, #tpu.memory_space<vmem>>, vector<16xf32>,
          %parallel_loop3A_224 = arith.constant 16 : i32
          %parallel_loop3A_225 = arith.addi %parallel_loop3A_203, %parallel_loop3A_224 : i32
          %parallel_loop3A_226 = arith.index_cast %parallel_loop3A_225 : i32 to index
          %parallel_loop3A_227 = tpu.vector_load %arg10[%parallel_loop3A_226] {strides = array<i32>} : memref<16384xf32, #tpu.memory_space<vmem>>, vector<16xf32>,
          tpu.vector_store %arg10[%parallel_loop3A_226], %parallel_loop3A_207 {add = true, strides = array<i32>} : memref<16384xf32, #tpu.memory_space<vmem>>, vector<16xf32>,
          %parallel_loop3A_228 = arith.constant 32 : i32
          %parallel_loop3A_229 = arith.addi %parallel_loop3A_203, %parallel_loop3A_228 : i32
          %parallel_loop3A_230 = arith.index_cast %parallel_loop3A_229 : i32 to index
          %parallel_loop3A_231 = tpu.vector_load %arg10[%parallel_loop3A_230] {strides = array<i32>} : memref<16384xf32, #tpu.memory_space<vmem>>, vector<16xf32>,
          tpu.vector_store %arg10[%parallel_loop3A_230], %parallel_loop3A_209 {add = true, strides = array<i32>} : memref<16384xf32, #tpu.memory_space<vmem>>, vector<16xf32>,
          %parallel_loop3A_232 = arith.constant 48 : i32
          %parallel_loop3A_233 = arith.addi %parallel_loop3A_203, %parallel_loop3A_232 : i32
          %parallel_loop3A_234 = arith.index_cast %parallel_loop3A_233 : i32 to index
          %parallel_loop3A_235 = tpu.vector_load %arg10[%parallel_loop3A_234] {strides = array<i32>} : memref<16384xf32, #tpu.memory_space<vmem>>, vector<16xf32>,
          tpu.vector_store %arg10[%parallel_loop3A_234], %parallel_loop3A_211 {add = true, strides = array<i32>} : memref<16384xf32, #tpu.memory_space<vmem>>, vector<16xf32>,
          %parallel_loop3A_236 = arith.constant 64 : i32
          %parallel_loop3A_237 = arith.addi %parallel_loop3A_203, %parallel_loop3A_236 : i32
          %parallel_loop3A_238 = arith.index_cast %parallel_loop3A_237 : i32 to index
          %parallel_loop3A_239 = tpu.vector_load %arg10[%parallel_loop3A_238] {strides = array<i32>} : memref<16384xf32, #tpu.memory_space<vmem>>, vector<16xf32>,
          tpu.vector_store %arg10[%parallel_loop3A_238], %parallel_loop3A_213 {add = true, strides = array<i32>} : memref<16384xf32, #tpu.memory_space<vmem>>, vector<16xf32>,
          %parallel_loop3A_240 = arith.constant 80 : i32
          %parallel_loop3A_241 = arith.addi %parallel_loop3A_203, %parallel_loop3A_240 : i32
          %parallel_loop3A_242 = arith.index_cast %parallel_loop3A_241 : i32 to index
          %parallel_loop3A_243 = tpu.vector_load %arg10[%parallel_loop3A_242] {strides = array<i32>} : memref<16384xf32, #tpu.memory_space<vmem>>, vector<16xf32>,
          tpu.vector_store %arg10[%parallel_loop3A_242], %parallel_loop3A_215 {add = true, strides = array<i32>} : memref<16384xf32, #tpu.memory_space<vmem>>, vector<16xf32>,
          %parallel_loop3A_244 = arith.constant 96 : i32
          %parallel_loop3A_245 = arith.addi %parallel_loop3A_203, %parallel_loop3A_244 : i32
          %parallel_loop3A_246 = arith.index_cast %parallel_loop3A_245 : i32 to index
          %parallel_loop3A_247 = tpu.vector_load %arg10[%parallel_loop3A_246] {strides = array<i32>} : memref<16384xf32, #tpu.memory_space<vmem>>, vector<16xf32>,
          tpu.vector_store %arg10[%parallel_loop3A_246], %parallel_loop3A_217 {add = true, strides = array<i32>} : memref<16384xf32, #tpu.memory_space<vmem>>, vector<16xf32>,
          %parallel_loop3A_248 = arith.constant 112 : i32
          %parallel_loop3A_249 = arith.addi %parallel_loop3A_203, %parallel_loop3A_248 : i32
          %parallel_loop3A_250 = arith.index_cast %parallel_loop3A_249 : i32 to index
          %parallel_loop3A_251 = tpu.vector_load %arg10[%parallel_loop3A_250] {strides = array<i32>} : memref<16384xf32, #tpu.memory_space<vmem>>, vector<16xf32>,
          tpu.vector_store %arg10[%parallel_loop3A_250], %parallel_loop3A_219 {add = true, strides = array<i32>} : memref<16384xf32, #tpu.memory_space<vmem>>, vector<16xf32>,
          %parallel_loop3A_252 = arith.constant 3 : i32
          %parallel_loop3A_253 = vector.broadcast %parallel_loop3A_252 : i32 to vector<16x1xi32>
          %parallel_loop3A_254 = vector.shape_cast %parallel_loop3A_253 : vector<16x1xi32> to vector<16xi32>
          %parallel_loop3A_255 = tpu.dynamic_gather %parallel_loop3A_72[%parallel_loop3A_254] in [0] : vector<16xi32>, vector<16xi32> -> vector<16xi32>
          %parallel_loop3A_256 = arith.constant 3 : i32
          %parallel_loop3A_257 = vector.broadcast %parallel_loop3A_256 : i32 to vector<16x1xi32>
          %parallel_loop3A_258 = vector.shape_cast %parallel_loop3A_257 : vector<16x1xi32> to vector<16xi32>
          %parallel_loop3A_259 = tpu.dynamic_gather %parallel_loop3A_75[%parallel_loop3A_258] in [0] : vector<16xi32>, vector<16xi32> -> vector<16xi32>
          %parallel_loop3A_260 = arith.constant 384 : i32
          %parallel_loop3A_261 = arith.addi %parallel_loop3A_77, %parallel_loop3A_260 : i32
          %parallel_loop3A_262 = arith.addi %parallel_loop3A_255, %add3A_5 : vector<16xi32>
          %parallel_loop3A_263 = tpu.vector_load_idx %arg9[%parallel_loop3A_262] : memref<19456xf32, #tpu.memory_space<vmem>>[vector<16xi32>], vector<16xf32>,
          %parallel_loop3A_264 = arith.addi %parallel_loop3A_255, %add3A_8 : vector<16xi32>
          %parallel_loop3A_265 = tpu.vector_load_idx %arg9[%parallel_loop3A_264] : memref<19456xf32, #tpu.memory_space<vmem>>[vector<16xi32>], vector<16xf32>,
          %parallel_loop3A_266 = arith.addi %parallel_loop3A_255, %add3A_11 : vector<16xi32>
          %parallel_loop3A_267 = tpu.vector_load_idx %arg9[%parallel_loop3A_266] : memref<19456xf32, #tpu.memory_space<vmem>>[vector<16xi32>], vector<16xf32>,
          %parallel_loop3A_268 = arith.addi %parallel_loop3A_255, %add3A_14 : vector<16xi32>
          %parallel_loop3A_269 = tpu.vector_load_idx %arg9[%parallel_loop3A_268] : memref<19456xf32, #tpu.memory_space<vmem>>[vector<16xi32>], vector<16xf32>,
          %parallel_loop3A_270 = arith.addi %parallel_loop3A_259, %add3A_5 : vector<16xi32>
          %parallel_loop3A_271 = tpu.vector_load_idx %arg9[%parallel_loop3A_270] : memref<19456xf32, #tpu.memory_space<vmem>>[vector<16xi32>], vector<16xf32>,
          %parallel_loop3A_272 = arith.addi %parallel_loop3A_259, %add3A_8 : vector<16xi32>
          %parallel_loop3A_273 = tpu.vector_load_idx %arg9[%parallel_loop3A_272] : memref<19456xf32, #tpu.memory_space<vmem>>[vector<16xi32>], vector<16xf32>,
          %parallel_loop3A_274 = arith.addi %parallel_loop3A_259, %add3A_11 : vector<16xi32>
          %parallel_loop3A_275 = tpu.vector_load_idx %arg9[%parallel_loop3A_274] : memref<19456xf32, #tpu.memory_space<vmem>>[vector<16xi32>], vector<16xf32>,
          %parallel_loop3A_276 = arith.addi %parallel_loop3A_259, %add3A_14 : vector<16xi32>
          %parallel_loop3A_277 = tpu.vector_load_idx %arg9[%parallel_loop3A_276] : memref<19456xf32, #tpu.memory_space<vmem>>[vector<16xi32>], vector<16xf32>,
          %parallel_loop3A_278 = arith.constant 0 : i32
          %parallel_loop3A_279 = arith.addi %parallel_loop3A_261, %parallel_loop3A_278 : i32
          %parallel_loop3A_280 = arith.index_cast %parallel_loop3A_279 : i32 to index
          %parallel_loop3A_281 = tpu.vector_load %arg10[%parallel_loop3A_280] {strides = array<i32>} : memref<16384xf32, #tpu.memory_space<vmem>>, vector<16xf32>,
          tpu.vector_store %arg10[%parallel_loop3A_280], %parallel_loop3A_263 {add = true, strides = array<i32>} : memref<16384xf32, #tpu.memory_space<vmem>>, vector<16xf32>,
          %parallel_loop3A_282 = arith.constant 16 : i32
          %parallel_loop3A_283 = arith.addi %parallel_loop3A_261, %parallel_loop3A_282 : i32
          %parallel_loop3A_284 = arith.index_cast %parallel_loop3A_283 : i32 to index
          %parallel_loop3A_285 = tpu.vector_load %arg10[%parallel_loop3A_284] {strides = array<i32>} : memref<16384xf32, #tpu.memory_space<vmem>>, vector<16xf32>,
          tpu.vector_store %arg10[%parallel_loop3A_284], %parallel_loop3A_265 {add = true, strides = array<i32>} : memref<16384xf32, #tpu.memory_space<vmem>>, vector<16xf32>,
          %parallel_loop3A_286 = arith.constant 32 : i32
          %parallel_loop3A_287 = arith.addi %parallel_loop3A_261, %parallel_loop3A_286 : i32
          %parallel_loop3A_288 = arith.index_cast %parallel_loop3A_287 : i32 to index
          %parallel_loop3A_289 = tpu.vector_load %arg10[%parallel_loop3A_288] {strides = array<i32>} : memref<16384xf32, #tpu.memory_space<vmem>>, vector<16xf32>,
          tpu.vector_store %arg10[%parallel_loop3A_288], %parallel_loop3A_267 {add = true, strides = array<i32>} : memref<16384xf32, #tpu.memory_space<vmem>>, vector<16xf32>,
          %parallel_loop3A_290 = arith.constant 48 : i32
          %parallel_loop3A_291 = arith.addi %parallel_loop3A_261, %parallel_loop3A_290 : i32
          %parallel_loop3A_292 = arith.index_cast %parallel_loop3A_291 : i32 to index
          %parallel_loop3A_293 = tpu.vector_load %arg10[%parallel_loop3A_292] {strides = array<i32>} : memref<16384xf32, #tpu.memory_space<vmem>>, vector<16xf32>,
          tpu.vector_store %arg10[%parallel_loop3A_292], %parallel_loop3A_269 {add = true, strides = array<i32>} : memref<16384xf32, #tpu.memory_space<vmem>>, vector<16xf32>,
          %parallel_loop3A_294 = arith.constant 64 : i32
          %parallel_loop3A_295 = arith.addi %parallel_loop3A_261, %parallel_loop3A_294 : i32
          %parallel_loop3A_296 = arith.index_cast %parallel_loop3A_295 : i32 to index
          %parallel_loop3A_297 = tpu.vector_load %arg10[%parallel_loop3A_296] {strides = array<i32>} : memref<16384xf32, #tpu.memory_space<vmem>>, vector<16xf32>,
          tpu.vector_store %arg10[%parallel_loop3A_296], %parallel_loop3A_271 {add = true, strides = array<i32>} : memref<16384xf32, #tpu.memory_space<vmem>>, vector<16xf32>,
          %parallel_loop3A_298 = arith.constant 80 : i32
          %parallel_loop3A_299 = arith.addi %parallel_loop3A_261, %parallel_loop3A_298 : i32
          %parallel_loop3A_300 = arith.index_cast %parallel_loop3A_299 : i32 to index
          %parallel_loop3A_301 = tpu.vector_load %arg10[%parallel_loop3A_300] {strides = array<i32>} : memref<16384xf32, #tpu.memory_space<vmem>>, vector<16xf32>,
          tpu.vector_store %arg10[%parallel_loop3A_300], %parallel_loop3A_273 {add = true, strides = array<i32>} : memref<16384xf32, #tpu.memory_space<vmem>>, vector<16xf32>,
          %parallel_loop3A_302 = arith.constant 96 : i32
          %parallel_loop3A_303 = arith.addi %parallel_loop3A_261, %parallel_loop3A_302 : i32
          %parallel_loop3A_304 = arith.index_cast %parallel_loop3A_303 : i32 to index
          %parallel_loop3A_305 = tpu.vector_load %arg10[%parallel_loop3A_304] {strides = array<i32>} : memref<16384xf32, #tpu.memory_space<vmem>>, vector<16xf32>,
          tpu.vector_store %arg10[%parallel_loop3A_304], %parallel_loop3A_275 {add = true, strides = array<i32>} : memref<16384xf32, #tpu.memory_space<vmem>>, vector<16xf32>,
          %parallel_loop3A_306 = arith.constant 112 : i32
          %parallel_loop3A_307 = arith.addi %parallel_loop3A_261, %parallel_loop3A_306 : i32
          %parallel_loop3A_308 = arith.index_cast %parallel_loop3A_307 : i32 to index
          %parallel_loop3A_309 = tpu.vector_load %arg10[%parallel_loop3A_308] {strides = array<i32>} : memref<16384xf32, #tpu.memory_space<vmem>>, vector<16xf32>,
          tpu.vector_store %arg10[%parallel_loop3A_308], %parallel_loop3A_277 {add = true, strides = array<i32>} : memref<16384xf32, #tpu.memory_space<vmem>>, vector<16xf32>,
          %parallel_loop3A_310 = arith.constant 4 : i32
          %parallel_loop3A_311 = vector.broadcast %parallel_loop3A_310 : i32 to vector<16x1xi32>
          %parallel_loop3A_312 = vector.shape_cast %parallel_loop3A_311 : vector<16x1xi32> to vector<16xi32>
          %parallel_loop3A_313 = tpu.dynamic_gather %parallel_loop3A_72[%parallel_loop3A_312] in [0] : vector<16xi32>, vector<16xi32> -> vector<16xi32>
          %parallel_loop3A_314 = arith.constant 4 : i32
          %parallel_loop3A_315 = vector.broadcast %parallel_loop3A_314 : i32 to vector<16x1xi32>
          %parallel_loop3A_316 = vector.shape_cast %parallel_loop3A_315 : vector<16x1xi32> to vector<16xi32>
          %parallel_loop3A_317 = tpu.dynamic_gather %parallel_loop3A_75[%parallel_loop3A_316] in [0] : vector<16xi32>, vector<16xi32> -> vector<16xi32>
          %parallel_loop3A_318 = arith.constant 512 : i32
          %parallel_loop3A_319 = arith.addi %parallel_loop3A_77, %parallel_loop3A_318 : i32
          %parallel_loop3A_320 = arith.addi %parallel_loop3A_313, %add3A_5 : vector<16xi32>
          %parallel_loop3A_321 = tpu.vector_load_idx %arg9[%parallel_loop3A_320] : memref<19456xf32, #tpu.memory_space<vmem>>[vector<16xi32>], vector<16xf32>,
          %parallel_loop3A_322 = arith.addi %parallel_loop3A_313, %add3A_8 : vector<16xi32>
          %parallel_loop3A_323 = tpu.vector_load_idx %arg9[%parallel_loop3A_322] : memref<19456xf32, #tpu.memory_space<vmem>>[vector<16xi32>], vector<16xf32>,
          %parallel_loop3A_324 = arith.addi %parallel_loop3A_313, %add3A_11 : vector<16xi32>
          %parallel_loop3A_325 = tpu.vector_load_idx %arg9[%parallel_loop3A_324] : memref<19456xf32, #tpu.memory_space<vmem>>[vector<16xi32>], vector<16xf32>,
          %parallel_loop3A_326 = arith.addi %parallel_loop3A_313, %add3A_14 : vector<16xi32>
          %parallel_loop3A_327 = tpu.vector_load_idx %arg9[%parallel_loop3A_326] : memref<19456xf32, #tpu.memory_space<vmem>>[vector<16xi32>], vector<16xf32>,
          %parallel_loop3A_328 = arith.addi %parallel_loop3A_317, %add3A_5 : vector<16xi32>
          %parallel_loop3A_329 = tpu.vector_load_idx %arg9[%parallel_loop3A_328] : memref<19456xf32, #tpu.memory_space<vmem>>[vector<16xi32>], vector<16xf32>,
          %parallel_loop3A_330 = arith.addi %parallel_loop3A_317, %add3A_8 : vector<16xi32>
          %parallel_loop3A_331 = tpu.vector_load_idx %arg9[%parallel_loop3A_330] : memref<19456xf32, #tpu.memory_space<vmem>>[vector<16xi32>], vector<16xf32>,
          %parallel_loop3A_332 = arith.addi %parallel_loop3A_317, %add3A_11 : vector<16xi32>
          %parallel_loop3A_333 = tpu.vector_load_idx %arg9[%parallel_loop3A_332] : memref<19456xf32, #tpu.memory_space<vmem>>[vector<16xi32>], vector<16xf32>,
          %parallel_loop3A_334 = arith.addi %parallel_loop3A_317, %add3A_14 : vector<16xi32>
          %parallel_loop3A_335 = tpu.vector_load_idx %arg9[%parallel_loop3A_334] : memref<19456xf32, #tpu.memory_space<vmem>>[vector<16xi32>], vector<16xf32>,
          %parallel_loop3A_336 = arith.constant 0 : i32
          %parallel_loop3A_337 = arith.addi %parallel_loop3A_319, %parallel_loop3A_336 : i32
          %parallel_loop3A_338 = arith.index_cast %parallel_loop3A_337 : i32 to index
          %parallel_loop3A_339 = tpu.vector_load %arg10[%parallel_loop3A_338] {strides = array<i32>} : memref<16384xf32, #tpu.memory_space<vmem>>, vector<16xf32>,
          tpu.vector_store %arg10[%parallel_loop3A_338], %parallel_loop3A_321 {add = true, strides = array<i32>} : memref<16384xf32, #tpu.memory_space<vmem>>, vector<16xf32>,
          %parallel_loop3A_340 = arith.constant 16 : i32
          %parallel_loop3A_341 = arith.addi %parallel_loop3A_319, %parallel_loop3A_340 : i32
          %parallel_loop3A_342 = arith.index_cast %parallel_loop3A_341 : i32 to index
          %parallel_loop3A_343 = tpu.vector_load %arg10[%parallel_loop3A_342] {strides = array<i32>} : memref<16384xf32, #tpu.memory_space<vmem>>, vector<16xf32>,
          tpu.vector_store %arg10[%parallel_loop3A_342], %parallel_loop3A_323 {add = true, strides = array<i32>} : memref<16384xf32, #tpu.memory_space<vmem>>, vector<16xf32>,
          %parallel_loop3A_344 = arith.constant 32 : i32
          %parallel_loop3A_345 = arith.addi %parallel_loop3A_319, %parallel_loop3A_344 : i32
          %parallel_loop3A_346 = arith.index_cast %parallel_loop3A_345 : i32 to index
          %parallel_loop3A_347 = tpu.vector_load %arg10[%parallel_loop3A_346] {strides = array<i32>} : memref<16384xf32, #tpu.memory_space<vmem>>, vector<16xf32>,
          tpu.vector_store %arg10[%parallel_loop3A_346], %parallel_loop3A_325 {add = true, strides = array<i32>} : memref<16384xf32, #tpu.memory_space<vmem>>, vector<16xf32>,
          %parallel_loop3A_348 = arith.constant 48 : i32
          %parallel_loop3A_349 = arith.addi %parallel_loop3A_319, %parallel_loop3A_348 : i32
          %parallel_loop3A_350 = arith.index_cast %parallel_loop3A_349 : i32 to index
          %parallel_loop3A_351 = tpu.vector_load %arg10[%parallel_loop3A_350] {strides = array<i32>} : memref<16384xf32, #tpu.memory_space<vmem>>, vector<16xf32>,
          tpu.vector_store %arg10[%parallel_loop3A_350], %parallel_loop3A_327 {add = true, strides = array<i32>} : memref<16384xf32, #tpu.memory_space<vmem>>, vector<16xf32>,
          %parallel_loop3A_352 = arith.constant 64 : i32
          %parallel_loop3A_353 = arith.addi %parallel_loop3A_319, %parallel_loop3A_352 : i32
          %parallel_loop3A_354 = arith.index_cast %parallel_loop3A_353 : i32 to index
          %parallel_loop3A_355 = tpu.vector_load %arg10[%parallel_loop3A_354] {strides = array<i32>} : memref<16384xf32, #tpu.memory_space<vmem>>, vector<16xf32>,
          tpu.vector_store %arg10[%parallel_loop3A_354], %parallel_loop3A_329 {add = true, strides = array<i32>} : memref<16384xf32, #tpu.memory_space<vmem>>, vector<16xf32>,
          %parallel_loop3A_356 = arith.constant 80 : i32
          %parallel_loop3A_357 = arith.addi %parallel_loop3A_319, %parallel_loop3A_356 : i32
          %parallel_loop3A_358 = arith.index_cast %parallel_loop3A_357 : i32 to index
          %parallel_loop3A_359 = tpu.vector_load %arg10[%parallel_loop3A_358] {strides = array<i32>} : memref<16384xf32, #tpu.memory_space<vmem>>, vector<16xf32>,
          tpu.vector_store %arg10[%parallel_loop3A_358], %parallel_loop3A_331 {add = true, strides = array<i32>} : memref<16384xf32, #tpu.memory_space<vmem>>, vector<16xf32>,
          %parallel_loop3A_360 = arith.constant 96 : i32
          %parallel_loop3A_361 = arith.addi %parallel_loop3A_319, %parallel_loop3A_360 : i32
          %parallel_loop3A_362 = arith.index_cast %parallel_loop3A_361 : i32 to index
          %parallel_loop3A_363 = tpu.vector_load %arg10[%parallel_loop3A_362] {strides = array<i32>} : memref<16384xf32, #tpu.memory_space<vmem>>, vector<16xf32>,
          tpu.vector_store %arg10[%parallel_loop3A_362], %parallel_loop3A_333 {add = true, strides = array<i32>} : memref<16384xf32, #tpu.memory_space<vmem>>, vector<16xf32>,
          %parallel_loop3A_364 = arith.constant 112 : i32
          %parallel_loop3A_365 = arith.addi %parallel_loop3A_319, %parallel_loop3A_364 : i32
          %parallel_loop3A_366 = arith.index_cast %parallel_loop3A_365 : i32 to index
          %parallel_loop3A_367 = tpu.vector_load %arg10[%parallel_loop3A_366] {strides = array<i32>} : memref<16384xf32, #tpu.memory_space<vmem>>, vector<16xf32>,
          tpu.vector_store %arg10[%parallel_loop3A_366], %parallel_loop3A_335 {add = true, strides = array<i32>} : memref<16384xf32, #tpu.memory_space<vmem>>, vector<16xf32>,
          %parallel_loop3A_368 = arith.constant 5 : i32
          %parallel_loop3A_369 = vector.broadcast %parallel_loop3A_368 : i32 to vector<16x1xi32>
          %parallel_loop3A_370 = vector.shape_cast %parallel_loop3A_369 : vector<16x1xi32> to vector<16xi32>
          %parallel_loop3A_371 = tpu.dynamic_gather %parallel_loop3A_72[%parallel_loop3A_370] in [0] : vector<16xi32>, vector<16xi32> -> vector<16xi32>
          %parallel_loop3A_372 = arith.constant 5 : i32
          %parallel_loop3A_373 = vector.broadcast %parallel_loop3A_372 : i32 to vector<16x1xi32>
          %parallel_loop3A_374 = vector.shape_cast %parallel_loop3A_373 : vector<16x1xi32> to vector<16xi32>
          %parallel_loop3A_375 = tpu.dynamic_gather %parallel_loop3A_75[%parallel_loop3A_374] in [0] : vector<16xi32>, vector<16xi32> -> vector<16xi32>
          %parallel_loop3A_376 = arith.constant 640 : i32
          %parallel_loop3A_377 = arith.addi %parallel_loop3A_77, %parallel_loop3A_376 : i32
          %parallel_loop3A_378 = arith.addi %parallel_loop3A_371, %add3A_5 : vector<16xi32>
          %parallel_loop3A_379 = tpu.vector_load_idx %arg9[%parallel_loop3A_378] : memref<19456xf32, #tpu.memory_space<vmem>>[vector<16xi32>], vector<16xf32>,
          %parallel_loop3A_380 = arith.addi %parallel_loop3A_371, %add3A_8 : vector<16xi32>
          %parallel_loop3A_381 = tpu.vector_load_idx %arg9[%parallel_loop3A_380] : memref<19456xf32, #tpu.memory_space<vmem>>[vector<16xi32>], vector<16xf32>,
          %parallel_loop3A_382 = arith.addi %parallel_loop3A_371, %add3A_11 : vector<16xi32>
          %parallel_loop3A_383 = tpu.vector_load_idx %arg9[%parallel_loop3A_382] : memref<19456xf32, #tpu.memory_space<vmem>>[vector<16xi32>], vector<16xf32>,
          %parallel_loop3A_384 = arith.addi %parallel_loop3A_371, %add3A_14 : vector<16xi32>
          %parallel_loop3A_385 = tpu.vector_load_idx %arg9[%parallel_loop3A_384] : memref<19456xf32, #tpu.memory_space<vmem>>[vector<16xi32>], vector<16xf32>,
          %parallel_loop3A_386 = arith.addi %parallel_loop3A_375, %add3A_5 : vector<16xi32>
          %parallel_loop3A_387 = tpu.vector_load_idx %arg9[%parallel_loop3A_386] : memref<19456xf32, #tpu.memory_space<vmem>>[vector<16xi32>], vector<16xf32>,
          %parallel_loop3A_388 = arith.addi %parallel_loop3A_375, %add3A_8 : vector<16xi32>
          %parallel_loop3A_389 = tpu.vector_load_idx %arg9[%parallel_loop3A_388] : memref<19456xf32, #tpu.memory_space<vmem>>[vector<16xi32>], vector<16xf32>,
          %parallel_loop3A_390 = arith.addi %parallel_loop3A_375, %add3A_11 : vector<16xi32>
          %parallel_loop3A_391 = tpu.vector_load_idx %arg9[%parallel_loop3A_390] : memref<19456xf32, #tpu.memory_space<vmem>>[vector<16xi32>], vector<16xf32>,
          %parallel_loop3A_392 = arith.addi %parallel_loop3A_375, %add3A_14 : vector<16xi32>
          %parallel_loop3A_393 = tpu.vector_load_idx %arg9[%parallel_loop3A_392] : memref<19456xf32, #tpu.memory_space<vmem>>[vector<16xi32>], vector<16xf32>,
          %parallel_loop3A_394 = arith.constant 0 : i32
          %parallel_loop3A_395 = arith.addi %parallel_loop3A_377, %parallel_loop3A_394 : i32
          %parallel_loop3A_396 = arith.index_cast %parallel_loop3A_395 : i32 to index
          %parallel_loop3A_397 = tpu.vector_load %arg10[%parallel_loop3A_396] {strides = array<i32>} : memref<16384xf32, #tpu.memory_space<vmem>>, vector<16xf32>,
          tpu.vector_store %arg10[%parallel_loop3A_396], %parallel_loop3A_379 {add = true, strides = array<i32>} : memref<16384xf32, #tpu.memory_space<vmem>>, vector<16xf32>,
          %parallel_loop3A_398 = arith.constant 16 : i32
          %parallel_loop3A_399 = arith.addi %parallel_loop3A_377, %parallel_loop3A_398 : i32
          %parallel_loop3A_400 = arith.index_cast %parallel_loop3A_399 : i32 to index
          %parallel_loop3A_401 = tpu.vector_load %arg10[%parallel_loop3A_400] {strides = array<i32>} : memref<16384xf32, #tpu.memory_space<vmem>>, vector<16xf32>,
          tpu.vector_store %arg10[%parallel_loop3A_400], %parallel_loop3A_381 {add = true, strides = array<i32>} : memref<16384xf32, #tpu.memory_space<vmem>>, vector<16xf32>,
          %parallel_loop3A_402 = arith.constant 32 : i32
          %parallel_loop3A_403 = arith.addi %parallel_loop3A_377, %parallel_loop3A_402 : i32
          %parallel_loop3A_404 = arith.index_cast %parallel_loop3A_403 : i32 to index
          %parallel_loop3A_405 = tpu.vector_load %arg10[%parallel_loop3A_404] {strides = array<i32>} : memref<16384xf32, #tpu.memory_space<vmem>>, vector<16xf32>,
          tpu.vector_store %arg10[%parallel_loop3A_404], %parallel_loop3A_383 {add = true, strides = array<i32>} : memref<16384xf32, #tpu.memory_space<vmem>>, vector<16xf32>,
          %parallel_loop3A_406 = arith.constant 48 : i32
          %parallel_loop3A_407 = arith.addi %parallel_loop3A_377, %parallel_loop3A_406 : i32
          %parallel_loop3A_408 = arith.index_cast %parallel_loop3A_407 : i32 to index
          %parallel_loop3A_409 = tpu.vector_load %arg10[%parallel_loop3A_408] {strides = array<i32>} : memref<16384xf32, #tpu.memory_space<vmem>>, vector<16xf32>,
          tpu.vector_store %arg10[%parallel_loop3A_408], %parallel_loop3A_385 {add = true, strides = array<i32>} : memref<16384xf32, #tpu.memory_space<vmem>>, vector<16xf32>,
          %parallel_loop3A_410 = arith.constant 64 : i32
          %parallel_loop3A_411 = arith.addi %parallel_loop3A_377, %parallel_loop3A_410 : i32
          %parallel_loop3A_412 = arith.index_cast %parallel_loop3A_411 : i32 to index
          %parallel_loop3A_413 = tpu.vector_load %arg10[%parallel_loop3A_412] {strides = array<i32>} : memref<16384xf32, #tpu.memory_space<vmem>>, vector<16xf32>,
          tpu.vector_store %arg10[%parallel_loop3A_412], %parallel_loop3A_387 {add = true, strides = array<i32>} : memref<16384xf32, #tpu.memory_space<vmem>>, vector<16xf32>,
          %parallel_loop3A_414 = arith.constant 80 : i32
          %parallel_loop3A_415 = arith.addi %parallel_loop3A_377, %parallel_loop3A_414 : i32
          %parallel_loop3A_416 = arith.index_cast %parallel_loop3A_415 : i32 to index
          %parallel_loop3A_417 = tpu.vector_load %arg10[%parallel_loop3A_416] {strides = array<i32>} : memref<16384xf32, #tpu.memory_space<vmem>>, vector<16xf32>,
          tpu.vector_store %arg10[%parallel_loop3A_416], %parallel_loop3A_389 {add = true, strides = array<i32>} : memref<16384xf32, #tpu.memory_space<vmem>>, vector<16xf32>,
          %parallel_loop3A_418 = arith.constant 96 : i32
          %parallel_loop3A_419 = arith.addi %parallel_loop3A_377, %parallel_loop3A_418 : i32
          %parallel_loop3A_420 = arith.index_cast %parallel_loop3A_419 : i32 to index
          %parallel_loop3A_421 = tpu.vector_load %arg10[%parallel_loop3A_420] {strides = array<i32>} : memref<16384xf32, #tpu.memory_space<vmem>>, vector<16xf32>,
          tpu.vector_store %arg10[%parallel_loop3A_420], %parallel_loop3A_391 {add = true, strides = array<i32>} : memref<16384xf32, #tpu.memory_space<vmem>>, vector<16xf32>,
          %parallel_loop3A_422 = arith.constant 112 : i32
          %parallel_loop3A_423 = arith.addi %parallel_loop3A_377, %parallel_loop3A_422 : i32
          %parallel_loop3A_424 = arith.index_cast %parallel_loop3A_423 : i32 to index
          %parallel_loop3A_425 = tpu.vector_load %arg10[%parallel_loop3A_424] {strides = array<i32>} : memref<16384xf32, #tpu.memory_space<vmem>>, vector<16xf32>,
          tpu.vector_store %arg10[%parallel_loop3A_424], %parallel_loop3A_393 {add = true, strides = array<i32>} : memref<16384xf32, #tpu.memory_space<vmem>>, vector<16xf32>,
          %parallel_loop3A_426 = arith.constant 6 : i32
          %parallel_loop3A_427 = vector.broadcast %parallel_loop3A_426 : i32 to vector<16x1xi32>
          %parallel_loop3A_428 = vector.shape_cast %parallel_loop3A_427 : vector<16x1xi32> to vector<16xi32>
          %parallel_loop3A_429 = tpu.dynamic_gather %parallel_loop3A_72[%parallel_loop3A_428] in [0] : vector<16xi32>, vector<16xi32> -> vector<16xi32>
          %parallel_loop3A_430 = arith.constant 6 : i32
          %parallel_loop3A_431 = vector.broadcast %parallel_loop3A_430 : i32 to vector<16x1xi32>
          %parallel_loop3A_432 = vector.shape_cast %parallel_loop3A_431 : vector<16x1xi32> to vector<16xi32>
          %parallel_loop3A_433 = tpu.dynamic_gather %parallel_loop3A_75[%parallel_loop3A_432] in [0] : vector<16xi32>, vector<16xi32> -> vector<16xi32>
          %parallel_loop3A_434 = arith.constant 768 : i32
          %parallel_loop3A_435 = arith.addi %parallel_loop3A_77, %parallel_loop3A_434 : i32
          %parallel_loop3A_436 = arith.addi %parallel_loop3A_429, %add3A_5 : vector<16xi32>
          %parallel_loop3A_437 = tpu.vector_load_idx %arg9[%parallel_loop3A_436] : memref<19456xf32, #tpu.memory_space<vmem>>[vector<16xi32>], vector<16xf32>,
          %parallel_loop3A_438 = arith.addi %parallel_loop3A_429, %add3A_8 : vector<16xi32>
          %parallel_loop3A_439 = tpu.vector_load_idx %arg9[%parallel_loop3A_438] : memref<19456xf32, #tpu.memory_space<vmem>>[vector<16xi32>], vector<16xf32>,
          %parallel_loop3A_440 = arith.addi %parallel_loop3A_429, %add3A_11 : vector<16xi32>
          %parallel_loop3A_441 = tpu.vector_load_idx %arg9[%parallel_loop3A_440] : memref<19456xf32, #tpu.memory_space<vmem>>[vector<16xi32>], vector<16xf32>,
          %parallel_loop3A_442 = arith.addi %parallel_loop3A_429, %add3A_14 : vector<16xi32>
          %parallel_loop3A_443 = tpu.vector_load_idx %arg9[%parallel_loop3A_442] : memref<19456xf32, #tpu.memory_space<vmem>>[vector<16xi32>], vector<16xf32>,
          %parallel_loop3A_444 = arith.addi %parallel_loop3A_433, %add3A_5 : vector<16xi32>
          %parallel_loop3A_445 = tpu.vector_load_idx %arg9[%parallel_loop3A_444] : memref<19456xf32, #tpu.memory_space<vmem>>[vector<16xi32>], vector<16xf32>,
          %parallel_loop3A_446 = arith.addi %parallel_loop3A_433, %add3A_8 : vector<16xi32>
          %parallel_loop3A_447 = tpu.vector_load_idx %arg9[%parallel_loop3A_446] : memref<19456xf32, #tpu.memory_space<vmem>>[vector<16xi32>], vector<16xf32>,
          %parallel_loop3A_448 = arith.addi %parallel_loop3A_433, %add3A_11 : vector<16xi32>
          %parallel_loop3A_449 = tpu.vector_load_idx %arg9[%parallel_loop3A_448] : memref<19456xf32, #tpu.memory_space<vmem>>[vector<16xi32>], vector<16xf32>,
          %parallel_loop3A_450 = arith.addi %parallel_loop3A_433, %add3A_14 : vector<16xi32>
          %parallel_loop3A_451 = tpu.vector_load_idx %arg9[%parallel_loop3A_450] : memref<19456xf32, #tpu.memory_space<vmem>>[vector<16xi32>], vector<16xf32>,
          %parallel_loop3A_452 = arith.constant 0 : i32
          %parallel_loop3A_453 = arith.addi %parallel_loop3A_435, %parallel_loop3A_452 : i32
          %parallel_loop3A_454 = arith.index_cast %parallel_loop3A_453 : i32 to index
          %parallel_loop3A_455 = tpu.vector_load %arg10[%parallel_loop3A_454] {strides = array<i32>} : memref<16384xf32, #tpu.memory_space<vmem>>, vector<16xf32>,
          tpu.vector_store %arg10[%parallel_loop3A_454], %parallel_loop3A_437 {add = true, strides = array<i32>} : memref<16384xf32, #tpu.memory_space<vmem>>, vector<16xf32>,
          %parallel_loop3A_456 = arith.constant 16 : i32
          %parallel_loop3A_457 = arith.addi %parallel_loop3A_435, %parallel_loop3A_456 : i32
          %parallel_loop3A_458 = arith.index_cast %parallel_loop3A_457 : i32 to index
          %parallel_loop3A_459 = tpu.vector_load %arg10[%parallel_loop3A_458] {strides = array<i32>} : memref<16384xf32, #tpu.memory_space<vmem>>, vector<16xf32>,
          tpu.vector_store %arg10[%parallel_loop3A_458], %parallel_loop3A_439 {add = true, strides = array<i32>} : memref<16384xf32, #tpu.memory_space<vmem>>, vector<16xf32>,
          %parallel_loop3A_460 = arith.constant 32 : i32
          %parallel_loop3A_461 = arith.addi %parallel_loop3A_435, %parallel_loop3A_460 : i32
          %parallel_loop3A_462 = arith.index_cast %parallel_loop3A_461 : i32 to index
          %parallel_loop3A_463 = tpu.vector_load %arg10[%parallel_loop3A_462] {strides = array<i32>} : memref<16384xf32, #tpu.memory_space<vmem>>, vector<16xf32>,
          tpu.vector_store %arg10[%parallel_loop3A_462], %parallel_loop3A_441 {add = true, strides = array<i32>} : memref<16384xf32, #tpu.memory_space<vmem>>, vector<16xf32>,
          %parallel_loop3A_464 = arith.constant 48 : i32
          %parallel_loop3A_465 = arith.addi %parallel_loop3A_435, %parallel_loop3A_464 : i32
          %parallel_loop3A_466 = arith.index_cast %parallel_loop3A_465 : i32 to index
          %parallel_loop3A_467 = tpu.vector_load %arg10[%parallel_loop3A_466] {strides = array<i32>} : memref<16384xf32, #tpu.memory_space<vmem>>, vector<16xf32>,
          tpu.vector_store %arg10[%parallel_loop3A_466], %parallel_loop3A_443 {add = true, strides = array<i32>} : memref<16384xf32, #tpu.memory_space<vmem>>, vector<16xf32>,
          %parallel_loop3A_468 = arith.constant 64 : i32
          %parallel_loop3A_469 = arith.addi %parallel_loop3A_435, %parallel_loop3A_468 : i32
          %parallel_loop3A_470 = arith.index_cast %parallel_loop3A_469 : i32 to index
          %parallel_loop3A_471 = tpu.vector_load %arg10[%parallel_loop3A_470] {strides = array<i32>} : memref<16384xf32, #tpu.memory_space<vmem>>, vector<16xf32>,
          tpu.vector_store %arg10[%parallel_loop3A_470], %parallel_loop3A_445 {add = true, strides = array<i32>} : memref<16384xf32, #tpu.memory_space<vmem>>, vector<16xf32>,
          %parallel_loop3A_472 = arith.constant 80 : i32
          %parallel_loop3A_473 = arith.addi %parallel_loop3A_435, %parallel_loop3A_472 : i32
          %parallel_loop3A_474 = arith.index_cast %parallel_loop3A_473 : i32 to index
          %parallel_loop3A_475 = tpu.vector_load %arg10[%parallel_loop3A_474] {strides = array<i32>} : memref<16384xf32, #tpu.memory_space<vmem>>, vector<16xf32>,
          tpu.vector_store %arg10[%parallel_loop3A_474], %parallel_loop3A_447 {add = true, strides = array<i32>} : memref<16384xf32, #tpu.memory_space<vmem>>, vector<16xf32>,
          %parallel_loop3A_476 = arith.constant 96 : i32
          %parallel_loop3A_477 = arith.addi %parallel_loop3A_435, %parallel_loop3A_476 : i32
          %parallel_loop3A_478 = arith.index_cast %parallel_loop3A_477 : i32 to index
          %parallel_loop3A_479 = tpu.vector_load %arg10[%parallel_loop3A_478] {strides = array<i32>} : memref<16384xf32, #tpu.memory_space<vmem>>, vector<16xf32>,
          tpu.vector_store %arg10[%parallel_loop3A_478], %parallel_loop3A_449 {add = true, strides = array<i32>} : memref<16384xf32, #tpu.memory_space<vmem>>, vector<16xf32>,
          %parallel_loop3A_480 = arith.constant 112 : i32
          %parallel_loop3A_481 = arith.addi %parallel_loop3A_435, %parallel_loop3A_480 : i32
          %parallel_loop3A_482 = arith.index_cast %parallel_loop3A_481 : i32 to index
          %parallel_loop3A_483 = tpu.vector_load %arg10[%parallel_loop3A_482] {strides = array<i32>} : memref<16384xf32, #tpu.memory_space<vmem>>, vector<16xf32>,
          tpu.vector_store %arg10[%parallel_loop3A_482], %parallel_loop3A_451 {add = true, strides = array<i32>} : memref<16384xf32, #tpu.memory_space<vmem>>, vector<16xf32>,
          %parallel_loop3A_484 = arith.constant 7 : i32
          %parallel_loop3A_485 = vector.broadcast %parallel_loop3A_484 : i32 to vector<16x1xi32>
          %parallel_loop3A_486 = vector.shape_cast %parallel_loop3A_485 : vector<16x1xi32> to vector<16xi32>
          %parallel_loop3A_487 = tpu.dynamic_gather %parallel_loop3A_72[%parallel_loop3A_486] in [0] : vector<16xi32>, vector<16xi32> -> vector<16xi32>
          %parallel_loop3A_488 = arith.constant 7 : i32
          %parallel_loop3A_489 = vector.broadcast %parallel_loop3A_488 : i32 to vector<16x1xi32>
          %parallel_loop3A_490 = vector.shape_cast %parallel_loop3A_489 : vector<16x1xi32> to vector<16xi32>
          %parallel_loop3A_491 = tpu.dynamic_gather %parallel_loop3A_75[%parallel_loop3A_490] in [0] : vector<16xi32>, vector<16xi32> -> vector<16xi32>
          %parallel_loop3A_492 = arith.constant 896 : i32
          %parallel_loop3A_493 = arith.addi %parallel_loop3A_77, %parallel_loop3A_492 : i32
          %parallel_loop3A_494 = arith.addi %parallel_loop3A_487, %add3A_5 : vector<16xi32>
          %parallel_loop3A_495 = tpu.vector_load_idx %arg9[%parallel_loop3A_494] : memref<19456xf32, #tpu.memory_space<vmem>>[vector<16xi32>], vector<16xf32>,
          %parallel_loop3A_496 = arith.addi %parallel_loop3A_487, %add3A_8 : vector<16xi32>
          %parallel_loop3A_497 = tpu.vector_load_idx %arg9[%parallel_loop3A_496] : memref<19456xf32, #tpu.memory_space<vmem>>[vector<16xi32>], vector<16xf32>,
          %parallel_loop3A_498 = arith.addi %parallel_loop3A_487, %add3A_11 : vector<16xi32>
          %parallel_loop3A_499 = tpu.vector_load_idx %arg9[%parallel_loop3A_498] : memref<19456xf32, #tpu.memory_space<vmem>>[vector<16xi32>], vector<16xf32>,
          %parallel_loop3A_500 = arith.addi %parallel_loop3A_487, %add3A_14 : vector<16xi32>
          %parallel_loop3A_501 = tpu.vector_load_idx %arg9[%parallel_loop3A_500] : memref<19456xf32, #tpu.memory_space<vmem>>[vector<16xi32>], vector<16xf32>,
          %parallel_loop3A_502 = arith.addi %parallel_loop3A_491, %add3A_5 : vector<16xi32>
          %parallel_loop3A_503 = tpu.vector_load_idx %arg9[%parallel_loop3A_502] : memref<19456xf32, #tpu.memory_space<vmem>>[vector<16xi32>], vector<16xf32>,
          %parallel_loop3A_504 = arith.addi %parallel_loop3A_491, %add3A_8 : vector<16xi32>
          %parallel_loop3A_505 = tpu.vector_load_idx %arg9[%parallel_loop3A_504] : memref<19456xf32, #tpu.memory_space<vmem>>[vector<16xi32>], vector<16xf32>,
          %parallel_loop3A_506 = arith.addi %parallel_loop3A_491, %add3A_11 : vector<16xi32>
          %parallel_loop3A_507 = tpu.vector_load_idx %arg9[%parallel_loop3A_506] : memref<19456xf32, #tpu.memory_space<vmem>>[vector<16xi32>], vector<16xf32>,
          %parallel_loop3A_508 = arith.addi %parallel_loop3A_491, %add3A_14 : vector<16xi32>
          %parallel_loop3A_509 = tpu.vector_load_idx %arg9[%parallel_loop3A_508] : memref<19456xf32, #tpu.memory_space<vmem>>[vector<16xi32>], vector<16xf32>,
          %parallel_loop3A_510 = arith.constant 0 : i32
          %parallel_loop3A_511 = arith.addi %parallel_loop3A_493, %parallel_loop3A_510 : i32
          %parallel_loop3A_512 = arith.index_cast %parallel_loop3A_511 : i32 to index
          %parallel_loop3A_513 = tpu.vector_load %arg10[%parallel_loop3A_512] {strides = array<i32>} : memref<16384xf32, #tpu.memory_space<vmem>>, vector<16xf32>,
          tpu.vector_store %arg10[%parallel_loop3A_512], %parallel_loop3A_495 {add = true, strides = array<i32>} : memref<16384xf32, #tpu.memory_space<vmem>>, vector<16xf32>,
          %parallel_loop3A_514 = arith.constant 16 : i32
          %parallel_loop3A_515 = arith.addi %parallel_loop3A_493, %parallel_loop3A_514 : i32
          %parallel_loop3A_516 = arith.index_cast %parallel_loop3A_515 : i32 to index
          %parallel_loop3A_517 = tpu.vector_load %arg10[%parallel_loop3A_516] {strides = array<i32>} : memref<16384xf32, #tpu.memory_space<vmem>>, vector<16xf32>,
          tpu.vector_store %arg10[%parallel_loop3A_516], %parallel_loop3A_497 {add = true, strides = array<i32>} : memref<16384xf32, #tpu.memory_space<vmem>>, vector<16xf32>,
          %parallel_loop3A_518 = arith.constant 32 : i32
          %parallel_loop3A_519 = arith.addi %parallel_loop3A_493, %parallel_loop3A_518 : i32
          %parallel_loop3A_520 = arith.index_cast %parallel_loop3A_519 : i32 to index
          %parallel_loop3A_521 = tpu.vector_load %arg10[%parallel_loop3A_520] {strides = array<i32>} : memref<16384xf32, #tpu.memory_space<vmem>>, vector<16xf32>,
          tpu.vector_store %arg10[%parallel_loop3A_520], %parallel_loop3A_499 {add = true, strides = array<i32>} : memref<16384xf32, #tpu.memory_space<vmem>>, vector<16xf32>,
          %parallel_loop3A_522 = arith.constant 48 : i32
          %parallel_loop3A_523 = arith.addi %parallel_loop3A_493, %parallel_loop3A_522 : i32
          %parallel_loop3A_524 = arith.index_cast %parallel_loop3A_523 : i32 to index
          %parallel_loop3A_525 = tpu.vector_load %arg10[%parallel_loop3A_524] {strides = array<i32>} : memref<16384xf32, #tpu.memory_space<vmem>>, vector<16xf32>,
          tpu.vector_store %arg10[%parallel_loop3A_524], %parallel_loop3A_501 {add = true, strides = array<i32>} : memref<16384xf32, #tpu.memory_space<vmem>>, vector<16xf32>,
          %parallel_loop3A_526 = arith.constant 64 : i32
          %parallel_loop3A_527 = arith.addi %parallel_loop3A_493, %parallel_loop3A_526 : i32
          %parallel_loop3A_528 = arith.index_cast %parallel_loop3A_527 : i32 to index
          %parallel_loop3A_529 = tpu.vector_load %arg10[%parallel_loop3A_528] {strides = array<i32>} : memref<16384xf32, #tpu.memory_space<vmem>>, vector<16xf32>,
          tpu.vector_store %arg10[%parallel_loop3A_528], %parallel_loop3A_503 {add = true, strides = array<i32>} : memref<16384xf32, #tpu.memory_space<vmem>>, vector<16xf32>,
          %parallel_loop3A_530 = arith.constant 80 : i32
          %parallel_loop3A_531 = arith.addi %parallel_loop3A_493, %parallel_loop3A_530 : i32
          %parallel_loop3A_532 = arith.index_cast %parallel_loop3A_531 : i32 to index
          %parallel_loop3A_533 = tpu.vector_load %arg10[%parallel_loop3A_532] {strides = array<i32>} : memref<16384xf32, #tpu.memory_space<vmem>>, vector<16xf32>,
          tpu.vector_store %arg10[%parallel_loop3A_532], %parallel_loop3A_505 {add = true, strides = array<i32>} : memref<16384xf32, #tpu.memory_space<vmem>>, vector<16xf32>,
          %parallel_loop3A_534 = arith.constant 96 : i32
          %parallel_loop3A_535 = arith.addi %parallel_loop3A_493, %parallel_loop3A_534 : i32
          %parallel_loop3A_536 = arith.index_cast %parallel_loop3A_535 : i32 to index
          %parallel_loop3A_537 = tpu.vector_load %arg10[%parallel_loop3A_536] {strides = array<i32>} : memref<16384xf32, #tpu.memory_space<vmem>>, vector<16xf32>,
          tpu.vector_store %arg10[%parallel_loop3A_536], %parallel_loop3A_507 {add = true, strides = array<i32>} : memref<16384xf32, #tpu.memory_space<vmem>>, vector<16xf32>,
          %parallel_loop3A_538 = arith.constant 112 : i32
          %parallel_loop3A_539 = arith.addi %parallel_loop3A_493, %parallel_loop3A_538 : i32
          %parallel_loop3A_540 = arith.index_cast %parallel_loop3A_539 : i32 to index
          %parallel_loop3A_541 = tpu.vector_load %arg10[%parallel_loop3A_540] {strides = array<i32>} : memref<16384xf32, #tpu.memory_space<vmem>>, vector<16xf32>,
          tpu.vector_store %arg10[%parallel_loop3A_540], %parallel_loop3A_509 {add = true, strides = array<i32>} : memref<16384xf32, #tpu.memory_space<vmem>>, vector<16xf32>,
          %parallel_loop3A_542 = arith.constant 8 : i32
          %parallel_loop3A_543 = vector.broadcast %parallel_loop3A_542 : i32 to vector<16x1xi32>
          %parallel_loop3A_544 = vector.shape_cast %parallel_loop3A_543 : vector<16x1xi32> to vector<16xi32>
          %parallel_loop3A_545 = tpu.dynamic_gather %parallel_loop3A_72[%parallel_loop3A_544] in [0] : vector<16xi32>, vector<16xi32> -> vector<16xi32>
          %parallel_loop3A_546 = arith.constant 8 : i32
          %parallel_loop3A_547 = vector.broadcast %parallel_loop3A_546 : i32 to vector<16x1xi32>
          %parallel_loop3A_548 = vector.shape_cast %parallel_loop3A_547 : vector<16x1xi32> to vector<16xi32>
          %parallel_loop3A_549 = tpu.dynamic_gather %parallel_loop3A_75[%parallel_loop3A_548] in [0] : vector<16xi32>, vector<16xi32> -> vector<16xi32>
          %parallel_loop3A_550 = arith.constant 1024 : i32
          %parallel_loop3A_551 = arith.addi %parallel_loop3A_77, %parallel_loop3A_550 : i32
          %parallel_loop3A_552 = arith.addi %parallel_loop3A_545, %add3A_5 : vector<16xi32>
          %parallel_loop3A_553 = tpu.vector_load_idx %arg9[%parallel_loop3A_552] : memref<19456xf32, #tpu.memory_space<vmem>>[vector<16xi32>], vector<16xf32>,
          %parallel_loop3A_554 = arith.addi %parallel_loop3A_545, %add3A_8 : vector<16xi32>
          %parallel_loop3A_555 = tpu.vector_load_idx %arg9[%parallel_loop3A_554] : memref<19456xf32, #tpu.memory_space<vmem>>[vector<16xi32>], vector<16xf32>,
          %parallel_loop3A_556 = arith.addi %parallel_loop3A_545, %add3A_11 : vector<16xi32>
          %parallel_loop3A_557 = tpu.vector_load_idx %arg9[%parallel_loop3A_556] : memref<19456xf32, #tpu.memory_space<vmem>>[vector<16xi32>], vector<16xf32>,
          %parallel_loop3A_558 = arith.addi %parallel_loop3A_545, %add3A_14 : vector<16xi32>
          %parallel_loop3A_559 = tpu.vector_load_idx %arg9[%parallel_loop3A_558] : memref<19456xf32, #tpu.memory_space<vmem>>[vector<16xi32>], vector<16xf32>,
          %parallel_loop3A_560 = arith.addi %parallel_loop3A_549, %add3A_5 : vector<16xi32>
          %parallel_loop3A_561 = tpu.vector_load_idx %arg9[%parallel_loop3A_560] : memref<19456xf32, #tpu.memory_space<vmem>>[vector<16xi32>], vector<16xf32>,
          %parallel_loop3A_562 = arith.addi %parallel_loop3A_549, %add3A_8 : vector<16xi32>
          %parallel_loop3A_563 = tpu.vector_load_idx %arg9[%parallel_loop3A_562] : memref<19456xf32, #tpu.memory_space<vmem>>[vector<16xi32>], vector<16xf32>,
          %parallel_loop3A_564 = arith.addi %parallel_loop3A_549, %add3A_11 : vector<16xi32>
          %parallel_loop3A_565 = tpu.vector_load_idx %arg9[%parallel_loop3A_564] : memref<19456xf32, #tpu.memory_space<vmem>>[vector<16xi32>], vector<16xf32>,
          %parallel_loop3A_566 = arith.addi %parallel_loop3A_549, %add3A_14 : vector<16xi32>
          %parallel_loop3A_567 = tpu.vector_load_idx %arg9[%parallel_loop3A_566] : memref<19456xf32, #tpu.memory_space<vmem>>[vector<16xi32>], vector<16xf32>,
          %parallel_loop3A_568 = arith.constant 0 : i32
          %parallel_loop3A_569 = arith.addi %parallel_loop3A_551, %parallel_loop3A_568 : i32
          %parallel_loop3A_570 = arith.index_cast %parallel_loop3A_569 : i32 to index
          %parallel_loop3A_571 = tpu.vector_load %arg10[%parallel_loop3A_570] {strides = array<i32>} : memref<16384xf32, #tpu.memory_space<vmem>>, vector<16xf32>,
          tpu.vector_store %arg10[%parallel_loop3A_570], %parallel_loop3A_553 {add = true, strides = array<i32>} : memref<16384xf32, #tpu.memory_space<vmem>>, vector<16xf32>,
          %parallel_loop3A_572 = arith.constant 16 : i32
          %parallel_loop3A_573 = arith.addi %parallel_loop3A_551, %parallel_loop3A_572 : i32
          %parallel_loop3A_574 = arith.index_cast %parallel_loop3A_573 : i32 to index
          %parallel_loop3A_575 = tpu.vector_load %arg10[%parallel_loop3A_574] {strides = array<i32>} : memref<16384xf32, #tpu.memory_space<vmem>>, vector<16xf32>,
          tpu.vector_store %arg10[%parallel_loop3A_574], %parallel_loop3A_555 {add = true, strides = array<i32>} : memref<16384xf32, #tpu.memory_space<vmem>>, vector<16xf32>,
          %parallel_loop3A_576 = arith.constant 32 : i32
          %parallel_loop3A_577 = arith.addi %parallel_loop3A_551, %parallel_loop3A_576 : i32
          %parallel_loop3A_578 = arith.index_cast %parallel_loop3A_577 : i32 to index
          %parallel_loop3A_579 = tpu.vector_load %arg10[%parallel_loop3A_578] {strides = array<i32>} : memref<16384xf32, #tpu.memory_space<vmem>>, vector<16xf32>,
          tpu.vector_store %arg10[%parallel_loop3A_578], %parallel_loop3A_557 {add = true, strides = array<i32>} : memref<16384xf32, #tpu.memory_space<vmem>>, vector<16xf32>,
          %parallel_loop3A_580 = arith.constant 48 : i32
          %parallel_loop3A_581 = arith.addi %parallel_loop3A_551, %parallel_loop3A_580 : i32
          %parallel_loop3A_582 = arith.index_cast %parallel_loop3A_581 : i32 to index
          %parallel_loop3A_583 = tpu.vector_load %arg10[%parallel_loop3A_582] {strides = array<i32>} : memref<16384xf32, #tpu.memory_space<vmem>>, vector<16xf32>,
          tpu.vector_store %arg10[%parallel_loop3A_582], %parallel_loop3A_559 {add = true, strides = array<i32>} : memref<16384xf32, #tpu.memory_space<vmem>>, vector<16xf32>,
          %parallel_loop3A_584 = arith.constant 64 : i32
          %parallel_loop3A_585 = arith.addi %parallel_loop3A_551, %parallel_loop3A_584 : i32
          %parallel_loop3A_586 = arith.index_cast %parallel_loop3A_585 : i32 to index
          %parallel_loop3A_587 = tpu.vector_load %arg10[%parallel_loop3A_586] {strides = array<i32>} : memref<16384xf32, #tpu.memory_space<vmem>>, vector<16xf32>,
          tpu.vector_store %arg10[%parallel_loop3A_586], %parallel_loop3A_561 {add = true, strides = array<i32>} : memref<16384xf32, #tpu.memory_space<vmem>>, vector<16xf32>,
          %parallel_loop3A_588 = arith.constant 80 : i32
          %parallel_loop3A_589 = arith.addi %parallel_loop3A_551, %parallel_loop3A_588 : i32
          %parallel_loop3A_590 = arith.index_cast %parallel_loop3A_589 : i32 to index
          %parallel_loop3A_591 = tpu.vector_load %arg10[%parallel_loop3A_590] {strides = array<i32>} : memref<16384xf32, #tpu.memory_space<vmem>>, vector<16xf32>,
          tpu.vector_store %arg10[%parallel_loop3A_590], %parallel_loop3A_563 {add = true, strides = array<i32>} : memref<16384xf32, #tpu.memory_space<vmem>>, vector<16xf32>,
          %parallel_loop3A_592 = arith.constant 96 : i32
          %parallel_loop3A_593 = arith.addi %parallel_loop3A_551, %parallel_loop3A_592 : i32
          %parallel_loop3A_594 = arith.index_cast %parallel_loop3A_593 : i32 to index
          %parallel_loop3A_595 = tpu.vector_load %arg10[%parallel_loop3A_594] {strides = array<i32>} : memref<16384xf32, #tpu.memory_space<vmem>>, vector<16xf32>,
          tpu.vector_store %arg10[%parallel_loop3A_594], %parallel_loop3A_565 {add = true, strides = array<i32>} : memref<16384xf32, #tpu.memory_space<vmem>>, vector<16xf32>,
          %parallel_loop3A_596 = arith.constant 112 : i32
          %parallel_loop3A_597 = arith.addi %parallel_loop3A_551, %parallel_loop3A_596 : i32
          %parallel_loop3A_598 = arith.index_cast %parallel_loop3A_597 : i32 to index
          %parallel_loop3A_599 = tpu.vector_load %arg10[%parallel_loop3A_598] {strides = array<i32>} : memref<16384xf32, #tpu.memory_space<vmem>>, vector<16xf32>,
          tpu.vector_store %arg10[%parallel_loop3A_598], %parallel_loop3A_567 {add = true, strides = array<i32>} : memref<16384xf32, #tpu.memory_space<vmem>>, vector<16xf32>,
          %parallel_loop3A_600 = arith.constant 9 : i32
          %parallel_loop3A_601 = vector.broadcast %parallel_loop3A_600 : i32 to vector<16x1xi32>
          %parallel_loop3A_602 = vector.shape_cast %parallel_loop3A_601 : vector<16x1xi32> to vector<16xi32>
          %parallel_loop3A_603 = tpu.dynamic_gather %parallel_loop3A_72[%parallel_loop3A_602] in [0] : vector<16xi32>, vector<16xi32> -> vector<16xi32>
          %parallel_loop3A_604 = arith.constant 9 : i32
          %parallel_loop3A_605 = vector.broadcast %parallel_loop3A_604 : i32 to vector<16x1xi32>
          %parallel_loop3A_606 = vector.shape_cast %parallel_loop3A_605 : vector<16x1xi32> to vector<16xi32>
          %parallel_loop3A_607 = tpu.dynamic_gather %parallel_loop3A_75[%parallel_loop3A_606] in [0] : vector<16xi32>, vector<16xi32> -> vector<16xi32>
          %parallel_loop3A_608 = arith.constant 1152 : i32
          %parallel_loop3A_609 = arith.addi %parallel_loop3A_77, %parallel_loop3A_608 : i32
          %parallel_loop3A_610 = arith.addi %parallel_loop3A_603, %add3A_5 : vector<16xi32>
          %parallel_loop3A_611 = tpu.vector_load_idx %arg9[%parallel_loop3A_610] : memref<19456xf32, #tpu.memory_space<vmem>>[vector<16xi32>], vector<16xf32>,
          %parallel_loop3A_612 = arith.addi %parallel_loop3A_603, %add3A_8 : vector<16xi32>
          %parallel_loop3A_613 = tpu.vector_load_idx %arg9[%parallel_loop3A_612] : memref<19456xf32, #tpu.memory_space<vmem>>[vector<16xi32>], vector<16xf32>,
          %parallel_loop3A_614 = arith.addi %parallel_loop3A_603, %add3A_11 : vector<16xi32>
          %parallel_loop3A_615 = tpu.vector_load_idx %arg9[%parallel_loop3A_614] : memref<19456xf32, #tpu.memory_space<vmem>>[vector<16xi32>], vector<16xf32>,
          %parallel_loop3A_616 = arith.addi %parallel_loop3A_603, %add3A_14 : vector<16xi32>
          %parallel_loop3A_617 = tpu.vector_load_idx %arg9[%parallel_loop3A_616] : memref<19456xf32, #tpu.memory_space<vmem>>[vector<16xi32>], vector<16xf32>,
          %parallel_loop3A_618 = arith.addi %parallel_loop3A_607, %add3A_5 : vector<16xi32>
          %parallel_loop3A_619 = tpu.vector_load_idx %arg9[%parallel_loop3A_618] : memref<19456xf32, #tpu.memory_space<vmem>>[vector<16xi32>], vector<16xf32>,
          %parallel_loop3A_620 = arith.addi %parallel_loop3A_607, %add3A_8 : vector<16xi32>
          %parallel_loop3A_621 = tpu.vector_load_idx %arg9[%parallel_loop3A_620] : memref<19456xf32, #tpu.memory_space<vmem>>[vector<16xi32>], vector<16xf32>,
          %parallel_loop3A_622 = arith.addi %parallel_loop3A_607, %add3A_11 : vector<16xi32>
          %parallel_loop3A_623 = tpu.vector_load_idx %arg9[%parallel_loop3A_622] : memref<19456xf32, #tpu.memory_space<vmem>>[vector<16xi32>], vector<16xf32>,
          %parallel_loop3A_624 = arith.addi %parallel_loop3A_607, %add3A_14 : vector<16xi32>
          %parallel_loop3A_625 = tpu.vector_load_idx %arg9[%parallel_loop3A_624] : memref<19456xf32, #tpu.memory_space<vmem>>[vector<16xi32>], vector<16xf32>,
          %parallel_loop3A_626 = arith.constant 0 : i32
          %parallel_loop3A_627 = arith.addi %parallel_loop3A_609, %parallel_loop3A_626 : i32
          %parallel_loop3A_628 = arith.index_cast %parallel_loop3A_627 : i32 to index
          %parallel_loop3A_629 = tpu.vector_load %arg10[%parallel_loop3A_628] {strides = array<i32>} : memref<16384xf32, #tpu.memory_space<vmem>>, vector<16xf32>,
          tpu.vector_store %arg10[%parallel_loop3A_628], %parallel_loop3A_611 {add = true, strides = array<i32>} : memref<16384xf32, #tpu.memory_space<vmem>>, vector<16xf32>,
          %parallel_loop3A_630 = arith.constant 16 : i32
          %parallel_loop3A_631 = arith.addi %parallel_loop3A_609, %parallel_loop3A_630 : i32
          %parallel_loop3A_632 = arith.index_cast %parallel_loop3A_631 : i32 to index
          %parallel_loop3A_633 = tpu.vector_load %arg10[%parallel_loop3A_632] {strides = array<i32>} : memref<16384xf32, #tpu.memory_space<vmem>>, vector<16xf32>,
          tpu.vector_store %arg10[%parallel_loop3A_632], %parallel_loop3A_613 {add = true, strides = array<i32>} : memref<16384xf32, #tpu.memory_space<vmem>>, vector<16xf32>,
          %parallel_loop3A_634 = arith.constant 32 : i32
          %parallel_loop3A_635 = arith.addi %parallel_loop3A_609, %parallel_loop3A_634 : i32
          %parallel_loop3A_636 = arith.index_cast %parallel_loop3A_635 : i32 to index
          %parallel_loop3A_637 = tpu.vector_load %arg10[%parallel_loop3A_636] {strides = array<i32>} : memref<16384xf32, #tpu.memory_space<vmem>>, vector<16xf32>,
          tpu.vector_store %arg10[%parallel_loop3A_636], %parallel_loop3A_615 {add = true, strides = array<i32>} : memref<16384xf32, #tpu.memory_space<vmem>>, vector<16xf32>,
          %parallel_loop3A_638 = arith.constant 48 : i32
          %parallel_loop3A_639 = arith.addi %parallel_loop3A_609, %parallel_loop3A_638 : i32
          %parallel_loop3A_640 = arith.index_cast %parallel_loop3A_639 : i32 to index
          %parallel_loop3A_641 = tpu.vector_load %arg10[%parallel_loop3A_640] {strides = array<i32>} : memref<16384xf32, #tpu.memory_space<vmem>>, vector<16xf32>,
          tpu.vector_store %arg10[%parallel_loop3A_640], %parallel_loop3A_617 {add = true, strides = array<i32>} : memref<16384xf32, #tpu.memory_space<vmem>>, vector<16xf32>,
          %parallel_loop3A_642 = arith.constant 64 : i32
          %parallel_loop3A_643 = arith.addi %parallel_loop3A_609, %parallel_loop3A_642 : i32
          %parallel_loop3A_644 = arith.index_cast %parallel_loop3A_643 : i32 to index
          %parallel_loop3A_645 = tpu.vector_load %arg10[%parallel_loop3A_644] {strides = array<i32>} : memref<16384xf32, #tpu.memory_space<vmem>>, vector<16xf32>,
          tpu.vector_store %arg10[%parallel_loop3A_644], %parallel_loop3A_619 {add = true, strides = array<i32>} : memref<16384xf32, #tpu.memory_space<vmem>>, vector<16xf32>,
          %parallel_loop3A_646 = arith.constant 80 : i32
          %parallel_loop3A_647 = arith.addi %parallel_loop3A_609, %parallel_loop3A_646 : i32
          %parallel_loop3A_648 = arith.index_cast %parallel_loop3A_647 : i32 to index
          %parallel_loop3A_649 = tpu.vector_load %arg10[%parallel_loop3A_648] {strides = array<i32>} : memref<16384xf32, #tpu.memory_space<vmem>>, vector<16xf32>,
          tpu.vector_store %arg10[%parallel_loop3A_648], %parallel_loop3A_621 {add = true, strides = array<i32>} : memref<16384xf32, #tpu.memory_space<vmem>>, vector<16xf32>,
          %parallel_loop3A_650 = arith.constant 96 : i32
          %parallel_loop3A_651 = arith.addi %parallel_loop3A_609, %parallel_loop3A_650 : i32
          %parallel_loop3A_652 = arith.index_cast %parallel_loop3A_651 : i32 to index
          %parallel_loop3A_653 = tpu.vector_load %arg10[%parallel_loop3A_652] {strides = array<i32>} : memref<16384xf32, #tpu.memory_space<vmem>>, vector<16xf32>,
          tpu.vector_store %arg10[%parallel_loop3A_652], %parallel_loop3A_623 {add = true, strides = array<i32>} : memref<16384xf32, #tpu.memory_space<vmem>>, vector<16xf32>,
          %parallel_loop3A_654 = arith.constant 112 : i32
          %parallel_loop3A_655 = arith.addi %parallel_loop3A_609, %parallel_loop3A_654 : i32
          %parallel_loop3A_656 = arith.index_cast %parallel_loop3A_655 : i32 to index
          %parallel_loop3A_657 = tpu.vector_load %arg10[%parallel_loop3A_656] {strides = array<i32>} : memref<16384xf32, #tpu.memory_space<vmem>>, vector<16xf32>,
          tpu.vector_store %arg10[%parallel_loop3A_656], %parallel_loop3A_625 {add = true, strides = array<i32>} : memref<16384xf32, #tpu.memory_space<vmem>>, vector<16xf32>,
          %parallel_loop3A_658 = arith.constant 10 : i32
          %parallel_loop3A_659 = vector.broadcast %parallel_loop3A_658 : i32 to vector<16x1xi32>
          %parallel_loop3A_660 = vector.shape_cast %parallel_loop3A_659 : vector<16x1xi32> to vector<16xi32>
          %parallel_loop3A_661 = tpu.dynamic_gather %parallel_loop3A_72[%parallel_loop3A_660] in [0] : vector<16xi32>, vector<16xi32> -> vector<16xi32>
          %parallel_loop3A_662 = arith.constant 10 : i32
          %parallel_loop3A_663 = vector.broadcast %parallel_loop3A_662 : i32 to vector<16x1xi32>
          %parallel_loop3A_664 = vector.shape_cast %parallel_loop3A_663 : vector<16x1xi32> to vector<16xi32>
          %parallel_loop3A_665 = tpu.dynamic_gather %parallel_loop3A_75[%parallel_loop3A_664] in [0] : vector<16xi32>, vector<16xi32> -> vector<16xi32>
          %parallel_loop3A_666 = arith.constant 1280 : i32
          %parallel_loop3A_667 = arith.addi %parallel_loop3A_77, %parallel_loop3A_666 : i32
          %parallel_loop3A_668 = arith.addi %parallel_loop3A_661, %add3A_5 : vector<16xi32>
          %parallel_loop3A_669 = tpu.vector_load_idx %arg9[%parallel_loop3A_668] : memref<19456xf32, #tpu.memory_space<vmem>>[vector<16xi32>], vector<16xf32>,
          %parallel_loop3A_670 = arith.addi %parallel_loop3A_661, %add3A_8 : vector<16xi32>
          %parallel_loop3A_671 = tpu.vector_load_idx %arg9[%parallel_loop3A_670] : memref<19456xf32, #tpu.memory_space<vmem>>[vector<16xi32>], vector<16xf32>,
          %parallel_loop3A_672 = arith.addi %parallel_loop3A_661, %add3A_11 : vector<16xi32>
          %parallel_loop3A_673 = tpu.vector_load_idx %arg9[%parallel_loop3A_672] : memref<19456xf32, #tpu.memory_space<vmem>>[vector<16xi32>], vector<16xf32>,
          %parallel_loop3A_674 = arith.addi %parallel_loop3A_661, %add3A_14 : vector<16xi32>
          %parallel_loop3A_675 = tpu.vector_load_idx %arg9[%parallel_loop3A_674] : memref<19456xf32, #tpu.memory_space<vmem>>[vector<16xi32>], vector<16xf32>,
          %parallel_loop3A_676 = arith.addi %parallel_loop3A_665, %add3A_5 : vector<16xi32>
          %parallel_loop3A_677 = tpu.vector_load_idx %arg9[%parallel_loop3A_676] : memref<19456xf32, #tpu.memory_space<vmem>>[vector<16xi32>], vector<16xf32>,
          %parallel_loop3A_678 = arith.addi %parallel_loop3A_665, %add3A_8 : vector<16xi32>
          %parallel_loop3A_679 = tpu.vector_load_idx %arg9[%parallel_loop3A_678] : memref<19456xf32, #tpu.memory_space<vmem>>[vector<16xi32>], vector<16xf32>,
          %parallel_loop3A_680 = arith.addi %parallel_loop3A_665, %add3A_11 : vector<16xi32>
          %parallel_loop3A_681 = tpu.vector_load_idx %arg9[%parallel_loop3A_680] : memref<19456xf32, #tpu.memory_space<vmem>>[vector<16xi32>], vector<16xf32>,
          %parallel_loop3A_682 = arith.addi %parallel_loop3A_665, %add3A_14 : vector<16xi32>
          %parallel_loop3A_683 = tpu.vector_load_idx %arg9[%parallel_loop3A_682] : memref<19456xf32, #tpu.memory_space<vmem>>[vector<16xi32>], vector<16xf32>,
          %parallel_loop3A_684 = arith.constant 0 : i32
          %parallel_loop3A_685 = arith.addi %parallel_loop3A_667, %parallel_loop3A_684 : i32
          %parallel_loop3A_686 = arith.index_cast %parallel_loop3A_685 : i32 to index
          %parallel_loop3A_687 = tpu.vector_load %arg10[%parallel_loop3A_686] {strides = array<i32>} : memref<16384xf32, #tpu.memory_space<vmem>>, vector<16xf32>,
          tpu.vector_store %arg10[%parallel_loop3A_686], %parallel_loop3A_669 {add = true, strides = array<i32>} : memref<16384xf32, #tpu.memory_space<vmem>>, vector<16xf32>,
          %parallel_loop3A_688 = arith.constant 16 : i32
          %parallel_loop3A_689 = arith.addi %parallel_loop3A_667, %parallel_loop3A_688 : i32
          %parallel_loop3A_690 = arith.index_cast %parallel_loop3A_689 : i32 to index
          %parallel_loop3A_691 = tpu.vector_load %arg10[%parallel_loop3A_690] {strides = array<i32>} : memref<16384xf32, #tpu.memory_space<vmem>>, vector<16xf32>,
          tpu.vector_store %arg10[%parallel_loop3A_690], %parallel_loop3A_671 {add = true, strides = array<i32>} : memref<16384xf32, #tpu.memory_space<vmem>>, vector<16xf32>,
          %parallel_loop3A_692 = arith.constant 32 : i32
          %parallel_loop3A_693 = arith.addi %parallel_loop3A_667, %parallel_loop3A_692 : i32
          %parallel_loop3A_694 = arith.index_cast %parallel_loop3A_693 : i32 to index
          %parallel_loop3A_695 = tpu.vector_load %arg10[%parallel_loop3A_694] {strides = array<i32>} : memref<16384xf32, #tpu.memory_space<vmem>>, vector<16xf32>,
          tpu.vector_store %arg10[%parallel_loop3A_694], %parallel_loop3A_673 {add = true, strides = array<i32>} : memref<16384xf32, #tpu.memory_space<vmem>>, vector<16xf32>,
          %parallel_loop3A_696 = arith.constant 48 : i32
          %parallel_loop3A_697 = arith.addi %parallel_loop3A_667, %parallel_loop3A_696 : i32
          %parallel_loop3A_698 = arith.index_cast %parallel_loop3A_697 : i32 to index
          %parallel_loop3A_699 = tpu.vector_load %arg10[%parallel_loop3A_698] {strides = array<i32>} : memref<16384xf32, #tpu.memory_space<vmem>>, vector<16xf32>,
          tpu.vector_store %arg10[%parallel_loop3A_698], %parallel_loop3A_675 {add = true, strides = array<i32>} : memref<16384xf32, #tpu.memory_space<vmem>>, vector<16xf32>,
          %parallel_loop3A_700 = arith.constant 64 : i32
          %parallel_loop3A_701 = arith.addi %parallel_loop3A_667, %parallel_loop3A_700 : i32
          %parallel_loop3A_702 = arith.index_cast %parallel_loop3A_701 : i32 to index
          %parallel_loop3A_703 = tpu.vector_load %arg10[%parallel_loop3A_702] {strides = array<i32>} : memref<16384xf32, #tpu.memory_space<vmem>>, vector<16xf32>,
          tpu.vector_store %arg10[%parallel_loop3A_702], %parallel_loop3A_677 {add = true, strides = array<i32>} : memref<16384xf32, #tpu.memory_space<vmem>>, vector<16xf32>,
          %parallel_loop3A_704 = arith.constant 80 : i32
          %parallel_loop3A_705 = arith.addi %parallel_loop3A_667, %parallel_loop3A_704 : i32
          %parallel_loop3A_706 = arith.index_cast %parallel_loop3A_705 : i32 to index
          %parallel_loop3A_707 = tpu.vector_load %arg10[%parallel_loop3A_706] {strides = array<i32>} : memref<16384xf32, #tpu.memory_space<vmem>>, vector<16xf32>,
          tpu.vector_store %arg10[%parallel_loop3A_706], %parallel_loop3A_679 {add = true, strides = array<i32>} : memref<16384xf32, #tpu.memory_space<vmem>>, vector<16xf32>,
          %parallel_loop3A_708 = arith.constant 96 : i32
          %parallel_loop3A_709 = arith.addi %parallel_loop3A_667, %parallel_loop3A_708 : i32
          %parallel_loop3A_710 = arith.index_cast %parallel_loop3A_709 : i32 to index
          %parallel_loop3A_711 = tpu.vector_load %arg10[%parallel_loop3A_710] {strides = array<i32>} : memref<16384xf32, #tpu.memory_space<vmem>>, vector<16xf32>,
          tpu.vector_store %arg10[%parallel_loop3A_710], %parallel_loop3A_681 {add = true, strides = array<i32>} : memref<16384xf32, #tpu.memory_space<vmem>>, vector<16xf32>,
          %parallel_loop3A_712 = arith.constant 112 : i32
          %parallel_loop3A_713 = arith.addi %parallel_loop3A_667, %parallel_loop3A_712 : i32
          %parallel_loop3A_714 = arith.index_cast %parallel_loop3A_713 : i32 to index
          %parallel_loop3A_715 = tpu.vector_load %arg10[%parallel_loop3A_714] {strides = array<i32>} : memref<16384xf32, #tpu.memory_space<vmem>>, vector<16xf32>,
          tpu.vector_store %arg10[%parallel_loop3A_714], %parallel_loop3A_683 {add = true, strides = array<i32>} : memref<16384xf32, #tpu.memory_space<vmem>>, vector<16xf32>,
          %parallel_loop3A_716 = arith.constant 11 : i32
          %parallel_loop3A_717 = vector.broadcast %parallel_loop3A_716 : i32 to vector<16x1xi32>
          %parallel_loop3A_718 = vector.shape_cast %parallel_loop3A_717 : vector<16x1xi32> to vector<16xi32>
          %parallel_loop3A_719 = tpu.dynamic_gather %parallel_loop3A_72[%parallel_loop3A_718] in [0] : vector<16xi32>, vector<16xi32> -> vector<16xi32>
          %parallel_loop3A_720 = arith.constant 11 : i32
          %parallel_loop3A_721 = vector.broadcast %parallel_loop3A_720 : i32 to vector<16x1xi32>
          %parallel_loop3A_722 = vector.shape_cast %parallel_loop3A_721 : vector<16x1xi32> to vector<16xi32>
          %parallel_loop3A_723 = tpu.dynamic_gather %parallel_loop3A_75[%parallel_loop3A_722] in [0] : vector<16xi32>, vector<16xi32> -> vector<16xi32>
          %parallel_loop3A_724 = arith.constant 1408 : i32
          %parallel_loop3A_725 = arith.addi %parallel_loop3A_77, %parallel_loop3A_724 : i32
          %parallel_loop3A_726 = arith.addi %parallel_loop3A_719, %add3A_5 : vector<16xi32>
          %parallel_loop3A_727 = tpu.vector_load_idx %arg9[%parallel_loop3A_726] : memref<19456xf32, #tpu.memory_space<vmem>>[vector<16xi32>], vector<16xf32>,
          %parallel_loop3A_728 = arith.addi %parallel_loop3A_719, %add3A_8 : vector<16xi32>
          %parallel_loop3A_729 = tpu.vector_load_idx %arg9[%parallel_loop3A_728] : memref<19456xf32, #tpu.memory_space<vmem>>[vector<16xi32>], vector<16xf32>,
          %parallel_loop3A_730 = arith.addi %parallel_loop3A_719, %add3A_11 : vector<16xi32>
          %parallel_loop3A_731 = tpu.vector_load_idx %arg9[%parallel_loop3A_730] : memref<19456xf32, #tpu.memory_space<vmem>>[vector<16xi32>], vector<16xf32>,
          %parallel_loop3A_732 = arith.addi %parallel_loop3A_719, %add3A_14 : vector<16xi32>
          %parallel_loop3A_733 = tpu.vector_load_idx %arg9[%parallel_loop3A_732] : memref<19456xf32, #tpu.memory_space<vmem>>[vector<16xi32>], vector<16xf32>,
          %parallel_loop3A_734 = arith.addi %parallel_loop3A_723, %add3A_5 : vector<16xi32>
          %parallel_loop3A_735 = tpu.vector_load_idx %arg9[%parallel_loop3A_734] : memref<19456xf32, #tpu.memory_space<vmem>>[vector<16xi32>], vector<16xf32>,
          %parallel_loop3A_736 = arith.addi %parallel_loop3A_723, %add3A_8 : vector<16xi32>
          %parallel_loop3A_737 = tpu.vector_load_idx %arg9[%parallel_loop3A_736] : memref<19456xf32, #tpu.memory_space<vmem>>[vector<16xi32>], vector<16xf32>,
          %parallel_loop3A_738 = arith.addi %parallel_loop3A_723, %add3A_11 : vector<16xi32>
          %parallel_loop3A_739 = tpu.vector_load_idx %arg9[%parallel_loop3A_738] : memref<19456xf32, #tpu.memory_space<vmem>>[vector<16xi32>], vector<16xf32>,
          %parallel_loop3A_740 = arith.addi %parallel_loop3A_723, %add3A_14 : vector<16xi32>
          %parallel_loop3A_741 = tpu.vector_load_idx %arg9[%parallel_loop3A_740] : memref<19456xf32, #tpu.memory_space<vmem>>[vector<16xi32>], vector<16xf32>,
          %parallel_loop3A_742 = arith.constant 0 : i32
          %parallel_loop3A_743 = arith.addi %parallel_loop3A_725, %parallel_loop3A_742 : i32
          %parallel_loop3A_744 = arith.index_cast %parallel_loop3A_743 : i32 to index
          %parallel_loop3A_745 = tpu.vector_load %arg10[%parallel_loop3A_744] {strides = array<i32>} : memref<16384xf32, #tpu.memory_space<vmem>>, vector<16xf32>,
          tpu.vector_store %arg10[%parallel_loop3A_744], %parallel_loop3A_727 {add = true, strides = array<i32>} : memref<16384xf32, #tpu.memory_space<vmem>>, vector<16xf32>,
          %parallel_loop3A_746 = arith.constant 16 : i32
          %parallel_loop3A_747 = arith.addi %parallel_loop3A_725, %parallel_loop3A_746 : i32
          %parallel_loop3A_748 = arith.index_cast %parallel_loop3A_747 : i32 to index
          %parallel_loop3A_749 = tpu.vector_load %arg10[%parallel_loop3A_748] {strides = array<i32>} : memref<16384xf32, #tpu.memory_space<vmem>>, vector<16xf32>,
          tpu.vector_store %arg10[%parallel_loop3A_748], %parallel_loop3A_729 {add = true, strides = array<i32>} : memref<16384xf32, #tpu.memory_space<vmem>>, vector<16xf32>,
          %parallel_loop3A_750 = arith.constant 32 : i32
          %parallel_loop3A_751 = arith.addi %parallel_loop3A_725, %parallel_loop3A_750 : i32
          %parallel_loop3A_752 = arith.index_cast %parallel_loop3A_751 : i32 to index
          %parallel_loop3A_753 = tpu.vector_load %arg10[%parallel_loop3A_752] {strides = array<i32>} : memref<16384xf32, #tpu.memory_space<vmem>>, vector<16xf32>,
          tpu.vector_store %arg10[%parallel_loop3A_752], %parallel_loop3A_731 {add = true, strides = array<i32>} : memref<16384xf32, #tpu.memory_space<vmem>>, vector<16xf32>,
          %parallel_loop3A_754 = arith.constant 48 : i32
          %parallel_loop3A_755 = arith.addi %parallel_loop3A_725, %parallel_loop3A_754 : i32
          %parallel_loop3A_756 = arith.index_cast %parallel_loop3A_755 : i32 to index
          %parallel_loop3A_757 = tpu.vector_load %arg10[%parallel_loop3A_756] {strides = array<i32>} : memref<16384xf32, #tpu.memory_space<vmem>>, vector<16xf32>,
          tpu.vector_store %arg10[%parallel_loop3A_756], %parallel_loop3A_733 {add = true, strides = array<i32>} : memref<16384xf32, #tpu.memory_space<vmem>>, vector<16xf32>,
          %parallel_loop3A_758 = arith.constant 64 : i32
          %parallel_loop3A_759 = arith.addi %parallel_loop3A_725, %parallel_loop3A_758 : i32
          %parallel_loop3A_760 = arith.index_cast %parallel_loop3A_759 : i32 to index
          %parallel_loop3A_761 = tpu.vector_load %arg10[%parallel_loop3A_760] {strides = array<i32>} : memref<16384xf32, #tpu.memory_space<vmem>>, vector<16xf32>,
          tpu.vector_store %arg10[%parallel_loop3A_760], %parallel_loop3A_735 {add = true, strides = array<i32>} : memref<16384xf32, #tpu.memory_space<vmem>>, vector<16xf32>,
          %parallel_loop3A_762 = arith.constant 80 : i32
          %parallel_loop3A_763 = arith.addi %parallel_loop3A_725, %parallel_loop3A_762 : i32
          %parallel_loop3A_764 = arith.index_cast %parallel_loop3A_763 : i32 to index
          %parallel_loop3A_765 = tpu.vector_load %arg10[%parallel_loop3A_764] {strides = array<i32>} : memref<16384xf32, #tpu.memory_space<vmem>>, vector<16xf32>,
          tpu.vector_store %arg10[%parallel_loop3A_764], %parallel_loop3A_737 {add = true, strides = array<i32>} : memref<16384xf32, #tpu.memory_space<vmem>>, vector<16xf32>,
          %parallel_loop3A_766 = arith.constant 96 : i32
          %parallel_loop3A_767 = arith.addi %parallel_loop3A_725, %parallel_loop3A_766 : i32
          %parallel_loop3A_768 = arith.index_cast %parallel_loop3A_767 : i32 to index
          %parallel_loop3A_769 = tpu.vector_load %arg10[%parallel_loop3A_768] {strides = array<i32>} : memref<16384xf32, #tpu.memory_space<vmem>>, vector<16xf32>,
          tpu.vector_store %arg10[%parallel_loop3A_768], %parallel_loop3A_739 {add = true, strides = array<i32>} : memref<16384xf32, #tpu.memory_space<vmem>>, vector<16xf32>,
          %parallel_loop3A_770 = arith.constant 112 : i32
          %parallel_loop3A_771 = arith.addi %parallel_loop3A_725, %parallel_loop3A_770 : i32
          %parallel_loop3A_772 = arith.index_cast %parallel_loop3A_771 : i32 to index
          %parallel_loop3A_773 = tpu.vector_load %arg10[%parallel_loop3A_772] {strides = array<i32>} : memref<16384xf32, #tpu.memory_space<vmem>>, vector<16xf32>,
          tpu.vector_store %arg10[%parallel_loop3A_772], %parallel_loop3A_741 {add = true, strides = array<i32>} : memref<16384xf32, #tpu.memory_space<vmem>>, vector<16xf32>,
          %parallel_loop3A_774 = arith.constant 12 : i32
          %parallel_loop3A_775 = vector.broadcast %parallel_loop3A_774 : i32 to vector<16x1xi32>
          %parallel_loop3A_776 = vector.shape_cast %parallel_loop3A_775 : vector<16x1xi32> to vector<16xi32>
          %parallel_loop3A_777 = tpu.dynamic_gather %parallel_loop3A_72[%parallel_loop3A_776] in [0] : vector<16xi32>, vector<16xi32> -> vector<16xi32>
          %parallel_loop3A_778 = arith.constant 12 : i32
          %parallel_loop3A_779 = vector.broadcast %parallel_loop3A_778 : i32 to vector<16x1xi32>
          %parallel_loop3A_780 = vector.shape_cast %parallel_loop3A_779 : vector<16x1xi32> to vector<16xi32>
          %parallel_loop3A_781 = tpu.dynamic_gather %parallel_loop3A_75[%parallel_loop3A_780] in [0] : vector<16xi32>, vector<16xi32> -> vector<16xi32>
          %parallel_loop3A_782 = arith.constant 1536 : i32
          %parallel_loop3A_783 = arith.addi %parallel_loop3A_77, %parallel_loop3A_782 : i32
          %parallel_loop3A_784 = arith.addi %parallel_loop3A_777, %add3A_5 : vector<16xi32>
          %parallel_loop3A_785 = tpu.vector_load_idx %arg9[%parallel_loop3A_784] : memref<19456xf32, #tpu.memory_space<vmem>>[vector<16xi32>], vector<16xf32>,
          %parallel_loop3A_786 = arith.addi %parallel_loop3A_777, %add3A_8 : vector<16xi32>
          %parallel_loop3A_787 = tpu.vector_load_idx %arg9[%parallel_loop3A_786] : memref<19456xf32, #tpu.memory_space<vmem>>[vector<16xi32>], vector<16xf32>,
          %parallel_loop3A_788 = arith.addi %parallel_loop3A_777, %add3A_11 : vector<16xi32>
          %parallel_loop3A_789 = tpu.vector_load_idx %arg9[%parallel_loop3A_788] : memref<19456xf32, #tpu.memory_space<vmem>>[vector<16xi32>], vector<16xf32>,
          %parallel_loop3A_790 = arith.addi %parallel_loop3A_777, %add3A_14 : vector<16xi32>
          %parallel_loop3A_791 = tpu.vector_load_idx %arg9[%parallel_loop3A_790] : memref<19456xf32, #tpu.memory_space<vmem>>[vector<16xi32>], vector<16xf32>,
          %parallel_loop3A_792 = arith.addi %parallel_loop3A_781, %add3A_5 : vector<16xi32>
          %parallel_loop3A_793 = tpu.vector_load_idx %arg9[%parallel_loop3A_792] : memref<19456xf32, #tpu.memory_space<vmem>>[vector<16xi32>], vector<16xf32>,
          %parallel_loop3A_794 = arith.addi %parallel_loop3A_781, %add3A_8 : vector<16xi32>
          %parallel_loop3A_795 = tpu.vector_load_idx %arg9[%parallel_loop3A_794] : memref<19456xf32, #tpu.memory_space<vmem>>[vector<16xi32>], vector<16xf32>,
          %parallel_loop3A_796 = arith.addi %parallel_loop3A_781, %add3A_11 : vector<16xi32>
          %parallel_loop3A_797 = tpu.vector_load_idx %arg9[%parallel_loop3A_796] : memref<19456xf32, #tpu.memory_space<vmem>>[vector<16xi32>], vector<16xf32>,
          %parallel_loop3A_798 = arith.addi %parallel_loop3A_781, %add3A_14 : vector<16xi32>
          %parallel_loop3A_799 = tpu.vector_load_idx %arg9[%parallel_loop3A_798] : memref<19456xf32, #tpu.memory_space<vmem>>[vector<16xi32>], vector<16xf32>,
          %parallel_loop3A_800 = arith.constant 0 : i32
          %parallel_loop3A_801 = arith.addi %parallel_loop3A_783, %parallel_loop3A_800 : i32
          %parallel_loop3A_802 = arith.index_cast %parallel_loop3A_801 : i32 to index
          %parallel_loop3A_803 = tpu.vector_load %arg10[%parallel_loop3A_802] {strides = array<i32>} : memref<16384xf32, #tpu.memory_space<vmem>>, vector<16xf32>,
          tpu.vector_store %arg10[%parallel_loop3A_802], %parallel_loop3A_785 {add = true, strides = array<i32>} : memref<16384xf32, #tpu.memory_space<vmem>>, vector<16xf32>,
          %parallel_loop3A_804 = arith.constant 16 : i32
          %parallel_loop3A_805 = arith.addi %parallel_loop3A_783, %parallel_loop3A_804 : i32
          %parallel_loop3A_806 = arith.index_cast %parallel_loop3A_805 : i32 to index
          %parallel_loop3A_807 = tpu.vector_load %arg10[%parallel_loop3A_806] {strides = array<i32>} : memref<16384xf32, #tpu.memory_space<vmem>>, vector<16xf32>,
          tpu.vector_store %arg10[%parallel_loop3A_806], %parallel_loop3A_787 {add = true, strides = array<i32>} : memref<16384xf32, #tpu.memory_space<vmem>>, vector<16xf32>,
          %parallel_loop3A_808 = arith.constant 32 : i32
          %parallel_loop3A_809 = arith.addi %parallel_loop3A_783, %parallel_loop3A_808 : i32
          %parallel_loop3A_810 = arith.index_cast %parallel_loop3A_809 : i32 to index
          %parallel_loop3A_811 = tpu.vector_load %arg10[%parallel_loop3A_810] {strides = array<i32>} : memref<16384xf32, #tpu.memory_space<vmem>>, vector<16xf32>,
          tpu.vector_store %arg10[%parallel_loop3A_810], %parallel_loop3A_789 {add = true, strides = array<i32>} : memref<16384xf32, #tpu.memory_space<vmem>>, vector<16xf32>,
          %parallel_loop3A_812 = arith.constant 48 : i32
          %parallel_loop3A_813 = arith.addi %parallel_loop3A_783, %parallel_loop3A_812 : i32
          %parallel_loop3A_814 = arith.index_cast %parallel_loop3A_813 : i32 to index
          %parallel_loop3A_815 = tpu.vector_load %arg10[%parallel_loop3A_814] {strides = array<i32>} : memref<16384xf32, #tpu.memory_space<vmem>>, vector<16xf32>,
          tpu.vector_store %arg10[%parallel_loop3A_814], %parallel_loop3A_791 {add = true, strides = array<i32>} : memref<16384xf32, #tpu.memory_space<vmem>>, vector<16xf32>,
          %parallel_loop3A_816 = arith.constant 64 : i32
          %parallel_loop3A_817 = arith.addi %parallel_loop3A_783, %parallel_loop3A_816 : i32
          %parallel_loop3A_818 = arith.index_cast %parallel_loop3A_817 : i32 to index
          %parallel_loop3A_819 = tpu.vector_load %arg10[%parallel_loop3A_818] {strides = array<i32>} : memref<16384xf32, #tpu.memory_space<vmem>>, vector<16xf32>,
          tpu.vector_store %arg10[%parallel_loop3A_818], %parallel_loop3A_793 {add = true, strides = array<i32>} : memref<16384xf32, #tpu.memory_space<vmem>>, vector<16xf32>,
          %parallel_loop3A_820 = arith.constant 80 : i32
          %parallel_loop3A_821 = arith.addi %parallel_loop3A_783, %parallel_loop3A_820 : i32
          %parallel_loop3A_822 = arith.index_cast %parallel_loop3A_821 : i32 to index
          %parallel_loop3A_823 = tpu.vector_load %arg10[%parallel_loop3A_822] {strides = array<i32>} : memref<16384xf32, #tpu.memory_space<vmem>>, vector<16xf32>,
          tpu.vector_store %arg10[%parallel_loop3A_822], %parallel_loop3A_795 {add = true, strides = array<i32>} : memref<16384xf32, #tpu.memory_space<vmem>>, vector<16xf32>,
          %parallel_loop3A_824 = arith.constant 96 : i32
          %parallel_loop3A_825 = arith.addi %parallel_loop3A_783, %parallel_loop3A_824 : i32
          %parallel_loop3A_826 = arith.index_cast %parallel_loop3A_825 : i32 to index
          %parallel_loop3A_827 = tpu.vector_load %arg10[%parallel_loop3A_826] {strides = array<i32>} : memref<16384xf32, #tpu.memory_space<vmem>>, vector<16xf32>,
          tpu.vector_store %arg10[%parallel_loop3A_826], %parallel_loop3A_797 {add = true, strides = array<i32>} : memref<16384xf32, #tpu.memory_space<vmem>>, vector<16xf32>,
          %parallel_loop3A_828 = arith.constant 112 : i32
          %parallel_loop3A_829 = arith.addi %parallel_loop3A_783, %parallel_loop3A_828 : i32
          %parallel_loop3A_830 = arith.index_cast %parallel_loop3A_829 : i32 to index
          %parallel_loop3A_831 = tpu.vector_load %arg10[%parallel_loop3A_830] {strides = array<i32>} : memref<16384xf32, #tpu.memory_space<vmem>>, vector<16xf32>,
          tpu.vector_store %arg10[%parallel_loop3A_830], %parallel_loop3A_799 {add = true, strides = array<i32>} : memref<16384xf32, #tpu.memory_space<vmem>>, vector<16xf32>,
          %parallel_loop3A_832 = arith.constant 13 : i32
          %parallel_loop3A_833 = vector.broadcast %parallel_loop3A_832 : i32 to vector<16x1xi32>
          %parallel_loop3A_834 = vector.shape_cast %parallel_loop3A_833 : vector<16x1xi32> to vector<16xi32>
          %parallel_loop3A_835 = tpu.dynamic_gather %parallel_loop3A_72[%parallel_loop3A_834] in [0] : vector<16xi32>, vector<16xi32> -> vector<16xi32>
          %parallel_loop3A_836 = arith.constant 13 : i32
          %parallel_loop3A_837 = vector.broadcast %parallel_loop3A_836 : i32 to vector<16x1xi32>
          %parallel_loop3A_838 = vector.shape_cast %parallel_loop3A_837 : vector<16x1xi32> to vector<16xi32>
          %parallel_loop3A_839 = tpu.dynamic_gather %parallel_loop3A_75[%parallel_loop3A_838] in [0] : vector<16xi32>, vector<16xi32> -> vector<16xi32>
          %parallel_loop3A_840 = arith.constant 1664 : i32
          %parallel_loop3A_841 = arith.addi %parallel_loop3A_77, %parallel_loop3A_840 : i32
          %parallel_loop3A_842 = arith.addi %parallel_loop3A_835, %add3A_5 : vector<16xi32>
          %parallel_loop3A_843 = tpu.vector_load_idx %arg9[%parallel_loop3A_842] : memref<19456xf32, #tpu.memory_space<vmem>>[vector<16xi32>], vector<16xf32>,
          %parallel_loop3A_844 = arith.addi %parallel_loop3A_835, %add3A_8 : vector<16xi32>
          %parallel_loop3A_845 = tpu.vector_load_idx %arg9[%parallel_loop3A_844] : memref<19456xf32, #tpu.memory_space<vmem>>[vector<16xi32>], vector<16xf32>,
          %parallel_loop3A_846 = arith.addi %parallel_loop3A_835, %add3A_11 : vector<16xi32>
          %parallel_loop3A_847 = tpu.vector_load_idx %arg9[%parallel_loop3A_846] : memref<19456xf32, #tpu.memory_space<vmem>>[vector<16xi32>], vector<16xf32>,
          %parallel_loop3A_848 = arith.addi %parallel_loop3A_835, %add3A_14 : vector<16xi32>
          %parallel_loop3A_849 = tpu.vector_load_idx %arg9[%parallel_loop3A_848] : memref<19456xf32, #tpu.memory_space<vmem>>[vector<16xi32>], vector<16xf32>,
          %parallel_loop3A_850 = arith.addi %parallel_loop3A_839, %add3A_5 : vector<16xi32>
          %parallel_loop3A_851 = tpu.vector_load_idx %arg9[%parallel_loop3A_850] : memref<19456xf32, #tpu.memory_space<vmem>>[vector<16xi32>], vector<16xf32>,
          %parallel_loop3A_852 = arith.addi %parallel_loop3A_839, %add3A_8 : vector<16xi32>
          %parallel_loop3A_853 = tpu.vector_load_idx %arg9[%parallel_loop3A_852] : memref<19456xf32, #tpu.memory_space<vmem>>[vector<16xi32>], vector<16xf32>,
          %parallel_loop3A_854 = arith.addi %parallel_loop3A_839, %add3A_11 : vector<16xi32>
          %parallel_loop3A_855 = tpu.vector_load_idx %arg9[%parallel_loop3A_854] : memref<19456xf32, #tpu.memory_space<vmem>>[vector<16xi32>], vector<16xf32>,
          %parallel_loop3A_856 = arith.addi %parallel_loop3A_839, %add3A_14 : vector<16xi32>
          %parallel_loop3A_857 = tpu.vector_load_idx %arg9[%parallel_loop3A_856] : memref<19456xf32, #tpu.memory_space<vmem>>[vector<16xi32>], vector<16xf32>,
          %parallel_loop3A_858 = arith.constant 0 : i32
          %parallel_loop3A_859 = arith.addi %parallel_loop3A_841, %parallel_loop3A_858 : i32
          %parallel_loop3A_860 = arith.index_cast %parallel_loop3A_859 : i32 to index
          %parallel_loop3A_861 = tpu.vector_load %arg10[%parallel_loop3A_860] {strides = array<i32>} : memref<16384xf32, #tpu.memory_space<vmem>>, vector<16xf32>,
          tpu.vector_store %arg10[%parallel_loop3A_860], %parallel_loop3A_843 {add = true, strides = array<i32>} : memref<16384xf32, #tpu.memory_space<vmem>>, vector<16xf32>,
          %parallel_loop3A_862 = arith.constant 16 : i32
          %parallel_loop3A_863 = arith.addi %parallel_loop3A_841, %parallel_loop3A_862 : i32
          %parallel_loop3A_864 = arith.index_cast %parallel_loop3A_863 : i32 to index
          %parallel_loop3A_865 = tpu.vector_load %arg10[%parallel_loop3A_864] {strides = array<i32>} : memref<16384xf32, #tpu.memory_space<vmem>>, vector<16xf32>,
          tpu.vector_store %arg10[%parallel_loop3A_864], %parallel_loop3A_845 {add = true, strides = array<i32>} : memref<16384xf32, #tpu.memory_space<vmem>>, vector<16xf32>,
          %parallel_loop3A_866 = arith.constant 32 : i32
          %parallel_loop3A_867 = arith.addi %parallel_loop3A_841, %parallel_loop3A_866 : i32
          %parallel_loop3A_868 = arith.index_cast %parallel_loop3A_867 : i32 to index
          %parallel_loop3A_869 = tpu.vector_load %arg10[%parallel_loop3A_868] {strides = array<i32>} : memref<16384xf32, #tpu.memory_space<vmem>>, vector<16xf32>,
          tpu.vector_store %arg10[%parallel_loop3A_868], %parallel_loop3A_847 {add = true, strides = array<i32>} : memref<16384xf32, #tpu.memory_space<vmem>>, vector<16xf32>,
          %parallel_loop3A_870 = arith.constant 48 : i32
          %parallel_loop3A_871 = arith.addi %parallel_loop3A_841, %parallel_loop3A_870 : i32
          %parallel_loop3A_872 = arith.index_cast %parallel_loop3A_871 : i32 to index
          %parallel_loop3A_873 = tpu.vector_load %arg10[%parallel_loop3A_872] {strides = array<i32>} : memref<16384xf32, #tpu.memory_space<vmem>>, vector<16xf32>,
          tpu.vector_store %arg10[%parallel_loop3A_872], %parallel_loop3A_849 {add = true, strides = array<i32>} : memref<16384xf32, #tpu.memory_space<vmem>>, vector<16xf32>,
          %parallel_loop3A_874 = arith.constant 64 : i32
          %parallel_loop3A_875 = arith.addi %parallel_loop3A_841, %parallel_loop3A_874 : i32
          %parallel_loop3A_876 = arith.index_cast %parallel_loop3A_875 : i32 to index
          %parallel_loop3A_877 = tpu.vector_load %arg10[%parallel_loop3A_876] {strides = array<i32>} : memref<16384xf32, #tpu.memory_space<vmem>>, vector<16xf32>,
          tpu.vector_store %arg10[%parallel_loop3A_876], %parallel_loop3A_851 {add = true, strides = array<i32>} : memref<16384xf32, #tpu.memory_space<vmem>>, vector<16xf32>,
          %parallel_loop3A_878 = arith.constant 80 : i32
          %parallel_loop3A_879 = arith.addi %parallel_loop3A_841, %parallel_loop3A_878 : i32
          %parallel_loop3A_880 = arith.index_cast %parallel_loop3A_879 : i32 to index
          %parallel_loop3A_881 = tpu.vector_load %arg10[%parallel_loop3A_880] {strides = array<i32>} : memref<16384xf32, #tpu.memory_space<vmem>>, vector<16xf32>,
          tpu.vector_store %arg10[%parallel_loop3A_880], %parallel_loop3A_853 {add = true, strides = array<i32>} : memref<16384xf32, #tpu.memory_space<vmem>>, vector<16xf32>,
          %parallel_loop3A_882 = arith.constant 96 : i32
          %parallel_loop3A_883 = arith.addi %parallel_loop3A_841, %parallel_loop3A_882 : i32
          %parallel_loop3A_884 = arith.index_cast %parallel_loop3A_883 : i32 to index
          %parallel_loop3A_885 = tpu.vector_load %arg10[%parallel_loop3A_884] {strides = array<i32>} : memref<16384xf32, #tpu.memory_space<vmem>>, vector<16xf32>,
          tpu.vector_store %arg10[%parallel_loop3A_884], %parallel_loop3A_855 {add = true, strides = array<i32>} : memref<16384xf32, #tpu.memory_space<vmem>>, vector<16xf32>,
          %parallel_loop3A_886 = arith.constant 112 : i32
          %parallel_loop3A_887 = arith.addi %parallel_loop3A_841, %parallel_loop3A_886 : i32
          %parallel_loop3A_888 = arith.index_cast %parallel_loop3A_887 : i32 to index
          %parallel_loop3A_889 = tpu.vector_load %arg10[%parallel_loop3A_888] {strides = array<i32>} : memref<16384xf32, #tpu.memory_space<vmem>>, vector<16xf32>,
          tpu.vector_store %arg10[%parallel_loop3A_888], %parallel_loop3A_857 {add = true, strides = array<i32>} : memref<16384xf32, #tpu.memory_space<vmem>>, vector<16xf32>,
          %parallel_loop3A_890 = arith.constant 14 : i32
          %parallel_loop3A_891 = vector.broadcast %parallel_loop3A_890 : i32 to vector<16x1xi32>
          %parallel_loop3A_892 = vector.shape_cast %parallel_loop3A_891 : vector<16x1xi32> to vector<16xi32>
          %parallel_loop3A_893 = tpu.dynamic_gather %parallel_loop3A_72[%parallel_loop3A_892] in [0] : vector<16xi32>, vector<16xi32> -> vector<16xi32>
          %parallel_loop3A_894 = arith.constant 14 : i32
          %parallel_loop3A_895 = vector.broadcast %parallel_loop3A_894 : i32 to vector<16x1xi32>
          %parallel_loop3A_896 = vector.shape_cast %parallel_loop3A_895 : vector<16x1xi32> to vector<16xi32>
          %parallel_loop3A_897 = tpu.dynamic_gather %parallel_loop3A_75[%parallel_loop3A_896] in [0] : vector<16xi32>, vector<16xi32> -> vector<16xi32>
          %parallel_loop3A_898 = arith.constant 1792 : i32
          %parallel_loop3A_899 = arith.addi %parallel_loop3A_77, %parallel_loop3A_898 : i32
          %parallel_loop3A_900 = arith.addi %parallel_loop3A_893, %add3A_5 : vector<16xi32>
          %parallel_loop3A_901 = tpu.vector_load_idx %arg9[%parallel_loop3A_900] : memref<19456xf32, #tpu.memory_space<vmem>>[vector<16xi32>], vector<16xf32>,
          %parallel_loop3A_902 = arith.addi %parallel_loop3A_893, %add3A_8 : vector<16xi32>
          %parallel_loop3A_903 = tpu.vector_load_idx %arg9[%parallel_loop3A_902] : memref<19456xf32, #tpu.memory_space<vmem>>[vector<16xi32>], vector<16xf32>,
          %parallel_loop3A_904 = arith.addi %parallel_loop3A_893, %add3A_11 : vector<16xi32>
          %parallel_loop3A_905 = tpu.vector_load_idx %arg9[%parallel_loop3A_904] : memref<19456xf32, #tpu.memory_space<vmem>>[vector<16xi32>], vector<16xf32>,
          %parallel_loop3A_906 = arith.addi %parallel_loop3A_893, %add3A_14 : vector<16xi32>
          %parallel_loop3A_907 = tpu.vector_load_idx %arg9[%parallel_loop3A_906] : memref<19456xf32, #tpu.memory_space<vmem>>[vector<16xi32>], vector<16xf32>,
          %parallel_loop3A_908 = arith.addi %parallel_loop3A_897, %add3A_5 : vector<16xi32>
          %parallel_loop3A_909 = tpu.vector_load_idx %arg9[%parallel_loop3A_908] : memref<19456xf32, #tpu.memory_space<vmem>>[vector<16xi32>], vector<16xf32>,
          %parallel_loop3A_910 = arith.addi %parallel_loop3A_897, %add3A_8 : vector<16xi32>
          %parallel_loop3A_911 = tpu.vector_load_idx %arg9[%parallel_loop3A_910] : memref<19456xf32, #tpu.memory_space<vmem>>[vector<16xi32>], vector<16xf32>,
          %parallel_loop3A_912 = arith.addi %parallel_loop3A_897, %add3A_11 : vector<16xi32>
          %parallel_loop3A_913 = tpu.vector_load_idx %arg9[%parallel_loop3A_912] : memref<19456xf32, #tpu.memory_space<vmem>>[vector<16xi32>], vector<16xf32>,
          %parallel_loop3A_914 = arith.addi %parallel_loop3A_897, %add3A_14 : vector<16xi32>
          %parallel_loop3A_915 = tpu.vector_load_idx %arg9[%parallel_loop3A_914] : memref<19456xf32, #tpu.memory_space<vmem>>[vector<16xi32>], vector<16xf32>,
          %parallel_loop3A_916 = arith.constant 0 : i32
          %parallel_loop3A_917 = arith.addi %parallel_loop3A_899, %parallel_loop3A_916 : i32
          %parallel_loop3A_918 = arith.index_cast %parallel_loop3A_917 : i32 to index
          %parallel_loop3A_919 = tpu.vector_load %arg10[%parallel_loop3A_918] {strides = array<i32>} : memref<16384xf32, #tpu.memory_space<vmem>>, vector<16xf32>,
          tpu.vector_store %arg10[%parallel_loop3A_918], %parallel_loop3A_901 {add = true, strides = array<i32>} : memref<16384xf32, #tpu.memory_space<vmem>>, vector<16xf32>,
          %parallel_loop3A_920 = arith.constant 16 : i32
          %parallel_loop3A_921 = arith.addi %parallel_loop3A_899, %parallel_loop3A_920 : i32
          %parallel_loop3A_922 = arith.index_cast %parallel_loop3A_921 : i32 to index
          %parallel_loop3A_923 = tpu.vector_load %arg10[%parallel_loop3A_922] {strides = array<i32>} : memref<16384xf32, #tpu.memory_space<vmem>>, vector<16xf32>,
          tpu.vector_store %arg10[%parallel_loop3A_922], %parallel_loop3A_903 {add = true, strides = array<i32>} : memref<16384xf32, #tpu.memory_space<vmem>>, vector<16xf32>,
          %parallel_loop3A_924 = arith.constant 32 : i32
          %parallel_loop3A_925 = arith.addi %parallel_loop3A_899, %parallel_loop3A_924 : i32
          %parallel_loop3A_926 = arith.index_cast %parallel_loop3A_925 : i32 to index
          %parallel_loop3A_927 = tpu.vector_load %arg10[%parallel_loop3A_926] {strides = array<i32>} : memref<16384xf32, #tpu.memory_space<vmem>>, vector<16xf32>,
          tpu.vector_store %arg10[%parallel_loop3A_926], %parallel_loop3A_905 {add = true, strides = array<i32>} : memref<16384xf32, #tpu.memory_space<vmem>>, vector<16xf32>,
          %parallel_loop3A_928 = arith.constant 48 : i32
          %parallel_loop3A_929 = arith.addi %parallel_loop3A_899, %parallel_loop3A_928 : i32
          %parallel_loop3A_930 = arith.index_cast %parallel_loop3A_929 : i32 to index
          %parallel_loop3A_931 = tpu.vector_load %arg10[%parallel_loop3A_930] {strides = array<i32>} : memref<16384xf32, #tpu.memory_space<vmem>>, vector<16xf32>,
          tpu.vector_store %arg10[%parallel_loop3A_930], %parallel_loop3A_907 {add = true, strides = array<i32>} : memref<16384xf32, #tpu.memory_space<vmem>>, vector<16xf32>,
          %parallel_loop3A_932 = arith.constant 64 : i32
          %parallel_loop3A_933 = arith.addi %parallel_loop3A_899, %parallel_loop3A_932 : i32
          %parallel_loop3A_934 = arith.index_cast %parallel_loop3A_933 : i32 to index
          %parallel_loop3A_935 = tpu.vector_load %arg10[%parallel_loop3A_934] {strides = array<i32>} : memref<16384xf32, #tpu.memory_space<vmem>>, vector<16xf32>,
          tpu.vector_store %arg10[%parallel_loop3A_934], %parallel_loop3A_909 {add = true, strides = array<i32>} : memref<16384xf32, #tpu.memory_space<vmem>>, vector<16xf32>,
          %parallel_loop3A_936 = arith.constant 80 : i32
          %parallel_loop3A_937 = arith.addi %parallel_loop3A_899, %parallel_loop3A_936 : i32
          %parallel_loop3A_938 = arith.index_cast %parallel_loop3A_937 : i32 to index
          %parallel_loop3A_939 = tpu.vector_load %arg10[%parallel_loop3A_938] {strides = array<i32>} : memref<16384xf32, #tpu.memory_space<vmem>>, vector<16xf32>,
          tpu.vector_store %arg10[%parallel_loop3A_938], %parallel_loop3A_911 {add = true, strides = array<i32>} : memref<16384xf32, #tpu.memory_space<vmem>>, vector<16xf32>,
          %parallel_loop3A_940 = arith.constant 96 : i32
          %parallel_loop3A_941 = arith.addi %parallel_loop3A_899, %parallel_loop3A_940 : i32
          %parallel_loop3A_942 = arith.index_cast %parallel_loop3A_941 : i32 to index
          %parallel_loop3A_943 = tpu.vector_load %arg10[%parallel_loop3A_942] {strides = array<i32>} : memref<16384xf32, #tpu.memory_space<vmem>>, vector<16xf32>,
          tpu.vector_store %arg10[%parallel_loop3A_942], %parallel_loop3A_913 {add = true, strides = array<i32>} : memref<16384xf32, #tpu.memory_space<vmem>>, vector<16xf32>,
          %parallel_loop3A_944 = arith.constant 112 : i32
          %parallel_loop3A_945 = arith.addi %parallel_loop3A_899, %parallel_loop3A_944 : i32
          %parallel_loop3A_946 = arith.index_cast %parallel_loop3A_945 : i32 to index
          %parallel_loop3A_947 = tpu.vector_load %arg10[%parallel_loop3A_946] {strides = array<i32>} : memref<16384xf32, #tpu.memory_space<vmem>>, vector<16xf32>,
          tpu.vector_store %arg10[%parallel_loop3A_946], %parallel_loop3A_915 {add = true, strides = array<i32>} : memref<16384xf32, #tpu.memory_space<vmem>>, vector<16xf32>,
          %parallel_loop3A_948 = arith.constant 15 : i32
          %parallel_loop3A_949 = vector.broadcast %parallel_loop3A_948 : i32 to vector<16x1xi32>
          %parallel_loop3A_950 = vector.shape_cast %parallel_loop3A_949 : vector<16x1xi32> to vector<16xi32>
          %parallel_loop3A_951 = tpu.dynamic_gather %parallel_loop3A_72[%parallel_loop3A_950] in [0] : vector<16xi32>, vector<16xi32> -> vector<16xi32>
          %parallel_loop3A_952 = arith.constant 15 : i32
          %parallel_loop3A_953 = vector.broadcast %parallel_loop3A_952 : i32 to vector<16x1xi32>
          %parallel_loop3A_954 = vector.shape_cast %parallel_loop3A_953 : vector<16x1xi32> to vector<16xi32>
          %parallel_loop3A_955 = tpu.dynamic_gather %parallel_loop3A_75[%parallel_loop3A_954] in [0] : vector<16xi32>, vector<16xi32> -> vector<16xi32>
          %parallel_loop3A_956 = arith.constant 1920 : i32
          %parallel_loop3A_957 = arith.addi %parallel_loop3A_77, %parallel_loop3A_956 : i32
          %parallel_loop3A_958 = arith.addi %parallel_loop3A_951, %add3A_5 : vector<16xi32>
          %parallel_loop3A_959 = tpu.vector_load_idx %arg9[%parallel_loop3A_958] : memref<19456xf32, #tpu.memory_space<vmem>>[vector<16xi32>], vector<16xf32>,
          %parallel_loop3A_960 = arith.addi %parallel_loop3A_951, %add3A_8 : vector<16xi32>
          %parallel_loop3A_961 = tpu.vector_load_idx %arg9[%parallel_loop3A_960] : memref<19456xf32, #tpu.memory_space<vmem>>[vector<16xi32>], vector<16xf32>,
          %parallel_loop3A_962 = arith.addi %parallel_loop3A_951, %add3A_11 : vector<16xi32>
          %parallel_loop3A_963 = tpu.vector_load_idx %arg9[%parallel_loop3A_962] : memref<19456xf32, #tpu.memory_space<vmem>>[vector<16xi32>], vector<16xf32>,
          %parallel_loop3A_964 = arith.addi %parallel_loop3A_951, %add3A_14 : vector<16xi32>
          %parallel_loop3A_965 = tpu.vector_load_idx %arg9[%parallel_loop3A_964] : memref<19456xf32, #tpu.memory_space<vmem>>[vector<16xi32>], vector<16xf32>,
          %parallel_loop3A_966 = arith.addi %parallel_loop3A_955, %add3A_5 : vector<16xi32>
          %parallel_loop3A_967 = tpu.vector_load_idx %arg9[%parallel_loop3A_966] : memref<19456xf32, #tpu.memory_space<vmem>>[vector<16xi32>], vector<16xf32>,
          %parallel_loop3A_968 = arith.addi %parallel_loop3A_955, %add3A_8 : vector<16xi32>
          %parallel_loop3A_969 = tpu.vector_load_idx %arg9[%parallel_loop3A_968] : memref<19456xf32, #tpu.memory_space<vmem>>[vector<16xi32>], vector<16xf32>,
          %parallel_loop3A_970 = arith.addi %parallel_loop3A_955, %add3A_11 : vector<16xi32>
          %parallel_loop3A_971 = tpu.vector_load_idx %arg9[%parallel_loop3A_970] : memref<19456xf32, #tpu.memory_space<vmem>>[vector<16xi32>], vector<16xf32>,
          %parallel_loop3A_972 = arith.addi %parallel_loop3A_955, %add3A_14 : vector<16xi32>
          %parallel_loop3A_973 = tpu.vector_load_idx %arg9[%parallel_loop3A_972] : memref<19456xf32, #tpu.memory_space<vmem>>[vector<16xi32>], vector<16xf32>,
          %parallel_loop3A_974 = arith.constant 0 : i32
          %parallel_loop3A_975 = arith.addi %parallel_loop3A_957, %parallel_loop3A_974 : i32
          %parallel_loop3A_976 = arith.index_cast %parallel_loop3A_975 : i32 to index
          %parallel_loop3A_977 = tpu.vector_load %arg10[%parallel_loop3A_976] {strides = array<i32>} : memref<16384xf32, #tpu.memory_space<vmem>>, vector<16xf32>,
          tpu.vector_store %arg10[%parallel_loop3A_976], %parallel_loop3A_959 {add = true, strides = array<i32>} : memref<16384xf32, #tpu.memory_space<vmem>>, vector<16xf32>,
          %parallel_loop3A_978 = arith.constant 16 : i32
          %parallel_loop3A_979 = arith.addi %parallel_loop3A_957, %parallel_loop3A_978 : i32
          %parallel_loop3A_980 = arith.index_cast %parallel_loop3A_979 : i32 to index
          %parallel_loop3A_981 = tpu.vector_load %arg10[%parallel_loop3A_980] {strides = array<i32>} : memref<16384xf32, #tpu.memory_space<vmem>>, vector<16xf32>,
          tpu.vector_store %arg10[%parallel_loop3A_980], %parallel_loop3A_961 {add = true, strides = array<i32>} : memref<16384xf32, #tpu.memory_space<vmem>>, vector<16xf32>,
          %parallel_loop3A_982 = arith.constant 32 : i32
          %parallel_loop3A_983 = arith.addi %parallel_loop3A_957, %parallel_loop3A_982 : i32
          %parallel_loop3A_984 = arith.index_cast %parallel_loop3A_983 : i32 to index
          %parallel_loop3A_985 = tpu.vector_load %arg10[%parallel_loop3A_984] {strides = array<i32>} : memref<16384xf32, #tpu.memory_space<vmem>>, vector<16xf32>,
          tpu.vector_store %arg10[%parallel_loop3A_984], %parallel_loop3A_963 {add = true, strides = array<i32>} : memref<16384xf32, #tpu.memory_space<vmem>>, vector<16xf32>,
          %parallel_loop3A_986 = arith.constant 48 : i32
          %parallel_loop3A_987 = arith.addi %parallel_loop3A_957, %parallel_loop3A_986 : i32
          %parallel_loop3A_988 = arith.index_cast %parallel_loop3A_987 : i32 to index
          %parallel_loop3A_989 = tpu.vector_load %arg10[%parallel_loop3A_988] {strides = array<i32>} : memref<16384xf32, #tpu.memory_space<vmem>>, vector<16xf32>,
          tpu.vector_store %arg10[%parallel_loop3A_988], %parallel_loop3A_965 {add = true, strides = array<i32>} : memref<16384xf32, #tpu.memory_space<vmem>>, vector<16xf32>,
          %parallel_loop3A_990 = arith.constant 64 : i32
          %parallel_loop3A_991 = arith.addi %parallel_loop3A_957, %parallel_loop3A_990 : i32
          %parallel_loop3A_992 = arith.index_cast %parallel_loop3A_991 : i32 to index
          %parallel_loop3A_993 = tpu.vector_load %arg10[%parallel_loop3A_992] {strides = array<i32>} : memref<16384xf32, #tpu.memory_space<vmem>>, vector<16xf32>,
          tpu.vector_store %arg10[%parallel_loop3A_992], %parallel_loop3A_967 {add = true, strides = array<i32>} : memref<16384xf32, #tpu.memory_space<vmem>>, vector<16xf32>,
          %parallel_loop3A_994 = arith.constant 80 : i32
          %parallel_loop3A_995 = arith.addi %parallel_loop3A_957, %parallel_loop3A_994 : i32
          %parallel_loop3A_996 = arith.index_cast %parallel_loop3A_995 : i32 to index
          %parallel_loop3A_997 = tpu.vector_load %arg10[%parallel_loop3A_996] {strides = array<i32>} : memref<16384xf32, #tpu.memory_space<vmem>>, vector<16xf32>,
          tpu.vector_store %arg10[%parallel_loop3A_996], %parallel_loop3A_969 {add = true, strides = array<i32>} : memref<16384xf32, #tpu.memory_space<vmem>>, vector<16xf32>,
          %parallel_loop3A_998 = arith.constant 96 : i32
          %parallel_loop3A_999 = arith.addi %parallel_loop3A_957, %parallel_loop3A_998 : i32
          %parallel_loop3A_1000 = arith.index_cast %parallel_loop3A_999 : i32 to index
          %parallel_loop3A_1001 = tpu.vector_load %arg10[%parallel_loop3A_1000] {strides = array<i32>} : memref<16384xf32, #tpu.memory_space<vmem>>, vector<16xf32>,
          tpu.vector_store %arg10[%parallel_loop3A_1000], %parallel_loop3A_971 {add = true, strides = array<i32>} : memref<16384xf32, #tpu.memory_space<vmem>>, vector<16xf32>,
          %parallel_loop3A_1002 = arith.constant 112 : i32
          %parallel_loop3A_1003 = arith.addi %parallel_loop3A_957, %parallel_loop3A_1002 : i32
          %parallel_loop3A_1004 = arith.index_cast %parallel_loop3A_1003 : i32 to index
          %parallel_loop3A_1005 = tpu.vector_load %arg10[%parallel_loop3A_1004] {strides = array<i32>} : memref<16384xf32, #tpu.memory_space<vmem>>, vector<16xf32>,
          tpu.vector_store %arg10[%parallel_loop3A_1004], %parallel_loop3A_973 {add = true, strides = array<i32>} : memref<16384xf32, #tpu.memory_space<vmem>>, vector<16xf32>,
        } {sc.loop_unroll_factor = 2 : i64, sc.parallel_access}
        %mul3A_59 = arith.constant 128 : i32
        %mul3A_60 = arith.muli %scan3A_36, %mul3A_59 : i32
        %add3A_61 = arith.addi %mul3A_2, %mul3A_60 : i32
        %mul3A_62 = arith.constant 128 : i32
        %mul3A_63 = arith.muli %add3A_61, %mul3A_62 : i32
        %dma_start3A_64 = tpu.memref_slice %arg6[%mul3A_63] : memref<26214400xf32, #tpu.memory_space<hbm>> -> memref<16384xf32, #tpu.memory_space<hbm>>
        %dma_start3A_65 = tpu.memref_slice %arg6[%mul3A_63] : memref<26214400xf32, #tpu.memory_space<hbm>> -> memref<16384xf32, #tpu.memory_space<hbm>>
        tpu.enqueue_dma source(%arg10 : memref<16384xf32, #tpu.memory_space<vmem>>) target(%dma_start3A_65 : memref<16384xf32, #tpu.memory_space<hbm>>) target_semaphore(%arg16 : memref<!tpu.dma_semaphore, #tpu.memory_space<semaphore_mem>>)
        %cond3A_66 = arith.constant 0 : i32
        scf.yield %cond3A_66 : i32
      }
    }
    %scan3A_24 = arith.constant 50 : i32
    %dma_wait3A = arith.constant 0 : i32
    %dma_wait3A_25 = tpu.memref_slice %arg6[%dma_wait3A] : memref<26214400xf32, #tpu.memory_space<hbm>> -> memref<16384xf32, #tpu.memory_space<hbm>>
    %dma_wait3A_26 = arith.constant 0 : i32
    %dma_wait3A_27 = tpu.memref_slice %arg6[%dma_wait3A_26] : memref<26214400xf32, #tpu.memory_space<hbm>> -> memref<16384xf32, #tpu.memory_space<hbm>>
    tpu.wait_dma2 semaphore(%arg18 : memref<!tpu.dma_semaphore, #tpu.memory_space<semaphore_mem>>) src(%arg12 : memref<16384xf32, #tpu.memory_space<vmem>>) dst(%dma_wait3A_27 : memref<16384xf32, #tpu.memory_space<hbm>>)
    %dma_wait3A_28 = arith.constant 0 : i32
    %dma_wait3A_29 = tpu.memref_slice %arg6[%dma_wait3A_28] : memref<26214400xf32, #tpu.memory_space<hbm>> -> memref<16384xf32, #tpu.memory_space<hbm>>
    %dma_wait3A_30 = arith.constant 0 : i32
    %dma_wait3A_31 = tpu.memref_slice %arg6[%dma_wait3A_30] : memref<26214400xf32, #tpu.memory_space<hbm>> -> memref<16384xf32, #tpu.memory_space<hbm>>
    tpu.wait_dma2 semaphore(%arg16 : memref<!tpu.dma_semaphore, #tpu.memory_space<semaphore_mem>>) src(%arg10 : memref<16384xf32, #tpu.memory_space<vmem>>) dst(%dma_wait3A_31 : memref<16384xf32, #tpu.memory_space<hbm>>)
    %dma_wait3A_32 = arith.constant 0 : i32
    %dma_wait3A_33 = tpu.memref_slice %arg6[%dma_wait3A_32] : memref<26214400xf32, #tpu.memory_space<hbm>> -> memref<16384xf32, #tpu.memory_space<hbm>>
    %dma_wait3A_34 = arith.constant 0 : i32
    %dma_wait3A_35 = tpu.memref_slice %arg6[%dma_wait3A_34] : memref<26214400xf32, #tpu.memory_space<hbm>> -> memref<16384xf32, #tpu.memory_space<hbm>>
    tpu.wait_dma2 semaphore(%arg17 : memref<!tpu.dma_semaphore, #tpu.memory_space<semaphore_mem>>) src(%arg11 : memref<16384xf32, #tpu.memory_space<vmem>>) dst(%dma_wait3A_35 : memref<16384xf32, #tpu.memory_space<hbm>>)
    return
  }
}

</mosaic_0001>

<sc_bundles>
// kernel: kernel.3.cloned.1.call-start
scs
__scs_entry_jumppad:
0x0: {  	(pc) =	sbr.rel $0x88, $3  }
0x1: {  	(tag) =	ssettag $0x0;
	lr =	simm.s32 $0x1  }
0x2: {  	[smem:$0x3F9D] =	sst lr;
	_ =	strace $0xD0000000  }
0x3: {  	_ = 	snop  }
0x4: {  	_ = 	snop  }
0x5: {  	_ = 	snop  }
0x6: {  	_ = 	snop  }
0x7: {  	_ = 	snop  }
__scs_overlays_trampoline_lowered:
0x8: {  	[smem:$0x3FAC] =	sst s0  }
0x9: {  	[smem:$0x3FAD] =	sst s1  }
0xa: {  	[smem:$0x3FAE] =	sst s2  }
0xb: {  	[smem:$0x3FAF] =	sst s3  }
0xc: {  	[smem:$0x3FB0] =	sst s4  }
0xd: {  	[smem:$0x3FB1] =	sst s5  }
0xe: {  	[smem:$0x3FB2] =	sst s6  }
0xf: {  	[smem:$0x3FB3] =	sst s7  }
0x10: {  	[smem:$0x3FB4] =	sst s8  }
0x11: {  	[smem:$0x3FB5] =	sst s9;
	s0 =	simm.s32 @!p0 $0x0  }
0x12: {  	s1 =	sld [smem:$0x3F9B];
	s0 =	simm.s32 @p0 $0x1  }
0x13: {  	[smem:$0x3FB6] =	sst s0;
	s0 =	simm.s32 @!p1 $0x0  }
0x14: {  	s2 =	sld [smem:$0x3F9A];
	s0 =	simm.s32 @p1 $0x1  }
0x15: {  	[smem:$0x3FB7] =	sst s0;
	s0 =	simm.s32 @!p2 $0x0  }
0x16: {  	s3 =	sld [smem:$0x3FDB];
	s0 =	simm.s32 @p2 $0x1  }
0x17: {  	s4 =	simm.s32 $0x1BF5;
	[smem:$0x3FB9] =	sst s0  }
0x18: {  	s0 =	sld [smem:$0x3F9C];
	_ =	swait.ge [sflag:s4], $0x0  }
0x19: {  	s7 =	sld [smem:$0x3F9D]  }
0x1a: {  	s8 =	sadd.s32 $0xFFFFE003, lr  }
0x1b: {  	s9 =	sadd.s32 $0xFFFFFEF7, lr;
	s5 =	simm.s32 $0xFFFFFFFF;
	p2 =	slt.u32 s8, $0xFFFFF086  }
0x1c: {  	p1 =	slt.u32 s9, $0xF7A;
	s5 =	simm.s32 @!p2 $0x0  }
0x1d: {  	s5 =	simm.s32 @p1 $0x1;
	p0 =	seq.s32 s7, s2  }
0x1e: {  	s7 =	smul.u32 @!p0 $0xF7A, s2;
	p2 =	seq.s32 @!p0 s5, $0x0  }
0x1f: {  	s9 =	smul.u32 $0xF7A, s1;
	s8 =	simm.s32 @!p0 $0x1BF5;
	p2 =	por !p2, p0  }
0x20: {  	[sflag:s8] =	ssyncset.s32 @!p0 $0xFFFFF086;
	s6 =	sadd.s32 @!p0 s3, s7;
	s7 =	simm.s32 @!p0 $0x108  }
0x21: {  	s3 =	sadd.s32 s3, s9;
	s6 =	sadd.s32 @!p0 $0x88, s6;
	s7 =	simm.s32 @p2 $0x1082  }
0x22: {  	[simem:s7], [sflag:s8] =	dma.local @!p0 [hbm:s6], $0xF7A  }
0x23: {  	s9 =	sor.u32 $0xD0000000, s2;
	s6 =	simm.s32 $0x108;
	_ =	swait.ge @!p0 [sflag:s8], $0x0  }
0x24: {  	s3 =	sadd.s32 $0x88, s3;
	s6 =	simm.s32 @!p1 $0x1082;
	[sflag:s4] =	ssyncset.s32 $0xFFFFF086  }
0x25: {  	[simem:s6], [sflag:s4] =	dma.local [hbm:s3], $0xF7A  }
0x26: {  	[smem:$0x3F9D] =	sst s1;
	(tag) =	ssettag s2;
	_ =	strace s9  }
0x27: {  	s1 =	sld [smem:$0x3FAD]  }
0x28: {  	s2 =	sld [smem:$0x3FAE]  }
0x29: {  	s4 =	sld [smem:$0x3FB0]  }
0x2a: {  	p0 =	seq.s32 s5, $0x0;
	s5 =	sld [smem:$0x3FB1]  }
0x2b: {  	s6 =	sld [smem:$0x3FB2]  }
0x2c: {  	s7 =	sld [smem:$0x3FB3]  }
0x2d: {  	s3 =	simm.s32 $0x108;
	s8 =	sld [smem:$0x3FB4]  }
0x2e: {  	s3 =	simm.s32 @!p0 $0x1082;
	s9 =	sld [smem:$0x3FB5]  }
0x2f: {  	lr =	sadd.s32 s0, s3;
	s0 =	sld [smem:$0x3FAC]  }
0x30: {  	s3 =	sld [smem:$0x3FAF]  }
0x31: {  	[smem:$0x3FB8] =	sst s10  }
0x32: {  	s10 =	sld [smem:$0x3FB6];
	_ =	sdelay $0x3  }
0x33: {  	p0 =	seq.s32 s10, $0x1;
	s10 =	sld [smem:$0x3FB8];
	_ =	sdelay $0x3  }
0x34: {  	[smem:$0x3FB8] =	sst s10  }
0x35: {  	s10 =	sld [smem:$0x3FB7];
	_ =	sdelay $0x3  }
0x36: {  	p1 =	seq.s32 s10, $0x1;
	s10 =	sld [smem:$0x3FB8];
	_ =	sdelay $0x3  }
0x37: {  	[smem:$0x3FB8] =	sst s10  }
0x38: {  	s10 =	sld [smem:$0x3FB9]  }
0x39: {  	_ = 	snop;
	(pc) =	sbr.ind lr, $3  }
0x3a: {  	_ = 	snop  }
0x3b: {  	_ = 	snop  }
0x3c: {  	p2 =	seq.s32 s10, $0x1;
	s10 =	sld [smem:$0x3FB8]  }
0x3d: {  	_ =	shalt  }
0x3e: {  	_ =	shalt  }
0x3f: {  	_ =	shalt  }
0x40: {  	_ =	shalt  }
0x41: {  	_ =	shalt  }
0x42: {  	_ =	shalt  }
0x43: {  	_ =	shalt  }
0x44: {  	_ =	shalt  }
0x45: {  	_ =	shalt  }
0x46: {  	_ =	shalt  }
0x47: {  	_ =	shalt  }
0x48: {  	_ =	shalt  }
0x49: {  	_ =	shalt  }
0x4a: {  	_ =	shalt  }
0x4b: {  	_ =	shalt  }
0x4c: {  	_ =	shalt  }
0x4d: {  	_ =	shalt  }
0x4e: {  	_ =	shalt  }
0x4f: {  	_ =	shalt  }
0x50: {  	_ =	shalt  }
0x51: {  	_ =	shalt  }
0x52: {  	_ =	shalt  }
0x53: {  	_ =	shalt  }
0x54: {  	_ =	shalt  }
0x55: {  	_ =	shalt  }
0x56: {  	_ =	shalt  }
0x57: {  	_ =	shalt  }
0x58: {  	_ =	shalt  }
0x59: {  	_ =	shalt  }
0x5a: {  	_ =	shalt  }
0x5b: {  	_ =	shalt  }
0x5c: {  	_ =	shalt  }
0x5d: {  	_ =	shalt  }
0x5e: {  	_ =	shalt  }
0x5f: {  	_ =	shalt  }
0x60: {  	_ =	shalt  }
0x61: {  	_ =	shalt  }
0x62: {  	_ =	shalt  }
0x63: {  	_ =	shalt  }
0x64: {  	_ =	shalt  }
0x65: {  	_ =	shalt  }
0x66: {  	_ =	shalt  }
0x67: {  	_ =	shalt  }
0x68: {  	_ =	shalt  }
0x69: {  	_ =	shalt  }
0x6a: {  	_ =	shalt  }
0x6b: {  	_ =	shalt  }
0x6c: {  	_ =	shalt  }
0x6d: {  	_ =	shalt  }
0x6e: {  	_ =	shalt  }
0x6f: {  	_ =	shalt  }
0x70: {  	_ =	shalt  }
0x71: {  	_ =	shalt  }
0x72: {  	_ =	shalt  }
0x73: {  	_ =	shalt  }
0x74: {  	_ =	shalt  }
0x75: {  	_ =	shalt  }
0x76: {  	_ =	shalt  }
0x77: {  	_ =	shalt  }
0x78: {  	_ =	shalt  }
0x79: {  	_ =	shalt  }
0x7a: {  	_ =	shalt  }
0x7b: {  	_ =	shalt  }
0x7c: {  	_ =	shalt  }
0x7d: {  	_ =	shalt  }
0x7e: {  	_ =	shalt  }
0x7f: {  	_ =	shalt  }
0x80: {  	_ =	shalt  }
0x81: {  	_ =	shalt  }
0x82: {  	_ =	shalt  }
0x83: {  	_ =	shalt  }
0x84: {  	_ =	shalt  }
0x85: {  	_ =	shalt  }
0x86: {  	_ =	shalt  }
0x87: {  	_ =	shalt  }
.Lfunc_end0:
.L_simem_size_0:
called_computation_lowered:
.L_overlay_start_0:
0x88: {  	s2 =	sld [smem:$0x3FD9]  }
0x89: {  	s3 =	sld [smem:$0x3FFE];
	_ =	sdelay $0x1  }
0x8a: {  	s1 =	srdreg.scid  }
0x8b: {  	s0 =	sand.u32 $0x1, s1  }
0x8c: {  	s17 =	sshll.u32 s0, $0xA;
	s2 =	sadd.s32 s3, s2  }
0x8d: {  	s2 =	sadd.s32 s2, s17  }
0x8e: {  	[smem:$0x3FC4] =	sst s2  }
0x8f: {  	_ = 	snop  }
0x90: {  	s2 =	sld [smem:$0x3FC9]  }
0x91: {  	s18 =	sld [smem:$0x3FD0];
	(tm) =	ssettm $0x1  }
0x92: {  	s4 =	sld [smem:$0x3FFB];
	_ =	sdelay $0x3  }
0x93: {  	_ =	strace s4  }
0x94: {  	s4 =	sld [smem:$0x3FFC];
	_ =	sdelay $0x3  }
0x95: {  	_ =	strace s4  }
0x96: {  	s4 =	sld [smem:$0x3FFD];
	_ =	sdelay $0x3  }
0x97: {  	_ =	strace s4  }
0x98: {  	_ =	strace $0x8FFFFFFF  }
0x99: {  	s19 =	sld [smem:$0x3FDB];
	_ =	sdelay $0x1  }
0x9a: {  	s5 =	simm.s32 $_scs_section_size  }
0x9b: {  	s6 =	simm.s32 $_size__tile_overlayer_lowered;
	s7 =	simm.s32 $_tile_overlayer_lowered  }
0x9c: {  	s22 =	simm.s32 $0x1BFF;
	s21 =	sshll.u32 s7, $0x1;
	s4 =	sadd.s32 s5, s19  }
0x9d: {  	s8 =	simm.s32 $0x0;
	s20 =	sshll.u32 s6, $0x1;
	s6 =	sadd.s32 s21, s4  }
0x9e: {  	[timem:s8], [sflag:s22] =	dma.local [hbm:s6], s20  }
0x9f: {  	_ =	swait.ge [sflag:s22], s20  }
0xa0: {  	s5 =	ssub.s32 $0x0, s20;
	[sflag:s22] =	ssyncset.done $0x0  }
0xa1: {  	[sflag:s22] =	ssyncadd.s32 s5;
	_ =	sdelay $0x1  }
0xa2: {  	s23 =	simm.s32 $0x1B8B  }
0xa3: {  	_ =	swait.ge [sflag:s23], $0x1  }
0xa4: {  	[sflag:s23] =	ssyncset.done $0x0  }
0xa5: {  	s25 =	simm.s32 $0x1B8E;
	s24 =	sld [smem:$0x3FFE];
	[sflag:s23] =	ssyncadd.s32 $0xFFFFFFFF  }
0xa6: {  	s26 =	simm.s32 $execute0_lowered;
	[smem:$0x3FD2] =	sst s25  }
0xa7: {  	s6 =	sshll.u32 s26, $0x1;
	_ =	strace $0x80000046;
	[dreg:$0x1] =	wrdreg $0xFFFFFFFF  }
0xa8: {  	s28 =	simm.s32 $_size_execute0_lowered;
	s4 =	sadd.s32 s4, s6;
	[dreg:$0x0] =	wrdreg $0x0  }
0xa9: {  	s6 =	sshll.u32 s28, $0x1;
	[dreg:$0x2] =	wrdreg s4  }
0xaa: {  	[dreg:$0x3] =	wrdreg s6  }
0xab: {  	[dreg:$0x4] =	wrdreg $0xC0  }
0xac: {  	_ =	task [dreg:s8], $0x5FFFF  }
0xad: {  	[dreg:$0x1] =	wrdreg $0xFFFFFFFF  }
0xae: {  	[dreg:$0x0] =	wrdreg $0x60  }
0xaf: {  	[dreg:$0x2] =	wrdreg s2  }
0xb0: {  	[dreg:$0x3] =	wrdreg s24  }
0xb1: {  	[dreg:$0x4] =	wrdreg s18  }
0xb2: {  	[dreg:$0x5] =	wrdreg $0x9  }
0xb3: {  	_ =	task.clear_ibuf [dreg:s8], $0x6FFFF;
	_ =	strace $0x90000046  }
0xb4: {  	s29 =	simm.s32 $0x9;
	_ =	strace $0x80000048  }
0xb5: {  	_ =	swait.ge [sflag:s29], $0x1  }
0xb6: {  	[sflag:s29] =	ssyncadd.s32 $0xFFFFFFFF  }
0xb7: {  	_ =	strace $0x90000048  }
0xb8: {  	_ =	sfence  }
0xb9: {  	s30 =	sld [smem:$0x0];
	_ =	sdelay $0x2  }
0xba: {  	s31 =	sshll.u32 s1, $0xD;
	s1 =	sshrl.u32 s1, $0x2  }
0xbb: {  	s3 =	sand.u32 $0x4000, s31;
	s1 =	sadd.s32 s1, s30  }
0xbc: {  	s0 =	sor.u32 s3, s0;
	s1 =	sshll.u32 s1, $0x11  }
0xbd: {  	s0 =	sor.u32 s1, s0  }
0xbe: {  	s0 =	sadd.s32 $0x8F2B, s0  }
0xbf: {  	[sflag:s0] =	ssyncadd.remote.s32 $0x1  }
0xc0: {  	_ =	sfence.sel $0xFFFF  }
0xc1: {  	[dreg:$0x0] =	wrdreg $0xFFFFFFFF;
	(pc) =	sbr.abs _section_cstart, $3  }
0xc2: {  	[dreg:$0x1] =	wrdreg $0xFFFFFFFF  }
0xc3: {  	_ =	task.clear_ibuf [dreg:s8], $0x2FFFF;
	_ =	strace $0x9FFFFFFF  }
0xc4: {  	(tm) =	ssettm $0x7FFFFFFF  }
0xc5: {  	_ =	shalt  }
tec
execute0_lowered:
.L_overlay_start_1:
0x0: {  	(tag) =	ssettag $0x1  }
0x1: {  	s2 =	srdreg.scid;
	s1 =	rddreg [dreg:$0x0]  }
0x2: {  	s0 =	stileid.u32;
	s5 =	rddreg [dreg:$0x1]  }
0x3: {  	s12 =	simm.s32 $0x80;
	s13 =	simm.s32 $0x400;
	s14 =	simm.s32 $0x7  }
0x4: {  	s15 =	simm.s32 $0x1900;
	s16 =	simm.s32 $0x3200;
	s17 =	simm.s32 $0x7E00  }
0x5: {  	s18 =	simm.s32 $0x1;
	s19 =	simm.s32 $0x6;
	s20 =	simm.s32 $0x4  }
0x6: {  	s21 =	simm.s32 $0x5;
	s22 =	simm.s32 $0x2;
	s23 =	simm.s32 $0xBE00  }
0x7: {  	s24 =	simm.s32 $0x3;
	s25 =	simm.s32 $0xFE00;
	s26 =	simm.s32 $0x0  }
0x8: {  	s2 =	sand.u32 $0x1, s2;
	s3 =	sshll.u32 s0, $0x1;
	s4 =	sshrl.u32 s0, $0x2  }
0x9: {  	s6 =	sor.u32 s2, s3;
	s3 =	rddreg [dreg:$0x2];
	s7 =	smul.u32 $0xC800, s4  }
0xa: {  	v0 =	vimm.s32 $0x0;
	v1 =	vlaneseq.u32;
	s4 =	simm.s32 $0x0;
	s2 =	ssub.s32 $0x2, s2;
	s9 =	smul.u32 $0x19000, s6  }
0xb: {  	v5 =	vimm.s32 $0x1;
	v6 =	vimm.s32 $0x2;
	v7 =	vimm.s32 $0x3;
	s8 =	sshll.u32 s6, $0x7;
	[smem:$0x7FF] =	sst s4;
	s10 =	smul.u32 $0xC8000, s6  }
.Ltmp0:
0xc: {  	v8 =	vimm.s32 $0x4;
	v9 =	vimm.s32 $0x5;
	v10 =	vimm.s32 $0x6;
	s31 =	sshrl.u32 s2, $0x1;
	s8 =	sand.u32 $0x380, s8;
	(pc) =	sbr.rel .LBB2_1-.Ltmp0, $4  }
0xd: {  	v11 =	vimm.s32 $0x7;
	v12 =	vimm.s32 $0x8;
	v13 =	vimm.s32 $0x9;
	s6 =	smul.u32 $0x1900, s6;
	_ =	strace $0x80000047;
	s7 =	sor.u32 s7, s8  }
0xe: {  	v14 =	vimm.s32 $0xA;
	v15 =	vimm.s32 $0xB;
	v16 =	vimm.s32 $0xC;
	s2 =	ssub.s32 s2, s31;
	s9 =	sadd.s32 s1, s9;
	s7 =	sshrl.u32 s7, $0x3  }
0xf: {  	v17 =	vimm.s32 $0xD;
	v18 =	vimm.s32 $0xE;
	v19 =	vimm.s32 $0xF;
	s10 =	sor.u32 $0x4000, s10;
	s11 =	smax.u32 s2, $0x1;
	s30 =	sadd.s32 s7, s5  }
0x10: {  	v2 =	vor.u32 $0x10, v1;
	v3 =	vor.u32 $0x20, v1;
	v4 =	vor.u32 $0x30, v1;
	s5 =	sadd.s32 $0xD000, s5;
	s7 =	sadd.s32 $0x6C00, s30;
	s8 =	sadd.s32 $0x800, s30  }
.LBB2_14:
0x11: {  	_ =	swait.ge [sflag:s19], $0x4000  }
0x12: {  	[sflag:s19] =	ssyncset.done $0x0  }
0x13: {  	s26 =	sadd.s32 $0x1, s26;
	[sflag:s19] =	ssyncadd.s32 $0xFFFFC000  }
0x14: {  	p0 =	sne.s32 s26, s11;
	_ =	swait.ge [sflag:s20], $0x4000  }
.Ltmp1:
0x15: {  	[sflag:s20] =	ssyncset.done $0x0;
	(pc) =	sbr.rel @!p0 .LBB2_15-.Ltmp1, $4  }
0x16: {  	[sflag:s20] =	ssyncadd.s32 $0xFFFFC000  }
0x17: {  	_ =	swait.ge [sflag:s21], $0x4000  }
0x18: {  	[sflag:s21] =	ssyncset.done $0x0  }
0x19: {  	[sflag:s21] =	ssyncadd.s32 $0xFFFFC000  }
.LBB2_1:
0x1a: {  	[tilespmem:s4], [sflag:$0x7] =	stream.strided.gather [hbm4b:s7+s12], $0x1900, s13, s12, $0x38;
	[tilespmem:$0x13E00] =	vst v63  }
0x1b: {  	_ =	swait.ge [sflag:s14], $0x1900  }
0x1c: {  	[sflag:s14] =	ssyncset.done $0x0  }
0x1d: {  	[sflag:s14] =	ssyncadd.s32 $0xFFFFE700  }
0x1e: {  	[tilespmem:s15], [sflag:$0x7] =	stream.strided.gather [hbm4b:s8+s12], $0x1900, s13, s12, $0x38;
	[tilespmem:$0x13E00] =	vst v63  }
0x1f: {  	_ =	swait.ge [sflag:s14], $0x1900  }
0x20: {  	[sflag:s14] =	ssyncset.done $0x0  }
0x21: {  	[sflag:s14] =	ssyncadd.s32 $0xFFFFE700  }
0x22: {  	[tilespmem:s16], [sflag:$0x7] =	stream.linear.gather [hbm4b:s5+s4], $0x4C00, $0x38;
	[tilespmem:$0x13E00] =	vst v63  }
.Ltmp2:
0x23: {  	_ = 	snop;
	(pc) =	sbr.rel .LBB2_2-.Ltmp2, $4  }
0x24: {  	_ =	swait.ge [sflag:s14], $0x4C00  }
0x25: {  	[sflag:s14] =	ssyncset.done $0x0  }
0x26: {  	s28 =	simm.s32 $0x0;
	[sflag:s14] =	ssyncadd.s32 $0xFFFFB400  }
0x27: {  	[tilespmem:s17], [sflag:$0x1] =	stream.linear.gather [hbm4b:s9+s4], $0x4000, $0x38;
	[tilespmem:$0x13E00] =	vst v63  }
.LBB2_9:
0x28: {  	s0 =	sadd.s32 s6, s29  }
0x29: {  	s0 =	sshll.u32 s0, $0x4  }
0x2a: {  	s0 =	sadd.s32 s3, s0  }
0x2b: {  	[hbm4b:s0+s4] =	stream.linear.scatter [tilespmem:s23], [sflag:$0x5], $0x4000, $0x38;
	[tilespmem:$0x13E00] =	vst v63  }
.LBB2_13:
0x2c: {  	s28 =	sadd.s32 $0x1, s28  }
0x2d: {  	p0 =	sne.s32 s28, $0x32  }
.Ltmp3:
0x2e: {  	_ = 	snop;
	(pc) =	sbr.rel @!p0 .LBB2_14-.Ltmp3, $1  }
0x2f: {  	_ =	sdelay $0x3  }
.LBB2_2:
0x30: {  	s2 =	smul.u32 $0xAB, s28;
	_ =	sdelay $0x1  }
0x31: {  	s2 =	sshrl.u32 s2, $0x9  }
0x32: {  	s2 =	sand.u32 $0x7F, s2  }
0x33: {  	s2 =	smul.u32 $0x3, s2;
	_ =	sdelay $0x1  }
0x34: {  	s2 =	ssub.s32 s28, s2  }
0x35: {  	s29 =	sand.u32 $0xFF, s2  }
0x36: {  	p2 =	seq.s32 s29, $0x0  }
.Ltmp4:
0x37: {  	_ = 	snop;
	(pc) =	sbr.rel @p2 .LBB2_10-.Ltmp4, $4  }
0x38: {  	_ = 	snop  }
0x39: {  	p0 =	seq.s32 s28, $0x31  }
0x3a: {  	p1 =	slt.u32 @!p0 s28, $0x2  }
0x3b: {  	p1 =	por p1, p0;
	s2 =	sshll.u32 @!p0 s28, $0xE  }
0x3c: {  	p2 =	seq.s32 s29, $0x1  }
.Ltmp5:
0x3d: {  	_ = 	snop;
	(pc) =	sbr.rel @!p2 .LBB2_4-.Ltmp5, $1  }
0x3e: {  	_ =	sdelay $0x3  }
0x3f: {  	s0 =	simm.s32 @!p1 $0x6  }
0x40: {  	_ =	swait.ge @!p1 [sflag:s0], $0x4000  }
0x41: {  	s2 =	sadd.s32 @!p0 s2, s10;
	[sflag:s0] =	ssyncset.done @!p1 $0x0  }
0x42: {  	[sflag:s0] =	ssyncadd.s32 @!p1 $0xFFFFC000;
	s0 =	sshrl.u32 @!p0 s2, $0x3  }
0x43: {  	s29 =	simm.s32 @!p0 $0xFE00;
	s2 =	simm.s32 @!p0 $0x0;
	s0 =	sadd.s32 @!p0 s1, s0  }
0x44: {  	[tilespmem:s29], [sflag:$0x3] =	stream.linear.gather @!p0 [hbm4b:s0+s2], $0x4000, $0x38;
	[tilespmem:$0x13E00] =	vst v63  }
0x45: {  	s29 =	sshll.u32 s28, $0x7  }
0x46: {  	v20 =	vmov s29  }
0x47: {  	_ =	swait.ge [sflag:s22], $0x4000  }
0x48: {  	[sflag:s22] =	ssyncset.done $0x0  }
0x49: {  	s30 =	simm.s32 $0x0;
	[sflag:s22] =	ssyncadd.s32 $0xFFFFC000  }
.LBB2_8:
0x4a: {  	s0 =	sshll.u32 s30, $0x4  }
0x4b: {  	v24 =	vld.idx.msk [tilespmem:v20+s0+$0x0 ss:$0x1], $0xffff;
	_ =	sdelay $0x3  }
0x4c: {  	v23 =	vld.idx.msk [tilespmem:v20+s0+$0x1900 ss:$0x1], $0xffff  }
0x4d: {  	v21 =	vperm.xlane v24, v0;
	_ =	sdelay $0x1  }
0x4e: {  	v22 =	vadd.s32 v1, v21  }
0x4f: {  	v25 =	vadd.s32 v2, v21  }
0x50: {  	v26 =	vperm.xlane v23, v0;
	v27 =	vadd.s32 v3, v21  }
0x51: {  	v21 =	vadd.s32 v4, v21  }
0x52: {  	v28 =	vadd.s32 v1, v26  }
0x53: {  	v29 =	vadd.s32 v2, v26;
	v22 =	vld.idx.msk [tilespmem:v22+s16+$0x0], $0xffff  }
0x54: {  	v30 =	vadd.s32 v3, v26;
	v25 =	vld.idx.msk [tilespmem:v25+s16+$0x0], $0xffff  }
0x55: {  	v26 =	vadd.s32 v4, v26;
	v27 =	vld.idx.msk [tilespmem:v27+s16+$0x0], $0xffff  }
0x56: {  	v21 =	vld.idx.msk [tilespmem:v21+s16+$0x0], $0xffff  }
0x57: {  	v28 =	vld.idx.msk [tilespmem:v28+s16+$0x0], $0xffff  }
0x58: {  	v29 =	vld.idx.msk [tilespmem:v29+s16+$0x0], $0xffff  }
0x59: {  	s2 =	sshll.u32 s30, $0xB;
	v30 =	vld.idx.msk [tilespmem:v30+s16+$0x0], $0xffff  }
0x5a: {  	s2 =	sand.u32 $0x3FFFF800, s2;
	v26 =	vld.idx.msk [tilespmem:v26+s16+$0x0], $0xffff  }
0x5b: {  	[tilespmem:s2+$0xBE00] =	vst.add.f32.msk $0xffff, v22  }
0x5c: {  	[tilespmem:s2+$0xBE10] =	vst.add.f32.msk $0xffff, v25  }
0x5d: {  	[tilespmem:s2+$0xBE20] =	vst.add.f32.msk $0xffff, v27  }
0x5e: {  	v46 =	vperm.xlane v24, v5;
	[tilespmem:s2+$0xBE30] =	vst.add.f32.msk $0xffff, v21  }
0x5f: {  	[tilespmem:s2+$0xBE40] =	vst.add.f32.msk $0xffff, v28  }
0x60: {  	s31 =	sor.u32 $0x1, s30;
	v47 =	vadd.s32 v1, v46;
	[tilespmem:s2+$0xBE50] =	vst.add.f32.msk $0xffff, v29  }
0x61: {  	s0 =	sshll.u32 s31, $0x4;
	v49 =	vperm.xlane v23, v5;
	v48 =	vadd.s32 v2, v46;
	[tilespmem:s2+$0xBE60] =	vst.add.f32.msk $0xffff, v30  }
0x62: {  	v50 =	vadd.s32 v3, v46;
	v22 =	vld.idx.msk [tilespmem:v20+s0+$0x0 ss:$0x1], $0xffff  }
0x63: {  	v51 =	vadd.s32 v1, v49;
	v21 =	vld.idx.msk [tilespmem:v20+s0+$0x1900 ss:$0x1], $0xffff  }
0x64: {  	v31 =	vadd.s32 v2, v49;
	[tilespmem:s2+$0xBE70] =	vst.add.f32.msk $0xffff, v26  }
0x65: {  	v32 =	vadd.s32 v3, v49;
	v27 =	vld.idx.msk [tilespmem:v47+s16+$0x0], $0xffff  }
0x66: {  	v25 =	vadd.s32 v4, v46;
	v28 =	vld.idx.msk [tilespmem:v48+s16+$0x0], $0xffff  }
0x67: {  	v29 =	vadd.s32 v4, v49;
	v30 =	vld.idx.msk [tilespmem:v50+s16+$0x0], $0xffff  }
0x68: {  	v26 =	vld.idx.msk [tilespmem:v51+s16+$0x0], $0xffff  }
0x69: {  	v31 =	vld.idx.msk [tilespmem:v31+s16+$0x0], $0xffff  }
0x6a: {  	v32 =	vld.idx.msk [tilespmem:v32+s16+$0x0], $0xffff  }
0x6b: {  	v25 =	vld.idx.msk [tilespmem:v25+s16+$0x0], $0xffff  }
0x6c: {  	v29 =	vld.idx.msk [tilespmem:v29+s16+$0x0], $0xffff  }
0x6d: {  	[tilespmem:s2+$0xBE80] =	vst.add.f32.msk $0xffff, v27  }
0x6e: {  	v52 =	vperm.xlane v24, v6;
	[tilespmem:s2+$0xBE90] =	vst.add.f32.msk $0xffff, v28  }
0x6f: {  	[tilespmem:s2+$0xBEA0] =	vst.add.f32.msk $0xffff, v30  }
0x70: {  	v53 =	vadd.s32 v1, v52;
	[tilespmem:s2+$0xBEC0] =	vst.add.f32.msk $0xffff, v26  }
0x71: {  	v55 =	vperm.xlane v23, v6;
	v54 =	vadd.s32 v2, v52;
	[tilespmem:s2+$0xBED0] =	vst.add.f32.msk $0xffff, v31  }
0x72: {  	v56 =	vadd.s32 v3, v52;
	[tilespmem:s2+$0xBEE0] =	vst.add.f32.msk $0xffff, v32  }
0x73: {  	v57 =	vadd.s32 v1, v55;
	[tilespmem:s2+$0xBEB0] =	vst.add.f32.msk $0xffff, v25  }
0x74: {  	v58 =	vadd.s32 v2, v55;
	[tilespmem:s2+$0xBEF0] =	vst.add.f32.msk $0xffff, v29  }
0x75: {  	v59 =	vadd.s32 v3, v55;
	v25 =	vld.idx.msk [tilespmem:v53+s16+$0x0], $0xffff  }
0x76: {  	v27 =	vadd.s32 v4, v52;
	v26 =	vld.idx.msk [tilespmem:v54+s16+$0x0], $0xffff  }
0x77: {  	v28 =	vadd.s32 v4, v55;
	v30 =	vld.idx.msk [tilespmem:v56+s16+$0x0], $0xffff  }
0x78: {  	v29 =	vld.idx.msk [tilespmem:v57+s16+$0x0], $0xffff  }
0x79: {  	v31 =	vld.idx.msk [tilespmem:v58+s16+$0x0], $0xffff  }
0x7a: {  	v32 =	vld.idx.msk [tilespmem:v59+s16+$0x0], $0xffff  }
0x7b: {  	v27 =	vld.idx.msk [tilespmem:v27+s16+$0x0], $0xffff  }
0x7c: {  	v28 =	vld.idx.msk [tilespmem:v28+s16+$0x0], $0xffff  }
0x7d: {  	[tilespmem:s2+$0xBF00] =	vst.add.f32.msk $0xffff, v25  }
0x7e: {  	v60 =	vperm.xlane v24, v7;
	[tilespmem:s2+$0xBF10] =	vst.add.f32.msk $0xffff, v26  }
0x7f: {  	[tilespmem:s2+$0xBF20] =	vst.add.f32.msk $0xffff, v30  }
0x80: {  	v61 =	vadd.s32 v1, v60;
	[tilespmem:s2+$0xBF40] =	vst.add.f32.msk $0xffff, v29  }
0x81: {  	v63 =	vperm.xlane v23, v7;
	v62 =	vadd.s32 v2, v60;
	[tilespmem:s2+$0xBF50] =	vst.add.f32.msk $0xffff, v31  }
0x82: {  	v36 =	vadd.s32 v3, v60;
	[tilespmem:s2+$0xBF60] =	vst.add.f32.msk $0xffff, v32  }
0x83: {  	v37 =	vadd.s32 v1, v63;
	[tilespmem:s2+$0xBF30] =	vst.add.f32.msk $0xffff, v27  }
0x84: {  	v38 =	vadd.s32 v2, v63;
	[tilespmem:s2+$0xBF70] =	vst.add.f32.msk $0xffff, v28  }
0x85: {  	v39 =	vadd.s32 v3, v63;
	v26 =	vld.idx.msk [tilespmem:v61+s16+$0x0], $0xffff  }
0x86: {  	v25 =	vadd.s32 v4, v60;
	v27 =	vld.idx.msk [tilespmem:v62+s16+$0x0], $0xffff  }
0x87: {  	v29 =	vadd.s32 v4, v63;
	v30 =	vld.idx.msk [tilespmem:v36+s16+$0x0], $0xffff  }
0x88: {  	v28 =	vld.idx.msk [tilespmem:v37+s16+$0x0], $0xffff  }
0x89: {  	v31 =	vld.idx.msk [tilespmem:v38+s16+$0x0], $0xffff  }
0x8a: {  	v32 =	vld.idx.msk [tilespmem:v39+s16+$0x0], $0xffff  }
0x8b: {  	v25 =	vld.idx.msk [tilespmem:v25+s16+$0x0], $0xffff  }
0x8c: {  	v29 =	vld.idx.msk [tilespmem:v29+s16+$0x0], $0xffff  }
0x8d: {  	[tilespmem:s2+$0xBF80] =	vst.add.f32.msk $0xffff, v26  }
0x8e: {  	v40 =	vperm.xlane v24, v8;
	[tilespmem:s2+$0xBF90] =	vst.add.f32.msk $0xffff, v27  }
0x8f: {  	[tilespmem:s2+$0xBFA0] =	vst.add.f32.msk $0xffff, v30  }
0x90: {  	v41 =	vadd.s32 v1, v40;
	[tilespmem:s2+$0xBFC0] =	vst.add.f32.msk $0xffff, v28  }
0x91: {  	v43 =	vperm.xlane v23, v8;
	v42 =	vadd.s32 v2, v40;
	[tilespmem:s2+$0xBFD0] =	vst.add.f32.msk $0xffff, v31  }
0x92: {  	v44 =	vadd.s32 v3, v40;
	[tilespmem:s2+$0xBFE0] =	vst.add.f32.msk $0xffff, v32  }
0x93: {  	v45 =	vadd.s32 v1, v43;
	[tilespmem:s2+$0xBFB0] =	vst.add.f32.msk $0xffff, v25  }
0x94: {  	v46 =	vadd.s32 v2, v43;
	[tilespmem:s2+$0xBFF0] =	vst.add.f32.msk $0xffff, v29  }
0x95: {  	v47 =	vadd.s32 v3, v43;
	v25 =	vld.idx.msk [tilespmem:v41+s16+$0x0], $0xffff  }
0x96: {  	v26 =	vadd.s32 v4, v40;
	v27 =	vld.idx.msk [tilespmem:v42+s16+$0x0], $0xffff  }
0x97: {  	v28 =	vadd.s32 v4, v43;
	v30 =	vld.idx.msk [tilespmem:v44+s16+$0x0], $0xffff  }
0x98: {  	v29 =	vld.idx.msk [tilespmem:v45+s16+$0x0], $0xffff  }
0x99: {  	v31 =	vld.idx.msk [tilespmem:v46+s16+$0x0], $0xffff  }
0x9a: {  	v32 =	vld.idx.msk [tilespmem:v47+s16+$0x0], $0xffff  }
0x9b: {  	v26 =	vld.idx.msk [tilespmem:v26+s16+$0x0], $0xffff  }
0x9c: {  	v28 =	vld.idx.msk [tilespmem:v28+s16+$0x0], $0xffff  }
0x9d: {  	[tilespmem:s2+$0xC000] =	vst.add.f32.msk $0xffff, v25  }
0x9e: {  	v48 =	vperm.xlane v24, v9;
	[tilespmem:s2+$0xC010] =	vst.add.f32.msk $0xffff, v27  }
0x9f: {  	[tilespmem:s2+$0xC020] =	vst.add.f32.msk $0xffff, v30  }
0xa0: {  	v49 =	vadd.s32 v1, v48;
	[tilespmem:s2+$0xC040] =	vst.add.f32.msk $0xffff, v29  }
0xa1: {  	v51 =	vperm.xlane v23, v9;
	v50 =	vadd.s32 v2, v48;
	[tilespmem:s2+$0xC050] =	vst.add.f32.msk $0xffff, v31  }
0xa2: {  	v52 =	vadd.s32 v3, v48;
	[tilespmem:s2+$0xC060] =	vst.add.f32.msk $0xffff, v32  }
0xa3: {  	v53 =	vadd.s32 v1, v51;
	[tilespmem:s2+$0xC030] =	vst.add.f32.msk $0xffff, v26  }
0xa4: {  	v54 =	vadd.s32 v2, v51;
	[tilespmem:s2+$0xC070] =	vst.add.f32.msk $0xffff, v28  }
0xa5: {  	v55 =	vadd.s32 v3, v51;
	v26 =	vld.idx.msk [tilespmem:v49+s16+$0x0], $0xffff  }
0xa6: {  	v25 =	vadd.s32 v4, v48;
	v27 =	vld.idx.msk [tilespmem:v50+s16+$0x0], $0xffff  }
0xa7: {  	v29 =	vadd.s32 v4, v51;
	v30 =	vld.idx.msk [tilespmem:v52+s16+$0x0], $0xffff  }
0xa8: {  	v28 =	vld.idx.msk [tilespmem:v53+s16+$0x0], $0xffff  }
0xa9: {  	v31 =	vld.idx.msk [tilespmem:v54+s16+$0x0], $0xffff  }
0xaa: {  	v32 =	vld.idx.msk [tilespmem:v55+s16+$0x0], $0xffff  }
0xab: {  	v25 =	vld.idx.msk [tilespmem:v25+s16+$0x0], $0xffff  }
0xac: {  	v29 =	vld.idx.msk [tilespmem:v29+s16+$0x0], $0xffff  }
0xad: {  	[tilespmem:s2+$0xC080] =	vst.add.f32.msk $0xffff, v26  }
0xae: {  	v56 =	vperm.xlane v24, v10;
	[tilespmem:s2+$0xC090] =	vst.add.f32.msk $0xffff, v27  }
0xaf: {  	[tilespmem:s2+$0xC0A0] =	vst.add.f32.msk $0xffff, v30  }
0xb0: {  	v57 =	vadd.s32 v1, v56;
	[tilespmem:s2+$0xC0C0] =	vst.add.f32.msk $0xffff, v28  }
0xb1: {  	v59 =	vperm.xlane v23, v10;
	v58 =	vadd.s32 v2, v56;
	[tilespmem:s2+$0xC0D0] =	vst.add.f32.msk $0xffff, v31  }
0xb2: {  	v60 =	vadd.s32 v3, v56;
	[tilespmem:s2+$0xC0E0] =	vst.add.f32.msk $0xffff, v32  }
0xb3: {  	v61 =	vadd.s32 v1, v59;
	[tilespmem:s2+$0xC0B0] =	vst.add.f32.msk $0xffff, v25  }
0xb4: {  	v62 =	vadd.s32 v2, v59;
	[tilespmem:s2+$0xC0F0] =	vst.add.f32.msk $0xffff, v29  }
0xb5: {  	v63 =	vadd.s32 v3, v59;
	v25 =	vld.idx.msk [tilespmem:v57+s16+$0x0], $0xffff  }
0xb6: {  	v26 =	vadd.s32 v4, v56;
	v27 =	vld.idx.msk [tilespmem:v58+s16+$0x0], $0xffff  }
0xb7: {  	v28 =	vadd.s32 v4, v59;
	v30 =	vld.idx.msk [tilespmem:v60+s16+$0x0], $0xffff  }
0xb8: {  	v29 =	vld.idx.msk [tilespmem:v61+s16+$0x0], $0xffff  }
0xb9: {  	v31 =	vld.idx.msk [tilespmem:v62+s16+$0x0], $0xffff  }
0xba: {  	v32 =	vld.idx.msk [tilespmem:v63+s16+$0x0], $0xffff  }
0xbb: {  	v26 =	vld.idx.msk [tilespmem:v26+s16+$0x0], $0xffff  }
0xbc: {  	v28 =	vld.idx.msk [tilespmem:v28+s16+$0x0], $0xffff  }
0xbd: {  	[tilespmem:s2+$0xC100] =	vst.add.f32.msk $0xffff, v25  }
0xbe: {  	v36 =	vperm.xlane v24, v11;
	[tilespmem:s2+$0xC110] =	vst.add.f32.msk $0xffff, v27  }
0xbf: {  	[tilespmem:s2+$0xC120] =	vst.add.f32.msk $0xffff, v30  }
0xc0: {  	v37 =	vadd.s32 v1, v36;
	[tilespmem:s2+$0xC140] =	vst.add.f32.msk $0xffff, v29  }
0xc1: {  	v39 =	vperm.xlane v23, v11;
	v38 =	vadd.s32 v2, v36;
	[tilespmem:s2+$0xC150] =	vst.add.f32.msk $0xffff, v31  }
0xc2: {  	v40 =	vadd.s32 v3, v36;
	[tilespmem:s2+$0xC160] =	vst.add.f32.msk $0xffff, v32  }
0xc3: {  	v41 =	vadd.s32 v1, v39;
	[tilespmem:s2+$0xC130] =	vst.add.f32.msk $0xffff, v26  }
0xc4: {  	v42 =	vadd.s32 v2, v39;
	[tilespmem:s2+$0xC170] =	vst.add.f32.msk $0xffff, v28  }
0xc5: {  	v43 =	vadd.s32 v3, v39;
	v26 =	vld.idx.msk [tilespmem:v37+s16+$0x0], $0xffff  }
0xc6: {  	v25 =	vadd.s32 v4, v36;
	v27 =	vld.idx.msk [tilespmem:v38+s16+$0x0], $0xffff  }
0xc7: {  	v29 =	vadd.s32 v4, v39;
	v30 =	vld.idx.msk [tilespmem:v40+s16+$0x0], $0xffff  }
0xc8: {  	v28 =	vld.idx.msk [tilespmem:v41+s16+$0x0], $0xffff  }
0xc9: {  	v31 =	vld.idx.msk [tilespmem:v42+s16+$0x0], $0xffff  }
0xca: {  	v32 =	vld.idx.msk [tilespmem:v43+s16+$0x0], $0xffff  }
0xcb: {  	v25 =	vld.idx.msk [tilespmem:v25+s16+$0x0], $0xffff  }
0xcc: {  	v29 =	vld.idx.msk [tilespmem:v29+s16+$0x0], $0xffff  }
0xcd: {  	[tilespmem:s2+$0xC180] =	vst.add.f32.msk $0xffff, v26  }
0xce: {  	v44 =	vperm.xlane v24, v12;
	[tilespmem:s2+$0xC190] =	vst.add.f32.msk $0xffff, v27  }
0xcf: {  	[tilespmem:s2+$0xC1A0] =	vst.add.f32.msk $0xffff, v30  }
0xd0: {  	v45 =	vadd.s32 v1, v44;
	[tilespmem:s2+$0xC1C0] =	vst.add.f32.msk $0xffff, v28  }
0xd1: {  	v47 =	vperm.xlane v23, v12;
	v46 =	vadd.s32 v2, v44;
	[tilespmem:s2+$0xC1D0] =	vst.add.f32.msk $0xffff, v31  }
0xd2: {  	v48 =	vadd.s32 v3, v44;
	[tilespmem:s2+$0xC1E0] =	vst.add.f32.msk $0xffff, v32  }
0xd3: {  	v49 =	vadd.s32 v1, v47;
	[tilespmem:s2+$0xC1B0] =	vst.add.f32.msk $0xffff, v25  }
0xd4: {  	v50 =	vadd.s32 v2, v47;
	[tilespmem:s2+$0xC1F0] =	vst.add.f32.msk $0xffff, v29  }
0xd5: {  	v51 =	vadd.s32 v3, v47;
	v25 =	vld.idx.msk [tilespmem:v45+s16+$0x0], $0xffff  }
0xd6: {  	v26 =	vadd.s32 v4, v44;
	v27 =	vld.idx.msk [tilespmem:v46+s16+$0x0], $0xffff  }
0xd7: {  	v28 =	vadd.s32 v4, v47;
	v30 =	vld.idx.msk [tilespmem:v48+s16+$0x0], $0xffff  }
0xd8: {  	v29 =	vld.idx.msk [tilespmem:v49+s16+$0x0], $0xffff  }
0xd9: {  	v31 =	vld.idx.msk [tilespmem:v50+s16+$0x0], $0xffff  }
0xda: {  	v32 =	vld.idx.msk [tilespmem:v51+s16+$0x0], $0xffff  }
0xdb: {  	v26 =	vld.idx.msk [tilespmem:v26+s16+$0x0], $0xffff  }
0xdc: {  	v28 =	vld.idx.msk [tilespmem:v28+s16+$0x0], $0xffff  }
0xdd: {  	[tilespmem:s2+$0xC200] =	vst.add.f32.msk $0xffff, v25  }
0xde: {  	v52 =	vperm.xlane v24, v13;
	[tilespmem:s2+$0xC210] =	vst.add.f32.msk $0xffff, v27  }
0xdf: {  	[tilespmem:s2+$0xC220] =	vst.add.f32.msk $0xffff, v30  }
0xe0: {  	v53 =	vadd.s32 v1, v52;
	[tilespmem:s2+$0xC240] =	vst.add.f32.msk $0xffff, v29  }
0xe1: {  	v55 =	vperm.xlane v23, v13;
	v54 =	vadd.s32 v2, v52;
	[tilespmem:s2+$0xC250] =	vst.add.f32.msk $0xffff, v31  }
0xe2: {  	v56 =	vadd.s32 v3, v52;
	[tilespmem:s2+$0xC260] =	vst.add.f32.msk $0xffff, v32  }
0xe3: {  	v57 =	vadd.s32 v1, v55;
	[tilespmem:s2+$0xC230] =	vst.add.f32.msk $0xffff, v26  }
0xe4: {  	v58 =	vadd.s32 v2, v55;
	[tilespmem:s2+$0xC270] =	vst.add.f32.msk $0xffff, v28  }
0xe5: {  	v59 =	vadd.s32 v3, v55;
	v26 =	vld.idx.msk [tilespmem:v53+s16+$0x0], $0xffff  }
0xe6: {  	v25 =	vadd.s32 v4, v52;
	v27 =	vld.idx.msk [tilespmem:v54+s16+$0x0], $0xffff  }
0xe7: {  	v29 =	vadd.s32 v4, v55;
	v30 =	vld.idx.msk [tilespmem:v56+s16+$0x0], $0xffff  }
0xe8: {  	v28 =	vld.idx.msk [tilespmem:v57+s16+$0x0], $0xffff  }
0xe9: {  	v31 =	vld.idx.msk [tilespmem:v58+s16+$0x0], $0xffff  }
0xea: {  	v32 =	vld.idx.msk [tilespmem:v59+s16+$0x0], $0xffff  }
0xeb: {  	v25 =	vld.idx.msk [tilespmem:v25+s16+$0x0], $0xffff  }
0xec: {  	v29 =	vld.idx.msk [tilespmem:v29+s16+$0x0], $0xffff  }
0xed: {  	[tilespmem:s2+$0xC280] =	vst.add.f32.msk $0xffff, v26  }
0xee: {  	v60 =	vperm.xlane v24, v14;
	[tilespmem:s2+$0xC290] =	vst.add.f32.msk $0xffff, v27  }
0xef: {  	[tilespmem:s2+$0xC2A0] =	vst.add.f32.msk $0xffff, v30  }
0xf0: {  	v61 =	vadd.s32 v1, v60;
	[tilespmem:s2+$0xC2C0] =	vst.add.f32.msk $0xffff, v28  }
0xf1: {  	v63 =	vperm.xlane v23, v14;
	v62 =	vadd.s32 v2, v60;
	[tilespmem:s2+$0xC2D0] =	vst.add.f32.msk $0xffff, v31  }
0xf2: {  	v36 =	vadd.s32 v3, v60;
	[tilespmem:s2+$0xC2E0] =	vst.add.f32.msk $0xffff, v32  }
0xf3: {  	v37 =	vadd.s32 v1, v63;
	[tilespmem:s2+$0xC2B0] =	vst.add.f32.msk $0xffff, v25  }
0xf4: {  	v38 =	vadd.s32 v2, v63;
	[tilespmem:s2+$0xC2F0] =	vst.add.f32.msk $0xffff, v29  }
0xf5: {  	v39 =	vadd.s32 v3, v63;
	v25 =	vld.idx.msk [tilespmem:v61+s16+$0x0], $0xffff  }
0xf6: {  	v26 =	vadd.s32 v4, v60;
	v27 =	vld.idx.msk [tilespmem:v62+s16+$0x0], $0xffff  }
0xf7: {  	v28 =	vadd.s32 v4, v63;
	v30 =	vld.idx.msk [tilespmem:v36+s16+$0x0], $0xffff  }
0xf8: {  	v29 =	vld.idx.msk [tilespmem:v37+s16+$0x0], $0xffff  }
0xf9: {  	v31 =	vld.idx.msk [tilespmem:v38+s16+$0x0], $0xffff  }
0xfa: {  	v32 =	vld.idx.msk [tilespmem:v39+s16+$0x0], $0xffff  }
0xfb: {  	v26 =	vld.idx.msk [tilespmem:v26+s16+$0x0], $0xffff  }
0xfc: {  	v28 =	vld.idx.msk [tilespmem:v28+s16+$0x0], $0xffff  }
0xfd: {  	[tilespmem:s2+$0xC300] =	vst.add.f32.msk $0xffff, v25  }
0xfe: {  	v40 =	vperm.xlane v24, v15;
	[tilespmem:s2+$0xC310] =	vst.add.f32.msk $0xffff, v27  }
0xff: {  	[tilespmem:s2+$0xC320] =	vst.add.f32.msk $0xffff, v30  }
0x100: {  	v41 =	vadd.s32 v1, v40;
	[tilespmem:s2+$0xC340] =	vst.add.f32.msk $0xffff, v29  }
0x101: {  	v43 =	vperm.xlane v23, v15;
	v42 =	vadd.s32 v2, v40;
	[tilespmem:s2+$0xC350] =	vst.add.f32.msk $0xffff, v31  }
0x102: {  	v44 =	vadd.s32 v3, v40;
	[tilespmem:s2+$0xC360] =	vst.add.f32.msk $0xffff, v32  }
0x103: {  	v45 =	vadd.s32 v1, v43;
	[tilespmem:s2+$0xC330] =	vst.add.f32.msk $0xffff, v26  }
0x104: {  	v46 =	vadd.s32 v2, v43;
	[tilespmem:s2+$0xC370] =	vst.add.f32.msk $0xffff, v28  }
0x105: {  	v47 =	vadd.s32 v3, v43;
	v26 =	vld.idx.msk [tilespmem:v41+s16+$0x0], $0xffff  }
0x106: {  	v25 =	vadd.s32 v4, v40;
	v27 =	vld.idx.msk [tilespmem:v42+s16+$0x0], $0xffff  }
0x107: {  	v29 =	vadd.s32 v4, v43;
	v30 =	vld.idx.msk [tilespmem:v44+s16+$0x0], $0xffff  }
0x108: {  	v28 =	vld.idx.msk [tilespmem:v45+s16+$0x0], $0xffff  }
0x109: {  	v31 =	vld.idx.msk [tilespmem:v46+s16+$0x0], $0xffff  }
0x10a: {  	v32 =	vld.idx.msk [tilespmem:v47+s16+$0x0], $0xffff  }
0x10b: {  	v25 =	vld.idx.msk [tilespmem:v25+s16+$0x0], $0xffff  }
0x10c: {  	v29 =	vld.idx.msk [tilespmem:v29+s16+$0x0], $0xffff  }
0x10d: {  	[tilespmem:s2+$0xC380] =	vst.add.f32.msk $0xffff, v26  }
0x10e: {  	v48 =	vperm.xlane v24, v16;
	[tilespmem:s2+$0xC390] =	vst.add.f32.msk $0xffff, v27  }
0x10f: {  	[tilespmem:s2+$0xC3A0] =	vst.add.f32.msk $0xffff, v30  }
0x110: {  	v49 =	vadd.s32 v1, v48;
	[tilespmem:s2+$0xC3C0] =	vst.add.f32.msk $0xffff, v28  }
0x111: {  	v51 =	vperm.xlane v23, v16;
	v50 =	vadd.s32 v2, v48;
	[tilespmem:s2+$0xC3D0] =	vst.add.f32.msk $0xffff, v31  }
0x112: {  	v52 =	vadd.s32 v3, v48;
	[tilespmem:s2+$0xC3E0] =	vst.add.f32.msk $0xffff, v32  }
0x113: {  	v53 =	vadd.s32 v1, v51;
	[tilespmem:s2+$0xC3B0] =	vst.add.f32.msk $0xffff, v25  }
0x114: {  	v54 =	vadd.s32 v2, v51;
	[tilespmem:s2+$0xC3F0] =	vst.add.f32.msk $0xffff, v29  }
0x115: {  	v55 =	vadd.s32 v3, v51;
	v25 =	vld.idx.msk [tilespmem:v49+s16+$0x0], $0xffff  }
0x116: {  	v26 =	vadd.s32 v4, v48;
	v27 =	vld.idx.msk [tilespmem:v50+s16+$0x0], $0xffff  }
0x117: {  	v28 =	vadd.s32 v4, v51;
	v30 =	vld.idx.msk [tilespmem:v52+s16+$0x0], $0xffff  }
0x118: {  	v29 =	vld.idx.msk [tilespmem:v53+s16+$0x0], $0xffff  }
0x119: {  	v31 =	vld.idx.msk [tilespmem:v54+s16+$0x0], $0xffff  }
0x11a: {  	v32 =	vld.idx.msk [tilespmem:v55+s16+$0x0], $0xffff  }
0x11b: {  	v26 =	vld.idx.msk [tilespmem:v26+s16+$0x0], $0xffff  }
0x11c: {  	v28 =	vld.idx.msk [tilespmem:v28+s16+$0x0], $0xffff  }
0x11d: {  	[tilespmem:s2+$0xC400] =	vst.add.f32.msk $0xffff, v25  }
0x11e: {  	v56 =	vperm.xlane v24, v17;
	[tilespmem:s2+$0xC410] =	vst.add.f32.msk $0xffff, v27  }
0x11f: {  	[tilespmem:s2+$0xC420] =	vst.add.f32.msk $0xffff, v30  }
0x120: {  	v57 =	vadd.s32 v1, v56;
	[tilespmem:s2+$0xC440] =	vst.add.f32.msk $0xffff, v29  }
0x121: {  	v59 =	vperm.xlane v23, v17;
	v58 =	vadd.s32 v2, v56;
	[tilespmem:s2+$0xC450] =	vst.add.f32.msk $0xffff, v31  }
0x122: {  	v60 =	vadd.s32 v3, v56;
	[tilespmem:s2+$0xC460] =	vst.add.f32.msk $0xffff, v32  }
0x123: {  	v61 =	vadd.s32 v1, v59;
	[tilespmem:s2+$0xC430] =	vst.add.f32.msk $0xffff, v26  }
0x124: {  	v62 =	vadd.s32 v2, v59;
	[tilespmem:s2+$0xC470] =	vst.add.f32.msk $0xffff, v28  }
0x125: {  	v63 =	vadd.s32 v3, v59;
	v26 =	vld.idx.msk [tilespmem:v57+s16+$0x0], $0xffff  }
0x126: {  	v25 =	vadd.s32 v4, v56;
	v27 =	vld.idx.msk [tilespmem:v58+s16+$0x0], $0xffff  }
0x127: {  	v29 =	vadd.s32 v4, v59;
	v30 =	vld.idx.msk [tilespmem:v60+s16+$0x0], $0xffff  }
0x128: {  	v28 =	vld.idx.msk [tilespmem:v61+s16+$0x0], $0xffff  }
0x129: {  	v31 =	vld.idx.msk [tilespmem:v62+s16+$0x0], $0xffff  }
0x12a: {  	v32 =	vld.idx.msk [tilespmem:v63+s16+$0x0], $0xffff  }
0x12b: {  	v25 =	vld.idx.msk [tilespmem:v25+s16+$0x0], $0xffff  }
0x12c: {  	v29 =	vld.idx.msk [tilespmem:v29+s16+$0x0], $0xffff  }
0x12d: {  	[tilespmem:s2+$0xC480] =	vst.add.f32.msk $0xffff, v26  }
0x12e: {  	v35 =	vperm.xlane v24, v18;
	[tilespmem:s2+$0xC490] =	vst.add.f32.msk $0xffff, v27  }
0x12f: {  	[tilespmem:s2+$0xC4A0] =	vst.add.f32.msk $0xffff, v30  }
0x130: {  	v36 =	vadd.s32 v1, v35;
	[tilespmem:s2+$0xC4C0] =	vst.add.f32.msk $0xffff, v28  }
0x131: {  	v37 =	vadd.s32 v2, v35;
	v38 =	vperm.xlane v23, v18;
	[tilespmem:s2+$0xC4D0] =	vst.add.f32.msk $0xffff, v31  }
0x132: {  	v39 =	vadd.s32 v3, v35;
	[tilespmem:s2+$0xC4E0] =	vst.add.f32.msk $0xffff, v32  }
0x133: {  	v40 =	vadd.s32 v1, v38;
	[tilespmem:s2+$0xC4B0] =	vst.add.f32.msk $0xffff, v25  }
0x134: {  	v41 =	vadd.s32 v2, v38;
	[tilespmem:s2+$0xC4F0] =	vst.add.f32.msk $0xffff, v29  }
0x135: {  	v42 =	vadd.s32 v3, v38;
	v25 =	vld.idx.msk [tilespmem:v36+s16+$0x0], $0xffff  }
0x136: {  	v26 =	vadd.s32 v4, v35;
	v27 =	vld.idx.msk [tilespmem:v37+s16+$0x0], $0xffff  }
0x137: {  	v28 =	vadd.s32 v4, v38;
	v30 =	vld.idx.msk [tilespmem:v39+s16+$0x0], $0xffff  }
0x138: {  	v29 =	vld.idx.msk [tilespmem:v40+s16+$0x0], $0xffff  }
0x139: {  	v31 =	vld.idx.msk [tilespmem:v41+s16+$0x0], $0xffff  }
0x13a: {  	v32 =	vld.idx.msk [tilespmem:v42+s16+$0x0], $0xffff  }
0x13b: {  	v26 =	vld.idx.msk [tilespmem:v26+s16+$0x0], $0xffff  }
0x13c: {  	v28 =	vld.idx.msk [tilespmem:v28+s16+$0x0], $0xffff  }
0x13d: {  	[tilespmem:s2+$0xC500] =	vst.add.f32.msk $0xffff, v25  }
0x13e: {  	v24 =	vperm.xlane v24, v19;
	[tilespmem:s2+$0xC510] =	vst.add.f32.msk $0xffff, v27  }
0x13f: {  	[tilespmem:s2+$0xC520] =	vst.add.f32.msk $0xffff, v30  }
0x140: {  	v43 =	vadd.s32 v1, v24;
	[tilespmem:s2+$0xC540] =	vst.add.f32.msk $0xffff, v29  }
0x141: {  	v44 =	vadd.s32 v2, v24;
	[tilespmem:s2+$0xC550] =	vst.add.f32.msk $0xffff, v31  }
0x142: {  	v23 =	vperm.xlane v23, v19;
	v45 =	vadd.s32 v3, v24;
	[tilespmem:s2+$0xC560] =	vst.add.f32.msk $0xffff, v32  }
0x143: {  	v24 =	vadd.s32 v4, v24;
	[tilespmem:s2+$0xC530] =	vst.add.f32.msk $0xffff, v26  }
0x144: {  	v46 =	vadd.s32 v1, v23;
	[tilespmem:s2+$0xC570] =	vst.add.f32.msk $0xffff, v28  }
0x145: {  	v47 =	vadd.s32 v2, v23;
	v25 =	vld.idx.msk [tilespmem:v43+s16+$0x0], $0xffff  }
0x146: {  	v48 =	vadd.s32 v3, v23;
	v26 =	vld.idx.msk [tilespmem:v44+s16+$0x0], $0xffff  }
0x147: {  	v23 =	vadd.s32 v4, v23;
	v27 =	vld.idx.msk [tilespmem:v45+s16+$0x0], $0xffff  }
0x148: {  	v24 =	vld.idx.msk [tilespmem:v24+s16+$0x0], $0xffff  }
0x149: {  	v28 =	vld.idx.msk [tilespmem:v46+s16+$0x0], $0xffff  }
0x14a: {  	v29 =	vld.idx.msk [tilespmem:v47+s16+$0x0], $0xffff  }
0x14b: {  	v30 =	vld.idx.msk [tilespmem:v48+s16+$0x0], $0xffff  }
0x14c: {  	v23 =	vld.idx.msk [tilespmem:v23+s16+$0x0], $0xffff  }
0x14d: {  	[tilespmem:s2+$0xC580] =	vst.add.f32.msk $0xffff, v25  }
0x14e: {  	v49 =	vperm.xlane v22, v0;
	[tilespmem:s2+$0xC590] =	vst.add.f32.msk $0xffff, v26  }
0x14f: {  	[tilespmem:s2+$0xC5A0] =	vst.add.f32.msk $0xffff, v27  }
0x150: {  	v50 =	vadd.s32 v1, v49;
	[tilespmem:s2+$0xC5B0] =	vst.add.f32.msk $0xffff, v24  }
0x151: {  	v52 =	vperm.xlane v21, v0;
	v51 =	vadd.s32 v2, v49;
	[tilespmem:s2+$0xC5C0] =	vst.add.f32.msk $0xffff, v28  }
0x152: {  	v53 =	vadd.s32 v3, v49;
	[tilespmem:s2+$0xC5D0] =	vst.add.f32.msk $0xffff, v29  }
0x153: {  	v54 =	vadd.s32 v2, v52;
	[tilespmem:s2+$0xC5E0] =	vst.add.f32.msk $0xffff, v30  }
0x154: {  	v55 =	vadd.s32 v3, v52;
	[tilespmem:s2+$0xC5F0] =	vst.add.f32.msk $0xffff, v23  }
0x155: {  	v25 =	vadd.s32 v4, v49;
	v24 =	vld.idx.msk [tilespmem:v50+s16+$0x0], $0xffff  }
0x156: {  	v23 =	vadd.s32 v1, v52;
	v26 =	vld.idx.msk [tilespmem:v51+s16+$0x0], $0xffff  }
0x157: {  	v28 =	vld.idx.msk [tilespmem:v53+s16+$0x0], $0xffff;
	v27 =	vadd.s32 v4, v52  }
0x158: {  	v29 =	vld.idx.msk [tilespmem:v54+s16+$0x0], $0xffff  }
0x159: {  	v30 =	vld.idx.msk [tilespmem:v55+s16+$0x0], $0xffff  }
0x15a: {  	v25 =	vld.idx.msk [tilespmem:v25+s16+$0x0], $0xffff  }
0x15b: {  	s31 =	sshll.u32 s31, $0xB;
	v23 =	vld.idx.msk [tilespmem:v23+s16+$0x0], $0xffff  }
0x15c: {  	s0 =	sand.u32 $0x3FFFF800, s31;
	v27 =	vld.idx.msk [tilespmem:v27+s16+$0x0], $0xffff  }
0x15d: {  	[tilespmem:s0+$0xBE00] =	vst.add.f32.msk $0xffff, v24  }
0x15e: {  	v56 =	vperm.xlane v22, v5;
	[tilespmem:s0+$0xBE10] =	vst.add.f32.msk $0xffff, v26  }
0x15f: {  	[tilespmem:s0+$0xBE20] =	vst.add.f32.msk $0xffff, v28  }
0x160: {  	v57 =	vadd.s32 v1, v56;
	[tilespmem:s0+$0xBE50] =	vst.add.f32.msk $0xffff, v29  }
0x161: {  	v59 =	vadd.s32 v3, v56;
	v58 =	vperm.xlane v21, v5;
	[tilespmem:s0+$0xBE60] =	vst.add.f32.msk $0xffff, v30  }
0x162: {  	v24 =	vadd.s32 v4, v56;
	[tilespmem:s0+$0xBE30] =	vst.add.f32.msk $0xffff, v25  }
0x163: {  	v60 =	vadd.s32 v1, v58;
	[tilespmem:s0+$0xBE40] =	vst.add.f32.msk $0xffff, v23  }
0x164: {  	v61 =	vadd.s32 v2, v58;
	[tilespmem:s0+$0xBE70] =	vst.add.f32.msk $0xffff, v27  }
0x165: {  	v62 =	vadd.s32 v3, v58;
	v25 =	vld.idx.msk [tilespmem:v57+s16+$0x0], $0xffff  }
0x166: {  	v26 =	vadd.s32 v4, v58;
	v28 =	vld.idx.msk [tilespmem:v59+s16+$0x0], $0xffff  }
0x167: {  	v23 =	vadd.s32 v2, v56;
	v24 =	vld.idx.msk [tilespmem:v24+s16+$0x0], $0xffff  }
0x168: {  	v27 =	vld.idx.msk [tilespmem:v60+s16+$0x0], $0xffff  }
0x169: {  	v29 =	vld.idx.msk [tilespmem:v61+s16+$0x0], $0xffff  }
0x16a: {  	v30 =	vld.idx.msk [tilespmem:v62+s16+$0x0], $0xffff  }
0x16b: {  	v26 =	vld.idx.msk [tilespmem:v26+s16+$0x0], $0xffff  }
0x16c: {  	v23 =	vld.idx.msk [tilespmem:v23+s16+$0x0], $0xffff  }
0x16d: {  	[tilespmem:s0+$0xBE80] =	vst.add.f32.msk $0xffff, v25  }
0x16e: {  	v33 =	vperm.xlane v21, v6;
	[tilespmem:s0+$0xBEA0] =	vst.add.f32.msk $0xffff, v28  }
0x16f: {  	[tilespmem:s0+$0xBEB0] =	vst.add.f32.msk $0xffff, v24  }
0x170: {  	v35 =	vadd.s32 v1, v33;
	[tilespmem:s0+$0xBEC0] =	vst.add.f32.msk $0xffff, v27  }
0x171: {  	v36 =	vadd.s32 v2, v33;
	[tilespmem:s0+$0xBED0] =	vst.add.f32.msk $0xffff, v29  }
0x172: {  	v37 =	vadd.s32 v3, v33;
	[tilespmem:s0+$0xBE90] =	vst.add.f32.msk $0xffff, v23;
	v23 =	vperm.xlane v22, v6  }
0x173: {  	[tilespmem:s0+$0xBEE0] =	vst.add.f32.msk $0xffff, v30;
	v27 =	vadd.s32 v4, v33  }
0x174: {  	[tilespmem:s0+$0xBEF0] =	vst.add.f32.msk $0xffff, v26;
	v63 =	vadd.s32 v1, v23  }
0x175: {  	v26 =	vld.idx.msk [tilespmem:v35+s16+$0x0], $0xffff;
	v32 =	vadd.s32 v2, v23  }
0x176: {  	v29 =	vld.idx.msk [tilespmem:v36+s16+$0x0], $0xffff;
	v34 =	vadd.s32 v3, v23  }
0x177: {  	v30 =	vld.idx.msk [tilespmem:v37+s16+$0x0], $0xffff;
	v23 =	vadd.s32 v4, v23  }
0x178: {  	v27 =	vld.idx.msk [tilespmem:v27+s16+$0x0], $0xffff  }
0x179: {  	v24 =	vld.idx.msk [tilespmem:v63+s16+$0x0], $0xffff  }
0x17a: {  	v25 =	vld.idx.msk [tilespmem:v32+s16+$0x0], $0xffff  }
0x17b: {  	v28 =	vld.idx.msk [tilespmem:v34+s16+$0x0], $0xffff  }
0x17c: {  	v23 =	vld.idx.msk [tilespmem:v23+s16+$0x0], $0xffff  }
0x17d: {  	[tilespmem:s0+$0xBF40] =	vst.add.f32.msk $0xffff, v26  }
0x17e: {  	v38 =	vperm.xlane v22, v7;
	[tilespmem:s0+$0xBF50] =	vst.add.f32.msk $0xffff, v29  }
0x17f: {  	[tilespmem:s0+$0xBF60] =	vst.add.f32.msk $0xffff, v30  }
0x180: {  	v39 =	vadd.s32 v2, v38;
	v40 =	vperm.xlane v21, v7;
	[tilespmem:s0+$0xBF70] =	vst.add.f32.msk $0xffff, v27  }
0x181: {  	v41 =	vadd.s32 v3, v38;
	[tilespmem:s0+$0xBF00] =	vst.add.f32.msk $0xffff, v24  }
0x182: {  	v42 =	vadd.s32 v1, v40;
	[tilespmem:s0+$0xBF10] =	vst.add.f32.msk $0xffff, v25  }
0x183: {  	v43 =	vadd.s32 v2, v40;
	[tilespmem:s0+$0xBF20] =	vst.add.f32.msk $0xffff, v28  }
0x184: {  	v44 =	vadd.s32 v3, v40;
	[tilespmem:s0+$0xBF30] =	vst.add.f32.msk $0xffff, v23  }
0x185: {  	v26 =	vadd.s32 v4, v40;
	v25 =	vld.idx.msk [tilespmem:v39+s16+$0x0], $0xffff  }
0x186: {  	v23 =	vadd.s32 v1, v38;
	v28 =	vld.idx.msk [tilespmem:v41+s16+$0x0], $0xffff  }
0x187: {  	v24 =	vadd.s32 v4, v38;
	v27 =	vld.idx.msk [tilespmem:v42+s16+$0x0], $0xffff  }
0x188: {  	v29 =	vld.idx.msk [tilespmem:v43+s16+$0x0], $0xffff  }
0x189: {  	v30 =	vld.idx.msk [tilespmem:v44+s16+$0x0], $0xffff  }
0x18a: {  	v26 =	vld.idx.msk [tilespmem:v26+s16+$0x0], $0xffff  }
0x18b: {  	v23 =	vld.idx.msk [tilespmem:v23+s16+$0x0], $0xffff  }
0x18c: {  	v24 =	vld.idx.msk [tilespmem:v24+s16+$0x0], $0xffff  }
0x18d: {  	[tilespmem:s0+$0xBF90] =	vst.add.f32.msk $0xffff, v25  }
0x18e: {  	v47 =	vperm.xlane v21, v8;
	[tilespmem:s0+$0xBFA0] =	vst.add.f32.msk $0xffff, v28  }
0x18f: {  	[tilespmem:s0+$0xBFC0] =	vst.add.f32.msk $0xffff, v27  }
0x190: {  	v49 =	vadd.s32 v1, v47;
	[tilespmem:s0+$0xBFD0] =	vst.add.f32.msk $0xffff, v29  }
0x191: {  	v50 =	vadd.s32 v2, v47;
	[tilespmem:s0+$0xBFE0] =	vst.add.f32.msk $0xffff, v30  }
0x192: {  	v51 =	vadd.s32 v3, v47;
	[tilespmem:s0+$0xBF80] =	vst.add.f32.msk $0xffff, v23;
	v23 =	vperm.xlane v22, v8  }
0x193: {  	[tilespmem:s0+$0xBFF0] =	vst.add.f32.msk $0xffff, v26;
	v27 =	vadd.s32 v4, v47  }
0x194: {  	[tilespmem:s0+$0xBFB0] =	vst.add.f32.msk $0xffff, v24;
	v45 =	vadd.s32 v1, v23  }
0x195: {  	v26 =	vld.idx.msk [tilespmem:v49+s16+$0x0], $0xffff;
	v46 =	vadd.s32 v2, v23  }
0x196: {  	v29 =	vld.idx.msk [tilespmem:v50+s16+$0x0], $0xffff;
	v48 =	vadd.s32 v3, v23  }
0x197: {  	v30 =	vld.idx.msk [tilespmem:v51+s16+$0x0], $0xffff;
	v23 =	vadd.s32 v4, v23  }
0x198: {  	v27 =	vld.idx.msk [tilespmem:v27+s16+$0x0], $0xffff  }
0x199: {  	v24 =	vld.idx.msk [tilespmem:v45+s16+$0x0], $0xffff  }
0x19a: {  	v25 =	vld.idx.msk [tilespmem:v46+s16+$0x0], $0xffff  }
0x19b: {  	v28 =	vld.idx.msk [tilespmem:v48+s16+$0x0], $0xffff  }
0x19c: {  	v23 =	vld.idx.msk [tilespmem:v23+s16+$0x0], $0xffff  }
0x19d: {  	[tilespmem:s0+$0xC040] =	vst.add.f32.msk $0xffff, v26  }
0x19e: {  	v52 =	vperm.xlane v22, v9;
	[tilespmem:s0+$0xC050] =	vst.add.f32.msk $0xffff, v29  }
0x19f: {  	[tilespmem:s0+$0xC060] =	vst.add.f32.msk $0xffff, v30  }
0x1a0: {  	v54 =	vperm.xlane v21, v9;
	v53 =	vadd.s32 v2, v52;
	[tilespmem:s0+$0xC070] =	vst.add.f32.msk $0xffff, v27  }
0x1a1: {  	v55 =	vadd.s32 v3, v52;
	[tilespmem:s0+$0xC000] =	vst.add.f32.msk $0xffff, v24  }
0x1a2: {  	v56 =	vadd.s32 v1, v54;
	[tilespmem:s0+$0xC010] =	vst.add.f32.msk $0xffff, v25  }
0x1a3: {  	v57 =	vadd.s32 v2, v54;
	[tilespmem:s0+$0xC020] =	vst.add.f32.msk $0xffff, v28  }
0x1a4: {  	v58 =	vadd.s32 v3, v54;
	[tilespmem:s0+$0xC030] =	vst.add.f32.msk $0xffff, v23  }
0x1a5: {  	v26 =	vadd.s32 v4, v54;
	v25 =	vld.idx.msk [tilespmem:v53+s16+$0x0], $0xffff  }
0x1a6: {  	v23 =	vadd.s32 v1, v52;
	v28 =	vld.idx.msk [tilespmem:v55+s16+$0x0], $0xffff  }
0x1a7: {  	v24 =	vadd.s32 v4, v52;
	v27 =	vld.idx.msk [tilespmem:v56+s16+$0x0], $0xffff  }
0x1a8: {  	v29 =	vld.idx.msk [tilespmem:v57+s16+$0x0], $0xffff  }
0x1a9: {  	v30 =	vld.idx.msk [tilespmem:v58+s16+$0x0], $0xffff  }
0x1aa: {  	v26 =	vld.idx.msk [tilespmem:v26+s16+$0x0], $0xffff  }
0x1ab: {  	v23 =	vld.idx.msk [tilespmem:v23+s16+$0x0], $0xffff  }
0x1ac: {  	v24 =	vld.idx.msk [tilespmem:v24+s16+$0x0], $0xffff  }
0x1ad: {  	[tilespmem:s0+$0xC090] =	vst.add.f32.msk $0xffff, v25  }
0x1ae: {  	v61 =	vperm.xlane v21, v10;
	[tilespmem:s0+$0xC0A0] =	vst.add.f32.msk $0xffff, v28  }
0x1af: {  	[tilespmem:s0+$0xC0C0] =	vst.add.f32.msk $0xffff, v27  }
0x1b0: {  	v63 =	vadd.s32 v1, v61;
	[tilespmem:s0+$0xC0D0] =	vst.add.f32.msk $0xffff, v29  }
0x1b1: {  	v33 =	vadd.s32 v2, v61;
	[tilespmem:s0+$0xC0E0] =	vst.add.f32.msk $0xffff, v30  }
0x1b2: {  	v34 =	vadd.s32 v3, v61;
	[tilespmem:s0+$0xC080] =	vst.add.f32.msk $0xffff, v23;
	v23 =	vperm.xlane v22, v10  }
0x1b3: {  	[tilespmem:s0+$0xC0F0] =	vst.add.f32.msk $0xffff, v26;
	v27 =	vadd.s32 v4, v61  }
0x1b4: {  	[tilespmem:s0+$0xC0B0] =	vst.add.f32.msk $0xffff, v24;
	v59 =	vadd.s32 v1, v23  }
0x1b5: {  	v26 =	vld.idx.msk [tilespmem:v63+s16+$0x0], $0xffff;
	v60 =	vadd.s32 v2, v23  }
0x1b6: {  	v29 =	vld.idx.msk [tilespmem:v33+s16+$0x0], $0xffff;
	v62 =	vadd.s32 v3, v23  }
0x1b7: {  	v30 =	vld.idx.msk [tilespmem:v34+s16+$0x0], $0xffff;
	v23 =	vadd.s32 v4, v23  }
0x1b8: {  	v27 =	vld.idx.msk [tilespmem:v27+s16+$0x0], $0xffff  }
0x1b9: {  	v24 =	vld.idx.msk [tilespmem:v59+s16+$0x0], $0xffff  }
0x1ba: {  	v25 =	vld.idx.msk [tilespmem:v60+s16+$0x0], $0xffff  }
0x1bb: {  	v28 =	vld.idx.msk [tilespmem:v62+s16+$0x0], $0xffff  }
0x1bc: {  	v23 =	vld.idx.msk [tilespmem:v23+s16+$0x0], $0xffff  }
0x1bd: {  	[tilespmem:s0+$0xC140] =	vst.add.f32.msk $0xffff, v26  }
0x1be: {  	v35 =	vperm.xlane v22, v11;
	[tilespmem:s0+$0xC150] =	vst.add.f32.msk $0xffff, v29  }
0x1bf: {  	[tilespmem:s0+$0xC160] =	vst.add.f32.msk $0xffff, v30  }
0x1c0: {  	v37 =	vperm.xlane v21, v11;
	v36 =	vadd.s32 v2, v35;
	[tilespmem:s0+$0xC170] =	vst.add.f32.msk $0xffff, v27  }
0x1c1: {  	v38 =	vadd.s32 v3, v35;
	[tilespmem:s0+$0xC100] =	vst.add.f32.msk $0xffff, v24  }
0x1c2: {  	v39 =	vadd.s32 v1, v37;
	[tilespmem:s0+$0xC110] =	vst.add.f32.msk $0xffff, v25  }
0x1c3: {  	v40 =	vadd.s32 v2, v37;
	[tilespmem:s0+$0xC120] =	vst.add.f32.msk $0xffff, v28  }
0x1c4: {  	v41 =	vadd.s32 v3, v37;
	[tilespmem:s0+$0xC130] =	vst.add.f32.msk $0xffff, v23  }
0x1c5: {  	v26 =	vadd.s32 v4, v37;
	v25 =	vld.idx.msk [tilespmem:v36+s16+$0x0], $0xffff  }
0x1c6: {  	v23 =	vadd.s32 v1, v35;
	v28 =	vld.idx.msk [tilespmem:v38+s16+$0x0], $0xffff  }
0x1c7: {  	v24 =	vadd.s32 v4, v35;
	v27 =	vld.idx.msk [tilespmem:v39+s16+$0x0], $0xffff  }
0x1c8: {  	v29 =	vld.idx.msk [tilespmem:v40+s16+$0x0], $0xffff  }
0x1c9: {  	v30 =	vld.idx.msk [tilespmem:v41+s16+$0x0], $0xffff  }
0x1ca: {  	v26 =	vld.idx.msk [tilespmem:v26+s16+$0x0], $0xffff  }
0x1cb: {  	v23 =	vld.idx.msk [tilespmem:v23+s16+$0x0], $0xffff  }
0x1cc: {  	v24 =	vld.idx.msk [tilespmem:v24+s16+$0x0], $0xffff  }
0x1cd: {  	[tilespmem:s0+$0xC190] =	vst.add.f32.msk $0xffff, v25  }
0x1ce: {  	v44 =	vperm.xlane v21, v12;
	[tilespmem:s0+$0xC1A0] =	vst.add.f32.msk $0xffff, v28  }
0x1cf: {  	[tilespmem:s0+$0xC1C0] =	vst.add.f32.msk $0xffff, v27  }
0x1d0: {  	v46 =	vadd.s32 v1, v44;
	[tilespmem:s0+$0xC1D0] =	vst.add.f32.msk $0xffff, v29  }
0x1d1: {  	v47 =	vadd.s32 v2, v44;
	[tilespmem:s0+$0xC1E0] =	vst.add.f32.msk $0xffff, v30  }
0x1d2: {  	v48 =	vadd.s32 v3, v44;
	[tilespmem:s0+$0xC180] =	vst.add.f32.msk $0xffff, v23;
	v23 =	vperm.xlane v22, v12  }
0x1d3: {  	[tilespmem:s0+$0xC1F0] =	vst.add.f32.msk $0xffff, v26;
	v27 =	vadd.s32 v4, v44  }
0x1d4: {  	[tilespmem:s0+$0xC1B0] =	vst.add.f32.msk $0xffff, v24;
	v42 =	vadd.s32 v1, v23  }
0x1d5: {  	v26 =	vld.idx.msk [tilespmem:v46+s16+$0x0], $0xffff;
	v43 =	vadd.s32 v2, v23  }
0x1d6: {  	v29 =	vld.idx.msk [tilespmem:v47+s16+$0x0], $0xffff;
	v45 =	vadd.s32 v3, v23  }
0x1d7: {  	v30 =	vld.idx.msk [tilespmem:v48+s16+$0x0], $0xffff;
	v23 =	vadd.s32 v4, v23  }
0x1d8: {  	v27 =	vld.idx.msk [tilespmem:v27+s16+$0x0], $0xffff  }
0x1d9: {  	v24 =	vld.idx.msk [tilespmem:v42+s16+$0x0], $0xffff  }
0x1da: {  	v25 =	vld.idx.msk [tilespmem:v43+s16+$0x0], $0xffff  }
0x1db: {  	v28 =	vld.idx.msk [tilespmem:v45+s16+$0x0], $0xffff  }
0x1dc: {  	v23 =	vld.idx.msk [tilespmem:v23+s16+$0x0], $0xffff  }
0x1dd: {  	[tilespmem:s0+$0xC240] =	vst.add.f32.msk $0xffff, v26  }
0x1de: {  	v49 =	vperm.xlane v22, v13;
	[tilespmem:s0+$0xC250] =	vst.add.f32.msk $0xffff, v29  }
0x1df: {  	[tilespmem:s0+$0xC260] =	vst.add.f32.msk $0xffff, v30  }
0x1e0: {  	v51 =	vperm.xlane v21, v13;
	v50 =	vadd.s32 v2, v49;
	[tilespmem:s0+$0xC270] =	vst.add.f32.msk $0xffff, v27  }
0x1e1: {  	v52 =	vadd.s32 v3, v49;
	[tilespmem:s0+$0xC200] =	vst.add.f32.msk $0xffff, v24  }
0x1e2: {  	v53 =	vadd.s32 v1, v51;
	[tilespmem:s0+$0xC210] =	vst.add.f32.msk $0xffff, v25  }
0x1e3: {  	v54 =	vadd.s32 v2, v51;
	[tilespmem:s0+$0xC220] =	vst.add.f32.msk $0xffff, v28  }
0x1e4: {  	v55 =	vadd.s32 v3, v51;
	[tilespmem:s0+$0xC230] =	vst.add.f32.msk $0xffff, v23  }
0x1e5: {  	v26 =	vadd.s32 v4, v51;
	v25 =	vld.idx.msk [tilespmem:v50+s16+$0x0], $0xffff  }
0x1e6: {  	v23 =	vadd.s32 v1, v49;
	v28 =	vld.idx.msk [tilespmem:v52+s16+$0x0], $0xffff  }
0x1e7: {  	v24 =	vadd.s32 v4, v49;
	v27 =	vld.idx.msk [tilespmem:v53+s16+$0x0], $0xffff  }
0x1e8: {  	v29 =	vld.idx.msk [tilespmem:v54+s16+$0x0], $0xffff  }
0x1e9: {  	v30 =	vld.idx.msk [tilespmem:v55+s16+$0x0], $0xffff  }
0x1ea: {  	v26 =	vld.idx.msk [tilespmem:v26+s16+$0x0], $0xffff  }
0x1eb: {  	v23 =	vld.idx.msk [tilespmem:v23+s16+$0x0], $0xffff  }
0x1ec: {  	v24 =	vld.idx.msk [tilespmem:v24+s16+$0x0], $0xffff  }
0x1ed: {  	[tilespmem:s0+$0xC290] =	vst.add.f32.msk $0xffff, v25  }
0x1ee: {  	v58 =	vperm.xlane v21, v14;
	[tilespmem:s0+$0xC2A0] =	vst.add.f32.msk $0xffff, v28  }
0x1ef: {  	[tilespmem:s0+$0xC2C0] =	vst.add.f32.msk $0xffff, v27  }
0x1f0: {  	v60 =	vadd.s32 v1, v58;
	[tilespmem:s0+$0xC2D0] =	vst.add.f32.msk $0xffff, v29  }
0x1f1: {  	v61 =	vadd.s32 v2, v58;
	[tilespmem:s0+$0xC2E0] =	vst.add.f32.msk $0xffff, v30  }
0x1f2: {  	v62 =	vadd.s32 v3, v58;
	[tilespmem:s0+$0xC280] =	vst.add.f32.msk $0xffff, v23;
	v23 =	vperm.xlane v22, v14  }
0x1f3: {  	[tilespmem:s0+$0xC2F0] =	vst.add.f32.msk $0xffff, v26;
	v27 =	vadd.s32 v4, v58  }
0x1f4: {  	[tilespmem:s0+$0xC2B0] =	vst.add.f32.msk $0xffff, v24;
	v56 =	vadd.s32 v1, v23  }
0x1f5: {  	v26 =	vld.idx.msk [tilespmem:v60+s16+$0x0], $0xffff;
	v57 =	vadd.s32 v2, v23  }
0x1f6: {  	v29 =	vld.idx.msk [tilespmem:v61+s16+$0x0], $0xffff;
	v59 =	vadd.s32 v3, v23  }
0x1f7: {  	v30 =	vld.idx.msk [tilespmem:v62+s16+$0x0], $0xffff;
	v23 =	vadd.s32 v4, v23  }
0x1f8: {  	v27 =	vld.idx.msk [tilespmem:v27+s16+$0x0], $0xffff  }
0x1f9: {  	v24 =	vld.idx.msk [tilespmem:v56+s16+$0x0], $0xffff  }
0x1fa: {  	v25 =	vld.idx.msk [tilespmem:v57+s16+$0x0], $0xffff  }
0x1fb: {  	v28 =	vld.idx.msk [tilespmem:v59+s16+$0x0], $0xffff  }
0x1fc: {  	v23 =	vld.idx.msk [tilespmem:v23+s16+$0x0], $0xffff  }
0x1fd: {  	[tilespmem:s0+$0xC340] =	vst.add.f32.msk $0xffff, v26  }
0x1fe: {  	v63 =	vperm.xlane v22, v15;
	[tilespmem:s0+$0xC350] =	vst.add.f32.msk $0xffff, v29  }
0x1ff: {  	[tilespmem:s0+$0xC360] =	vst.add.f32.msk $0xffff, v30  }
0x200: {  	v33 =	vperm.xlane v21, v15;
	v32 =	vadd.s32 v2, v63;
	[tilespmem:s0+$0xC370] =	vst.add.f32.msk $0xffff, v27  }
0x201: {  	v34 =	vadd.s32 v3, v63;
	[tilespmem:s0+$0xC300] =	vst.add.f32.msk $0xffff, v24  }
0x202: {  	v35 =	vadd.s32 v1, v33;
	[tilespmem:s0+$0xC310] =	vst.add.f32.msk $0xffff, v25  }
0x203: {  	v36 =	vadd.s32 v2, v33;
	[tilespmem:s0+$0xC320] =	vst.add.f32.msk $0xffff, v28  }
0x204: {  	v37 =	vadd.s32 v3, v33;
	[tilespmem:s0+$0xC330] =	vst.add.f32.msk $0xffff, v23  }
0x205: {  	v26 =	vadd.s32 v4, v33;
	v25 =	vld.idx.msk [tilespmem:v32+s16+$0x0], $0xffff  }
0x206: {  	v23 =	vadd.s32 v1, v63;
	v28 =	vld.idx.msk [tilespmem:v34+s16+$0x0], $0xffff  }
0x207: {  	v24 =	vadd.s32 v4, v63;
	v27 =	vld.idx.msk [tilespmem:v35+s16+$0x0], $0xffff  }
0x208: {  	v29 =	vld.idx.msk [tilespmem:v36+s16+$0x0], $0xffff  }
0x209: {  	v30 =	vld.idx.msk [tilespmem:v37+s16+$0x0], $0xffff  }
0x20a: {  	v26 =	vld.idx.msk [tilespmem:v26+s16+$0x0], $0xffff  }
0x20b: {  	v23 =	vld.idx.msk [tilespmem:v23+s16+$0x0], $0xffff  }
0x20c: {  	v24 =	vld.idx.msk [tilespmem:v24+s16+$0x0], $0xffff  }
0x20d: {  	[tilespmem:s0+$0xC390] =	vst.add.f32.msk $0xffff, v25  }
0x20e: {  	v40 =	vperm.xlane v21, v16;
	[tilespmem:s0+$0xC3A0] =	vst.add.f32.msk $0xffff, v28  }
0x20f: {  	[tilespmem:s0+$0xC3C0] =	vst.add.f32.msk $0xffff, v27  }
0x210: {  	v42 =	vadd.s32 v1, v40;
	[tilespmem:s0+$0xC3D0] =	vst.add.f32.msk $0xffff, v29  }
0x211: {  	v43 =	vadd.s32 v2, v40;
	[tilespmem:s0+$0xC3E0] =	vst.add.f32.msk $0xffff, v30  }
0x212: {  	v44 =	vadd.s32 v3, v40;
	[tilespmem:s0+$0xC380] =	vst.add.f32.msk $0xffff, v23;
	v23 =	vperm.xlane v22, v16  }
0x213: {  	[tilespmem:s0+$0xC3F0] =	vst.add.f32.msk $0xffff, v26;
	v27 =	vadd.s32 v4, v40  }
0x214: {  	[tilespmem:s0+$0xC3B0] =	vst.add.f32.msk $0xffff, v24;
	v38 =	vadd.s32 v1, v23  }
0x215: {  	v26 =	vld.idx.msk [tilespmem:v42+s16+$0x0], $0xffff;
	v39 =	vadd.s32 v2, v23  }
0x216: {  	v29 =	vld.idx.msk [tilespmem:v43+s16+$0x0], $0xffff;
	v41 =	vadd.s32 v3, v23  }
0x217: {  	v30 =	vld.idx.msk [tilespmem:v44+s16+$0x0], $0xffff;
	v23 =	vadd.s32 v4, v23  }
0x218: {  	v27 =	vld.idx.msk [tilespmem:v27+s16+$0x0], $0xffff  }
0x219: {  	v24 =	vld.idx.msk [tilespmem:v38+s16+$0x0], $0xffff  }
0x21a: {  	v25 =	vld.idx.msk [tilespmem:v39+s16+$0x0], $0xffff  }
0x21b: {  	v28 =	vld.idx.msk [tilespmem:v41+s16+$0x0], $0xffff  }
0x21c: {  	v23 =	vld.idx.msk [tilespmem:v23+s16+$0x0], $0xffff  }
0x21d: {  	[tilespmem:s0+$0xC440] =	vst.add.f32.msk $0xffff, v26  }
0x21e: {  	v45 =	vperm.xlane v22, v17;
	[tilespmem:s0+$0xC450] =	vst.add.f32.msk $0xffff, v29  }
0x21f: {  	[tilespmem:s0+$0xC460] =	vst.add.f32.msk $0xffff, v30  }
0x220: {  	v47 =	vperm.xlane v21, v17;
	v46 =	vadd.s32 v2, v45;
	[tilespmem:s0+$0xC470] =	vst.add.f32.msk $0xffff, v27  }
0x221: {  	v48 =	vadd.s32 v3, v45;
	[tilespmem:s0+$0xC400] =	vst.add.f32.msk $0xffff, v24  }
0x222: {  	v49 =	vadd.s32 v1, v47;
	[tilespmem:s0+$0xC410] =	vst.add.f32.msk $0xffff, v25  }
0x223: {  	v50 =	vadd.s32 v2, v47;
	[tilespmem:s0+$0xC420] =	vst.add.f32.msk $0xffff, v28  }
0x224: {  	v51 =	vadd.s32 v3, v47;
	[tilespmem:s0+$0xC430] =	vst.add.f32.msk $0xffff, v23  }
0x225: {  	v26 =	vadd.s32 v4, v47;
	v25 =	vld.idx.msk [tilespmem:v46+s16+$0x0], $0xffff  }
0x226: {  	v23 =	vadd.s32 v1, v45;
	v28 =	vld.idx.msk [tilespmem:v48+s16+$0x0], $0xffff  }
0x227: {  	v24 =	vadd.s32 v4, v45;
	v27 =	vld.idx.msk [tilespmem:v49+s16+$0x0], $0xffff  }
0x228: {  	v29 =	vld.idx.msk [tilespmem:v50+s16+$0x0], $0xffff  }
0x229: {  	v30 =	vld.idx.msk [tilespmem:v51+s16+$0x0], $0xffff  }
0x22a: {  	v26 =	vld.idx.msk [tilespmem:v26+s16+$0x0], $0xffff  }
0x22b: {  	v23 =	vld.idx.msk [tilespmem:v23+s16+$0x0], $0xffff  }
0x22c: {  	v24 =	vld.idx.msk [tilespmem:v24+s16+$0x0], $0xffff  }
0x22d: {  	[tilespmem:s0+$0xC490] =	vst.add.f32.msk $0xffff, v25  }
0x22e: {  	v54 =	vperm.xlane v21, v18;
	[tilespmem:s0+$0xC4A0] =	vst.add.f32.msk $0xffff, v28  }
0x22f: {  	[tilespmem:s0+$0xC4C0] =	vst.add.f32.msk $0xffff, v27  }
0x230: {  	v56 =	vadd.s32 v1, v54;
	[tilespmem:s0+$0xC4D0] =	vst.add.f32.msk $0xffff, v29  }
0x231: {  	v57 =	vadd.s32 v2, v54;
	[tilespmem:s0+$0xC4E0] =	vst.add.f32.msk $0xffff, v30  }
0x232: {  	v58 =	vadd.s32 v3, v54;
	[tilespmem:s0+$0xC480] =	vst.add.f32.msk $0xffff, v23;
	v23 =	vperm.xlane v22, v18  }
0x233: {  	[tilespmem:s0+$0xC4F0] =	vst.add.f32.msk $0xffff, v26;
	v27 =	vadd.s32 v4, v54  }
0x234: {  	[tilespmem:s0+$0xC4B0] =	vst.add.f32.msk $0xffff, v24;
	v52 =	vadd.s32 v1, v23  }
0x235: {  	v26 =	vld.idx.msk [tilespmem:v56+s16+$0x0], $0xffff;
	v53 =	vadd.s32 v2, v23  }
0x236: {  	v29 =	vld.idx.msk [tilespmem:v57+s16+$0x0], $0xffff;
	v55 =	vadd.s32 v3, v23  }
0x237: {  	v30 =	vld.idx.msk [tilespmem:v58+s16+$0x0], $0xffff;
	v23 =	vadd.s32 v4, v23  }
0x238: {  	v27 =	vld.idx.msk [tilespmem:v27+s16+$0x0], $0xffff  }
0x239: {  	v24 =	vld.idx.msk [tilespmem:v52+s16+$0x0], $0xffff  }
0x23a: {  	v25 =	vld.idx.msk [tilespmem:v53+s16+$0x0], $0xffff  }
0x23b: {  	v28 =	vld.idx.msk [tilespmem:v55+s16+$0x0], $0xffff  }
0x23c: {  	v23 =	vld.idx.msk [tilespmem:v23+s16+$0x0], $0xffff  }
0x23d: {  	[tilespmem:s0+$0xC540] =	vst.add.f32.msk $0xffff, v26  }
0x23e: {  	v22 =	vperm.xlane v22, v19;
	[tilespmem:s0+$0xC550] =	vst.add.f32.msk $0xffff, v29  }
0x23f: {  	[tilespmem:s0+$0xC560] =	vst.add.f32.msk $0xffff, v30  }
0x240: {  	v21 =	vperm.xlane v21, v19;
	v59 =	vadd.s32 v2, v22;
	[tilespmem:s0+$0xC570] =	vst.add.f32.msk $0xffff, v27  }
0x241: {  	v60 =	vadd.s32 v3, v22;
	[tilespmem:s0+$0xC500] =	vst.add.f32.msk $0xffff, v24  }
0x242: {  	v61 =	vadd.s32 v1, v21;
	[tilespmem:s0+$0xC510] =	vst.add.f32.msk $0xffff, v25  }
0x243: {  	v62 =	vadd.s32 v2, v21;
	[tilespmem:s0+$0xC520] =	vst.add.f32.msk $0xffff, v28  }
0x244: {  	v63 =	vadd.s32 v3, v21;
	[tilespmem:s0+$0xC530] =	vst.add.f32.msk $0xffff, v23  }
0x245: {  	v21 =	vadd.s32 v4, v21;
	v24 =	vld.idx.msk [tilespmem:v59+s16+$0x0], $0xffff  }
0x246: {  	v23 =	vadd.s32 v1, v22;
	v25 =	vld.idx.msk [tilespmem:v60+s16+$0x0], $0xffff  }
0x247: {  	v22 =	vadd.s32 v4, v22;
	v26 =	vld.idx.msk [tilespmem:v61+s16+$0x0], $0xffff  }
0x248: {  	v27 =	vld.idx.msk [tilespmem:v62+s16+$0x0], $0xffff  }
0x249: {  	v28 =	vld.idx.msk [tilespmem:v63+s16+$0x0], $0xffff  }
0x24a: {  	v21 =	vld.idx.msk [tilespmem:v21+s16+$0x0], $0xffff  }
0x24b: {  	v23 =	vld.idx.msk [tilespmem:v23+s16+$0x0], $0xffff  }
0x24c: {  	v22 =	vld.idx.msk [tilespmem:v22+s16+$0x0], $0xffff  }
0x24d: {  	[tilespmem:s0+$0xC590] =	vst.add.f32.msk $0xffff, v24  }
0x24e: {  	[tilespmem:s0+$0xC5A0] =	vst.add.f32.msk $0xffff, v25  }
0x24f: {  	p0 =	slt.u32 s30, $0x6;
	[tilespmem:s0+$0xC5C0] =	vst.add.f32.msk $0xffff, v26  }
.Ltmp6:
0x250: {  	[tilespmem:s0+$0xC5D0] =	vst.add.f32.msk $0xffff, v27;
	(pc) =	sbr.rel @p0 .LBB2_8-.Ltmp6, $4  }
0x251: {  	[tilespmem:s0+$0xC5E0] =	vst.add.f32.msk $0xffff, v28  }
0x252: {  	[tilespmem:s0+$0xC5F0] =	vst.add.f32.msk $0xffff, v21  }
0x253: {  	s31 =	sadd.s32 $0x2, s30;
	[tilespmem:s0+$0xC580] =	vst.add.f32.msk $0xffff, v23  }
0x254: {  	s30 =	smov.u32 s31;
	[tilespmem:s0+$0xC5B0] =	vst.add.f32.msk $0xffff, v22  }
.Ltmp7:
0x255: {  	_ = 	snop;
	(pc) =	sbr.rel .LBB2_9-.Ltmp7, $1  }
0x256: {  	_ =	sdelay $0x3  }
.LBB2_10:
0x257: {  	s0 =	simm.s32 @!p1 $0x5  }
0x258: {  	_ =	swait.ge @!p1 [sflag:s0], $0x4000  }
0x259: {  	s2 =	sadd.s32 @!p0 s2, s10;
	[sflag:s0] =	ssyncset.done @!p1 $0x0  }
0x25a: {  	[sflag:s0] =	ssyncadd.s32 @!p1 $0xFFFFC000;
	s0 =	sshrl.u32 @!p0 s2, $0x3  }
0x25b: {  	s29 =	simm.s32 @!p0 $0xBE00;
	s2 =	simm.s32 @!p0 $0x0;
	s0 =	sadd.s32 @!p0 s1, s0  }
0x25c: {  	[tilespmem:s29], [sflag:$0x2] =	stream.linear.gather @!p0 [hbm4b:s0+s2], $0x4000, $0x38;
	[tilespmem:$0x13E00] =	vst v63  }
0x25d: {  	s29 =	sshll.u32 s28, $0x7  }
0x25e: {  	v20 =	vmov s29  }
0x25f: {  	_ =	swait.ge [sflag:s18], $0x4000  }
0x260: {  	[sflag:s18] =	ssyncset.done $0x0  }
0x261: {  	s30 =	simm.s32 $0x0;
	[sflag:s18] =	ssyncadd.s32 $0xFFFFC000  }
.LBB2_11:
0x262: {  	s0 =	sshll.u32 s30, $0x4  }
0x263: {  	v24 =	vld.idx.msk [tilespmem:v20+s0+$0x0 ss:$0x1], $0xffff;
	_ =	sdelay $0x3  }
0x264: {  	v23 =	vld.idx.msk [tilespmem:v20+s0+$0x1900 ss:$0x1], $0xffff  }
0x265: {  	v21 =	vperm.xlane v24, v0;
	_ =	sdelay $0x1  }
0x266: {  	v22 =	vadd.s32 v1, v21  }
0x267: {  	v25 =	vadd.s32 v2, v21  }
0x268: {  	v26 =	vperm.xlane v23, v0;
	v27 =	vadd.s32 v3, v21  }
0x269: {  	v21 =	vadd.s32 v4, v21  }
0x26a: {  	v28 =	vadd.s32 v1, v26  }
0x26b: {  	v29 =	vadd.s32 v2, v26;
	v22 =	vld.idx.msk [tilespmem:v22+s16+$0x0], $0xffff  }
0x26c: {  	v30 =	vadd.s32 v3, v26;
	v25 =	vld.idx.msk [tilespmem:v25+s16+$0x0], $0xffff  }
0x26d: {  	v26 =	vadd.s32 v4, v26;
	v27 =	vld.idx.msk [tilespmem:v27+s16+$0x0], $0xffff  }
0x26e: {  	v21 =	vld.idx.msk [tilespmem:v21+s16+$0x0], $0xffff  }
0x26f: {  	v28 =	vld.idx.msk [tilespmem:v28+s16+$0x0], $0xffff  }
0x270: {  	v29 =	vld.idx.msk [tilespmem:v29+s16+$0x0], $0xffff  }
0x271: {  	s2 =	sshll.u32 s30, $0xB;
	v30 =	vld.idx.msk [tilespmem:v30+s16+$0x0], $0xffff  }
0x272: {  	s2 =	sand.u32 $0x3FFFF800, s2;
	v26 =	vld.idx.msk [tilespmem:v26+s16+$0x0], $0xffff  }
0x273: {  	[tilespmem:s2+$0x7E00] =	vst.add.f32.msk $0xffff, v22  }
0x274: {  	[tilespmem:s2+$0x7E10] =	vst.add.f32.msk $0xffff, v25  }
0x275: {  	[tilespmem:s2+$0x7E20] =	vst.add.f32.msk $0xffff, v27  }
0x276: {  	v46 =	vperm.xlane v24, v5;
	[tilespmem:s2+$0x7E30] =	vst.add.f32.msk $0xffff, v21  }
0x277: {  	[tilespmem:s2+$0x7E40] =	vst.add.f32.msk $0xffff, v28  }
0x278: {  	s31 =	sor.u32 $0x1, s30;
	v47 =	vadd.s32 v1, v46;
	[tilespmem:s2+$0x7E50] =	vst.add.f32.msk $0xffff, v29  }
0x279: {  	s0 =	sshll.u32 s31, $0x4;
	v49 =	vperm.xlane v23, v5;
	v48 =	vadd.s32 v2, v46;
	[tilespmem:s2+$0x7E60] =	vst.add.f32.msk $0xffff, v30  }
0x27a: {  	v50 =	vadd.s32 v3, v46;
	v22 =	vld.idx.msk [tilespmem:v20+s0+$0x0 ss:$0x1], $0xffff  }
0x27b: {  	v51 =	vadd.s32 v1, v49;
	v21 =	vld.idx.msk [tilespmem:v20+s0+$0x1900 ss:$0x1], $0xffff  }
0x27c: {  	v31 =	vadd.s32 v2, v49;
	[tilespmem:s2+$0x7E70] =	vst.add.f32.msk $0xffff, v26  }
0x27d: {  	v32 =	vadd.s32 v3, v49;
	v27 =	vld.idx.msk [tilespmem:v47+s16+$0x0], $0xffff  }
0x27e: {  	v25 =	vadd.s32 v4, v46;
	v28 =	vld.idx.msk [tilespmem:v48+s16+$0x0], $0xffff  }
0x27f: {  	v29 =	vadd.s32 v4, v49;
	v30 =	vld.idx.msk [tilespmem:v50+s16+$0x0], $0xffff  }
0x280: {  	v26 =	vld.idx.msk [tilespmem:v51+s16+$0x0], $0xffff  }
0x281: {  	v31 =	vld.idx.msk [tilespmem:v31+s16+$0x0], $0xffff  }
0x282: {  	v32 =	vld.idx.msk [tilespmem:v32+s16+$0x0], $0xffff  }
0x283: {  	v25 =	vld.idx.msk [tilespmem:v25+s16+$0x0], $0xffff  }
0x284: {  	v29 =	vld.idx.msk [tilespmem:v29+s16+$0x0], $0xffff  }
0x285: {  	[tilespmem:s2+$0x7E80] =	vst.add.f32.msk $0xffff, v27  }
0x286: {  	v52 =	vperm.xlane v24, v6;
	[tilespmem:s2+$0x7E90] =	vst.add.f32.msk $0xffff, v28  }
0x287: {  	[tilespmem:s2+$0x7EA0] =	vst.add.f32.msk $0xffff, v30  }
0x288: {  	v53 =	vadd.s32 v1, v52;
	[tilespmem:s2+$0x7EC0] =	vst.add.f32.msk $0xffff, v26  }
0x289: {  	v55 =	vperm.xlane v23, v6;
	v54 =	vadd.s32 v2, v52;
	[tilespmem:s2+$0x7ED0] =	vst.add.f32.msk $0xffff, v31  }
0x28a: {  	v56 =	vadd.s32 v3, v52;
	[tilespmem:s2+$0x7EE0] =	vst.add.f32.msk $0xffff, v32  }
0x28b: {  	v57 =	vadd.s32 v1, v55;
	[tilespmem:s2+$0x7EB0] =	vst.add.f32.msk $0xffff, v25  }
0x28c: {  	v58 =	vadd.s32 v2, v55;
	[tilespmem:s2+$0x7EF0] =	vst.add.f32.msk $0xffff, v29  }
0x28d: {  	v59 =	vadd.s32 v3, v55;
	v25 =	vld.idx.msk [tilespmem:v53+s16+$0x0], $0xffff  }
0x28e: {  	v27 =	vadd.s32 v4, v52;
	v26 =	vld.idx.msk [tilespmem:v54+s16+$0x0], $0xffff  }
0x28f: {  	v28 =	vadd.s32 v4, v55;
	v30 =	vld.idx.msk [tilespmem:v56+s16+$0x0], $0xffff  }
0x290: {  	v29 =	vld.idx.msk [tilespmem:v57+s16+$0x0], $0xffff  }
0x291: {  	v31 =	vld.idx.msk [tilespmem:v58+s16+$0x0], $0xffff  }
0x292: {  	v32 =	vld.idx.msk [tilespmem:v59+s16+$0x0], $0xffff  }
0x293: {  	v27 =	vld.idx.msk [tilespmem:v27+s16+$0x0], $0xffff  }
0x294: {  	v28 =	vld.idx.msk [tilespmem:v28+s16+$0x0], $0xffff  }
0x295: {  	[tilespmem:s2+$0x7F00] =	vst.add.f32.msk $0xffff, v25  }
0x296: {  	v60 =	vperm.xlane v24, v7;
	[tilespmem:s2+$0x7F10] =	vst.add.f32.msk $0xffff, v26  }
0x297: {  	[tilespmem:s2+$0x7F20] =	vst.add.f32.msk $0xffff, v30  }
0x298: {  	v61 =	vadd.s32 v1, v60;
	[tilespmem:s2+$0x7F40] =	vst.add.f32.msk $0xffff, v29  }
0x299: {  	v63 =	vperm.xlane v23, v7;
	v62 =	vadd.s32 v2, v60;
	[tilespmem:s2+$0x7F50] =	vst.add.f32.msk $0xffff, v31  }
0x29a: {  	v36 =	vadd.s32 v3, v60;
	[tilespmem:s2+$0x7F60] =	vst.add.f32.msk $0xffff, v32  }
0x29b: {  	v37 =	vadd.s32 v1, v63;
	[tilespmem:s2+$0x7F30] =	vst.add.f32.msk $0xffff, v27  }
0x29c: {  	v38 =	vadd.s32 v2, v63;
	[tilespmem:s2+$0x7F70] =	vst.add.f32.msk $0xffff, v28  }
0x29d: {  	v39 =	vadd.s32 v3, v63;
	v26 =	vld.idx.msk [tilespmem:v61+s16+$0x0], $0xffff  }
0x29e: {  	v25 =	vadd.s32 v4, v60;
	v27 =	vld.idx.msk [tilespmem:v62+s16+$0x0], $0xffff  }
0x29f: {  	v29 =	vadd.s32 v4, v63;
	v30 =	vld.idx.msk [tilespmem:v36+s16+$0x0], $0xffff  }
0x2a0: {  	v28 =	vld.idx.msk [tilespmem:v37+s16+$0x0], $0xffff  }
0x2a1: {  	v31 =	vld.idx.msk [tilespmem:v38+s16+$0x0], $0xffff  }
0x2a2: {  	v32 =	vld.idx.msk [tilespmem:v39+s16+$0x0], $0xffff  }
0x2a3: {  	v25 =	vld.idx.msk [tilespmem:v25+s16+$0x0], $0xffff  }
0x2a4: {  	v29 =	vld.idx.msk [tilespmem:v29+s16+$0x0], $0xffff  }
0x2a5: {  	[tilespmem:s2+$0x7F80] =	vst.add.f32.msk $0xffff, v26  }
0x2a6: {  	v40 =	vperm.xlane v24, v8;
	[tilespmem:s2+$0x7F90] =	vst.add.f32.msk $0xffff, v27  }
0x2a7: {  	[tilespmem:s2+$0x7FA0] =	vst.add.f32.msk $0xffff, v30  }
0x2a8: {  	v41 =	vadd.s32 v1, v40;
	[tilespmem:s2+$0x7FC0] =	vst.add.f32.msk $0xffff, v28  }
0x2a9: {  	v43 =	vperm.xlane v23, v8;
	v42 =	vadd.s32 v2, v40;
	[tilespmem:s2+$0x7FD0] =	vst.add.f32.msk $0xffff, v31  }
0x2aa: {  	v44 =	vadd.s32 v3, v40;
	[tilespmem:s2+$0x7FE0] =	vst.add.f32.msk $0xffff, v32  }
0x2ab: {  	v45 =	vadd.s32 v1, v43;
	[tilespmem:s2+$0x7FB0] =	vst.add.f32.msk $0xffff, v25  }
0x2ac: {  	v46 =	vadd.s32 v2, v43;
	[tilespmem:s2+$0x7FF0] =	vst.add.f32.msk $0xffff, v29  }
0x2ad: {  	v47 =	vadd.s32 v3, v43;
	v25 =	vld.idx.msk [tilespmem:v41+s16+$0x0], $0xffff  }
0x2ae: {  	v26 =	vadd.s32 v4, v40;
	v27 =	vld.idx.msk [tilespmem:v42+s16+$0x0], $0xffff  }
0x2af: {  	v28 =	vadd.s32 v4, v43;
	v30 =	vld.idx.msk [tilespmem:v44+s16+$0x0], $0xffff  }
0x2b0: {  	v29 =	vld.idx.msk [tilespmem:v45+s16+$0x0], $0xffff  }
0x2b1: {  	v31 =	vld.idx.msk [tilespmem:v46+s16+$0x0], $0xffff  }
0x2b2: {  	v32 =	vld.idx.msk [tilespmem:v47+s16+$0x0], $0xffff  }
0x2b3: {  	v26 =	vld.idx.msk [tilespmem:v26+s16+$0x0], $0xffff  }
0x2b4: {  	v28 =	vld.idx.msk [tilespmem:v28+s16+$0x0], $0xffff  }
0x2b5: {  	[tilespmem:s2+$0x8000] =	vst.add.f32.msk $0xffff, v25  }
0x2b6: {  	v48 =	vperm.xlane v24, v9;
	[tilespmem:s2+$0x8010] =	vst.add.f32.msk $0xffff, v27  }
0x2b7: {  	[tilespmem:s2+$0x8020] =	vst.add.f32.msk $0xffff, v30  }
0x2b8: {  	v49 =	vadd.s32 v1, v48;
	[tilespmem:s2+$0x8040] =	vst.add.f32.msk $0xffff, v29  }
0x2b9: {  	v51 =	vperm.xlane v23, v9;
	v50 =	vadd.s32 v2, v48;
	[tilespmem:s2+$0x8050] =	vst.add.f32.msk $0xffff, v31  }
0x2ba: {  	v52 =	vadd.s32 v3, v48;
	[tilespmem:s2+$0x8060] =	vst.add.f32.msk $0xffff, v32  }
0x2bb: {  	v53 =	vadd.s32 v1, v51;
	[tilespmem:s2+$0x8030] =	vst.add.f32.msk $0xffff, v26  }
0x2bc: {  	v54 =	vadd.s32 v2, v51;
	[tilespmem:s2+$0x8070] =	vst.add.f32.msk $0xffff, v28  }
0x2bd: {  	v55 =	vadd.s32 v3, v51;
	v26 =	vld.idx.msk [tilespmem:v49+s16+$0x0], $0xffff  }
0x2be: {  	v25 =	vadd.s32 v4, v48;
	v27 =	vld.idx.msk [tilespmem:v50+s16+$0x0], $0xffff  }
0x2bf: {  	v29 =	vadd.s32 v4, v51;
	v30 =	vld.idx.msk [tilespmem:v52+s16+$0x0], $0xffff  }
0x2c0: {  	v28 =	vld.idx.msk [tilespmem:v53+s16+$0x0], $0xffff  }
0x2c1: {  	v31 =	vld.idx.msk [tilespmem:v54+s16+$0x0], $0xffff  }
0x2c2: {  	v32 =	vld.idx.msk [tilespmem:v55+s16+$0x0], $0xffff  }
0x2c3: {  	v25 =	vld.idx.msk [tilespmem:v25+s16+$0x0], $0xffff  }
0x2c4: {  	v29 =	vld.idx.msk [tilespmem:v29+s16+$0x0], $0xffff  }
0x2c5: {  	[tilespmem:s2+$0x8080] =	vst.add.f32.msk $0xffff, v26  }
0x2c6: {  	v56 =	vperm.xlane v24, v10;
	[tilespmem:s2+$0x8090] =	vst.add.f32.msk $0xffff, v27  }
0x2c7: {  	[tilespmem:s2+$0x80A0] =	vst.add.f32.msk $0xffff, v30  }
0x2c8: {  	v57 =	vadd.s32 v1, v56;
	[tilespmem:s2+$0x80C0] =	vst.add.f32.msk $0xffff, v28  }
0x2c9: {  	v59 =	vperm.xlane v23, v10;
	v58 =	vadd.s32 v2, v56;
	[tilespmem:s2+$0x80D0] =	vst.add.f32.msk $0xffff, v31  }
0x2ca: {  	v60 =	vadd.s32 v3, v56;
	[tilespmem:s2+$0x80E0] =	vst.add.f32.msk $0xffff, v32  }
0x2cb: {  	v61 =	vadd.s32 v1, v59;
	[tilespmem:s2+$0x80B0] =	vst.add.f32.msk $0xffff, v25  }
0x2cc: {  	v62 =	vadd.s32 v2, v59;
	[tilespmem:s2+$0x80F0] =	vst.add.f32.msk $0xffff, v29  }
0x2cd: {  	v63 =	vadd.s32 v3, v59;
	v25 =	vld.idx.msk [tilespmem:v57+s16+$0x0], $0xffff  }
0x2ce: {  	v26 =	vadd.s32 v4, v56;
	v27 =	vld.idx.msk [tilespmem:v58+s16+$0x0], $0xffff  }
0x2cf: {  	v28 =	vadd.s32 v4, v59;
	v30 =	vld.idx.msk [tilespmem:v60+s16+$0x0], $0xffff  }
0x2d0: {  	v29 =	vld.idx.msk [tilespmem:v61+s16+$0x0], $0xffff  }
0x2d1: {  	v31 =	vld.idx.msk [tilespmem:v62+s16+$0x0], $0xffff  }
0x2d2: {  	v32 =	vld.idx.msk [tilespmem:v63+s16+$0x0], $0xffff  }
0x2d3: {  	v26 =	vld.idx.msk [tilespmem:v26+s16+$0x0], $0xffff  }
0x2d4: {  	v28 =	vld.idx.msk [tilespmem:v28+s16+$0x0], $0xffff  }
0x2d5: {  	[tilespmem:s2+$0x8100] =	vst.add.f32.msk $0xffff, v25  }
0x2d6: {  	v36 =	vperm.xlane v24, v11;
	[tilespmem:s2+$0x8110] =	vst.add.f32.msk $0xffff, v27  }
0x2d7: {  	[tilespmem:s2+$0x8120] =	vst.add.f32.msk $0xffff, v30  }
0x2d8: {  	v37 =	vadd.s32 v1, v36;
	[tilespmem:s2+$0x8140] =	vst.add.f32.msk $0xffff, v29  }
0x2d9: {  	v39 =	vperm.xlane v23, v11;
	v38 =	vadd.s32 v2, v36;
	[tilespmem:s2+$0x8150] =	vst.add.f32.msk $0xffff, v31  }
0x2da: {  	v40 =	vadd.s32 v3, v36;
	[tilespmem:s2+$0x8160] =	vst.add.f32.msk $0xffff, v32  }
0x2db: {  	v41 =	vadd.s32 v1, v39;
	[tilespmem:s2+$0x8130] =	vst.add.f32.msk $0xffff, v26  }
0x2dc: {  	v42 =	vadd.s32 v2, v39;
	[tilespmem:s2+$0x8170] =	vst.add.f32.msk $0xffff, v28  }
0x2dd: {  	v43 =	vadd.s32 v3, v39;
	v26 =	vld.idx.msk [tilespmem:v37+s16+$0x0], $0xffff  }
0x2de: {  	v25 =	vadd.s32 v4, v36;
	v27 =	vld.idx.msk [tilespmem:v38+s16+$0x0], $0xffff  }
0x2df: {  	v29 =	vadd.s32 v4, v39;
	v30 =	vld.idx.msk [tilespmem:v40+s16+$0x0], $0xffff  }
0x2e0: {  	v28 =	vld.idx.msk [tilespmem:v41+s16+$0x0], $0xffff  }
0x2e1: {  	v31 =	vld.idx.msk [tilespmem:v42+s16+$0x0], $0xffff  }
0x2e2: {  	v32 =	vld.idx.msk [tilespmem:v43+s16+$0x0], $0xffff  }
0x2e3: {  	v25 =	vld.idx.msk [tilespmem:v25+s16+$0x0], $0xffff  }
0x2e4: {  	v29 =	vld.idx.msk [tilespmem:v29+s16+$0x0], $0xffff  }
0x2e5: {  	[tilespmem:s2+$0x8180] =	vst.add.f32.msk $0xffff, v26  }
0x2e6: {  	v44 =	vperm.xlane v24, v12;
	[tilespmem:s2+$0x8190] =	vst.add.f32.msk $0xffff, v27  }
0x2e7: {  	[tilespmem:s2+$0x81A0] =	vst.add.f32.msk $0xffff, v30  }
0x2e8: {  	v45 =	vadd.s32 v1, v44;
	[tilespmem:s2+$0x81C0] =	vst.add.f32.msk $0xffff, v28  }
0x2e9: {  	v47 =	vperm.xlane v23, v12;
	v46 =	vadd.s32 v2, v44;
	[tilespmem:s2+$0x81D0] =	vst.add.f32.msk $0xffff, v31  }
0x2ea: {  	v48 =	vadd.s32 v3, v44;
	[tilespmem:s2+$0x81E0] =	vst.add.f32.msk $0xffff, v32  }
0x2eb: {  	v49 =	vadd.s32 v1, v47;
	[tilespmem:s2+$0x81B0] =	vst.add.f32.msk $0xffff, v25  }
0x2ec: {  	v50 =	vadd.s32 v2, v47;
	[tilespmem:s2+$0x81F0] =	vst.add.f32.msk $0xffff, v29  }
0x2ed: {  	v51 =	vadd.s32 v3, v47;
	v25 =	vld.idx.msk [tilespmem:v45+s16+$0x0], $0xffff  }
0x2ee: {  	v26 =	vadd.s32 v4, v44;
	v27 =	vld.idx.msk [tilespmem:v46+s16+$0x0], $0xffff  }
0x2ef: {  	v28 =	vadd.s32 v4, v47;
	v30 =	vld.idx.msk [tilespmem:v48+s16+$0x0], $0xffff  }
0x2f0: {  	v29 =	vld.idx.msk [tilespmem:v49+s16+$0x0], $0xffff  }
0x2f1: {  	v31 =	vld.idx.msk [tilespmem:v50+s16+$0x0], $0xffff  }
0x2f2: {  	v32 =	vld.idx.msk [tilespmem:v51+s16+$0x0], $0xffff  }
0x2f3: {  	v26 =	vld.idx.msk [tilespmem:v26+s16+$0x0], $0xffff  }
0x2f4: {  	v28 =	vld.idx.msk [tilespmem:v28+s16+$0x0], $0xffff  }
0x2f5: {  	[tilespmem:s2+$0x8200] =	vst.add.f32.msk $0xffff, v25  }
0x2f6: {  	v52 =	vperm.xlane v24, v13;
	[tilespmem:s2+$0x8210] =	vst.add.f32.msk $0xffff, v27  }
0x2f7: {  	[tilespmem:s2+$0x8220] =	vst.add.f32.msk $0xffff, v30  }
0x2f8: {  	v53 =	vadd.s32 v1, v52;
	[tilespmem:s2+$0x8240] =	vst.add.f32.msk $0xffff, v29  }
0x2f9: {  	v55 =	vperm.xlane v23, v13;
	v54 =	vadd.s32 v2, v52;
	[tilespmem:s2+$0x8250] =	vst.add.f32.msk $0xffff, v31  }
0x2fa: {  	v56 =	vadd.s32 v3, v52;
	[tilespmem:s2+$0x8260] =	vst.add.f32.msk $0xffff, v32  }
0x2fb: {  	v57 =	vadd.s32 v1, v55;
	[tilespmem:s2+$0x8230] =	vst.add.f32.msk $0xffff, v26  }
0x2fc: {  	v58 =	vadd.s32 v2, v55;
	[tilespmem:s2+$0x8270] =	vst.add.f32.msk $0xffff, v28  }
0x2fd: {  	v59 =	vadd.s32 v3, v55;
	v26 =	vld.idx.msk [tilespmem:v53+s16+$0x0], $0xffff  }
0x2fe: {  	v25 =	vadd.s32 v4, v52;
	v27 =	vld.idx.msk [tilespmem:v54+s16+$0x0], $0xffff  }
0x2ff: {  	v29 =	vadd.s32 v4, v55;
	v30 =	vld.idx.msk [tilespmem:v56+s16+$0x0], $0xffff  }
0x300: {  	v28 =	vld.idx.msk [tilespmem:v57+s16+$0x0], $0xffff  }
0x301: {  	v31 =	vld.idx.msk [tilespmem:v58+s16+$0x0], $0xffff  }
0x302: {  	v32 =	vld.idx.msk [tilespmem:v59+s16+$0x0], $0xffff  }
0x303: {  	v25 =	vld.idx.msk [tilespmem:v25+s16+$0x0], $0xffff  }
0x304: {  	v29 =	vld.idx.msk [tilespmem:v29+s16+$0x0], $0xffff  }
0x305: {  	[tilespmem:s2+$0x8280] =	vst.add.f32.msk $0xffff, v26  }
0x306: {  	v60 =	vperm.xlane v24, v14;
	[tilespmem:s2+$0x8290] =	vst.add.f32.msk $0xffff, v27  }
0x307: {  	[tilespmem:s2+$0x82A0] =	vst.add.f32.msk $0xffff, v30  }
0x308: {  	v61 =	vadd.s32 v1, v60;
	[tilespmem:s2+$0x82C0] =	vst.add.f32.msk $0xffff, v28  }
0x309: {  	v63 =	vperm.xlane v23, v14;
	v62 =	vadd.s32 v2, v60;
	[tilespmem:s2+$0x82D0] =	vst.add.f32.msk $0xffff, v31  }
0x30a: {  	v36 =	vadd.s32 v3, v60;
	[tilespmem:s2+$0x82E0] =	vst.add.f32.msk $0xffff, v32  }
0x30b: {  	v37 =	vadd.s32 v1, v63;
	[tilespmem:s2+$0x82B0] =	vst.add.f32.msk $0xffff, v25  }
0x30c: {  	v38 =	vadd.s32 v2, v63;
	[tilespmem:s2+$0x82F0] =	vst.add.f32.msk $0xffff, v29  }
0x30d: {  	v39 =	vadd.s32 v3, v63;
	v25 =	vld.idx.msk [tilespmem:v61+s16+$0x0], $0xffff  }
0x30e: {  	v26 =	vadd.s32 v4, v60;
	v27 =	vld.idx.msk [tilespmem:v62+s16+$0x0], $0xffff  }
0x30f: {  	v28 =	vadd.s32 v4, v63;
	v30 =	vld.idx.msk [tilespmem:v36+s16+$0x0], $0xffff  }
0x310: {  	v29 =	vld.idx.msk [tilespmem:v37+s16+$0x0], $0xffff  }
0x311: {  	v31 =	vld.idx.msk [tilespmem:v38+s16+$0x0], $0xffff  }
0x312: {  	v32 =	vld.idx.msk [tilespmem:v39+s16+$0x0], $0xffff  }
0x313: {  	v26 =	vld.idx.msk [tilespmem:v26+s16+$0x0], $0xffff  }
0x314: {  	v28 =	vld.idx.msk [tilespmem:v28+s16+$0x0], $0xffff  }
0x315: {  	[tilespmem:s2+$0x8300] =	vst.add.f32.msk $0xffff, v25  }
0x316: {  	v40 =	vperm.xlane v24, v15;
	[tilespmem:s2+$0x8310] =	vst.add.f32.msk $0xffff, v27  }
0x317: {  	[tilespmem:s2+$0x8320] =	vst.add.f32.msk $0xffff, v30  }
0x318: {  	v41 =	vadd.s32 v1, v40;
	[tilespmem:s2+$0x8340] =	vst.add.f32.msk $0xffff, v29  }
0x319: {  	v43 =	vperm.xlane v23, v15;
	v42 =	vadd.s32 v2, v40;
	[tilespmem:s2+$0x8350] =	vst.add.f32.msk $0xffff, v31  }
0x31a: {  	v44 =	vadd.s32 v3, v40;
	[tilespmem:s2+$0x8360] =	vst.add.f32.msk $0xffff, v32  }
0x31b: {  	v45 =	vadd.s32 v1, v43;
	[tilespmem:s2+$0x8330] =	vst.add.f32.msk $0xffff, v26  }
0x31c: {  	v46 =	vadd.s32 v2, v43;
	[tilespmem:s2+$0x8370] =	vst.add.f32.msk $0xffff, v28  }
0x31d: {  	v47 =	vadd.s32 v3, v43;
	v26 =	vld.idx.msk [tilespmem:v41+s16+$0x0], $0xffff  }
0x31e: {  	v25 =	vadd.s32 v4, v40;
	v27 =	vld.idx.msk [tilespmem:v42+s16+$0x0], $0xffff  }
0x31f: {  	v29 =	vadd.s32 v4, v43;
	v30 =	vld.idx.msk [tilespmem:v44+s16+$0x0], $0xffff  }
0x320: {  	v28 =	vld.idx.msk [tilespmem:v45+s16+$0x0], $0xffff  }
0x321: {  	v31 =	vld.idx.msk [tilespmem:v46+s16+$0x0], $0xffff  }
0x322: {  	v32 =	vld.idx.msk [tilespmem:v47+s16+$0x0], $0xffff  }
0x323: {  	v25 =	vld.idx.msk [tilespmem:v25+s16+$0x0], $0xffff  }
0x324: {  	v29 =	vld.idx.msk [tilespmem:v29+s16+$0x0], $0xffff  }
0x325: {  	[tilespmem:s2+$0x8380] =	vst.add.f32.msk $0xffff, v26  }
0x326: {  	v48 =	vperm.xlane v24, v16;
	[tilespmem:s2+$0x8390] =	vst.add.f32.msk $0xffff, v27  }
0x327: {  	[tilespmem:s2+$0x83A0] =	vst.add.f32.msk $0xffff, v30  }
0x328: {  	v49 =	vadd.s32 v1, v48;
	[tilespmem:s2+$0x83C0] =	vst.add.f32.msk $0xffff, v28  }
0x329: {  	v51 =	vperm.xlane v23, v16;
	v50 =	vadd.s32 v2, v48;
	[tilespmem:s2+$0x83D0] =	vst.add.f32.msk $0xffff, v31  }
0x32a: {  	v52 =	vadd.s32 v3, v48;
	[tilespmem:s2+$0x83E0] =	vst.add.f32.msk $0xffff, v32  }
0x32b: {  	v53 =	vadd.s32 v1, v51;
	[tilespmem:s2+$0x83B0] =	vst.add.f32.msk $0xffff, v25  }
0x32c: {  	v54 =	vadd.s32 v2, v51;
	[tilespmem:s2+$0x83F0] =	vst.add.f32.msk $0xffff, v29  }
0x32d: {  	v55 =	vadd.s32 v3, v51;
	v25 =	vld.idx.msk [tilespmem:v49+s16+$0x0], $0xffff  }
0x32e: {  	v26 =	vadd.s32 v4, v48;
	v27 =	vld.idx.msk [tilespmem:v50+s16+$0x0], $0xffff  }
0x32f: {  	v28 =	vadd.s32 v4, v51;
	v30 =	vld.idx.msk [tilespmem:v52+s16+$0x0], $0xffff  }
0x330: {  	v29 =	vld.idx.msk [tilespmem:v53+s16+$0x0], $0xffff  }
0x331: {  	v31 =	vld.idx.msk [tilespmem:v54+s16+$0x0], $0xffff  }
0x332: {  	v32 =	vld.idx.msk [tilespmem:v55+s16+$0x0], $0xffff  }
0x333: {  	v26 =	vld.idx.msk [tilespmem:v26+s16+$0x0], $0xffff  }
0x334: {  	v28 =	vld.idx.msk [tilespmem:v28+s16+$0x0], $0xffff  }
0x335: {  	[tilespmem:s2+$0x8400] =	vst.add.f32.msk $0xffff, v25  }
0x336: {  	v56 =	vperm.xlane v24, v17;
	[tilespmem:s2+$0x8410] =	vst.add.f32.msk $0xffff, v27  }
0x337: {  	[tilespmem:s2+$0x8420] =	vst.add.f32.msk $0xffff, v30  }
0x338: {  	v57 =	vadd.s32 v1, v56;
	[tilespmem:s2+$0x8440] =	vst.add.f32.msk $0xffff, v29  }
0x339: {  	v59 =	vperm.xlane v23, v17;
	v58 =	vadd.s32 v2, v56;
	[tilespmem:s2+$0x8450] =	vst.add.f32.msk $0xffff, v31  }
0x33a: {  	v60 =	vadd.s32 v3, v56;
	[tilespmem:s2+$0x8460] =	vst.add.f32.msk $0xffff, v32  }
0x33b: {  	v61 =	vadd.s32 v1, v59;
	[tilespmem:s2+$0x8430] =	vst.add.f32.msk $0xffff, v26  }
0x33c: {  	v62 =	vadd.s32 v2, v59;
	[tilespmem:s2+$0x8470] =	vst.add.f32.msk $0xffff, v28  }
0x33d: {  	v63 =	vadd.s32 v3, v59;
	v26 =	vld.idx.msk [tilespmem:v57+s16+$0x0], $0xffff  }
0x33e: {  	v25 =	vadd.s32 v4, v56;
	v27 =	vld.idx.msk [tilespmem:v58+s16+$0x0], $0xffff  }
0x33f: {  	v29 =	vadd.s32 v4, v59;
	v30 =	vld.idx.msk [tilespmem:v60+s16+$0x0], $0xffff  }
0x340: {  	v28 =	vld.idx.msk [tilespmem:v61+s16+$0x0], $0xffff  }
0x341: {  	v31 =	vld.idx.msk [tilespmem:v62+s16+$0x0], $0xffff  }
0x342: {  	v32 =	vld.idx.msk [tilespmem:v63+s16+$0x0], $0xffff  }
0x343: {  	v25 =	vld.idx.msk [tilespmem:v25+s16+$0x0], $0xffff  }
0x344: {  	v29 =	vld.idx.msk [tilespmem:v29+s16+$0x0], $0xffff  }
0x345: {  	[tilespmem:s2+$0x8480] =	vst.add.f32.msk $0xffff, v26  }
0x346: {  	v35 =	vperm.xlane v24, v18;
	[tilespmem:s2+$0x8490] =	vst.add.f32.msk $0xffff, v27  }
0x347: {  	[tilespmem:s2+$0x84A0] =	vst.add.f32.msk $0xffff, v30  }
0x348: {  	v36 =	vadd.s32 v1, v35;
	[tilespmem:s2+$0x84C0] =	vst.add.f32.msk $0xffff, v28  }
0x349: {  	v37 =	vadd.s32 v2, v35;
	v38 =	vperm.xlane v23, v18;
	[tilespmem:s2+$0x84D0] =	vst.add.f32.msk $0xffff, v31  }
0x34a: {  	v39 =	vadd.s32 v3, v35;
	[tilespmem:s2+$0x84E0] =	vst.add.f32.msk $0xffff, v32  }
0x34b: {  	v40 =	vadd.s32 v1, v38;
	[tilespmem:s2+$0x84B0] =	vst.add.f32.msk $0xffff, v25  }
0x34c: {  	v41 =	vadd.s32 v2, v38;
	[tilespmem:s2+$0x84F0] =	vst.add.f32.msk $0xffff, v29  }
0x34d: {  	v42 =	vadd.s32 v3, v38;
	v25 =	vld.idx.msk [tilespmem:v36+s16+$0x0], $0xffff  }
0x34e: {  	v26 =	vadd.s32 v4, v35;
	v27 =	vld.idx.msk [tilespmem:v37+s16+$0x0], $0xffff  }
0x34f: {  	v28 =	vadd.s32 v4, v38;
	v30 =	vld.idx.msk [tilespmem:v39+s16+$0x0], $0xffff  }
0x350: {  	v29 =	vld.idx.msk [tilespmem:v40+s16+$0x0], $0xffff  }
0x351: {  	v31 =	vld.idx.msk [tilespmem:v41+s16+$0x0], $0xffff  }
0x352: {  	v32 =	vld.idx.msk [tilespmem:v42+s16+$0x0], $0xffff  }
0x353: {  	v26 =	vld.idx.msk [tilespmem:v26+s16+$0x0], $0xffff  }
0x354: {  	v28 =	vld.idx.msk [tilespmem:v28+s16+$0x0], $0xffff  }
0x355: {  	[tilespmem:s2+$0x8500] =	vst.add.f32.msk $0xffff, v25  }
0x356: {  	v24 =	vperm.xlane v24, v19;
	[tilespmem:s2+$0x8510] =	vst.add.f32.msk $0xffff, v27  }
0x357: {  	[tilespmem:s2+$0x8520] =	vst.add.f32.msk $0xffff, v30  }
0x358: {  	v43 =	vadd.s32 v1, v24;
	[tilespmem:s2+$0x8540] =	vst.add.f32.msk $0xffff, v29  }
0x359: {  	v44 =	vadd.s32 v2, v24;
	[tilespmem:s2+$0x8550] =	vst.add.f32.msk $0xffff, v31  }
0x35a: {  	v23 =	vperm.xlane v23, v19;
	v45 =	vadd.s32 v3, v24;
	[tilespmem:s2+$0x8560] =	vst.add.f32.msk $0xffff, v32  }
0x35b: {  	v24 =	vadd.s32 v4, v24;
	[tilespmem:s2+$0x8530] =	vst.add.f32.msk $0xffff, v26  }
0x35c: {  	v46 =	vadd.s32 v1, v23;
	[tilespmem:s2+$0x8570] =	vst.add.f32.msk $0xffff, v28  }
0x35d: {  	v47 =	vadd.s32 v2, v23;
	v25 =	vld.idx.msk [tilespmem:v43+s16+$0x0], $0xffff  }
0x35e: {  	v48 =	vadd.s32 v3, v23;
	v26 =	vld.idx.msk [tilespmem:v44+s16+$0x0], $0xffff  }
0x35f: {  	v23 =	vadd.s32 v4, v23;
	v27 =	vld.idx.msk [tilespmem:v45+s16+$0x0], $0xffff  }
0x360: {  	v24 =	vld.idx.msk [tilespmem:v24+s16+$0x0], $0xffff  }
0x361: {  	v28 =	vld.idx.msk [tilespmem:v46+s16+$0x0], $0xffff  }
0x362: {  	v29 =	vld.idx.msk [tilespmem:v47+s16+$0x0], $0xffff  }
0x363: {  	v30 =	vld.idx.msk [tilespmem:v48+s16+$0x0], $0xffff  }
0x364: {  	v23 =	vld.idx.msk [tilespmem:v23+s16+$0x0], $0xffff  }
0x365: {  	[tilespmem:s2+$0x8580] =	vst.add.f32.msk $0xffff, v25  }
0x366: {  	v49 =	vperm.xlane v22, v0;
	[tilespmem:s2+$0x8590] =	vst.add.f32.msk $0xffff, v26  }
0x367: {  	[tilespmem:s2+$0x85A0] =	vst.add.f32.msk $0xffff, v27  }
0x368: {  	v50 =	vadd.s32 v1, v49;
	[tilespmem:s2+$0x85B0] =	vst.add.f32.msk $0xffff, v24  }
0x369: {  	v52 =	vperm.xlane v21, v0;
	v51 =	vadd.s32 v2, v49;
	[tilespmem:s2+$0x85C0] =	vst.add.f32.msk $0xffff, v28  }
0x36a: {  	v53 =	vadd.s32 v3, v49;
	[tilespmem:s2+$0x85D0] =	vst.add.f32.msk $0xffff, v29  }
0x36b: {  	v54 =	vadd.s32 v2, v52;
	[tilespmem:s2+$0x85E0] =	vst.add.f32.msk $0xffff, v30  }
0x36c: {  	v55 =	vadd.s32 v3, v52;
	[tilespmem:s2+$0x85F0] =	vst.add.f32.msk $0xffff, v23  }
0x36d: {  	v25 =	vadd.s32 v4, v49;
	v24 =	vld.idx.msk [tilespmem:v50+s16+$0x0], $0xffff  }
0x36e: {  	v23 =	vadd.s32 v1, v52;
	v26 =	vld.idx.msk [tilespmem:v51+s16+$0x0], $0xffff  }
0x36f: {  	v28 =	vld.idx.msk [tilespmem:v53+s16+$0x0], $0xffff;
	v27 =	vadd.s32 v4, v52  }
0x370: {  	v29 =	vld.idx.msk [tilespmem:v54+s16+$0x0], $0xffff  }
0x371: {  	v30 =	vld.idx.msk [tilespmem:v55+s16+$0x0], $0xffff  }
0x372: {  	v25 =	vld.idx.msk [tilespmem:v25+s16+$0x0], $0xffff  }
0x373: {  	s31 =	sshll.u32 s31, $0xB;
	v23 =	vld.idx.msk [tilespmem:v23+s16+$0x0], $0xffff  }
0x374: {  	s0 =	sand.u32 $0x3FFFF800, s31;
	v27 =	vld.idx.msk [tilespmem:v27+s16+$0x0], $0xffff  }
0x375: {  	[tilespmem:s0+$0x7E00] =	vst.add.f32.msk $0xffff, v24  }
0x376: {  	v56 =	vperm.xlane v22, v5;
	[tilespmem:s0+$0x7E10] =	vst.add.f32.msk $0xffff, v26  }
0x377: {  	[tilespmem:s0+$0x7E20] =	vst.add.f32.msk $0xffff, v28  }
0x378: {  	v57 =	vadd.s32 v1, v56;
	[tilespmem:s0+$0x7E50] =	vst.add.f32.msk $0xffff, v29  }
0x379: {  	v59 =	vadd.s32 v3, v56;
	v58 =	vperm.xlane v21, v5;
	[tilespmem:s0+$0x7E60] =	vst.add.f32.msk $0xffff, v30  }
0x37a: {  	v24 =	vadd.s32 v4, v56;
	[tilespmem:s0+$0x7E30] =	vst.add.f32.msk $0xffff, v25  }
0x37b: {  	v60 =	vadd.s32 v1, v58;
	[tilespmem:s0+$0x7E40] =	vst.add.f32.msk $0xffff, v23  }
0x37c: {  	v61 =	vadd.s32 v2, v58;
	[tilespmem:s0+$0x7E70] =	vst.add.f32.msk $0xffff, v27  }
0x37d: {  	v62 =	vadd.s32 v3, v58;
	v25 =	vld.idx.msk [tilespmem:v57+s16+$0x0], $0xffff  }
0x37e: {  	v26 =	vadd.s32 v4, v58;
	v28 =	vld.idx.msk [tilespmem:v59+s16+$0x0], $0xffff  }
0x37f: {  	v23 =	vadd.s32 v2, v56;
	v24 =	vld.idx.msk [tilespmem:v24+s16+$0x0], $0xffff  }
0x380: {  	v27 =	vld.idx.msk [tilespmem:v60+s16+$0x0], $0xffff  }
0x381: {  	v29 =	vld.idx.msk [tilespmem:v61+s16+$0x0], $0xffff  }
0x382: {  	v30 =	vld.idx.msk [tilespmem:v62+s16+$0x0], $0xffff  }
0x383: {  	v26 =	vld.idx.msk [tilespmem:v26+s16+$0x0], $0xffff  }
0x384: {  	v23 =	vld.idx.msk [tilespmem:v23+s16+$0x0], $0xffff  }
0x385: {  	[tilespmem:s0+$0x7E80] =	vst.add.f32.msk $0xffff, v25  }
0x386: {  	v33 =	vperm.xlane v21, v6;
	[tilespmem:s0+$0x7EA0] =	vst.add.f32.msk $0xffff, v28  }
0x387: {  	[tilespmem:s0+$0x7EB0] =	vst.add.f32.msk $0xffff, v24  }
0x388: {  	v35 =	vadd.s32 v1, v33;
	[tilespmem:s0+$0x7EC0] =	vst.add.f32.msk $0xffff, v27  }
0x389: {  	v36 =	vadd.s32 v2, v33;
	[tilespmem:s0+$0x7ED0] =	vst.add.f32.msk $0xffff, v29  }
0x38a: {  	v37 =	vadd.s32 v3, v33;
	[tilespmem:s0+$0x7E90] =	vst.add.f32.msk $0xffff, v23;
	v23 =	vperm.xlane v22, v6  }
0x38b: {  	[tilespmem:s0+$0x7EE0] =	vst.add.f32.msk $0xffff, v30;
	v27 =	vadd.s32 v4, v33  }
0x38c: {  	[tilespmem:s0+$0x7EF0] =	vst.add.f32.msk $0xffff, v26;
	v63 =	vadd.s32 v1, v23  }
0x38d: {  	v26 =	vld.idx.msk [tilespmem:v35+s16+$0x0], $0xffff;
	v32 =	vadd.s32 v2, v23  }
0x38e: {  	v29 =	vld.idx.msk [tilespmem:v36+s16+$0x0], $0xffff;
	v34 =	vadd.s32 v3, v23  }
0x38f: {  	v30 =	vld.idx.msk [tilespmem:v37+s16+$0x0], $0xffff;
	v23 =	vadd.s32 v4, v23  }
0x390: {  	v27 =	vld.idx.msk [tilespmem:v27+s16+$0x0], $0xffff  }
0x391: {  	v24 =	vld.idx.msk [tilespmem:v63+s16+$0x0], $0xffff  }
0x392: {  	v25 =	vld.idx.msk [tilespmem:v32+s16+$0x0], $0xffff  }
0x393: {  	v28 =	vld.idx.msk [tilespmem:v34+s16+$0x0], $0xffff  }
0x394: {  	v23 =	vld.idx.msk [tilespmem:v23+s16+$0x0], $0xffff  }
0x395: {  	[tilespmem:s0+$0x7F40] =	vst.add.f32.msk $0xffff, v26  }
0x396: {  	v38 =	vperm.xlane v22, v7;
	[tilespmem:s0+$0x7F50] =	vst.add.f32.msk $0xffff, v29  }
0x397: {  	[tilespmem:s0+$0x7F60] =	vst.add.f32.msk $0xffff, v30  }
0x398: {  	v39 =	vadd.s32 v2, v38;
	v40 =	vperm.xlane v21, v7;
	[tilespmem:s0+$0x7F70] =	vst.add.f32.msk $0xffff, v27  }
0x399: {  	v41 =	vadd.s32 v3, v38;
	[tilespmem:s0+$0x7F00] =	vst.add.f32.msk $0xffff, v24  }
0x39a: {  	v42 =	vadd.s32 v1, v40;
	[tilespmem:s0+$0x7F10] =	vst.add.f32.msk $0xffff, v25  }
0x39b: {  	v43 =	vadd.s32 v2, v40;
	[tilespmem:s0+$0x7F20] =	vst.add.f32.msk $0xffff, v28  }
0x39c: {  	v44 =	vadd.s32 v3, v40;
	[tilespmem:s0+$0x7F30] =	vst.add.f32.msk $0xffff, v23  }
0x39d: {  	v26 =	vadd.s32 v4, v40;
	v25 =	vld.idx.msk [tilespmem:v39+s16+$0x0], $0xffff  }
0x39e: {  	v23 =	vadd.s32 v1, v38;
	v28 =	vld.idx.msk [tilespmem:v41+s16+$0x0], $0xffff  }
0x39f: {  	v24 =	vadd.s32 v4, v38;
	v27 =	vld.idx.msk [tilespmem:v42+s16+$0x0], $0xffff  }
0x3a0: {  	v29 =	vld.idx.msk [tilespmem:v43+s16+$0x0], $0xffff  }
0x3a1: {  	v30 =	vld.idx.msk [tilespmem:v44+s16+$0x0], $0xffff  }
0x3a2: {  	v26 =	vld.idx.msk [tilespmem:v26+s16+$0x0], $0xffff  }
0x3a3: {  	v23 =	vld.idx.msk [tilespmem:v23+s16+$0x0], $0xffff  }
0x3a4: {  	v24 =	vld.idx.msk [tilespmem:v24+s16+$0x0], $0xffff  }
0x3a5: {  	[tilespmem:s0+$0x7F90] =	vst.add.f32.msk $0xffff, v25  }
0x3a6: {  	v47 =	vperm.xlane v21, v8;
	[tilespmem:s0+$0x7FA0] =	vst.add.f32.msk $0xffff, v28  }
0x3a7: {  	[tilespmem:s0+$0x7FC0] =	vst.add.f32.msk $0xffff, v27  }
0x3a8: {  	v49 =	vadd.s32 v1, v47;
	[tilespmem:s0+$0x7FD0] =	vst.add.f32.msk $0xffff, v29  }
0x3a9: {  	v50 =	vadd.s32 v2, v47;
	[tilespmem:s0+$0x7FE0] =	vst.add.f32.msk $0xffff, v30  }
0x3aa: {  	v51 =	vadd.s32 v3, v47;
	[tilespmem:s0+$0x7F80] =	vst.add.f32.msk $0xffff, v23;
	v23 =	vperm.xlane v22, v8  }
0x3ab: {  	[tilespmem:s0+$0x7FF0] =	vst.add.f32.msk $0xffff, v26;
	v27 =	vadd.s32 v4, v47  }
0x3ac: {  	[tilespmem:s0+$0x7FB0] =	vst.add.f32.msk $0xffff, v24;
	v45 =	vadd.s32 v1, v23  }
0x3ad: {  	v26 =	vld.idx.msk [tilespmem:v49+s16+$0x0], $0xffff;
	v46 =	vadd.s32 v2, v23  }
0x3ae: {  	v29 =	vld.idx.msk [tilespmem:v50+s16+$0x0], $0xffff;
	v48 =	vadd.s32 v3, v23  }
0x3af: {  	v30 =	vld.idx.msk [tilespmem:v51+s16+$0x0], $0xffff;
	v23 =	vadd.s32 v4, v23  }
0x3b0: {  	v27 =	vld.idx.msk [tilespmem:v27+s16+$0x0], $0xffff  }
0x3b1: {  	v24 =	vld.idx.msk [tilespmem:v45+s16+$0x0], $0xffff  }
0x3b2: {  	v25 =	vld.idx.msk [tilespmem:v46+s16+$0x0], $0xffff  }
0x3b3: {  	v28 =	vld.idx.msk [tilespmem:v48+s16+$0x0], $0xffff  }
0x3b4: {  	v23 =	vld.idx.msk [tilespmem:v23+s16+$0x0], $0xffff  }
0x3b5: {  	[tilespmem:s0+$0x8040] =	vst.add.f32.msk $0xffff, v26  }
0x3b6: {  	v52 =	vperm.xlane v22, v9;
	[tilespmem:s0+$0x8050] =	vst.add.f32.msk $0xffff, v29  }
0x3b7: {  	[tilespmem:s0+$0x8060] =	vst.add.f32.msk $0xffff, v30  }
0x3b8: {  	v54 =	vperm.xlane v21, v9;
	v53 =	vadd.s32 v2, v52;
	[tilespmem:s0+$0x8070] =	vst.add.f32.msk $0xffff, v27  }
0x3b9: {  	v55 =	vadd.s32 v3, v52;
	[tilespmem:s0+$0x8000] =	vst.add.f32.msk $0xffff, v24  }
0x3ba: {  	v56 =	vadd.s32 v1, v54;
	[tilespmem:s0+$0x8010] =	vst.add.f32.msk $0xffff, v25  }
0x3bb: {  	v57 =	vadd.s32 v2, v54;
	[tilespmem:s0+$0x8020] =	vst.add.f32.msk $0xffff, v28  }
0x3bc: {  	v58 =	vadd.s32 v3, v54;
	[tilespmem:s0+$0x8030] =	vst.add.f32.msk $0xffff, v23  }
0x3bd: {  	v26 =	vadd.s32 v4, v54;
	v25 =	vld.idx.msk [tilespmem:v53+s16+$0x0], $0xffff  }
0x3be: {  	v23 =	vadd.s32 v1, v52;
	v28 =	vld.idx.msk [tilespmem:v55+s16+$0x0], $0xffff  }
0x3bf: {  	v24 =	vadd.s32 v4, v52;
	v27 =	vld.idx.msk [tilespmem:v56+s16+$0x0], $0xffff  }
0x3c0: {  	v29 =	vld.idx.msk [tilespmem:v57+s16+$0x0], $0xffff  }
0x3c1: {  	v30 =	vld.idx.msk [tilespmem:v58+s16+$0x0], $0xffff  }
0x3c2: {  	v26 =	vld.idx.msk [tilespmem:v26+s16+$0x0], $0xffff  }
0x3c3: {  	v23 =	vld.idx.msk [tilespmem:v23+s16+$0x0], $0xffff  }
0x3c4: {  	v24 =	vld.idx.msk [tilespmem:v24+s16+$0x0], $0xffff  }
0x3c5: {  	[tilespmem:s0+$0x8090] =	vst.add.f32.msk $0xffff, v25  }
0x3c6: {  	v61 =	vperm.xlane v21, v10;
	[tilespmem:s0+$0x80A0] =	vst.add.f32.msk $0xffff, v28  }
0x3c7: {  	[tilespmem:s0+$0x80C0] =	vst.add.f32.msk $0xffff, v27  }
0x3c8: {  	v63 =	vadd.s32 v1, v61;
	[tilespmem:s0+$0x80D0] =	vst.add.f32.msk $0xffff, v29  }
0x3c9: {  	v33 =	vadd.s32 v2, v61;
	[tilespmem:s0+$0x80E0] =	vst.add.f32.msk $0xffff, v30  }
0x3ca: {  	v34 =	vadd.s32 v3, v61;
	[tilespmem:s0+$0x8080] =	vst.add.f32.msk $0xffff, v23;
	v23 =	vperm.xlane v22, v10  }
0x3cb: {  	[tilespmem:s0+$0x80F0] =	vst.add.f32.msk $0xffff, v26;
	v27 =	vadd.s32 v4, v61  }
0x3cc: {  	[tilespmem:s0+$0x80B0] =	vst.add.f32.msk $0xffff, v24;
	v59 =	vadd.s32 v1, v23  }
0x3cd: {  	v26 =	vld.idx.msk [tilespmem:v63+s16+$0x0], $0xffff;
	v60 =	vadd.s32 v2, v23  }
0x3ce: {  	v29 =	vld.idx.msk [tilespmem:v33+s16+$0x0], $0xffff;
	v62 =	vadd.s32 v3, v23  }
0x3cf: {  	v30 =	vld.idx.msk [tilespmem:v34+s16+$0x0], $0xffff;
	v23 =	vadd.s32 v4, v23  }
0x3d0: {  	v27 =	vld.idx.msk [tilespmem:v27+s16+$0x0], $0xffff  }
0x3d1: {  	v24 =	vld.idx.msk [tilespmem:v59+s16+$0x0], $0xffff  }
0x3d2: {  	v25 =	vld.idx.msk [tilespmem:v60+s16+$0x0], $0xffff  }
0x3d3: {  	v28 =	vld.idx.msk [tilespmem:v62+s16+$0x0], $0xffff  }
0x3d4: {  	v23 =	vld.idx.msk [tilespmem:v23+s16+$0x0], $0xffff  }
0x3d5: {  	[tilespmem:s0+$0x8140] =	vst.add.f32.msk $0xffff, v26  }
0x3d6: {  	v35 =	vperm.xlane v22, v11;
	[tilespmem:s0+$0x8150] =	vst.add.f32.msk $0xffff, v29  }
0x3d7: {  	[tilespmem:s0+$0x8160] =	vst.add.f32.msk $0xffff, v30  }
0x3d8: {  	v37 =	vperm.xlane v21, v11;
	v36 =	vadd.s32 v2, v35;
	[tilespmem:s0+$0x8170] =	vst.add.f32.msk $0xffff, v27  }
0x3d9: {  	v38 =	vadd.s32 v3, v35;
	[tilespmem:s0+$0x8100] =	vst.add.f32.msk $0xffff, v24  }
0x3da: {  	v39 =	vadd.s32 v1, v37;
	[tilespmem:s0+$0x8110] =	vst.add.f32.msk $0xffff, v25  }
0x3db: {  	v40 =	vadd.s32 v2, v37;
	[tilespmem:s0+$0x8120] =	vst.add.f32.msk $0xffff, v28  }
0x3dc: {  	v41 =	vadd.s32 v3, v37;
	[tilespmem:s0+$0x8130] =	vst.add.f32.msk $0xffff, v23  }
0x3dd: {  	v26 =	vadd.s32 v4, v37;
	v25 =	vld.idx.msk [tilespmem:v36+s16+$0x0], $0xffff  }
0x3de: {  	v23 =	vadd.s32 v1, v35;
	v28 =	vld.idx.msk [tilespmem:v38+s16+$0x0], $0xffff  }
0x3df: {  	v24 =	vadd.s32 v4, v35;
	v27 =	vld.idx.msk [tilespmem:v39+s16+$0x0], $0xffff  }
0x3e0: {  	v29 =	vld.idx.msk [tilespmem:v40+s16+$0x0], $0xffff  }
0x3e1: {  	v30 =	vld.idx.msk [tilespmem:v41+s16+$0x0], $0xffff  }
0x3e2: {  	v26 =	vld.idx.msk [tilespmem:v26+s16+$0x0], $0xffff  }
0x3e3: {  	v23 =	vld.idx.msk [tilespmem:v23+s16+$0x0], $0xffff  }
0x3e4: {  	v24 =	vld.idx.msk [tilespmem:v24+s16+$0x0], $0xffff  }
0x3e5: {  	[tilespmem:s0+$0x8190] =	vst.add.f32.msk $0xffff, v25  }
0x3e6: {  	v44 =	vperm.xlane v21, v12;
	[tilespmem:s0+$0x81A0] =	vst.add.f32.msk $0xffff, v28  }
0x3e7: {  	[tilespmem:s0+$0x81C0] =	vst.add.f32.msk $0xffff, v27  }
0x3e8: {  	v46 =	vadd.s32 v1, v44;
	[tilespmem:s0+$0x81D0] =	vst.add.f32.msk $0xffff, v29  }
0x3e9: {  	v47 =	vadd.s32 v2, v44;
	[tilespmem:s0+$0x81E0] =	vst.add.f32.msk $0xffff, v30  }
0x3ea: {  	v48 =	vadd.s32 v3, v44;
	[tilespmem:s0+$0x8180] =	vst.add.f32.msk $0xffff, v23;
	v23 =	vperm.xlane v22, v12  }
0x3eb: {  	[tilespmem:s0+$0x81F0] =	vst.add.f32.msk $0xffff, v26;
	v27 =	vadd.s32 v4, v44  }
0x3ec: {  	[tilespmem:s0+$0x81B0] =	vst.add.f32.msk $0xffff, v24;
	v42 =	vadd.s32 v1, v23  }
0x3ed: {  	v26 =	vld.idx.msk [tilespmem:v46+s16+$0x0], $0xffff;
	v43 =	vadd.s32 v2, v23  }
0x3ee: {  	v29 =	vld.idx.msk [tilespmem:v47+s16+$0x0], $0xffff;
	v45 =	vadd.s32 v3, v23  }
0x3ef: {  	v30 =	vld.idx.msk [tilespmem:v48+s16+$0x0], $0xffff;
	v23 =	vadd.s32 v4, v23  }
0x3f0: {  	v27 =	vld.idx.msk [tilespmem:v27+s16+$0x0], $0xffff  }
0x3f1: {  	v24 =	vld.idx.msk [tilespmem:v42+s16+$0x0], $0xffff  }
0x3f2: {  	v25 =	vld.idx.msk [tilespmem:v43+s16+$0x0], $0xffff  }
0x3f3: {  	v28 =	vld.idx.msk [tilespmem:v45+s16+$0x0], $0xffff  }
0x3f4: {  	v23 =	vld.idx.msk [tilespmem:v23+s16+$0x0], $0xffff  }
0x3f5: {  	[tilespmem:s0+$0x8240] =	vst.add.f32.msk $0xffff, v26  }
0x3f6: {  	v49 =	vperm.xlane v22, v13;
	[tilespmem:s0+$0x8250] =	vst.add.f32.msk $0xffff, v29  }
0x3f7: {  	[tilespmem:s0+$0x8260] =	vst.add.f32.msk $0xffff, v30  }
0x3f8: {  	v51 =	vperm.xlane v21, v13;
	v50 =	vadd.s32 v2, v49;
	[tilespmem:s0+$0x8270] =	vst.add.f32.msk $0xffff, v27  }
0x3f9: {  	v52 =	vadd.s32 v3, v49;
	[tilespmem:s0+$0x8200] =	vst.add.f32.msk $0xffff, v24  }
0x3fa: {  	v53 =	vadd.s32 v1, v51;
	[tilespmem:s0+$0x8210] =	vst.add.f32.msk $0xffff, v25  }
0x3fb: {  	v54 =	vadd.s32 v2, v51;
	[tilespmem:s0+$0x8220] =	vst.add.f32.msk $0xffff, v28  }
0x3fc: {  	v55 =	vadd.s32 v3, v51;
	[tilespmem:s0+$0x8230] =	vst.add.f32.msk $0xffff, v23  }
0x3fd: {  	v26 =	vadd.s32 v4, v51;
	v25 =	vld.idx.msk [tilespmem:v50+s16+$0x0], $0xffff  }
0x3fe: {  	v23 =	vadd.s32 v1, v49;
	v28 =	vld.idx.msk [tilespmem:v52+s16+$0x0], $0xffff  }
0x3ff: {  	v24 =	vadd.s32 v4, v49;
	v27 =	vld.idx.msk [tilespmem:v53+s16+$0x0], $0xffff  }
0x400: {  	v29 =	vld.idx.msk [tilespmem:v54+s16+$0x0], $0xffff  }
0x401: {  	v30 =	vld.idx.msk [tilespmem:v55+s16+$0x0], $0xffff  }
0x402: {  	v26 =	vld.idx.msk [tilespmem:v26+s16+$0x0], $0xffff  }
0x403: {  	v23 =	vld.idx.msk [tilespmem:v23+s16+$0x0], $0xffff  }
0x404: {  	v24 =	vld.idx.msk [tilespmem:v24+s16+$0x0], $0xffff  }
0x405: {  	[tilespmem:s0+$0x8290] =	vst.add.f32.msk $0xffff, v25  }
0x406: {  	v58 =	vperm.xlane v21, v14;
	[tilespmem:s0+$0x82A0] =	vst.add.f32.msk $0xffff, v28  }
0x407: {  	[tilespmem:s0+$0x82C0] =	vst.add.f32.msk $0xffff, v27  }
0x408: {  	v60 =	vadd.s32 v1, v58;
	[tilespmem:s0+$0x82D0] =	vst.add.f32.msk $0xffff, v29  }
0x409: {  	v61 =	vadd.s32 v2, v58;
	[tilespmem:s0+$0x82E0] =	vst.add.f32.msk $0xffff, v30  }
0x40a: {  	v62 =	vadd.s32 v3, v58;
	[tilespmem:s0+$0x8280] =	vst.add.f32.msk $0xffff, v23;
	v23 =	vperm.xlane v22, v14  }
0x40b: {  	[tilespmem:s0+$0x82F0] =	vst.add.f32.msk $0xffff, v26;
	v27 =	vadd.s32 v4, v58  }
0x40c: {  	[tilespmem:s0+$0x82B0] =	vst.add.f32.msk $0xffff, v24;
	v56 =	vadd.s32 v1, v23  }
0x40d: {  	v26 =	vld.idx.msk [tilespmem:v60+s16+$0x0], $0xffff;
	v57 =	vadd.s32 v2, v23  }
0x40e: {  	v29 =	vld.idx.msk [tilespmem:v61+s16+$0x0], $0xffff;
	v59 =	vadd.s32 v3, v23  }
0x40f: {  	v30 =	vld.idx.msk [tilespmem:v62+s16+$0x0], $0xffff;
	v23 =	vadd.s32 v4, v23  }
0x410: {  	v27 =	vld.idx.msk [tilespmem:v27+s16+$0x0], $0xffff  }
0x411: {  	v24 =	vld.idx.msk [tilespmem:v56+s16+$0x0], $0xffff  }
0x412: {  	v25 =	vld.idx.msk [tilespmem:v57+s16+$0x0], $0xffff  }
0x413: {  	v28 =	vld.idx.msk [tilespmem:v59+s16+$0x0], $0xffff  }
0x414: {  	v23 =	vld.idx.msk [tilespmem:v23+s16+$0x0], $0xffff  }
0x415: {  	[tilespmem:s0+$0x8340] =	vst.add.f32.msk $0xffff, v26  }
0x416: {  	v63 =	vperm.xlane v22, v15;
	[tilespmem:s0+$0x8350] =	vst.add.f32.msk $0xffff, v29  }
0x417: {  	[tilespmem:s0+$0x8360] =	vst.add.f32.msk $0xffff, v30  }
0x418: {  	v33 =	vperm.xlane v21, v15;
	v32 =	vadd.s32 v2, v63;
	[tilespmem:s0+$0x8370] =	vst.add.f32.msk $0xffff, v27  }
0x419: {  	v34 =	vadd.s32 v3, v63;
	[tilespmem:s0+$0x8300] =	vst.add.f32.msk $0xffff, v24  }
0x41a: {  	v35 =	vadd.s32 v1, v33;
	[tilespmem:s0+$0x8310] =	vst.add.f32.msk $0xffff, v25  }
0x41b: {  	v36 =	vadd.s32 v2, v33;
	[tilespmem:s0+$0x8320] =	vst.add.f32.msk $0xffff, v28  }
0x41c: {  	v37 =	vadd.s32 v3, v33;
	[tilespmem:s0+$0x8330] =	vst.add.f32.msk $0xffff, v23  }
0x41d: {  	v26 =	vadd.s32 v4, v33;
	v25 =	vld.idx.msk [tilespmem:v32+s16+$0x0], $0xffff  }
0x41e: {  	v23 =	vadd.s32 v1, v63;
	v28 =	vld.idx.msk [tilespmem:v34+s16+$0x0], $0xffff  }
0x41f: {  	v24 =	vadd.s32 v4, v63;
	v27 =	vld.idx.msk [tilespmem:v35+s16+$0x0], $0xffff  }
0x420: {  	v29 =	vld.idx.msk [tilespmem:v36+s16+$0x0], $0xffff  }
0x421: {  	v30 =	vld.idx.msk [tilespmem:v37+s16+$0x0], $0xffff  }
0x422: {  	v26 =	vld.idx.msk [tilespmem:v26+s16+$0x0], $0xffff  }
0x423: {  	v23 =	vld.idx.msk [tilespmem:v23+s16+$0x0], $0xffff  }
0x424: {  	v24 =	vld.idx.msk [tilespmem:v24+s16+$0x0], $0xffff  }
0x425: {  	[tilespmem:s0+$0x8390] =	vst.add.f32.msk $0xffff, v25  }
0x426: {  	v40 =	vperm.xlane v21, v16;
	[tilespmem:s0+$0x83A0] =	vst.add.f32.msk $0xffff, v28  }
0x427: {  	[tilespmem:s0+$0x83C0] =	vst.add.f32.msk $0xffff, v27  }
0x428: {  	v42 =	vadd.s32 v1, v40;
	[tilespmem:s0+$0x83D0] =	vst.add.f32.msk $0xffff, v29  }
0x429: {  	v43 =	vadd.s32 v2, v40;
	[tilespmem:s0+$0x83E0] =	vst.add.f32.msk $0xffff, v30  }
0x42a: {  	v44 =	vadd.s32 v3, v40;
	[tilespmem:s0+$0x8380] =	vst.add.f32.msk $0xffff, v23;
	v23 =	vperm.xlane v22, v16  }
0x42b: {  	[tilespmem:s0+$0x83F0] =	vst.add.f32.msk $0xffff, v26;
	v27 =	vadd.s32 v4, v40  }
0x42c: {  	[tilespmem:s0+$0x83B0] =	vst.add.f32.msk $0xffff, v24;
	v38 =	vadd.s32 v1, v23  }
0x42d: {  	v26 =	vld.idx.msk [tilespmem:v42+s16+$0x0], $0xffff;
	v39 =	vadd.s32 v2, v23  }
0x42e: {  	v29 =	vld.idx.msk [tilespmem:v43+s16+$0x0], $0xffff;
	v41 =	vadd.s32 v3, v23  }
0x42f: {  	v30 =	vld.idx.msk [tilespmem:v44+s16+$0x0], $0xffff;
	v23 =	vadd.s32 v4, v23  }
0x430: {  	v27 =	vld.idx.msk [tilespmem:v27+s16+$0x0], $0xffff  }
0x431: {  	v24 =	vld.idx.msk [tilespmem:v38+s16+$0x0], $0xffff  }
0x432: {  	v25 =	vld.idx.msk [tilespmem:v39+s16+$0x0], $0xffff  }
0x433: {  	v28 =	vld.idx.msk [tilespmem:v41+s16+$0x0], $0xffff  }
0x434: {  	v23 =	vld.idx.msk [tilespmem:v23+s16+$0x0], $0xffff  }
0x435: {  	[tilespmem:s0+$0x8440] =	vst.add.f32.msk $0xffff, v26  }
0x436: {  	v45 =	vperm.xlane v22, v17;
	[tilespmem:s0+$0x8450] =	vst.add.f32.msk $0xffff, v29  }
0x437: {  	[tilespmem:s0+$0x8460] =	vst.add.f32.msk $0xffff, v30  }
0x438: {  	v47 =	vperm.xlane v21, v17;
	v46 =	vadd.s32 v2, v45;
	[tilespmem:s0+$0x8470] =	vst.add.f32.msk $0xffff, v27  }
0x439: {  	v48 =	vadd.s32 v3, v45;
	[tilespmem:s0+$0x8400] =	vst.add.f32.msk $0xffff, v24  }
0x43a: {  	v49 =	vadd.s32 v1, v47;
	[tilespmem:s0+$0x8410] =	vst.add.f32.msk $0xffff, v25  }
0x43b: {  	v50 =	vadd.s32 v2, v47;
	[tilespmem:s0+$0x8420] =	vst.add.f32.msk $0xffff, v28  }
0x43c: {  	v51 =	vadd.s32 v3, v47;
	[tilespmem:s0+$0x8430] =	vst.add.f32.msk $0xffff, v23  }
0x43d: {  	v26 =	vadd.s32 v4, v47;
	v25 =	vld.idx.msk [tilespmem:v46+s16+$0x0], $0xffff  }
0x43e: {  	v23 =	vadd.s32 v1, v45;
	v28 =	vld.idx.msk [tilespmem:v48+s16+$0x0], $0xffff  }
0x43f: {  	v24 =	vadd.s32 v4, v45;
	v27 =	vld.idx.msk [tilespmem:v49+s16+$0x0], $0xffff  }
0x440: {  	v29 =	vld.idx.msk [tilespmem:v50+s16+$0x0], $0xffff  }
0x441: {  	v30 =	vld.idx.msk [tilespmem:v51+s16+$0x0], $0xffff  }
0x442: {  	v26 =	vld.idx.msk [tilespmem:v26+s16+$0x0], $0xffff  }
0x443: {  	v23 =	vld.idx.msk [tilespmem:v23+s16+$0x0], $0xffff  }
0x444: {  	v24 =	vld.idx.msk [tilespmem:v24+s16+$0x0], $0xffff  }
0x445: {  	[tilespmem:s0+$0x8490] =	vst.add.f32.msk $0xffff, v25  }
0x446: {  	v54 =	vperm.xlane v21, v18;
	[tilespmem:s0+$0x84A0] =	vst.add.f32.msk $0xffff, v28  }
0x447: {  	[tilespmem:s0+$0x84C0] =	vst.add.f32.msk $0xffff, v27  }
0x448: {  	v56 =	vadd.s32 v1, v54;
	[tilespmem:s0+$0x84D0] =	vst.add.f32.msk $0xffff, v29  }
0x449: {  	v57 =	vadd.s32 v2, v54;
	[tilespmem:s0+$0x84E0] =	vst.add.f32.msk $0xffff, v30  }
0x44a: {  	v58 =	vadd.s32 v3, v54;
	[tilespmem:s0+$0x8480] =	vst.add.f32.msk $0xffff, v23;
	v23 =	vperm.xlane v22, v18  }
0x44b: {  	[tilespmem:s0+$0x84F0] =	vst.add.f32.msk $0xffff, v26;
	v27 =	vadd.s32 v4, v54  }
0x44c: {  	[tilespmem:s0+$0x84B0] =	vst.add.f32.msk $0xffff, v24;
	v52 =	vadd.s32 v1, v23  }
0x44d: {  	v26 =	vld.idx.msk [tilespmem:v56+s16+$0x0], $0xffff;
	v53 =	vadd.s32 v2, v23  }
0x44e: {  	v29 =	vld.idx.msk [tilespmem:v57+s16+$0x0], $0xffff;
	v55 =	vadd.s32 v3, v23  }
0x44f: {  	v30 =	vld.idx.msk [tilespmem:v58+s16+$0x0], $0xffff;
	v23 =	vadd.s32 v4, v23  }
0x450: {  	v27 =	vld.idx.msk [tilespmem:v27+s16+$0x0], $0xffff  }
0x451: {  	v24 =	vld.idx.msk [tilespmem:v52+s16+$0x0], $0xffff  }
0x452: {  	v25 =	vld.idx.msk [tilespmem:v53+s16+$0x0], $0xffff  }
0x453: {  	v28 =	vld.idx.msk [tilespmem:v55+s16+$0x0], $0xffff  }
0x454: {  	v23 =	vld.idx.msk [tilespmem:v23+s16+$0x0], $0xffff  }
0x455: {  	[tilespmem:s0+$0x8540] =	vst.add.f32.msk $0xffff, v26  }
0x456: {  	v22 =	vperm.xlane v22, v19;
	[tilespmem:s0+$0x8550] =	vst.add.f32.msk $0xffff, v29  }
0x457: {  	[tilespmem:s0+$0x8560] =	vst.add.f32.msk $0xffff, v30  }
0x458: {  	v21 =	vperm.xlane v21, v19;
	v59 =	vadd.s32 v2, v22;
	[tilespmem:s0+$0x8570] =	vst.add.f32.msk $0xffff, v27  }
0x459: {  	v60 =	vadd.s32 v3, v22;
	[tilespmem:s0+$0x8500] =	vst.add.f32.msk $0xffff, v24  }
0x45a: {  	v61 =	vadd.s32 v1, v21;
	[tilespmem:s0+$0x8510] =	vst.add.f32.msk $0xffff, v25  }
0x45b: {  	v62 =	vadd.s32 v2, v21;
	[tilespmem:s0+$0x8520] =	vst.add.f32.msk $0xffff, v28  }
0x45c: {  	v63 =	vadd.s32 v3, v21;
	[tilespmem:s0+$0x8530] =	vst.add.f32.msk $0xffff, v23  }
0x45d: {  	v21 =	vadd.s32 v4, v21;
	v24 =	vld.idx.msk [tilespmem:v59+s16+$0x0], $0xffff  }
0x45e: {  	v23 =	vadd.s32 v1, v22;
	v25 =	vld.idx.msk [tilespmem:v60+s16+$0x0], $0xffff  }
0x45f: {  	v22 =	vadd.s32 v4, v22;
	v26 =	vld.idx.msk [tilespmem:v61+s16+$0x0], $0xffff  }
0x460: {  	v27 =	vld.idx.msk [tilespmem:v62+s16+$0x0], $0xffff  }
0x461: {  	v28 =	vld.idx.msk [tilespmem:v63+s16+$0x0], $0xffff  }
0x462: {  	v21 =	vld.idx.msk [tilespmem:v21+s16+$0x0], $0xffff  }
0x463: {  	v23 =	vld.idx.msk [tilespmem:v23+s16+$0x0], $0xffff  }
0x464: {  	v22 =	vld.idx.msk [tilespmem:v22+s16+$0x0], $0xffff  }
0x465: {  	[tilespmem:s0+$0x8590] =	vst.add.f32.msk $0xffff, v24  }
0x466: {  	[tilespmem:s0+$0x85A0] =	vst.add.f32.msk $0xffff, v25  }
0x467: {  	p0 =	slt.u32 s30, $0x6;
	[tilespmem:s0+$0x85C0] =	vst.add.f32.msk $0xffff, v26  }
.Ltmp8:
0x468: {  	[tilespmem:s0+$0x85D0] =	vst.add.f32.msk $0xffff, v27;
	(pc) =	sbr.rel @p0 .LBB2_11-.Ltmp8, $4  }
0x469: {  	[tilespmem:s0+$0x85E0] =	vst.add.f32.msk $0xffff, v28  }
0x46a: {  	[tilespmem:s0+$0x85F0] =	vst.add.f32.msk $0xffff, v21  }
0x46b: {  	s31 =	sadd.s32 $0x2, s30;
	[tilespmem:s0+$0x8580] =	vst.add.f32.msk $0xffff, v23  }
0x46c: {  	s30 =	smov.u32 s31;
	[tilespmem:s0+$0x85B0] =	vst.add.f32.msk $0xffff, v22  }
.Ltmp9:
0x46d: {  	(pc) =	sbr.rel .LBB2_13-.Ltmp9, $4  }
0x46e: {  	s0 =	sadd.s32 s6, s29  }
0x46f: {  	s0 =	sshll.u32 s0, $0x4  }
0x470: {  	s0 =	sadd.s32 s3, s0  }
0x471: {  	[hbm4b:s0+s4] =	stream.linear.scatter [tilespmem:s17], [sflag:$0x4], $0x4000, $0x38;
	[tilespmem:$0x13E00] =	vst v63  }
.LBB2_4:
0x472: {  	s29 =	simm.s32 @!p1 $0x4  }
0x473: {  	s2 =	sadd.s32 @!p0 s2, s10;
	_ =	swait.ge @!p1 [sflag:s29], $0x4000  }
0x474: {  	s30 =	simm.s32 @!p0 $0x7E00;
	s2 =	sshrl.u32 @!p0 s2, $0x3;
	[sflag:s29] =	ssyncset.done @!p1 $0x0  }
0x475: {  	s2 =	sadd.s32 @!p0 s1, s2;
	[sflag:s29] =	ssyncadd.s32 @!p1 $0xFFFFC000;
	s29 =	simm.s32 @!p0 $0x0  }
0x476: {  	[tilespmem:s30], [sflag:$0x1] =	stream.linear.gather @!p0 [hbm4b:s2+s29], $0x4000, $0x38;
	[tilespmem:$0x13E00] =	vst v63  }
0x477: {  	s29 =	sshll.u32 s28, $0x7  }
0x478: {  	v20 =	vmov s29  }
0x479: {  	_ =	swait.ge [sflag:s24], $0x4000  }
0x47a: {  	[sflag:s24] =	ssyncset.done $0x0  }
0x47b: {  	s30 =	simm.s32 $0x0;
	[sflag:s24] =	ssyncadd.s32 $0xFFFFC000  }
.LBB2_5:
0x47c: {  	s2 =	sshll.u32 s30, $0x4  }
0x47d: {  	v24 =	vld.idx.msk [tilespmem:v20+s2+$0x0 ss:$0x1], $0xffff;
	_ =	sdelay $0x3  }
0x47e: {  	v23 =	vld.idx.msk [tilespmem:v20+s2+$0x1900 ss:$0x1], $0xffff  }
0x47f: {  	v21 =	vperm.xlane v24, v0;
	_ =	sdelay $0x1  }
0x480: {  	v22 =	vadd.s32 v1, v21  }
0x481: {  	v25 =	vadd.s32 v2, v21  }
0x482: {  	v26 =	vperm.xlane v23, v0;
	v27 =	vadd.s32 v3, v21  }
0x483: {  	v21 =	vadd.s32 v4, v21  }
0x484: {  	v28 =	vadd.s32 v1, v26  }
0x485: {  	v29 =	vadd.s32 v2, v26;
	v22 =	vld.idx.msk [tilespmem:v22+s16+$0x0], $0xffff  }
0x486: {  	v30 =	vadd.s32 v3, v26;
	v25 =	vld.idx.msk [tilespmem:v25+s16+$0x0], $0xffff  }
0x487: {  	v26 =	vadd.s32 v4, v26;
	v27 =	vld.idx.msk [tilespmem:v27+s16+$0x0], $0xffff  }
0x488: {  	v21 =	vld.idx.msk [tilespmem:v21+s16+$0x0], $0xffff  }
0x489: {  	v28 =	vld.idx.msk [tilespmem:v28+s16+$0x0], $0xffff  }
0x48a: {  	v29 =	vld.idx.msk [tilespmem:v29+s16+$0x0], $0xffff  }
0x48b: {  	s0 =	sshll.u32 s30, $0xB;
	v30 =	vld.idx.msk [tilespmem:v30+s16+$0x0], $0xffff  }
0x48c: {  	s2 =	sand.u32 $0x3FFFF800, s0;
	v26 =	vld.idx.msk [tilespmem:v26+s16+$0x0], $0xffff  }
0x48d: {  	[tilespmem:s2+$0xFE00] =	vst.add.f32.msk $0xffff, v22  }
0x48e: {  	[tilespmem:s2+$0xFE10] =	vst.add.f32.msk $0xffff, v25  }
0x48f: {  	[tilespmem:s2+$0xFE20] =	vst.add.f32.msk $0xffff, v27  }
0x490: {  	v46 =	vperm.xlane v24, v5;
	[tilespmem:s2+$0xFE30] =	vst.add.f32.msk $0xffff, v21  }
0x491: {  	[tilespmem:s2+$0xFE40] =	vst.add.f32.msk $0xffff, v28  }
0x492: {  	s31 =	sor.u32 $0x1, s30;
	v47 =	vadd.s32 v1, v46;
	[tilespmem:s2+$0xFE50] =	vst.add.f32.msk $0xffff, v29  }
0x493: {  	s0 =	sshll.u32 s31, $0x4;
	v49 =	vperm.xlane v23, v5;
	v48 =	vadd.s32 v2, v46;
	[tilespmem:s2+$0xFE60] =	vst.add.f32.msk $0xffff, v30  }
0x494: {  	v50 =	vadd.s32 v3, v46;
	v22 =	vld.idx.msk [tilespmem:v20+s0+$0x0 ss:$0x1], $0xffff  }
0x495: {  	v51 =	vadd.s32 v1, v49;
	v21 =	vld.idx.msk [tilespmem:v20+s0+$0x1900 ss:$0x1], $0xffff  }
0x496: {  	v31 =	vadd.s32 v2, v49;
	[tilespmem:s2+$0xFE70] =	vst.add.f32.msk $0xffff, v26  }
0x497: {  	v32 =	vadd.s32 v3, v49;
	v27 =	vld.idx.msk [tilespmem:v47+s16+$0x0], $0xffff  }
0x498: {  	v25 =	vadd.s32 v4, v46;
	v28 =	vld.idx.msk [tilespmem:v48+s16+$0x0], $0xffff  }
0x499: {  	v29 =	vadd.s32 v4, v49;
	v30 =	vld.idx.msk [tilespmem:v50+s16+$0x0], $0xffff  }
0x49a: {  	v26 =	vld.idx.msk [tilespmem:v51+s16+$0x0], $0xffff  }
0x49b: {  	v31 =	vld.idx.msk [tilespmem:v31+s16+$0x0], $0xffff  }
0x49c: {  	v32 =	vld.idx.msk [tilespmem:v32+s16+$0x0], $0xffff  }
0x49d: {  	v25 =	vld.idx.msk [tilespmem:v25+s16+$0x0], $0xffff  }
0x49e: {  	v29 =	vld.idx.msk [tilespmem:v29+s16+$0x0], $0xffff  }
0x49f: {  	[tilespmem:s2+$0xFE80] =	vst.add.f32.msk $0xffff, v27  }
0x4a0: {  	v52 =	vperm.xlane v24, v6;
	[tilespmem:s2+$0xFE90] =	vst.add.f32.msk $0xffff, v28  }
0x4a1: {  	[tilespmem:s2+$0xFEA0] =	vst.add.f32.msk $0xffff, v30  }
0x4a2: {  	v53 =	vadd.s32 v1, v52;
	[tilespmem:s2+$0xFEC0] =	vst.add.f32.msk $0xffff, v26  }
0x4a3: {  	v55 =	vperm.xlane v23, v6;
	v54 =	vadd.s32 v2, v52;
	[tilespmem:s2+$0xFED0] =	vst.add.f32.msk $0xffff, v31  }
0x4a4: {  	v56 =	vadd.s32 v3, v52;
	[tilespmem:s2+$0xFEE0] =	vst.add.f32.msk $0xffff, v32  }
0x4a5: {  	v57 =	vadd.s32 v1, v55;
	[tilespmem:s2+$0xFEB0] =	vst.add.f32.msk $0xffff, v25  }
0x4a6: {  	v58 =	vadd.s32 v2, v55;
	[tilespmem:s2+$0xFEF0] =	vst.add.f32.msk $0xffff, v29  }
0x4a7: {  	v59 =	vadd.s32 v3, v55;
	v25 =	vld.idx.msk [tilespmem:v53+s16+$0x0], $0xffff  }
0x4a8: {  	v27 =	vadd.s32 v4, v52;
	v26 =	vld.idx.msk [tilespmem:v54+s16+$0x0], $0xffff  }
0x4a9: {  	v28 =	vadd.s32 v4, v55;
	v30 =	vld.idx.msk [tilespmem:v56+s16+$0x0], $0xffff  }
0x4aa: {  	v29 =	vld.idx.msk [tilespmem:v57+s16+$0x0], $0xffff  }
0x4ab: {  	v31 =	vld.idx.msk [tilespmem:v58+s16+$0x0], $0xffff  }
0x4ac: {  	v32 =	vld.idx.msk [tilespmem:v59+s16+$0x0], $0xffff  }
0x4ad: {  	v27 =	vld.idx.msk [tilespmem:v27+s16+$0x0], $0xffff  }
0x4ae: {  	v28 =	vld.idx.msk [tilespmem:v28+s16+$0x0], $0xffff  }
0x4af: {  	[tilespmem:s2+$0xFF00] =	vst.add.f32.msk $0xffff, v25  }
0x4b0: {  	v60 =	vperm.xlane v24, v7;
	[tilespmem:s2+$0xFF10] =	vst.add.f32.msk $0xffff, v26  }
0x4b1: {  	[tilespmem:s2+$0xFF20] =	vst.add.f32.msk $0xffff, v30  }
0x4b2: {  	v61 =	vadd.s32 v1, v60;
	[tilespmem:s2+$0xFF40] =	vst.add.f32.msk $0xffff, v29  }
0x4b3: {  	v63 =	vperm.xlane v23, v7;
	v62 =	vadd.s32 v2, v60;
	[tilespmem:s2+$0xFF50] =	vst.add.f32.msk $0xffff, v31  }
0x4b4: {  	v36 =	vadd.s32 v3, v60;
	[tilespmem:s2+$0xFF60] =	vst.add.f32.msk $0xffff, v32  }
0x4b5: {  	v37 =	vadd.s32 v1, v63;
	[tilespmem:s2+$0xFF30] =	vst.add.f32.msk $0xffff, v27  }
0x4b6: {  	v38 =	vadd.s32 v2, v63;
	[tilespmem:s2+$0xFF70] =	vst.add.f32.msk $0xffff, v28  }
0x4b7: {  	v39 =	vadd.s32 v3, v63;
	v26 =	vld.idx.msk [tilespmem:v61+s16+$0x0], $0xffff  }
0x4b8: {  	v25 =	vadd.s32 v4, v60;
	v27 =	vld.idx.msk [tilespmem:v62+s16+$0x0], $0xffff  }
0x4b9: {  	v29 =	vadd.s32 v4, v63;
	v30 =	vld.idx.msk [tilespmem:v36+s16+$0x0], $0xffff  }
0x4ba: {  	v28 =	vld.idx.msk [tilespmem:v37+s16+$0x0], $0xffff  }
0x4bb: {  	v31 =	vld.idx.msk [tilespmem:v38+s16+$0x0], $0xffff  }
0x4bc: {  	v32 =	vld.idx.msk [tilespmem:v39+s16+$0x0], $0xffff  }
0x4bd: {  	v25 =	vld.idx.msk [tilespmem:v25+s16+$0x0], $0xffff  }
0x4be: {  	v29 =	vld.idx.msk [tilespmem:v29+s16+$0x0], $0xffff  }
0x4bf: {  	[tilespmem:s2+$0xFF80] =	vst.add.f32.msk $0xffff, v26  }
0x4c0: {  	v40 =	vperm.xlane v24, v8;
	[tilespmem:s2+$0xFF90] =	vst.add.f32.msk $0xffff, v27  }
0x4c1: {  	[tilespmem:s2+$0xFFA0] =	vst.add.f32.msk $0xffff, v30  }
0x4c2: {  	v41 =	vadd.s32 v1, v40;
	[tilespmem:s2+$0xFFC0] =	vst.add.f32.msk $0xffff, v28  }
0x4c3: {  	v43 =	vperm.xlane v23, v8;
	v42 =	vadd.s32 v2, v40;
	[tilespmem:s2+$0xFFD0] =	vst.add.f32.msk $0xffff, v31  }
0x4c4: {  	v44 =	vadd.s32 v3, v40;
	[tilespmem:s2+$0xFFE0] =	vst.add.f32.msk $0xffff, v32  }
0x4c5: {  	v45 =	vadd.s32 v1, v43;
	[tilespmem:s2+$0xFFB0] =	vst.add.f32.msk $0xffff, v25  }
0x4c6: {  	v46 =	vadd.s32 v2, v43;
	[tilespmem:s2+$0xFFF0] =	vst.add.f32.msk $0xffff, v29  }
0x4c7: {  	v47 =	vadd.s32 v3, v43;
	v25 =	vld.idx.msk [tilespmem:v41+s16+$0x0], $0xffff  }
0x4c8: {  	v26 =	vadd.s32 v4, v40;
	v27 =	vld.idx.msk [tilespmem:v42+s16+$0x0], $0xffff  }
0x4c9: {  	v28 =	vadd.s32 v4, v43;
	v30 =	vld.idx.msk [tilespmem:v44+s16+$0x0], $0xffff  }
0x4ca: {  	v29 =	vld.idx.msk [tilespmem:v45+s16+$0x0], $0xffff  }
0x4cb: {  	v31 =	vld.idx.msk [tilespmem:v46+s16+$0x0], $0xffff  }
0x4cc: {  	v32 =	vld.idx.msk [tilespmem:v47+s16+$0x0], $0xffff  }
0x4cd: {  	v26 =	vld.idx.msk [tilespmem:v26+s16+$0x0], $0xffff  }
0x4ce: {  	v28 =	vld.idx.msk [tilespmem:v28+s16+$0x0], $0xffff  }
0x4cf: {  	[tilespmem:s2+$0x10000] =	vst.add.f32.msk $0xffff, v25  }
0x4d0: {  	v48 =	vperm.xlane v24, v9;
	[tilespmem:s2+$0x10010] =	vst.add.f32.msk $0xffff, v27  }
0x4d1: {  	[tilespmem:s2+$0x10020] =	vst.add.f32.msk $0xffff, v30  }
0x4d2: {  	v49 =	vadd.s32 v1, v48;
	[tilespmem:s2+$0x10040] =	vst.add.f32.msk $0xffff, v29  }
0x4d3: {  	v51 =	vperm.xlane v23, v9;
	v50 =	vadd.s32 v2, v48;
	[tilespmem:s2+$0x10050] =	vst.add.f32.msk $0xffff, v31  }
0x4d4: {  	v52 =	vadd.s32 v3, v48;
	[tilespmem:s2+$0x10060] =	vst.add.f32.msk $0xffff, v32  }
0x4d5: {  	v53 =	vadd.s32 v1, v51;
	[tilespmem:s2+$0x10030] =	vst.add.f32.msk $0xffff, v26  }
0x4d6: {  	v54 =	vadd.s32 v2, v51;
	[tilespmem:s2+$0x10070] =	vst.add.f32.msk $0xffff, v28  }
0x4d7: {  	v55 =	vadd.s32 v3, v51;
	v26 =	vld.idx.msk [tilespmem:v49+s16+$0x0], $0xffff  }
0x4d8: {  	v25 =	vadd.s32 v4, v48;
	v27 =	vld.idx.msk [tilespmem:v50+s16+$0x0], $0xffff  }
0x4d9: {  	v29 =	vadd.s32 v4, v51;
	v30 =	vld.idx.msk [tilespmem:v52+s16+$0x0], $0xffff  }
0x4da: {  	v28 =	vld.idx.msk [tilespmem:v53+s16+$0x0], $0xffff  }
0x4db: {  	v31 =	vld.idx.msk [tilespmem:v54+s16+$0x0], $0xffff  }
0x4dc: {  	v32 =	vld.idx.msk [tilespmem:v55+s16+$0x0], $0xffff  }
0x4dd: {  	v25 =	vld.idx.msk [tilespmem:v25+s16+$0x0], $0xffff  }
0x4de: {  	v29 =	vld.idx.msk [tilespmem:v29+s16+$0x0], $0xffff  }
0x4df: {  	[tilespmem:s2+$0x10080] =	vst.add.f32.msk $0xffff, v26  }
0x4e0: {  	v56 =	vperm.xlane v24, v10;
	[tilespmem:s2+$0x10090] =	vst.add.f32.msk $0xffff, v27  }
0x4e1: {  	[tilespmem:s2+$0x100A0] =	vst.add.f32.msk $0xffff, v30  }
0x4e2: {  	v57 =	vadd.s32 v1, v56;
	[tilespmem:s2+$0x100C0] =	vst.add.f32.msk $0xffff, v28  }
0x4e3: {  	v59 =	vperm.xlane v23, v10;
	v58 =	vadd.s32 v2, v56;
	[tilespmem:s2+$0x100D0] =	vst.add.f32.msk $0xffff, v31  }
0x4e4: {  	v60 =	vadd.s32 v3, v56;
	[tilespmem:s2+$0x100E0] =	vst.add.f32.msk $0xffff, v32  }
0x4e5: {  	v61 =	vadd.s32 v1, v59;
	[tilespmem:s2+$0x100B0] =	vst.add.f32.msk $0xffff, v25  }
0x4e6: {  	v62 =	vadd.s32 v2, v59;
	[tilespmem:s2+$0x100F0] =	vst.add.f32.msk $0xffff, v29  }
0x4e7: {  	v63 =	vadd.s32 v3, v59;
	v25 =	vld.idx.msk [tilespmem:v57+s16+$0x0], $0xffff  }
0x4e8: {  	v26 =	vadd.s32 v4, v56;
	v27 =	vld.idx.msk [tilespmem:v58+s16+$0x0], $0xffff  }
0x4e9: {  	v28 =	vadd.s32 v4, v59;
	v30 =	vld.idx.msk [tilespmem:v60+s16+$0x0], $0xffff  }
0x4ea: {  	v29 =	vld.idx.msk [tilespmem:v61+s16+$0x0], $0xffff  }
0x4eb: {  	v31 =	vld.idx.msk [tilespmem:v62+s16+$0x0], $0xffff  }
0x4ec: {  	v32 =	vld.idx.msk [tilespmem:v63+s16+$0x0], $0xffff  }
0x4ed: {  	v26 =	vld.idx.msk [tilespmem:v26+s16+$0x0], $0xffff  }
0x4ee: {  	v28 =	vld.idx.msk [tilespmem:v28+s16+$0x0], $0xffff  }
0x4ef: {  	[tilespmem:s2+$0x10100] =	vst.add.f32.msk $0xffff, v25  }
0x4f0: {  	v36 =	vperm.xlane v24, v11;
	[tilespmem:s2+$0x10110] =	vst.add.f32.msk $0xffff, v27  }
0x4f1: {  	[tilespmem:s2+$0x10120] =	vst.add.f32.msk $0xffff, v30  }
0x4f2: {  	v37 =	vadd.s32 v1, v36;
	[tilespmem:s2+$0x10140] =	vst.add.f32.msk $0xffff, v29  }
0x4f3: {  	v39 =	vperm.xlane v23, v11;
	v38 =	vadd.s32 v2, v36;
	[tilespmem:s2+$0x10150] =	vst.add.f32.msk $0xffff, v31  }
0x4f4: {  	v40 =	vadd.s32 v3, v36;
	[tilespmem:s2+$0x10160] =	vst.add.f32.msk $0xffff, v32  }
0x4f5: {  	v41 =	vadd.s32 v1, v39;
	[tilespmem:s2+$0x10130] =	vst.add.f32.msk $0xffff, v26  }
0x4f6: {  	v42 =	vadd.s32 v2, v39;
	[tilespmem:s2+$0x10170] =	vst.add.f32.msk $0xffff, v28  }
0x4f7: {  	v43 =	vadd.s32 v3, v39;
	v26 =	vld.idx.msk [tilespmem:v37+s16+$0x0], $0xffff  }
0x4f8: {  	v25 =	vadd.s32 v4, v36;
	v27 =	vld.idx.msk [tilespmem:v38+s16+$0x0], $0xffff  }
0x4f9: {  	v29 =	vadd.s32 v4, v39;
	v30 =	vld.idx.msk [tilespmem:v40+s16+$0x0], $0xffff  }
0x4fa: {  	v28 =	vld.idx.msk [tilespmem:v41+s16+$0x0], $0xffff  }
0x4fb: {  	v31 =	vld.idx.msk [tilespmem:v42+s16+$0x0], $0xffff  }
0x4fc: {  	v32 =	vld.idx.msk [tilespmem:v43+s16+$0x0], $0xffff  }
0x4fd: {  	v25 =	vld.idx.msk [tilespmem:v25+s16+$0x0], $0xffff  }
0x4fe: {  	v29 =	vld.idx.msk [tilespmem:v29+s16+$0x0], $0xffff  }
0x4ff: {  	[tilespmem:s2+$0x10180] =	vst.add.f32.msk $0xffff, v26  }
0x500: {  	v44 =	vperm.xlane v24, v12;
	[tilespmem:s2+$0x10190] =	vst.add.f32.msk $0xffff, v27  }
0x501: {  	[tilespmem:s2+$0x101A0] =	vst.add.f32.msk $0xffff, v30  }
0x502: {  	v45 =	vadd.s32 v1, v44;
	[tilespmem:s2+$0x101C0] =	vst.add.f32.msk $0xffff, v28  }
0x503: {  	v47 =	vperm.xlane v23, v12;
	v46 =	vadd.s32 v2, v44;
	[tilespmem:s2+$0x101D0] =	vst.add.f32.msk $0xffff, v31  }
0x504: {  	v48 =	vadd.s32 v3, v44;
	[tilespmem:s2+$0x101E0] =	vst.add.f32.msk $0xffff, v32  }
0x505: {  	v49 =	vadd.s32 v1, v47;
	[tilespmem:s2+$0x101B0] =	vst.add.f32.msk $0xffff, v25  }
0x506: {  	v50 =	vadd.s32 v2, v47;
	[tilespmem:s2+$0x101F0] =	vst.add.f32.msk $0xffff, v29  }
0x507: {  	v51 =	vadd.s32 v3, v47;
	v25 =	vld.idx.msk [tilespmem:v45+s16+$0x0], $0xffff  }
0x508: {  	v26 =	vadd.s32 v4, v44;
	v27 =	vld.idx.msk [tilespmem:v46+s16+$0x0], $0xffff  }
0x509: {  	v28 =	vadd.s32 v4, v47;
	v30 =	vld.idx.msk [tilespmem:v48+s16+$0x0], $0xffff  }
0x50a: {  	v29 =	vld.idx.msk [tilespmem:v49+s16+$0x0], $0xffff  }
0x50b: {  	v31 =	vld.idx.msk [tilespmem:v50+s16+$0x0], $0xffff  }
0x50c: {  	v32 =	vld.idx.msk [tilespmem:v51+s16+$0x0], $0xffff  }
0x50d: {  	v26 =	vld.idx.msk [tilespmem:v26+s16+$0x0], $0xffff  }
0x50e: {  	v28 =	vld.idx.msk [tilespmem:v28+s16+$0x0], $0xffff  }
0x50f: {  	[tilespmem:s2+$0x10200] =	vst.add.f32.msk $0xffff, v25  }
0x510: {  	v52 =	vperm.xlane v24, v13;
	[tilespmem:s2+$0x10210] =	vst.add.f32.msk $0xffff, v27  }
0x511: {  	[tilespmem:s2+$0x10220] =	vst.add.f32.msk $0xffff, v30  }
0x512: {  	v53 =	vadd.s32 v1, v52;
	[tilespmem:s2+$0x10240] =	vst.add.f32.msk $0xffff, v29  }
0x513: {  	v55 =	vperm.xlane v23, v13;
	v54 =	vadd.s32 v2, v52;
	[tilespmem:s2+$0x10250] =	vst.add.f32.msk $0xffff, v31  }
0x514: {  	v56 =	vadd.s32 v3, v52;
	[tilespmem:s2+$0x10260] =	vst.add.f32.msk $0xffff, v32  }
0x515: {  	v57 =	vadd.s32 v1, v55;
	[tilespmem:s2+$0x10230] =	vst.add.f32.msk $0xffff, v26  }
0x516: {  	v58 =	vadd.s32 v2, v55;
	[tilespmem:s2+$0x10270] =	vst.add.f32.msk $0xffff, v28  }
0x517: {  	v59 =	vadd.s32 v3, v55;
	v26 =	vld.idx.msk [tilespmem:v53+s16+$0x0], $0xffff  }
0x518: {  	v25 =	vadd.s32 v4, v52;
	v27 =	vld.idx.msk [tilespmem:v54+s16+$0x0], $0xffff  }
0x519: {  	v29 =	vadd.s32 v4, v55;
	v30 =	vld.idx.msk [tilespmem:v56+s16+$0x0], $0xffff  }
0x51a: {  	v28 =	vld.idx.msk [tilespmem:v57+s16+$0x0], $0xffff  }
0x51b: {  	v31 =	vld.idx.msk [tilespmem:v58+s16+$0x0], $0xffff  }
0x51c: {  	v32 =	vld.idx.msk [tilespmem:v59+s16+$0x0], $0xffff  }
0x51d: {  	v25 =	vld.idx.msk [tilespmem:v25+s16+$0x0], $0xffff  }
0x51e: {  	v29 =	vld.idx.msk [tilespmem:v29+s16+$0x0], $0xffff  }
0x51f: {  	[tilespmem:s2+$0x10280] =	vst.add.f32.msk $0xffff, v26  }
0x520: {  	v60 =	vperm.xlane v24, v14;
	[tilespmem:s2+$0x10290] =	vst.add.f32.msk $0xffff, v27  }
0x521: {  	[tilespmem:s2+$0x102A0] =	vst.add.f32.msk $0xffff, v30  }
0x522: {  	v61 =	vadd.s32 v1, v60;
	[tilespmem:s2+$0x102C0] =	vst.add.f32.msk $0xffff, v28  }
0x523: {  	v63 =	vperm.xlane v23, v14;
	v62 =	vadd.s32 v2, v60;
	[tilespmem:s2+$0x102D0] =	vst.add.f32.msk $0xffff, v31  }
0x524: {  	v36 =	vadd.s32 v3, v60;
	[tilespmem:s2+$0x102E0] =	vst.add.f32.msk $0xffff, v32  }
0x525: {  	v37 =	vadd.s32 v1, v63;
	[tilespmem:s2+$0x102B0] =	vst.add.f32.msk $0xffff, v25  }
0x526: {  	v38 =	vadd.s32 v2, v63;
	[tilespmem:s2+$0x102F0] =	vst.add.f32.msk $0xffff, v29  }
0x527: {  	v39 =	vadd.s32 v3, v63;
	v25 =	vld.idx.msk [tilespmem:v61+s16+$0x0], $0xffff  }
0x528: {  	v26 =	vadd.s32 v4, v60;
	v27 =	vld.idx.msk [tilespmem:v62+s16+$0x0], $0xffff  }
0x529: {  	v28 =	vadd.s32 v4, v63;
	v30 =	vld.idx.msk [tilespmem:v36+s16+$0x0], $0xffff  }
0x52a: {  	v29 =	vld.idx.msk [tilespmem:v37+s16+$0x0], $0xffff  }
0x52b: {  	v31 =	vld.idx.msk [tilespmem:v38+s16+$0x0], $0xffff  }
0x52c: {  	v32 =	vld.idx.msk [tilespmem:v39+s16+$0x0], $0xffff  }
0x52d: {  	v26 =	vld.idx.msk [tilespmem:v26+s16+$0x0], $0xffff  }
0x52e: {  	v28 =	vld.idx.msk [tilespmem:v28+s16+$0x0], $0xffff  }
0x52f: {  	[tilespmem:s2+$0x10300] =	vst.add.f32.msk $0xffff, v25  }
0x530: {  	v40 =	vperm.xlane v24, v15;
	[tilespmem:s2+$0x10310] =	vst.add.f32.msk $0xffff, v27  }
0x531: {  	[tilespmem:s2+$0x10320] =	vst.add.f32.msk $0xffff, v30  }
0x532: {  	v41 =	vadd.s32 v1, v40;
	[tilespmem:s2+$0x10340] =	vst.add.f32.msk $0xffff, v29  }
0x533: {  	v43 =	vperm.xlane v23, v15;
	v42 =	vadd.s32 v2, v40;
	[tilespmem:s2+$0x10350] =	vst.add.f32.msk $0xffff, v31  }
0x534: {  	v44 =	vadd.s32 v3, v40;
	[tilespmem:s2+$0x10360] =	vst.add.f32.msk $0xffff, v32  }
0x535: {  	v45 =	vadd.s32 v1, v43;
	[tilespmem:s2+$0x10330] =	vst.add.f32.msk $0xffff, v26  }
0x536: {  	v46 =	vadd.s32 v2, v43;
	[tilespmem:s2+$0x10370] =	vst.add.f32.msk $0xffff, v28  }
0x537: {  	v47 =	vadd.s32 v3, v43;
	v26 =	vld.idx.msk [tilespmem:v41+s16+$0x0], $0xffff  }
0x538: {  	v25 =	vadd.s32 v4, v40;
	v27 =	vld.idx.msk [tilespmem:v42+s16+$0x0], $0xffff  }
0x539: {  	v29 =	vadd.s32 v4, v43;
	v30 =	vld.idx.msk [tilespmem:v44+s16+$0x0], $0xffff  }
0x53a: {  	v28 =	vld.idx.msk [tilespmem:v45+s16+$0x0], $0xffff  }
0x53b: {  	v31 =	vld.idx.msk [tilespmem:v46+s16+$0x0], $0xffff  }
0x53c: {  	v32 =	vld.idx.msk [tilespmem:v47+s16+$0x0], $0xffff  }
0x53d: {  	v25 =	vld.idx.msk [tilespmem:v25+s16+$0x0], $0xffff  }
0x53e: {  	v29 =	vld.idx.msk [tilespmem:v29+s16+$0x0], $0xffff  }
0x53f: {  	[tilespmem:s2+$0x10380] =	vst.add.f32.msk $0xffff, v26  }
0x540: {  	v48 =	vperm.xlane v24, v16;
	[tilespmem:s2+$0x10390] =	vst.add.f32.msk $0xffff, v27  }
0x541: {  	[tilespmem:s2+$0x103A0] =	vst.add.f32.msk $0xffff, v30  }
0x542: {  	v49 =	vadd.s32 v1, v48;
	[tilespmem:s2+$0x103C0] =	vst.add.f32.msk $0xffff, v28  }
0x543: {  	v51 =	vperm.xlane v23, v16;
	v50 =	vadd.s32 v2, v48;
	[tilespmem:s2+$0x103D0] =	vst.add.f32.msk $0xffff, v31  }
0x544: {  	v52 =	vadd.s32 v3, v48;
	[tilespmem:s2+$0x103E0] =	vst.add.f32.msk $0xffff, v32  }
0x545: {  	v53 =	vadd.s32 v1, v51;
	[tilespmem:s2+$0x103B0] =	vst.add.f32.msk $0xffff, v25  }
0x546: {  	v54 =	vadd.s32 v2, v51;
	[tilespmem:s2+$0x103F0] =	vst.add.f32.msk $0xffff, v29  }
0x547: {  	v55 =	vadd.s32 v3, v51;
	v25 =	vld.idx.msk [tilespmem:v49+s16+$0x0], $0xffff  }
0x548: {  	v26 =	vadd.s32 v4, v48;
	v27 =	vld.idx.msk [tilespmem:v50+s16+$0x0], $0xffff  }
0x549: {  	v28 =	vadd.s32 v4, v51;
	v30 =	vld.idx.msk [tilespmem:v52+s16+$0x0], $0xffff  }
0x54a: {  	v29 =	vld.idx.msk [tilespmem:v53+s16+$0x0], $0xffff  }
0x54b: {  	v31 =	vld.idx.msk [tilespmem:v54+s16+$0x0], $0xffff  }
0x54c: {  	v32 =	vld.idx.msk [tilespmem:v55+s16+$0x0], $0xffff  }
0x54d: {  	v26 =	vld.idx.msk [tilespmem:v26+s16+$0x0], $0xffff  }
0x54e: {  	v28 =	vld.idx.msk [tilespmem:v28+s16+$0x0], $0xffff  }
0x54f: {  	[tilespmem:s2+$0x10400] =	vst.add.f32.msk $0xffff, v25  }
0x550: {  	v56 =	vperm.xlane v24, v17;
	[tilespmem:s2+$0x10410] =	vst.add.f32.msk $0xffff, v27  }
0x551: {  	[tilespmem:s2+$0x10420] =	vst.add.f32.msk $0xffff, v30  }
0x552: {  	v57 =	vadd.s32 v1, v56;
	[tilespmem:s2+$0x10440] =	vst.add.f32.msk $0xffff, v29  }
0x553: {  	v59 =	vperm.xlane v23, v17;
	v58 =	vadd.s32 v2, v56;
	[tilespmem:s2+$0x10450] =	vst.add.f32.msk $0xffff, v31  }
0x554: {  	v60 =	vadd.s32 v3, v56;
	[tilespmem:s2+$0x10460] =	vst.add.f32.msk $0xffff, v32  }
0x555: {  	v61 =	vadd.s32 v1, v59;
	[tilespmem:s2+$0x10430] =	vst.add.f32.msk $0xffff, v26  }
0x556: {  	v62 =	vadd.s32 v2, v59;
	[tilespmem:s2+$0x10470] =	vst.add.f32.msk $0xffff, v28  }
0x557: {  	v63 =	vadd.s32 v3, v59;
	v26 =	vld.idx.msk [tilespmem:v57+s16+$0x0], $0xffff  }
0x558: {  	v25 =	vadd.s32 v4, v56;
	v27 =	vld.idx.msk [tilespmem:v58+s16+$0x0], $0xffff  }
0x559: {  	v29 =	vadd.s32 v4, v59;
	v30 =	vld.idx.msk [tilespmem:v60+s16+$0x0], $0xffff  }
0x55a: {  	v28 =	vld.idx.msk [tilespmem:v61+s16+$0x0], $0xffff  }
0x55b: {  	v31 =	vld.idx.msk [tilespmem:v62+s16+$0x0], $0xffff  }
0x55c: {  	v32 =	vld.idx.msk [tilespmem:v63+s16+$0x0], $0xffff  }
0x55d: {  	v25 =	vld.idx.msk [tilespmem:v25+s16+$0x0], $0xffff  }
0x55e: {  	v29 =	vld.idx.msk [tilespmem:v29+s16+$0x0], $0xffff  }
0x55f: {  	[tilespmem:s2+$0x10480] =	vst.add.f32.msk $0xffff, v26  }
0x560: {  	v35 =	vperm.xlane v24, v18;
	[tilespmem:s2+$0x10490] =	vst.add.f32.msk $0xffff, v27  }
0x561: {  	[tilespmem:s2+$0x104A0] =	vst.add.f32.msk $0xffff, v30  }
0x562: {  	v36 =	vadd.s32 v1, v35;
	[tilespmem:s2+$0x104C0] =	vst.add.f32.msk $0xffff, v28  }
0x563: {  	v37 =	vadd.s32 v2, v35;
	v38 =	vperm.xlane v23, v18;
	[tilespmem:s2+$0x104D0] =	vst.add.f32.msk $0xffff, v31  }
0x564: {  	v39 =	vadd.s32 v3, v35;
	[tilespmem:s2+$0x104E0] =	vst.add.f32.msk $0xffff, v32  }
0x565: {  	v40 =	vadd.s32 v1, v38;
	[tilespmem:s2+$0x104B0] =	vst.add.f32.msk $0xffff, v25  }
0x566: {  	v41 =	vadd.s32 v2, v38;
	[tilespmem:s2+$0x104F0] =	vst.add.f32.msk $0xffff, v29  }
0x567: {  	v42 =	vadd.s32 v3, v38;
	v25 =	vld.idx.msk [tilespmem:v36+s16+$0x0], $0xffff  }
0x568: {  	v26 =	vadd.s32 v4, v35;
	v27 =	vld.idx.msk [tilespmem:v37+s16+$0x0], $0xffff  }
0x569: {  	v28 =	vadd.s32 v4, v38;
	v30 =	vld.idx.msk [tilespmem:v39+s16+$0x0], $0xffff  }
0x56a: {  	v29 =	vld.idx.msk [tilespmem:v40+s16+$0x0], $0xffff  }
0x56b: {  	v31 =	vld.idx.msk [tilespmem:v41+s16+$0x0], $0xffff  }
0x56c: {  	v32 =	vld.idx.msk [tilespmem:v42+s16+$0x0], $0xffff  }
0x56d: {  	v26 =	vld.idx.msk [tilespmem:v26+s16+$0x0], $0xffff  }
0x56e: {  	v28 =	vld.idx.msk [tilespmem:v28+s16+$0x0], $0xffff  }
0x56f: {  	[tilespmem:s2+$0x10500] =	vst.add.f32.msk $0xffff, v25  }
0x570: {  	v24 =	vperm.xlane v24, v19;
	[tilespmem:s2+$0x10510] =	vst.add.f32.msk $0xffff, v27  }
0x571: {  	[tilespmem:s2+$0x10520] =	vst.add.f32.msk $0xffff, v30  }
0x572: {  	v43 =	vadd.s32 v1, v24;
	[tilespmem:s2+$0x10540] =	vst.add.f32.msk $0xffff, v29  }
0x573: {  	v44 =	vadd.s32 v2, v24;
	[tilespmem:s2+$0x10550] =	vst.add.f32.msk $0xffff, v31  }
0x574: {  	v23 =	vperm.xlane v23, v19;
	v45 =	vadd.s32 v3, v24;
	[tilespmem:s2+$0x10560] =	vst.add.f32.msk $0xffff, v32  }
0x575: {  	v24 =	vadd.s32 v4, v24;
	[tilespmem:s2+$0x10530] =	vst.add.f32.msk $0xffff, v26  }
0x576: {  	v46 =	vadd.s32 v1, v23;
	[tilespmem:s2+$0x10570] =	vst.add.f32.msk $0xffff, v28  }
0x577: {  	v47 =	vadd.s32 v2, v23;
	v25 =	vld.idx.msk [tilespmem:v43+s16+$0x0], $0xffff  }
0x578: {  	v48 =	vadd.s32 v3, v23;
	v26 =	vld.idx.msk [tilespmem:v44+s16+$0x0], $0xffff  }
0x579: {  	v23 =	vadd.s32 v4, v23;
	v27 =	vld.idx.msk [tilespmem:v45+s16+$0x0], $0xffff  }
0x57a: {  	v24 =	vld.idx.msk [tilespmem:v24+s16+$0x0], $0xffff  }
0x57b: {  	v28 =	vld.idx.msk [tilespmem:v46+s16+$0x0], $0xffff  }
0x57c: {  	v29 =	vld.idx.msk [tilespmem:v47+s16+$0x0], $0xffff  }
0x57d: {  	v30 =	vld.idx.msk [tilespmem:v48+s16+$0x0], $0xffff  }
0x57e: {  	v23 =	vld.idx.msk [tilespmem:v23+s16+$0x0], $0xffff  }
0x57f: {  	[tilespmem:s2+$0x10580] =	vst.add.f32.msk $0xffff, v25  }
0x580: {  	v49 =	vperm.xlane v22, v0;
	[tilespmem:s2+$0x10590] =	vst.add.f32.msk $0xffff, v26  }
0x581: {  	[tilespmem:s2+$0x105A0] =	vst.add.f32.msk $0xffff, v27  }
0x582: {  	v50 =	vadd.s32 v1, v49;
	[tilespmem:s2+$0x105B0] =	vst.add.f32.msk $0xffff, v24  }
0x583: {  	v52 =	vperm.xlane v21, v0;
	v51 =	vadd.s32 v2, v49;
	[tilespmem:s2+$0x105C0] =	vst.add.f32.msk $0xffff, v28  }
0x584: {  	v53 =	vadd.s32 v3, v49;
	[tilespmem:s2+$0x105D0] =	vst.add.f32.msk $0xffff, v29  }
0x585: {  	v54 =	vadd.s32 v2, v52;
	[tilespmem:s2+$0x105E0] =	vst.add.f32.msk $0xffff, v30  }
0x586: {  	v55 =	vadd.s32 v3, v52;
	[tilespmem:s2+$0x105F0] =	vst.add.f32.msk $0xffff, v23  }
0x587: {  	v25 =	vadd.s32 v4, v49;
	v24 =	vld.idx.msk [tilespmem:v50+s16+$0x0], $0xffff  }
0x588: {  	v23 =	vadd.s32 v1, v52;
	v26 =	vld.idx.msk [tilespmem:v51+s16+$0x0], $0xffff  }
0x589: {  	v28 =	vld.idx.msk [tilespmem:v53+s16+$0x0], $0xffff;
	v27 =	vadd.s32 v4, v52  }
0x58a: {  	v29 =	vld.idx.msk [tilespmem:v54+s16+$0x0], $0xffff  }
0x58b: {  	v30 =	vld.idx.msk [tilespmem:v55+s16+$0x0], $0xffff  }
0x58c: {  	v25 =	vld.idx.msk [tilespmem:v25+s16+$0x0], $0xffff  }
0x58d: {  	s31 =	sshll.u32 s31, $0xB;
	v23 =	vld.idx.msk [tilespmem:v23+s16+$0x0], $0xffff  }
0x58e: {  	s0 =	sand.u32 $0x3FFFF800, s31;
	v27 =	vld.idx.msk [tilespmem:v27+s16+$0x0], $0xffff  }
0x58f: {  	[tilespmem:s0+$0xFE00] =	vst.add.f32.msk $0xffff, v24  }
0x590: {  	v56 =	vperm.xlane v22, v5;
	[tilespmem:s0+$0xFE10] =	vst.add.f32.msk $0xffff, v26  }
0x591: {  	[tilespmem:s0+$0xFE20] =	vst.add.f32.msk $0xffff, v28  }
0x592: {  	v57 =	vadd.s32 v1, v56;
	[tilespmem:s0+$0xFE50] =	vst.add.f32.msk $0xffff, v29  }
0x593: {  	v59 =	vadd.s32 v3, v56;
	v58 =	vperm.xlane v21, v5;
	[tilespmem:s0+$0xFE60] =	vst.add.f32.msk $0xffff, v30  }
0x594: {  	v24 =	vadd.s32 v4, v56;
	[tilespmem:s0+$0xFE30] =	vst.add.f32.msk $0xffff, v25  }
0x595: {  	v60 =	vadd.s32 v1, v58;
	[tilespmem:s0+$0xFE40] =	vst.add.f32.msk $0xffff, v23  }
0x596: {  	v61 =	vadd.s32 v2, v58;
	[tilespmem:s0+$0xFE70] =	vst.add.f32.msk $0xffff, v27  }
0x597: {  	v62 =	vadd.s32 v3, v58;
	v25 =	vld.idx.msk [tilespmem:v57+s16+$0x0], $0xffff  }
0x598: {  	v26 =	vadd.s32 v4, v58;
	v28 =	vld.idx.msk [tilespmem:v59+s16+$0x0], $0xffff  }
0x599: {  	v23 =	vadd.s32 v2, v56;
	v24 =	vld.idx.msk [tilespmem:v24+s16+$0x0], $0xffff  }
0x59a: {  	v27 =	vld.idx.msk [tilespmem:v60+s16+$0x0], $0xffff  }
0x59b: {  	v29 =	vld.idx.msk [tilespmem:v61+s16+$0x0], $0xffff  }
0x59c: {  	v30 =	vld.idx.msk [tilespmem:v62+s16+$0x0], $0xffff  }
0x59d: {  	v26 =	vld.idx.msk [tilespmem:v26+s16+$0x0], $0xffff  }
0x59e: {  	v23 =	vld.idx.msk [tilespmem:v23+s16+$0x0], $0xffff  }
0x59f: {  	[tilespmem:s0+$0xFE80] =	vst.add.f32.msk $0xffff, v25  }
0x5a0: {  	v33 =	vperm.xlane v21, v6;
	[tilespmem:s0+$0xFEA0] =	vst.add.f32.msk $0xffff, v28  }
0x5a1: {  	[tilespmem:s0+$0xFEB0] =	vst.add.f32.msk $0xffff, v24  }
0x5a2: {  	v35 =	vadd.s32 v1, v33;
	[tilespmem:s0+$0xFEC0] =	vst.add.f32.msk $0xffff, v27  }
0x5a3: {  	v36 =	vadd.s32 v2, v33;
	[tilespmem:s0+$0xFED0] =	vst.add.f32.msk $0xffff, v29  }
0x5a4: {  	v37 =	vadd.s32 v3, v33;
	[tilespmem:s0+$0xFE90] =	vst.add.f32.msk $0xffff, v23;
	v23 =	vperm.xlane v22, v6  }
0x5a5: {  	[tilespmem:s0+$0xFEE0] =	vst.add.f32.msk $0xffff, v30;
	v27 =	vadd.s32 v4, v33  }
0x5a6: {  	[tilespmem:s0+$0xFEF0] =	vst.add.f32.msk $0xffff, v26;
	v63 =	vadd.s32 v1, v23  }
0x5a7: {  	v26 =	vld.idx.msk [tilespmem:v35+s16+$0x0], $0xffff;
	v32 =	vadd.s32 v2, v23  }
0x5a8: {  	v29 =	vld.idx.msk [tilespmem:v36+s16+$0x0], $0xffff;
	v34 =	vadd.s32 v3, v23  }
0x5a9: {  	v30 =	vld.idx.msk [tilespmem:v37+s16+$0x0], $0xffff;
	v23 =	vadd.s32 v4, v23  }
0x5aa: {  	v27 =	vld.idx.msk [tilespmem:v27+s16+$0x0], $0xffff  }
0x5ab: {  	v24 =	vld.idx.msk [tilespmem:v63+s16+$0x0], $0xffff  }
0x5ac: {  	v25 =	vld.idx.msk [tilespmem:v32+s16+$0x0], $0xffff  }
0x5ad: {  	v28 =	vld.idx.msk [tilespmem:v34+s16+$0x0], $0xffff  }
0x5ae: {  	v23 =	vld.idx.msk [tilespmem:v23+s16+$0x0], $0xffff  }
0x5af: {  	[tilespmem:s0+$0xFF40] =	vst.add.f32.msk $0xffff, v26  }
0x5b0: {  	v38 =	vperm.xlane v22, v7;
	[tilespmem:s0+$0xFF50] =	vst.add.f32.msk $0xffff, v29  }
0x5b1: {  	[tilespmem:s0+$0xFF60] =	vst.add.f32.msk $0xffff, v30  }
0x5b2: {  	v39 =	vadd.s32 v2, v38;
	v40 =	vperm.xlane v21, v7;
	[tilespmem:s0+$0xFF70] =	vst.add.f32.msk $0xffff, v27  }
0x5b3: {  	v41 =	vadd.s32 v3, v38;
	[tilespmem:s0+$0xFF00] =	vst.add.f32.msk $0xffff, v24  }
0x5b4: {  	v42 =	vadd.s32 v1, v40;
	[tilespmem:s0+$0xFF10] =	vst.add.f32.msk $0xffff, v25  }
0x5b5: {  	v43 =	vadd.s32 v2, v40;
	[tilespmem:s0+$0xFF20] =	vst.add.f32.msk $0xffff, v28  }
0x5b6: {  	v44 =	vadd.s32 v3, v40;
	[tilespmem:s0+$0xFF30] =	vst.add.f32.msk $0xffff, v23  }
0x5b7: {  	v26 =	vadd.s32 v4, v40;
	v25 =	vld.idx.msk [tilespmem:v39+s16+$0x0], $0xffff  }
0x5b8: {  	v23 =	vadd.s32 v1, v38;
	v28 =	vld.idx.msk [tilespmem:v41+s16+$0x0], $0xffff  }
0x5b9: {  	v24 =	vadd.s32 v4, v38;
	v27 =	vld.idx.msk [tilespmem:v42+s16+$0x0], $0xffff  }
0x5ba: {  	v29 =	vld.idx.msk [tilespmem:v43+s16+$0x0], $0xffff  }
0x5bb: {  	v30 =	vld.idx.msk [tilespmem:v44+s16+$0x0], $0xffff  }
0x5bc: {  	v26 =	vld.idx.msk [tilespmem:v26+s16+$0x0], $0xffff  }
0x5bd: {  	v23 =	vld.idx.msk [tilespmem:v23+s16+$0x0], $0xffff  }
0x5be: {  	v24 =	vld.idx.msk [tilespmem:v24+s16+$0x0], $0xffff  }
0x5bf: {  	[tilespmem:s0+$0xFF90] =	vst.add.f32.msk $0xffff, v25  }
0x5c0: {  	v47 =	vperm.xlane v21, v8;
	[tilespmem:s0+$0xFFA0] =	vst.add.f32.msk $0xffff, v28  }
0x5c1: {  	[tilespmem:s0+$0xFFC0] =	vst.add.f32.msk $0xffff, v27  }
0x5c2: {  	v49 =	vadd.s32 v1, v47;
	[tilespmem:s0+$0xFFD0] =	vst.add.f32.msk $0xffff, v29  }
0x5c3: {  	v50 =	vadd.s32 v2, v47;
	[tilespmem:s0+$0xFFE0] =	vst.add.f32.msk $0xffff, v30  }
0x5c4: {  	v51 =	vadd.s32 v3, v47;
	[tilespmem:s0+$0xFF80] =	vst.add.f32.msk $0xffff, v23;
	v23 =	vperm.xlane v22, v8  }
0x5c5: {  	[tilespmem:s0+$0xFFF0] =	vst.add.f32.msk $0xffff, v26;
	v27 =	vadd.s32 v4, v47  }
0x5c6: {  	[tilespmem:s0+$0xFFB0] =	vst.add.f32.msk $0xffff, v24;
	v45 =	vadd.s32 v1, v23  }
0x5c7: {  	v26 =	vld.idx.msk [tilespmem:v49+s16+$0x0], $0xffff;
	v46 =	vadd.s32 v2, v23  }
0x5c8: {  	v29 =	vld.idx.msk [tilespmem:v50+s16+$0x0], $0xffff;
	v48 =	vadd.s32 v3, v23  }
0x5c9: {  	v30 =	vld.idx.msk [tilespmem:v51+s16+$0x0], $0xffff;
	v23 =	vadd.s32 v4, v23  }
0x5ca: {  	v27 =	vld.idx.msk [tilespmem:v27+s16+$0x0], $0xffff  }
0x5cb: {  	v24 =	vld.idx.msk [tilespmem:v45+s16+$0x0], $0xffff  }
0x5cc: {  	v25 =	vld.idx.msk [tilespmem:v46+s16+$0x0], $0xffff  }
0x5cd: {  	v28 =	vld.idx.msk [tilespmem:v48+s16+$0x0], $0xffff  }
0x5ce: {  	v23 =	vld.idx.msk [tilespmem:v23+s16+$0x0], $0xffff  }
0x5cf: {  	[tilespmem:s0+$0x10040] =	vst.add.f32.msk $0xffff, v26  }
0x5d0: {  	v52 =	vperm.xlane v22, v9;
	[tilespmem:s0+$0x10050] =	vst.add.f32.msk $0xffff, v29  }
0x5d1: {  	[tilespmem:s0+$0x10060] =	vst.add.f32.msk $0xffff, v30  }
0x5d2: {  	v54 =	vperm.xlane v21, v9;
	v53 =	vadd.s32 v2, v52;
	[tilespmem:s0+$0x10070] =	vst.add.f32.msk $0xffff, v27  }
0x5d3: {  	v55 =	vadd.s32 v3, v52;
	[tilespmem:s0+$0x10000] =	vst.add.f32.msk $0xffff, v24  }
0x5d4: {  	v56 =	vadd.s32 v1, v54;
	[tilespmem:s0+$0x10010] =	vst.add.f32.msk $0xffff, v25  }
0x5d5: {  	v57 =	vadd.s32 v2, v54;
	[tilespmem:s0+$0x10020] =	vst.add.f32.msk $0xffff, v28  }
0x5d6: {  	v58 =	vadd.s32 v3, v54;
	[tilespmem:s0+$0x10030] =	vst.add.f32.msk $0xffff, v23  }
0x5d7: {  	v26 =	vadd.s32 v4, v54;
	v25 =	vld.idx.msk [tilespmem:v53+s16+$0x0], $0xffff  }
0x5d8: {  	v23 =	vadd.s32 v1, v52;
	v28 =	vld.idx.msk [tilespmem:v55+s16+$0x0], $0xffff  }
0x5d9: {  	v24 =	vadd.s32 v4, v52;
	v27 =	vld.idx.msk [tilespmem:v56+s16+$0x0], $0xffff  }
0x5da: {  	v29 =	vld.idx.msk [tilespmem:v57+s16+$0x0], $0xffff  }
0x5db: {  	v30 =	vld.idx.msk [tilespmem:v58+s16+$0x0], $0xffff  }
0x5dc: {  	v26 =	vld.idx.msk [tilespmem:v26+s16+$0x0], $0xffff  }
0x5dd: {  	v23 =	vld.idx.msk [tilespmem:v23+s16+$0x0], $0xffff  }
0x5de: {  	v24 =	vld.idx.msk [tilespmem:v24+s16+$0x0], $0xffff  }
0x5df: {  	[tilespmem:s0+$0x10090] =	vst.add.f32.msk $0xffff, v25  }
0x5e0: {  	v61 =	vperm.xlane v21, v10;
	[tilespmem:s0+$0x100A0] =	vst.add.f32.msk $0xffff, v28  }
0x5e1: {  	[tilespmem:s0+$0x100C0] =	vst.add.f32.msk $0xffff, v27  }
0x5e2: {  	v63 =	vadd.s32 v1, v61;
	[tilespmem:s0+$0x100D0] =	vst.add.f32.msk $0xffff, v29  }
0x5e3: {  	v33 =	vadd.s32 v2, v61;
	[tilespmem:s0+$0x100E0] =	vst.add.f32.msk $0xffff, v30  }
0x5e4: {  	v34 =	vadd.s32 v3, v61;
	[tilespmem:s0+$0x10080] =	vst.add.f32.msk $0xffff, v23;
	v23 =	vperm.xlane v22, v10  }
0x5e5: {  	[tilespmem:s0+$0x100F0] =	vst.add.f32.msk $0xffff, v26;
	v27 =	vadd.s32 v4, v61  }
0x5e6: {  	[tilespmem:s0+$0x100B0] =	vst.add.f32.msk $0xffff, v24;
	v59 =	vadd.s32 v1, v23  }
0x5e7: {  	v26 =	vld.idx.msk [tilespmem:v63+s16+$0x0], $0xffff;
	v60 =	vadd.s32 v2, v23  }
0x5e8: {  	v29 =	vld.idx.msk [tilespmem:v33+s16+$0x0], $0xffff;
	v62 =	vadd.s32 v3, v23  }
0x5e9: {  	v30 =	vld.idx.msk [tilespmem:v34+s16+$0x0], $0xffff;
	v23 =	vadd.s32 v4, v23  }
0x5ea: {  	v27 =	vld.idx.msk [tilespmem:v27+s16+$0x0], $0xffff  }
0x5eb: {  	v24 =	vld.idx.msk [tilespmem:v59+s16+$0x0], $0xffff  }
0x5ec: {  	v25 =	vld.idx.msk [tilespmem:v60+s16+$0x0], $0xffff  }
0x5ed: {  	v28 =	vld.idx.msk [tilespmem:v62+s16+$0x0], $0xffff  }
0x5ee: {  	v23 =	vld.idx.msk [tilespmem:v23+s16+$0x0], $0xffff  }
0x5ef: {  	[tilespmem:s0+$0x10140] =	vst.add.f32.msk $0xffff, v26  }
0x5f0: {  	v35 =	vperm.xlane v22, v11;
	[tilespmem:s0+$0x10150] =	vst.add.f32.msk $0xffff, v29  }
0x5f1: {  	[tilespmem:s0+$0x10160] =	vst.add.f32.msk $0xffff, v30  }
0x5f2: {  	v37 =	vperm.xlane v21, v11;
	v36 =	vadd.s32 v2, v35;
	[tilespmem:s0+$0x10170] =	vst.add.f32.msk $0xffff, v27  }
0x5f3: {  	v38 =	vadd.s32 v3, v35;
	[tilespmem:s0+$0x10100] =	vst.add.f32.msk $0xffff, v24  }
0x5f4: {  	v39 =	vadd.s32 v1, v37;
	[tilespmem:s0+$0x10110] =	vst.add.f32.msk $0xffff, v25  }
0x5f5: {  	v40 =	vadd.s32 v2, v37;
	[tilespmem:s0+$0x10120] =	vst.add.f32.msk $0xffff, v28  }
0x5f6: {  	v41 =	vadd.s32 v3, v37;
	[tilespmem:s0+$0x10130] =	vst.add.f32.msk $0xffff, v23  }
0x5f7: {  	v26 =	vadd.s32 v4, v37;
	v25 =	vld.idx.msk [tilespmem:v36+s16+$0x0], $0xffff  }
0x5f8: {  	v23 =	vadd.s32 v1, v35;
	v28 =	vld.idx.msk [tilespmem:v38+s16+$0x0], $0xffff  }
0x5f9: {  	v24 =	vadd.s32 v4, v35;
	v27 =	vld.idx.msk [tilespmem:v39+s16+$0x0], $0xffff  }
0x5fa: {  	v29 =	vld.idx.msk [tilespmem:v40+s16+$0x0], $0xffff  }
0x5fb: {  	v30 =	vld.idx.msk [tilespmem:v41+s16+$0x0], $0xffff  }
0x5fc: {  	v26 =	vld.idx.msk [tilespmem:v26+s16+$0x0], $0xffff  }
0x5fd: {  	v23 =	vld.idx.msk [tilespmem:v23+s16+$0x0], $0xffff  }
0x5fe: {  	v24 =	vld.idx.msk [tilespmem:v24+s16+$0x0], $0xffff  }
0x5ff: {  	[tilespmem:s0+$0x10190] =	vst.add.f32.msk $0xffff, v25  }
0x600: {  	v44 =	vperm.xlane v21, v12;
	[tilespmem:s0+$0x101A0] =	vst.add.f32.msk $0xffff, v28  }
0x601: {  	[tilespmem:s0+$0x101C0] =	vst.add.f32.msk $0xffff, v27  }
0x602: {  	v46 =	vadd.s32 v1, v44;
	[tilespmem:s0+$0x101D0] =	vst.add.f32.msk $0xffff, v29  }
0x603: {  	v47 =	vadd.s32 v2, v44;
	[tilespmem:s0+$0x101E0] =	vst.add.f32.msk $0xffff, v30  }
0x604: {  	v48 =	vadd.s32 v3, v44;
	[tilespmem:s0+$0x10180] =	vst.add.f32.msk $0xffff, v23;
	v23 =	vperm.xlane v22, v12  }
0x605: {  	[tilespmem:s0+$0x101F0] =	vst.add.f32.msk $0xffff, v26;
	v27 =	vadd.s32 v4, v44  }
0x606: {  	[tilespmem:s0+$0x101B0] =	vst.add.f32.msk $0xffff, v24;
	v42 =	vadd.s32 v1, v23  }
0x607: {  	v26 =	vld.idx.msk [tilespmem:v46+s16+$0x0], $0xffff;
	v43 =	vadd.s32 v2, v23  }
0x608: {  	v29 =	vld.idx.msk [tilespmem:v47+s16+$0x0], $0xffff;
	v45 =	vadd.s32 v3, v23  }
0x609: {  	v30 =	vld.idx.msk [tilespmem:v48+s16+$0x0], $0xffff;
	v23 =	vadd.s32 v4, v23  }
0x60a: {  	v27 =	vld.idx.msk [tilespmem:v27+s16+$0x0], $0xffff  }
0x60b: {  	v24 =	vld.idx.msk [tilespmem:v42+s16+$0x0], $0xffff  }
0x60c: {  	v25 =	vld.idx.msk [tilespmem:v43+s16+$0x0], $0xffff  }
0x60d: {  	v28 =	vld.idx.msk [tilespmem:v45+s16+$0x0], $0xffff  }
0x60e: {  	v23 =	vld.idx.msk [tilespmem:v23+s16+$0x0], $0xffff  }
0x60f: {  	[tilespmem:s0+$0x10240] =	vst.add.f32.msk $0xffff, v26  }
0x610: {  	v49 =	vperm.xlane v22, v13;
	[tilespmem:s0+$0x10250] =	vst.add.f32.msk $0xffff, v29  }
0x611: {  	[tilespmem:s0+$0x10260] =	vst.add.f32.msk $0xffff, v30  }
0x612: {  	v51 =	vperm.xlane v21, v13;
	v50 =	vadd.s32 v2, v49;
	[tilespmem:s0+$0x10270] =	vst.add.f32.msk $0xffff, v27  }
0x613: {  	v52 =	vadd.s32 v3, v49;
	[tilespmem:s0+$0x10200] =	vst.add.f32.msk $0xffff, v24  }
0x614: {  	v53 =	vadd.s32 v1, v51;
	[tilespmem:s0+$0x10210] =	vst.add.f32.msk $0xffff, v25  }
0x615: {  	v54 =	vadd.s32 v2, v51;
	[tilespmem:s0+$0x10220] =	vst.add.f32.msk $0xffff, v28  }
0x616: {  	v55 =	vadd.s32 v3, v51;
	[tilespmem:s0+$0x10230] =	vst.add.f32.msk $0xffff, v23  }
0x617: {  	v26 =	vadd.s32 v4, v51;
	v25 =	vld.idx.msk [tilespmem:v50+s16+$0x0], $0xffff  }
0x618: {  	v23 =	vadd.s32 v1, v49;
	v28 =	vld.idx.msk [tilespmem:v52+s16+$0x0], $0xffff  }
0x619: {  	v24 =	vadd.s32 v4, v49;
	v27 =	vld.idx.msk [tilespmem:v53+s16+$0x0], $0xffff  }
0x61a: {  	v29 =	vld.idx.msk [tilespmem:v54+s16+$0x0], $0xffff  }
0x61b: {  	v30 =	vld.idx.msk [tilespmem:v55+s16+$0x0], $0xffff  }
0x61c: {  	v26 =	vld.idx.msk [tilespmem:v26+s16+$0x0], $0xffff  }
0x61d: {  	v23 =	vld.idx.msk [tilespmem:v23+s16+$0x0], $0xffff  }
0x61e: {  	v24 =	vld.idx.msk [tilespmem:v24+s16+$0x0], $0xffff  }
0x61f: {  	[tilespmem:s0+$0x10290] =	vst.add.f32.msk $0xffff, v25  }
0x620: {  	v58 =	vperm.xlane v21, v14;
	[tilespmem:s0+$0x102A0] =	vst.add.f32.msk $0xffff, v28  }
0x621: {  	[tilespmem:s0+$0x102C0] =	vst.add.f32.msk $0xffff, v27  }
0x622: {  	v60 =	vadd.s32 v1, v58;
	[tilespmem:s0+$0x102D0] =	vst.add.f32.msk $0xffff, v29  }
0x623: {  	v61 =	vadd.s32 v2, v58;
	[tilespmem:s0+$0x102E0] =	vst.add.f32.msk $0xffff, v30  }
0x624: {  	v62 =	vadd.s32 v3, v58;
	[tilespmem:s0+$0x10280] =	vst.add.f32.msk $0xffff, v23;
	v23 =	vperm.xlane v22, v14  }
0x625: {  	[tilespmem:s0+$0x102F0] =	vst.add.f32.msk $0xffff, v26;
	v27 =	vadd.s32 v4, v58  }
0x626: {  	[tilespmem:s0+$0x102B0] =	vst.add.f32.msk $0xffff, v24;
	v56 =	vadd.s32 v1, v23  }
0x627: {  	v26 =	vld.idx.msk [tilespmem:v60+s16+$0x0], $0xffff;
	v57 =	vadd.s32 v2, v23  }
0x628: {  	v29 =	vld.idx.msk [tilespmem:v61+s16+$0x0], $0xffff;
	v59 =	vadd.s32 v3, v23  }
0x629: {  	v30 =	vld.idx.msk [tilespmem:v62+s16+$0x0], $0xffff;
	v23 =	vadd.s32 v4, v23  }
0x62a: {  	v27 =	vld.idx.msk [tilespmem:v27+s16+$0x0], $0xffff  }
0x62b: {  	v24 =	vld.idx.msk [tilespmem:v56+s16+$0x0], $0xffff  }
0x62c: {  	v25 =	vld.idx.msk [tilespmem:v57+s16+$0x0], $0xffff  }
0x62d: {  	v28 =	vld.idx.msk [tilespmem:v59+s16+$0x0], $0xffff  }
0x62e: {  	v23 =	vld.idx.msk [tilespmem:v23+s16+$0x0], $0xffff  }
0x62f: {  	[tilespmem:s0+$0x10340] =	vst.add.f32.msk $0xffff, v26  }
0x630: {  	v63 =	vperm.xlane v22, v15;
	[tilespmem:s0+$0x10350] =	vst.add.f32.msk $0xffff, v29  }
0x631: {  	[tilespmem:s0+$0x10360] =	vst.add.f32.msk $0xffff, v30  }
0x632: {  	v33 =	vperm.xlane v21, v15;
	v32 =	vadd.s32 v2, v63;
	[tilespmem:s0+$0x10370] =	vst.add.f32.msk $0xffff, v27  }
0x633: {  	v34 =	vadd.s32 v3, v63;
	[tilespmem:s0+$0x10300] =	vst.add.f32.msk $0xffff, v24  }
0x634: {  	v35 =	vadd.s32 v1, v33;
	[tilespmem:s0+$0x10310] =	vst.add.f32.msk $0xffff, v25  }
0x635: {  	v36 =	vadd.s32 v2, v33;
	[tilespmem:s0+$0x10320] =	vst.add.f32.msk $0xffff, v28  }
0x636: {  	v37 =	vadd.s32 v3, v33;
	[tilespmem:s0+$0x10330] =	vst.add.f32.msk $0xffff, v23  }
0x637: {  	v26 =	vadd.s32 v4, v33;
	v25 =	vld.idx.msk [tilespmem:v32+s16+$0x0], $0xffff  }
0x638: {  	v23 =	vadd.s32 v1, v63;
	v28 =	vld.idx.msk [tilespmem:v34+s16+$0x0], $0xffff  }
0x639: {  	v24 =	vadd.s32 v4, v63;
	v27 =	vld.idx.msk [tilespmem:v35+s16+$0x0], $0xffff  }
0x63a: {  	v29 =	vld.idx.msk [tilespmem:v36+s16+$0x0], $0xffff  }
0x63b: {  	v30 =	vld.idx.msk [tilespmem:v37+s16+$0x0], $0xffff  }
0x63c: {  	v26 =	vld.idx.msk [tilespmem:v26+s16+$0x0], $0xffff  }
0x63d: {  	v23 =	vld.idx.msk [tilespmem:v23+s16+$0x0], $0xffff  }
0x63e: {  	v24 =	vld.idx.msk [tilespmem:v24+s16+$0x0], $0xffff  }
0x63f: {  	[tilespmem:s0+$0x10390] =	vst.add.f32.msk $0xffff, v25  }
0x640: {  	v40 =	vperm.xlane v21, v16;
	[tilespmem:s0+$0x103A0] =	vst.add.f32.msk $0xffff, v28  }
0x641: {  	[tilespmem:s0+$0x103C0] =	vst.add.f32.msk $0xffff, v27  }
0x642: {  	v42 =	vadd.s32 v1, v40;
	[tilespmem:s0+$0x103D0] =	vst.add.f32.msk $0xffff, v29  }
0x643: {  	v43 =	vadd.s32 v2, v40;
	[tilespmem:s0+$0x103E0] =	vst.add.f32.msk $0xffff, v30  }
0x644: {  	v44 =	vadd.s32 v3, v40;
	[tilespmem:s0+$0x10380] =	vst.add.f32.msk $0xffff, v23;
	v23 =	vperm.xlane v22, v16  }
0x645: {  	[tilespmem:s0+$0x103F0] =	vst.add.f32.msk $0xffff, v26;
	v27 =	vadd.s32 v4, v40  }
0x646: {  	[tilespmem:s0+$0x103B0] =	vst.add.f32.msk $0xffff, v24;
	v38 =	vadd.s32 v1, v23  }
0x647: {  	v26 =	vld.idx.msk [tilespmem:v42+s16+$0x0], $0xffff;
	v39 =	vadd.s32 v2, v23  }
0x648: {  	v29 =	vld.idx.msk [tilespmem:v43+s16+$0x0], $0xffff;
	v41 =	vadd.s32 v3, v23  }
0x649: {  	v30 =	vld.idx.msk [tilespmem:v44+s16+$0x0], $0xffff;
	v23 =	vadd.s32 v4, v23  }
0x64a: {  	v27 =	vld.idx.msk [tilespmem:v27+s16+$0x0], $0xffff  }
0x64b: {  	v24 =	vld.idx.msk [tilespmem:v38+s16+$0x0], $0xffff  }
0x64c: {  	v25 =	vld.idx.msk [tilespmem:v39+s16+$0x0], $0xffff  }
0x64d: {  	v28 =	vld.idx.msk [tilespmem:v41+s16+$0x0], $0xffff  }
0x64e: {  	v23 =	vld.idx.msk [tilespmem:v23+s16+$0x0], $0xffff  }
0x64f: {  	[tilespmem:s0+$0x10440] =	vst.add.f32.msk $0xffff, v26  }
0x650: {  	v45 =	vperm.xlane v22, v17;
	[tilespmem:s0+$0x10450] =	vst.add.f32.msk $0xffff, v29  }
0x651: {  	[tilespmem:s0+$0x10460] =	vst.add.f32.msk $0xffff, v30  }
0x652: {  	v47 =	vperm.xlane v21, v17;
	v46 =	vadd.s32 v2, v45;
	[tilespmem:s0+$0x10470] =	vst.add.f32.msk $0xffff, v27  }
0x653: {  	v48 =	vadd.s32 v3, v45;
	[tilespmem:s0+$0x10400] =	vst.add.f32.msk $0xffff, v24  }
0x654: {  	v49 =	vadd.s32 v1, v47;
	[tilespmem:s0+$0x10410] =	vst.add.f32.msk $0xffff, v25  }
0x655: {  	v50 =	vadd.s32 v2, v47;
	[tilespmem:s0+$0x10420] =	vst.add.f32.msk $0xffff, v28  }
0x656: {  	v51 =	vadd.s32 v3, v47;
	[tilespmem:s0+$0x10430] =	vst.add.f32.msk $0xffff, v23  }
0x657: {  	v26 =	vadd.s32 v4, v47;
	v25 =	vld.idx.msk [tilespmem:v46+s16+$0x0], $0xffff  }
0x658: {  	v23 =	vadd.s32 v1, v45;
	v28 =	vld.idx.msk [tilespmem:v48+s16+$0x0], $0xffff  }
0x659: {  	v24 =	vadd.s32 v4, v45;
	v27 =	vld.idx.msk [tilespmem:v49+s16+$0x0], $0xffff  }
0x65a: {  	v29 =	vld.idx.msk [tilespmem:v50+s16+$0x0], $0xffff  }
0x65b: {  	v30 =	vld.idx.msk [tilespmem:v51+s16+$0x0], $0xffff  }
0x65c: {  	v26 =	vld.idx.msk [tilespmem:v26+s16+$0x0], $0xffff  }
0x65d: {  	v23 =	vld.idx.msk [tilespmem:v23+s16+$0x0], $0xffff  }
0x65e: {  	v24 =	vld.idx.msk [tilespmem:v24+s16+$0x0], $0xffff  }
0x65f: {  	[tilespmem:s0+$0x10490] =	vst.add.f32.msk $0xffff, v25  }
0x660: {  	v54 =	vperm.xlane v21, v18;
	[tilespmem:s0+$0x104A0] =	vst.add.f32.msk $0xffff, v28  }
0x661: {  	[tilespmem:s0+$0x104C0] =	vst.add.f32.msk $0xffff, v27  }
0x662: {  	v56 =	vadd.s32 v1, v54;
	[tilespmem:s0+$0x104D0] =	vst.add.f32.msk $0xffff, v29  }
0x663: {  	v57 =	vadd.s32 v2, v54;
	[tilespmem:s0+$0x104E0] =	vst.add.f32.msk $0xffff, v30  }
0x664: {  	v58 =	vadd.s32 v3, v54;
	[tilespmem:s0+$0x10480] =	vst.add.f32.msk $0xffff, v23;
	v23 =	vperm.xlane v22, v18  }
0x665: {  	[tilespmem:s0+$0x104F0] =	vst.add.f32.msk $0xffff, v26;
	v27 =	vadd.s32 v4, v54  }
0x666: {  	[tilespmem:s0+$0x104B0] =	vst.add.f32.msk $0xffff, v24;
	v52 =	vadd.s32 v1, v23  }
0x667: {  	v26 =	vld.idx.msk [tilespmem:v56+s16+$0x0], $0xffff;
	v53 =	vadd.s32 v2, v23  }
0x668: {  	v29 =	vld.idx.msk [tilespmem:v57+s16+$0x0], $0xffff;
	v55 =	vadd.s32 v3, v23  }
0x669: {  	v30 =	vld.idx.msk [tilespmem:v58+s16+$0x0], $0xffff;
	v23 =	vadd.s32 v4, v23  }
0x66a: {  	v27 =	vld.idx.msk [tilespmem:v27+s16+$0x0], $0xffff  }
0x66b: {  	v24 =	vld.idx.msk [tilespmem:v52+s16+$0x0], $0xffff  }
0x66c: {  	v25 =	vld.idx.msk [tilespmem:v53+s16+$0x0], $0xffff  }
0x66d: {  	v28 =	vld.idx.msk [tilespmem:v55+s16+$0x0], $0xffff  }
0x66e: {  	v23 =	vld.idx.msk [tilespmem:v23+s16+$0x0], $0xffff  }
0x66f: {  	[tilespmem:s0+$0x10540] =	vst.add.f32.msk $0xffff, v26  }
0x670: {  	v22 =	vperm.xlane v22, v19;
	[tilespmem:s0+$0x10550] =	vst.add.f32.msk $0xffff, v29  }
0x671: {  	[tilespmem:s0+$0x10560] =	vst.add.f32.msk $0xffff, v30  }
0x672: {  	v21 =	vperm.xlane v21, v19;
	v59 =	vadd.s32 v2, v22;
	[tilespmem:s0+$0x10570] =	vst.add.f32.msk $0xffff, v27  }
0x673: {  	v60 =	vadd.s32 v3, v22;
	[tilespmem:s0+$0x10500] =	vst.add.f32.msk $0xffff, v24  }
0x674: {  	v61 =	vadd.s32 v1, v21;
	[tilespmem:s0+$0x10510] =	vst.add.f32.msk $0xffff, v25  }
0x675: {  	v62 =	vadd.s32 v2, v21;
	[tilespmem:s0+$0x10520] =	vst.add.f32.msk $0xffff, v28  }
0x676: {  	v63 =	vadd.s32 v3, v21;
	[tilespmem:s0+$0x10530] =	vst.add.f32.msk $0xffff, v23  }
0x677: {  	v21 =	vadd.s32 v4, v21;
	v24 =	vld.idx.msk [tilespmem:v59+s16+$0x0], $0xffff  }
0x678: {  	v23 =	vadd.s32 v1, v22;
	v25 =	vld.idx.msk [tilespmem:v60+s16+$0x0], $0xffff  }
0x679: {  	v22 =	vadd.s32 v4, v22;
	v26 =	vld.idx.msk [tilespmem:v61+s16+$0x0], $0xffff  }
0x67a: {  	v27 =	vld.idx.msk [tilespmem:v62+s16+$0x0], $0xffff  }
0x67b: {  	v28 =	vld.idx.msk [tilespmem:v63+s16+$0x0], $0xffff  }
0x67c: {  	v21 =	vld.idx.msk [tilespmem:v21+s16+$0x0], $0xffff  }
0x67d: {  	v23 =	vld.idx.msk [tilespmem:v23+s16+$0x0], $0xffff  }
0x67e: {  	v22 =	vld.idx.msk [tilespmem:v22+s16+$0x0], $0xffff  }
0x67f: {  	[tilespmem:s0+$0x10590] =	vst.add.f32.msk $0xffff, v24  }
0x680: {  	[tilespmem:s0+$0x105A0] =	vst.add.f32.msk $0xffff, v25  }
0x681: {  	p0 =	slt.u32 s30, $0x6;
	[tilespmem:s0+$0x105C0] =	vst.add.f32.msk $0xffff, v26  }
.Ltmp10:
0x682: {  	[tilespmem:s0+$0x105D0] =	vst.add.f32.msk $0xffff, v27;
	(pc) =	sbr.rel @p0 .LBB2_5-.Ltmp10, $4  }
0x683: {  	[tilespmem:s0+$0x105E0] =	vst.add.f32.msk $0xffff, v28  }
0x684: {  	[tilespmem:s0+$0x105F0] =	vst.add.f32.msk $0xffff, v21  }
0x685: {  	s31 =	sadd.s32 $0x2, s30;
	[tilespmem:s0+$0x10580] =	vst.add.f32.msk $0xffff, v23  }
0x686: {  	s30 =	smov.u32 s31;
	[tilespmem:s0+$0x105B0] =	vst.add.f32.msk $0xffff, v22  }
.Ltmp11:
0x687: {  	(pc) =	sbr.rel .LBB2_13-.Ltmp11, $4  }
0x688: {  	s0 =	sadd.s32 s6, s29  }
0x689: {  	s0 =	sshll.u32 s0, $0x4  }
0x68a: {  	s0 =	sadd.s32 s3, s0  }
0x68b: {  	[hbm4b:s0+s4] =	stream.linear.scatter [tilespmem:s25], [sflag:$0x6], $0x4000, $0x38;
	[tilespmem:$0x13E00] =	vst v63  }
.LBB2_15:
0x68c: {  	_ =	sfence.sel $0x180000  }
0x68d: {  	[bflag:$0x0] =	sbarrier.arrive $0xFFFF  }
0x68e: {  	_ =	strace $0x90000047  }
0x68f: {  	s0 =	stileid.u32;
	[bflag:$0x2] =	sbarrier.arrive $0xFFFF  }
0x690: {  	p0 =	sne.s32 s0, $0x0;
	s0 =	rddreg [dreg:$0x3]  }
0x691: {  	s0 =	sadd.s32 @!p0 $0x100000, s0  }
0x692: {  	[sflag:s0] =	ssyncadd.tile.s32 @!p0 $0x1;
	_ =	shalt  }
.Lfunc_end2:
_tile_overlayer_lowered:
.L_overlay_start_2:
0x693: {  	(tag) =	ssettag $0x2  }
0x694: {  	s0 =	rddreg [dreg:$0x0];
	s2 =	stileid.u32  }
0x695: {  	s1 =	rddreg [dreg:$0x1];
	p0 =	sne.s32 s2, $0x0  }
0x696: {  	s3 =	rddreg [dreg:$0x2];
	[bflag:$0x3] =	sbarrier.arrive $0xFFFF;
	s2 =	simm.s32 @!p0 $0x1C07  }
0x697: {  	[timem:s3], [sflag:s2] =	dma.local @!p0 [hbm:s0], s1  }
0x698: {  	s0 =	simm.s32 @!p0 $0x7  }
0x699: {  	_ =	swait.ge @!p0 [sflag:s0], s1  }
0x69a: {  	s1 =	ssub.s32 @!p0 $0x0, s1;
	[sflag:s0] =	ssyncset.done @!p0 $0x0  }
0x69b: {  	[sflag:s0] =	ssyncadd.s32 @!p0 s1  }
0x69c: {  	[bflag:$0x3] =	sbarrier.arrive $0xFFFF  }
0x69d: {  	_ =	shalt  }

</sc_bundles>
